<compile_context>
chip_gen: v7x
topology: tpu7x:2x2x1
jax: 0.10.2.dev20260603
libtpu: 0.0.44.dev20260713+nightly
codegen_flags: <defaults>
</compile_context>

<pallas_src>
import functools

import jax
import jax.numpy as jnp
from jax import lax
from jax.experimental import pallas as pl
from jax.experimental.pallas import tpu as pltpu
from jax.experimental.pallas import tpu_sc as plsc

_N = 10000
_E = 320000
_D = 128
_ED = 16
_H = 256
_NC = 2
_NS = 16
_CH = 64
_IG = 8
_EP = 327680
_EPT = _EP // _NS
_NCHUNK = _EPT // _CH
_NG = _NCHUNK // _IG
_NP = 10240
_RPT = _NP // _NS
_WB = 16
_CB = 64


def _tables_body(x_ref, w_ref, o_ref):
    o_ref[...] = jnp.dot(x_ref[...], w_ref[...], preferred_element_type=jnp.float32)


def _node_tables(nf, Wab):
    return pl.pallas_call(
        _tables_body,
        grid=(4,),
        in_specs=[
            pl.BlockSpec((_N, _D), lambda j: (0, 0)),
            pl.BlockSpec((_D, _D), lambda j: (0, j)),
        ],
        out_specs=pl.BlockSpec((_N, _D), lambda j: (j, 0)),
        out_shape=jax.ShapeDtypeStruct((4 * _N, _D), jnp.float32),
    )(nf, Wab)


_BE = 4096


def _q_body(ef_ref, w_ref, b_ref, o_ref):
    o_ref[0] = (
        jnp.dot(ef_ref[...], w_ref[0], preferred_element_type=jnp.float32)
        + b_ref[0]
    )


def _edge_q(ef, W1c3, b13):
    return pl.pallas_call(
        _q_body,
        grid=(2, _EP // _BE),
        in_specs=[
            pl.BlockSpec((_BE, _ED), lambda j, i: (i, 0)),
            pl.BlockSpec((1, _ED, _D), lambda j, i: (j, 0, 0)),
            pl.BlockSpec((1, 1, _D), lambda j, i: (j, 0, 0)),
        ],
        out_specs=pl.BlockSpec((1, _BE, _D), lambda j, i: (j, i, 0)),
        out_shape=jax.ShapeDtypeStruct((2, _EP, _D), jnp.float32),
    )(ef, W1c3, b13)




def _sum_body(pp4, q2, srcr, dstr, s_out,
              srcc, dstc, sgbuf, dgbuf, dsbuf, bufA, bufB, bufQ, wbuf,
              s_sh, semA, semB, semQ):
    cid = lax.axis_index("c")
    sid = lax.axis_index("s")
    offA = cid * _N
    offB = 2 * _N + cid * _N

    zero = jnp.zeros((16,), jnp.float32)

    def zf(i, carry):
        for c in range(_D // 16):
            wbuf[i, pl.ds(c * 16, 16)] = zero
        return carry

    lax.fori_loop(0, _WB, zf, 0)
    for q in range(_RPT // _WB):
        pltpu.sync_copy(wbuf, s_sh.at[pl.ds(sid * _RPT + q * _WB, _WB)])
    plsc.subcore_barrier()

    qrowbase = cid * _EP + sid * _EPT
    idxblockbase = sid * _NG
    nclamp = _N - 1

    def outer(m, carry):
        pltpu.sync_copy(srcr.at[idxblockbase + m], srcc)
        pltpu.sync_copy(dstr.at[idxblockbase + m], dstc)

        def body(g, c1):
            j = m * _IG + g
            for c in range(_CH // 16):
                s = pl.ds(c * 16, 16)
                sgbuf[s] = srcc[g, s] + offA
                dgbuf[s] = jnp.minimum(dstc[g, s], nclamp) + offB
                dsbuf[s] = dstc[g, s]
            ca = pltpu.async_copy(pp4.at[sgbuf], bufA, semA)
            cb = pltpu.async_copy(pp4.at[dgbuf], bufB, semB)
            cq = pltpu.async_copy(
                q2.at[pl.ds(qrowbase + j * _CH, _CH)], bufQ, semQ)
            ca.wait()
            cb.wait()
            cq.wait()

            def comp(i, c2):
                for c in range(_D // 16):
                    s = pl.ds(c * 16, 16)
                    bufA[i, s] = jnp.maximum(
                        bufA[i, s] + bufB[i, s] + bufQ[i, s], 0.0)
                return c2

            lax.fori_loop(0, _CH, comp, 0)
            pltpu.sync_copy(bufA, s_sh.at[dsbuf], add=True)
            return c1

        lax.fori_loop(0, _IG, body, 0)
        return carry

    lax.fori_loop(0, _NG, outer, 0)
    plsc.subcore_barrier()

    for q in range(_RPT // _WB):
        pltpu.sync_copy(s_sh.at[pl.ds(sid * _RPT + q * _WB, _WB)], wbuf)
        pltpu.sync_copy(
            wbuf, s_out.at[pl.ds(cid * _NP + sid * _RPT + q * _WB, _WB)])


def _cnt_body(dstr, cnt_out, dstc, dsbuf, ones_v, cnt_sh):
    cid = lax.axis_index("c")
    sid = lax.axis_index("s")
    wid = sid * _NC + cid

    zero = jnp.zeros((16,), jnp.float32)
    one = jnp.ones((16,), jnp.float32)

    def zc(i, carry):
        for c in range(_D // 16):
            ones_v[i, pl.ds(c * 16, 16)] = zero
        return carry

    lax.fori_loop(0, _CB, zc, 0)
    for q in range(_RPT // _CB):
        pltpu.sync_copy(ones_v, cnt_sh.at[pl.ds(sid * _RPT + q * _CB, _CB)])

    def of(i, carry):
        ones_v[i, pl.ds(0, 16)] = one
        return carry

    lax.fori_loop(0, _CB, of, 0)
    plsc.subcore_barrier()

    nblocks = _EP // (_IG * _CH) // (_NC * _NS)
    blockbase = wid * nblocks

    def outer(m, carry):
        pltpu.sync_copy(dstr.at[blockbase + m], dstc)

        def body(g, c1):
            for c in range(_CH // 16):
                s = pl.ds(c * 16, 16)
                dsbuf[s] = dstc[g, s]
            pltpu.sync_copy(
                ones_v.at[pl.ds(0, _CH)], cnt_sh.at[dsbuf], add=True)
            return c1

        lax.fori_loop(0, _IG, body, 0)
        return carry

    lax.fori_loop(0, nblocks, outer, 0)
    plsc.subcore_barrier()

    for q in range(_RPT // _CB):
        pltpu.sync_copy(cnt_sh.at[pl.ds(sid * _RPT + q * _CB, _CB)], ones_v)
        pltpu.sync_copy(
            ones_v, cnt_out.at[pl.ds(cid * _NP + sid * _RPT + q * _CB, _CB)])


def _sc_mesh():
    return plsc.VectorSubcoreMesh(core_axis_name="c", subcore_axis_name="s")


def _sc_sum(pp4, q2, src2, dst2):
    return pl.kernel(
        _sum_body,
        out_type=jax.ShapeDtypeStruct((2 * _NP, _D), jnp.float32),
        mesh=_sc_mesh(),
        scratch_types=[
            pltpu.VMEM((_IG, _CH), jnp.int32),
            pltpu.VMEM((_IG, _CH), jnp.int32),
            pltpu.VMEM((_CH,), jnp.int32),
            pltpu.VMEM((_CH,), jnp.int32),
            pltpu.VMEM((_CH,), jnp.int32),
            pltpu.VMEM((_CH, _D), jnp.float32),
            pltpu.VMEM((_CH, _D), jnp.float32),
            pltpu.VMEM((_CH, _D), jnp.float32),
            pltpu.VMEM((_WB, _D), jnp.float32),
            pltpu.VMEM_SHARED((_NP, _D), jnp.float32),
            pltpu.SemaphoreType.DMA,
            pltpu.SemaphoreType.DMA,
            pltpu.SemaphoreType.DMA,
        ],
    )(pp4, q2, src2, dst2)


def _sc_cnt(dst2):
    return pl.kernel(
        _cnt_body,
        out_type=jax.ShapeDtypeStruct((2 * _NP, _D), jnp.float32),
        mesh=_sc_mesh(),
        scratch_types=[
            pltpu.VMEM((_IG, _CH), jnp.int32),
            pltpu.VMEM((_CH,), jnp.int32),
            pltpu.VMEM((_CB, _D), jnp.float32),
            pltpu.VMEM_SHARED((_NP, _D), jnp.float32),
        ],
    )(dst2)


_RB = 2000


def _gru_body(s0_ref, s1_ref, cnta_ref, cntb_ref, h_ref, w2_ref, wih_ref,
              whh_ref, b2_ref, bih_ref, bhh_ref, o_ref):
    cnt = cnta_ref[...][:, 0:1] + cntb_ref[...][:, 0:1]
    inv = 1.0 / jnp.maximum(cnt, 1.0)
    pres = cnt * inv
    w2 = w2_ref[...]
    aggs = (
        jnp.dot(s0_ref[...], w2[:_D], preferred_element_type=jnp.float32)
        + jnp.dot(s1_ref[...], w2[_D:], preferred_element_type=jnp.float32)
    )
    agg = aggs * inv + b2_ref[...] * pres
    dn = (((1,), (1,)), ((), ()))
    gi = lax.dot_general(agg, wih_ref[...], dn,
                         preferred_element_type=jnp.float32) + bih_ref[...]
    h = h_ref[...]
    gh = lax.dot_general(h, whh_ref[...], dn,
                         preferred_element_type=jnp.float32) + bhh_ref[...]
    r = jax.nn.sigmoid(gi[:, :_D] + gh[:, :_D])
    z = jax.nn.sigmoid(gi[:, _D:2 * _D] + gh[:, _D:2 * _D])
    nn = jnp.tanh(gi[:, 2 * _D:] + r * gh[:, 2 * _D:])
    o_ref[...] = (1.0 - z) * nn + z * h


def _gru_update(s0, s1, cnta, cntb, nf, W2, b2, Wih, Whh, bih, bhh):
    return pl.pallas_call(
        _gru_body,
        grid=(_N // _RB,),
        in_specs=[
            pl.BlockSpec((_RB, _D), lambda i: (i, 0)),
            pl.BlockSpec((_RB, _D), lambda i: (i, 0)),
            pl.BlockSpec((_RB, _D), lambda i: (i, 0)),
            pl.BlockSpec((_RB, _D), lambda i: (i, 0)),
            pl.BlockSpec((_RB, _D), lambda i: (i, 0)),
            pl.BlockSpec((_H, _H), lambda i: (0, 0)),
            pl.BlockSpec((3 * _D, _H), lambda i: (0, 0)),
            pl.BlockSpec((3 * _D, _D), lambda i: (0, 0)),
            pl.BlockSpec((1, _H), lambda i: (0, 0)),
            pl.BlockSpec((1, 3 * _D), lambda i: (0, 0)),
            pl.BlockSpec((1, 3 * _D), lambda i: (0, 0)),
        ],
        out_specs=pl.BlockSpec((_RB, _D), lambda i: (i, 0)),
        out_shape=jax.ShapeDtypeStruct((_N, _D), jnp.float32),
    )(s0, s1, cnta, cntb, nf, W2, Wih, Whh, b2.reshape(1, _H),
      bih.reshape(1, 3 * _D), bhh.reshape(1, 3 * _D))


def kernel(node_feats, edge_feats, W1, b1, W2, b2, Wih, Whh, bih, bhh,
           edge_index):
    nf = node_feats
    Wab = jnp.concatenate([W1[:_D], W1[_D:2 * _D]], axis=1)
    W1c3 = W1[2 * _D:].reshape(_ED, 2, _D).transpose(1, 0, 2)
    b13 = b1.reshape(2, 1, _D)
    pad = _EP - _E
    src2 = jnp.concatenate(
        [edge_index[0].astype(jnp.int32), jnp.zeros((pad,), jnp.int32)]
    ).reshape(_EP // (_IG * _CH), _IG, _CH)
    dst2 = jnp.concatenate(
        [edge_index[1].astype(jnp.int32), jnp.full((pad,), _N, jnp.int32)]
    ).reshape(_EP // (_IG * _CH), _IG, _CH)
    ef_p = jnp.concatenate(
        [edge_feats, jnp.zeros((pad, _ED), jnp.float32)], axis=0)

    pp4 = _node_tables(nf, Wab)
    q2 = _edge_q(ef_p, W1c3, b13).reshape(2 * _EP, _D)
    s2 = _sc_sum(pp4, q2, src2, dst2)
    cnt16 = _sc_cnt(dst2)
    return _gru_update(s2[:_N], s2[_NP:_NP + _N],
                       cnt16[:_N], cnt16[_NP:_NP + _N], nf,
                       W2, b2, Wih, Whh, bih, bhh)

# --- scband reference (transcript-rebuilt; emitter-appended) ---
"""Pipeline reference for scband-mpnnlayer-70592082477429 (READ-ONLY COPY).

The authoritative reference and input builder live on the scoring server;
editing this copy changes nothing except your own understanding.
"""

import jax, jax.numpy as jnp
import numpy as np

N = 10000
E = 320000
D = 128   # node_dim
ED = 16   # edge_dim
H = 256   # hidden_dim


def setup_inputs(seed: int = 0) -> dict:
    key = jax.random.key(seed)
    ks = jax.random.split(key, 12)
    s = 0.05
    node_feats = jax.random.normal(ks[0], (N, D), dtype=jnp.float32)
    edge_index = jax.random.randint(ks[1], (2, E), 0, N, dtype=jnp.int64)
    edge_feats = jax.random.normal(ks[2], (E, ED), dtype=jnp.float32)
    # message_net: Linear(2D+ED -> H), ReLU, Linear(H -> H)
    W1 = jax.random.normal(ks[3], (2 * D + ED, H), dtype=jnp.float32) * s
    b1 = jnp.zeros((H,), dtype=jnp.float32)
    W2 = jax.random.normal(ks[4], (H, H), dtype=jnp.float32) * s
    b2 = jnp.zeros((H,), dtype=jnp.float32)
    # GRUCell(input_size=H, hidden_size=D), PyTorch layout
    Wih = jax.random.normal(ks[5], (3 * D, H), dtype=jnp.float32) * s
    Whh = jax.random.normal(ks[6], (3 * D, D), dtype=jnp.float32) * s
    bih = jnp.zeros((3 * D,), dtype=jnp.float32)
    bhh = jnp.zeros((3 * D,), dtype=jnp.float32)
    return {
        "node_feats": node_feats,
        "edge_feats": edge_feats,
        "W1": W1, "b1": b1, "W2": W2, "b2": b2,
        "Wih": Wih, "Whh": Whh, "bih": bih, "bhh": bhh,
        "edge_index": edge_index,
    }


def reference(node_feats, edge_feats, W1, b1, W2, b2, Wih, Whh, bih, bhh, edge_index):
    src = edge_index[0]
    dst = edge_index[1]
    # apply_edges: m = message_net(cat([h_src, h_dst, e]))
    cat = jnp.concatenate([node_feats[src], node_feats[dst], edge_feats], axis=1)
    m = jnp.maximum(cat @ W1 + b1, 0.0) @ W2 + b2  # [E, H]
    # update_all(copy_e, mean): mean of incoming messages per dst node
    agg_sum = jax.ops.segment_sum(m, dst, num_segments=N)
    cnt = jax.ops.segment_sum(jnp.ones((E,), dtype=jnp.float32), dst, num_segments=N)
    agg = agg_sum / jnp.maximum(cnt, 1.0)[:, None]  # [N, H]
    # GRUCell(agg, node_feats)
    gi = agg @ Wih.T + bih
    gh = node_feats @ Whh.T + bhh
    i_r, i_z, i_n = jnp.split(gi, 3, axis=1)
    h_r, h_z, h_n = jnp.split(gh, 3, axis=1)
    r = jax.nn.sigmoid(i_r + h_r)
    z = jax.nn.sigmoid(i_z + h_z)
    n = jnp.tanh(i_n + r * h_n)
    h_new = (1.0 - z) * n + z * node_feats
    return h_new

if __name__ == "__main__":
    import jax
    _d = setup_inputs()
    print(jax.jit(kernel)(*tuple(_d.values())))

</pallas_src>

<mosaic_0001>
#map = affine_map<(d0, d1) -> (0, 0, 0)>
#map1 = affine_map<(d0, d1) -> (0, 0)>
module attributes {stable_mosaic.version = 14 : i64} {
  func.func @_cnt_body(%arg0: i32, %arg1: i32, %arg2: memref<640x8x64xi32, #tpu.memory_space<hbm>>, %arg3: memref<20480x128xf32, #tpu.memory_space<hbm>>, %arg4: memref<8x64xi32, #tpu.memory_space<vmem>>, %arg5: memref<64xi32, #tpu.memory_space<vmem>>, %arg6: memref<64x128xf32, #tpu.memory_space<vmem>>, %arg7: memref<10240x128xf32, #tpu.memory_space<vmem_shared>>) attributes {dimension_semantics = [#tpu.dimension_semantics<core_parallel>, #tpu.dimension_semantics<subcore_parallel>], iteration_bounds = array<i64: 2, 16>, scalar_prefetch = 0 : i64, scratch_operands = 4 : i64, tpu.core_type = #tpu.core_type<sc_vector_subcore>, window_params = [{transform_indices = #map}, {transform_indices = #map1}]} {
    %mul3A = arith.constant 2 : i32
    %mul3A_0 = arith.muli %arg1, %mul3A : i32
    %add3A = arith.addi %mul3A_0, %arg0 : i32
    %broadcast_in_dim3A = arith.constant 0.000000e+00 : f32
    %broadcast_in_dim3A_1 = vector.broadcast %broadcast_in_dim3A : f32 to vector<16xf32>
    %broadcast_in_dim3A_2 = arith.constant 1.000000e+00 : f32
    %broadcast_in_dim3A_3 = vector.broadcast %broadcast_in_dim3A_2 : f32 to vector<16xf32>
    %scan3A = arith.constant 0 : i32
    %scan3A_4 = arith.constant 0 : i32
    %scan3A_5 = arith.constant 64 : i32
    %scan3A_6 = arith.addi %scan3A_4, %scan3A_5 : i32
    %scan3A_7 = arith.constant 1 : i32
    scf.for %scan3A_174 = %scan3A_4 to %scan3A_6 step %scan3A_7  : i32 {
      %swap3A = arith.index_cast %scan3A_174 : i32 to index
      %swap3A_175 = arith.constant 0 : index
      %swap3A_176 = tpu.vector_load %arg6[%swap3A, %swap3A_175] {strides = array<i32>} : memref<64x128xf32, #tpu.memory_space<vmem>>, vector<1x16xf32>,
      %swap3A_177 = vector.shape_cast %swap3A_176 : vector<1x16xf32> to vector<16xf32>
      %swap3A_178 = vector.shape_cast %broadcast_in_dim3A_1 : vector<16xf32> to vector<1x16xf32>
      tpu.vector_store %arg6[%swap3A, %swap3A_175], %swap3A_178 {strides = array<i32>} : memref<64x128xf32, #tpu.memory_space<vmem>>, vector<1x16xf32>,
      %swap3A_179 = arith.index_cast %scan3A_174 : i32 to index
      %swap3A_180 = arith.constant 16 : index
      %swap3A_181 = tpu.vector_load %arg6[%swap3A_179, %swap3A_180] {strides = array<i32>} : memref<64x128xf32, #tpu.memory_space<vmem>>, vector<1x16xf32>,
      %swap3A_182 = vector.shape_cast %swap3A_181 : vector<1x16xf32> to vector<16xf32>
      %swap3A_183 = vector.shape_cast %broadcast_in_dim3A_1 : vector<16xf32> to vector<1x16xf32>
      tpu.vector_store %arg6[%swap3A_179, %swap3A_180], %swap3A_183 {strides = array<i32>} : memref<64x128xf32, #tpu.memory_space<vmem>>, vector<1x16xf32>,
      %swap3A_184 = arith.index_cast %scan3A_174 : i32 to index
      %swap3A_185 = arith.constant 32 : index
      %swap3A_186 = tpu.vector_load %arg6[%swap3A_184, %swap3A_185] {strides = array<i32>} : memref<64x128xf32, #tpu.memory_space<vmem>>, vector<1x16xf32>,
      %swap3A_187 = vector.shape_cast %swap3A_186 : vector<1x16xf32> to vector<16xf32>
      %swap3A_188 = vector.shape_cast %broadcast_in_dim3A_1 : vector<16xf32> to vector<1x16xf32>
      tpu.vector_store %arg6[%swap3A_184, %swap3A_185], %swap3A_188 {strides = array<i32>} : memref<64x128xf32, #tpu.memory_space<vmem>>, vector<1x16xf32>,
      %swap3A_189 = arith.index_cast %scan3A_174 : i32 to index
      %swap3A_190 = arith.constant 48 : index
      %swap3A_191 = tpu.vector_load %arg6[%swap3A_189, %swap3A_190] {strides = array<i32>} : memref<64x128xf32, #tpu.memory_space<vmem>>, vector<1x16xf32>,
      %swap3A_192 = vector.shape_cast %swap3A_191 : vector<1x16xf32> to vector<16xf32>
      %swap3A_193 = vector.shape_cast %broadcast_in_dim3A_1 : vector<16xf32> to vector<1x16xf32>
      tpu.vector_store %arg6[%swap3A_189, %swap3A_190], %swap3A_193 {strides = array<i32>} : memref<64x128xf32, #tpu.memory_space<vmem>>, vector<1x16xf32>,
      %swap3A_194 = arith.index_cast %scan3A_174 : i32 to index
      %swap3A_195 = arith.constant 64 : index
      %swap3A_196 = tpu.vector_load %arg6[%swap3A_194, %swap3A_195] {strides = array<i32>} : memref<64x128xf32, #tpu.memory_space<vmem>>, vector<1x16xf32>,
      %swap3A_197 = vector.shape_cast %swap3A_196 : vector<1x16xf32> to vector<16xf32>
      %swap3A_198 = vector.shape_cast %broadcast_in_dim3A_1 : vector<16xf32> to vector<1x16xf32>
      tpu.vector_store %arg6[%swap3A_194, %swap3A_195], %swap3A_198 {strides = array<i32>} : memref<64x128xf32, #tpu.memory_space<vmem>>, vector<1x16xf32>,
      %swap3A_199 = arith.index_cast %scan3A_174 : i32 to index
      %swap3A_200 = arith.constant 80 : index
      %swap3A_201 = tpu.vector_load %arg6[%swap3A_199, %swap3A_200] {strides = array<i32>} : memref<64x128xf32, #tpu.memory_space<vmem>>, vector<1x16xf32>,
      %swap3A_202 = vector.shape_cast %swap3A_201 : vector<1x16xf32> to vector<16xf32>
      %swap3A_203 = vector.shape_cast %broadcast_in_dim3A_1 : vector<16xf32> to vector<1x16xf32>
      tpu.vector_store %arg6[%swap3A_199, %swap3A_200], %swap3A_203 {strides = array<i32>} : memref<64x128xf32, #tpu.memory_space<vmem>>, vector<1x16xf32>,
      %swap3A_204 = arith.index_cast %scan3A_174 : i32 to index
      %swap3A_205 = arith.constant 96 : index
      %swap3A_206 = tpu.vector_load %arg6[%swap3A_204, %swap3A_205] {strides = array<i32>} : memref<64x128xf32, #tpu.memory_space<vmem>>, vector<1x16xf32>,
      %swap3A_207 = vector.shape_cast %swap3A_206 : vector<1x16xf32> to vector<16xf32>
      %swap3A_208 = vector.shape_cast %broadcast_in_dim3A_1 : vector<16xf32> to vector<1x16xf32>
      tpu.vector_store %arg6[%swap3A_204, %swap3A_205], %swap3A_208 {strides = array<i32>} : memref<64x128xf32, #tpu.memory_space<vmem>>, vector<1x16xf32>,
      %swap3A_209 = arith.index_cast %scan3A_174 : i32 to index
      %swap3A_210 = arith.constant 112 : index
      %swap3A_211 = tpu.vector_load %arg6[%swap3A_209, %swap3A_210] {strides = array<i32>} : memref<64x128xf32, #tpu.memory_space<vmem>>, vector<1x16xf32>,
      %swap3A_212 = vector.shape_cast %swap3A_211 : vector<1x16xf32> to vector<16xf32>
      %swap3A_213 = vector.shape_cast %broadcast_in_dim3A_1 : vector<16xf32> to vector<1x16xf32>
      tpu.vector_store %arg6[%swap3A_209, %swap3A_210], %swap3A_213 {strides = array<i32>} : memref<64x128xf32, #tpu.memory_space<vmem>>, vector<1x16xf32>,
    }
    %scan3A_8 = arith.constant 64 : i32
    %mul3A_9 = arith.constant 640 : i32
    %mul3A_10 = arith.muli %arg1, %mul3A_9 : i32
    %add3A_11 = arith.constant 0 : i32
    %add3A_12 = arith.addi %mul3A_10, %add3A_11 : i32
    "tpu.region"() ({
      %run_scoped3A = tpu.sem_alloc : memref<!tpu.dma_semaphore, #tpu.memory_space<semaphore_mem>>
      %dma_start3A = arith.constant 0 : i32
      %dma_start3A_174 = tpu.memref_slice %arg7[%add3A_12, %dma_start3A] : memref<10240x128xf32, #tpu.memory_space<vmem_shared>> -> memref<64x128xf32, #tpu.memory_space<vmem_shared>>
      %dma_start3A_175 = arith.constant 0 : i32
      %dma_start3A_176 = tpu.memref_slice %arg7[%add3A_12, %dma_start3A_175] : memref<10240x128xf32, #tpu.memory_space<vmem_shared>> -> memref<64x128xf32, #tpu.memory_space<vmem_shared>>
      tpu.enqueue_dma source(%arg6 : memref<64x128xf32, #tpu.memory_space<vmem>>) target(%dma_start3A_176 : memref<64x128xf32, #tpu.memory_space<vmem_shared>>) target_semaphore(%run_scoped3A : memref<!tpu.dma_semaphore, #tpu.memory_space<semaphore_mem>>)
      %dma_wait3A = arith.constant 0 : i32
      %dma_wait3A_177 = tpu.memref_slice %arg7[%add3A_12, %dma_wait3A] : memref<10240x128xf32, #tpu.memory_space<vmem_shared>> -> memref<64x128xf32, #tpu.memory_space<vmem_shared>>
      %dma_wait3A_178 = arith.constant 0 : i32
      %dma_wait3A_179 = tpu.memref_slice %arg7[%add3A_12, %dma_wait3A_178] : memref<10240x128xf32, #tpu.memory_space<vmem_shared>> -> memref<64x128xf32, #tpu.memory_space<vmem_shared>>
      tpu.wait_dma2 semaphore(%run_scoped3A : memref<!tpu.dma_semaphore, #tpu.memory_space<semaphore_mem>>) src(%arg6 : memref<64x128xf32, #tpu.memory_space<vmem>>) dst(%dma_wait3A_179 : memref<64x128xf32, #tpu.memory_space<vmem_shared>>)
      tpu.yield
    }) : () -> ()
    %mul3A_13 = arith.constant 640 : i32
    %mul3A_14 = arith.muli %arg1, %mul3A_13 : i32
    %add3A_15 = arith.constant 64 : i32
    %add3A_16 = arith.addi %mul3A_14, %add3A_15 : i32
    "tpu.region"() ({
      %run_scoped3A = tpu.sem_alloc : memref<!tpu.dma_semaphore, #tpu.memory_space<semaphore_mem>>
      %dma_start3A = arith.constant 0 : i32
      %dma_start3A_174 = tpu.memref_slice %arg7[%add3A_16, %dma_start3A] : memref<10240x128xf32, #tpu.memory_space<vmem_shared>> -> memref<64x128xf32, #tpu.memory_space<vmem_shared>>
      %dma_start3A_175 = arith.constant 0 : i32
      %dma_start3A_176 = tpu.memref_slice %arg7[%add3A_16, %dma_start3A_175] : memref<10240x128xf32, #tpu.memory_space<vmem_shared>> -> memref<64x128xf32, #tpu.memory_space<vmem_shared>>
      tpu.enqueue_dma source(%arg6 : memref<64x128xf32, #tpu.memory_space<vmem>>) target(%dma_start3A_176 : memref<64x128xf32, #tpu.memory_space<vmem_shared>>) target_semaphore(%run_scoped3A : memref<!tpu.dma_semaphore, #tpu.memory_space<semaphore_mem>>)
      %dma_wait3A = arith.constant 0 : i32
      %dma_wait3A_177 = tpu.memref_slice %arg7[%add3A_16, %dma_wait3A] : memref<10240x128xf32, #tpu.memory_space<vmem_shared>> -> memref<64x128xf32, #tpu.memory_space<vmem_shared>>
      %dma_wait3A_178 = arith.constant 0 : i32
      %dma_wait3A_179 = tpu.memref_slice %arg7[%add3A_16, %dma_wait3A_178] : memref<10240x128xf32, #tpu.memory_space<vmem_shared>> -> memref<64x128xf32, #tpu.memory_space<vmem_shared>>
      tpu.wait_dma2 semaphore(%run_scoped3A : memref<!tpu.dma_semaphore, #tpu.memory_space<semaphore_mem>>) src(%arg6 : memref<64x128xf32, #tpu.memory_space<vmem>>) dst(%dma_wait3A_179 : memref<64x128xf32, #tpu.memory_space<vmem_shared>>)
      tpu.yield
    }) : () -> ()
    %mul3A_17 = arith.constant 640 : i32
    %mul3A_18 = arith.muli %arg1, %mul3A_17 : i32
    %add3A_19 = arith.constant 128 : i32
    %add3A_20 = arith.addi %mul3A_18, %add3A_19 : i32
    "tpu.region"() ({
      %run_scoped3A = tpu.sem_alloc : memref<!tpu.dma_semaphore, #tpu.memory_space<semaphore_mem>>
      %dma_start3A = arith.constant 0 : i32
      %dma_start3A_174 = tpu.memref_slice %arg7[%add3A_20, %dma_start3A] : memref<10240x128xf32, #tpu.memory_space<vmem_shared>> -> memref<64x128xf32, #tpu.memory_space<vmem_shared>>
      %dma_start3A_175 = arith.constant 0 : i32
      %dma_start3A_176 = tpu.memref_slice %arg7[%add3A_20, %dma_start3A_175] : memref<10240x128xf32, #tpu.memory_space<vmem_shared>> -> memref<64x128xf32, #tpu.memory_space<vmem_shared>>
      tpu.enqueue_dma source(%arg6 : memref<64x128xf32, #tpu.memory_space<vmem>>) target(%dma_start3A_176 : memref<64x128xf32, #tpu.memory_space<vmem_shared>>) target_semaphore(%run_scoped3A : memref<!tpu.dma_semaphore, #tpu.memory_space<semaphore_mem>>)
      %dma_wait3A = arith.constant 0 : i32
      %dma_wait3A_177 = tpu.memref_slice %arg7[%add3A_20, %dma_wait3A] : memref<10240x128xf32, #tpu.memory_space<vmem_shared>> -> memref<64x128xf32, #tpu.memory_space<vmem_shared>>
      %dma_wait3A_178 = arith.constant 0 : i32
      %dma_wait3A_179 = tpu.memref_slice %arg7[%add3A_20, %dma_wait3A_178] : memref<10240x128xf32, #tpu.memory_space<vmem_shared>> -> memref<64x128xf32, #tpu.memory_space<vmem_shared>>
      tpu.wait_dma2 semaphore(%run_scoped3A : memref<!tpu.dma_semaphore, #tpu.memory_space<semaphore_mem>>) src(%arg6 : memref<64x128xf32, #tpu.memory_space<vmem>>) dst(%dma_wait3A_179 : memref<64x128xf32, #tpu.memory_space<vmem_shared>>)
      tpu.yield
    }) : () -> ()
    %mul3A_21 = arith.constant 640 : i32
    %mul3A_22 = arith.muli %arg1, %mul3A_21 : i32
    %add3A_23 = arith.constant 192 : i32
    %add3A_24 = arith.addi %mul3A_22, %add3A_23 : i32
    "tpu.region"() ({
      %run_scoped3A = tpu.sem_alloc : memref<!tpu.dma_semaphore, #tpu.memory_space<semaphore_mem>>
      %dma_start3A = arith.constant 0 : i32
      %dma_start3A_174 = tpu.memref_slice %arg7[%add3A_24, %dma_start3A] : memref<10240x128xf32, #tpu.memory_space<vmem_shared>> -> memref<64x128xf32, #tpu.memory_space<vmem_shared>>
      %dma_start3A_175 = arith.constant 0 : i32
      %dma_start3A_176 = tpu.memref_slice %arg7[%add3A_24, %dma_start3A_175] : memref<10240x128xf32, #tpu.memory_space<vmem_shared>> -> memref<64x128xf32, #tpu.memory_space<vmem_shared>>
      tpu.enqueue_dma source(%arg6 : memref<64x128xf32, #tpu.memory_space<vmem>>) target(%dma_start3A_176 : memref<64x128xf32, #tpu.memory_space<vmem_shared>>) target_semaphore(%run_scoped3A : memref<!tpu.dma_semaphore, #tpu.memory_space<semaphore_mem>>)
      %dma_wait3A = arith.constant 0 : i32
      %dma_wait3A_177 = tpu.memref_slice %arg7[%add3A_24, %dma_wait3A] : memref<10240x128xf32, #tpu.memory_space<vmem_shared>> -> memref<64x128xf32, #tpu.memory_space<vmem_shared>>
      %dma_wait3A_178 = arith.constant 0 : i32
      %dma_wait3A_179 = tpu.memref_slice %arg7[%add3A_24, %dma_wait3A_178] : memref<10240x128xf32, #tpu.memory_space<vmem_shared>> -> memref<64x128xf32, #tpu.memory_space<vmem_shared>>
      tpu.wait_dma2 semaphore(%run_scoped3A : memref<!tpu.dma_semaphore, #tpu.memory_space<semaphore_mem>>) src(%arg6 : memref<64x128xf32, #tpu.memory_space<vmem>>) dst(%dma_wait3A_179 : memref<64x128xf32, #tpu.memory_space<vmem_shared>>)
      tpu.yield
    }) : () -> ()
    %mul3A_25 = arith.constant 640 : i32
    %mul3A_26 = arith.muli %arg1, %mul3A_25 : i32
    %add3A_27 = arith.constant 256 : i32
    %add3A_28 = arith.addi %mul3A_26, %add3A_27 : i32
    "tpu.region"() ({
      %run_scoped3A = tpu.sem_alloc : memref<!tpu.dma_semaphore, #tpu.memory_space<semaphore_mem>>
      %dma_start3A = arith.constant 0 : i32
      %dma_start3A_174 = tpu.memref_slice %arg7[%add3A_28, %dma_start3A] : memref<10240x128xf32, #tpu.memory_space<vmem_shared>> -> memref<64x128xf32, #tpu.memory_space<vmem_shared>>
      %dma_start3A_175 = arith.constant 0 : i32
      %dma_start3A_176 = tpu.memref_slice %arg7[%add3A_28, %dma_start3A_175] : memref<10240x128xf32, #tpu.memory_space<vmem_shared>> -> memref<64x128xf32, #tpu.memory_space<vmem_shared>>
      tpu.enqueue_dma source(%arg6 : memref<64x128xf32, #tpu.memory_space<vmem>>) target(%dma_start3A_176 : memref<64x128xf32, #tpu.memory_space<vmem_shared>>) target_semaphore(%run_scoped3A : memref<!tpu.dma_semaphore, #tpu.memory_space<semaphore_mem>>)
      %dma_wait3A = arith.constant 0 : i32
      %dma_wait3A_177 = tpu.memref_slice %arg7[%add3A_28, %dma_wait3A] : memref<10240x128xf32, #tpu.memory_space<vmem_shared>> -> memref<64x128xf32, #tpu.memory_space<vmem_shared>>
      %dma_wait3A_178 = arith.constant 0 : i32
      %dma_wait3A_179 = tpu.memref_slice %arg7[%add3A_28, %dma_wait3A_178] : memref<10240x128xf32, #tpu.memory_space<vmem_shared>> -> memref<64x128xf32, #tpu.memory_space<vmem_shared>>
      tpu.wait_dma2 semaphore(%run_scoped3A : memref<!tpu.dma_semaphore, #tpu.memory_space<semaphore_mem>>) src(%arg6 : memref<64x128xf32, #tpu.memory_space<vmem>>) dst(%dma_wait3A_179 : memref<64x128xf32, #tpu.memory_space<vmem_shared>>)
      tpu.yield
    }) : () -> ()
    %mul3A_29 = arith.constant 640 : i32
    %mul3A_30 = arith.muli %arg1, %mul3A_29 : i32
    %add3A_31 = arith.constant 320 : i32
    %add3A_32 = arith.addi %mul3A_30, %add3A_31 : i32
    "tpu.region"() ({
      %run_scoped3A = tpu.sem_alloc : memref<!tpu.dma_semaphore, #tpu.memory_space<semaphore_mem>>
      %dma_start3A = arith.constant 0 : i32
      %dma_start3A_174 = tpu.memref_slice %arg7[%add3A_32, %dma_start3A] : memref<10240x128xf32, #tpu.memory_space<vmem_shared>> -> memref<64x128xf32, #tpu.memory_space<vmem_shared>>
      %dma_start3A_175 = arith.constant 0 : i32
      %dma_start3A_176 = tpu.memref_slice %arg7[%add3A_32, %dma_start3A_175] : memref<10240x128xf32, #tpu.memory_space<vmem_shared>> -> memref<64x128xf32, #tpu.memory_space<vmem_shared>>
      tpu.enqueue_dma source(%arg6 : memref<64x128xf32, #tpu.memory_space<vmem>>) target(%dma_start3A_176 : memref<64x128xf32, #tpu.memory_space<vmem_shared>>) target_semaphore(%run_scoped3A : memref<!tpu.dma_semaphore, #tpu.memory_space<semaphore_mem>>)
      %dma_wait3A = arith.constant 0 : i32
      %dma_wait3A_177 = tpu.memref_slice %arg7[%add3A_32, %dma_wait3A] : memref<10240x128xf32, #tpu.memory_space<vmem_shared>> -> memref<64x128xf32, #tpu.memory_space<vmem_shared>>
      %dma_wait3A_178 = arith.constant 0 : i32
      %dma_wait3A_179 = tpu.memref_slice %arg7[%add3A_32, %dma_wait3A_178] : memref<10240x128xf32, #tpu.memory_space<vmem_shared>> -> memref<64x128xf32, #tpu.memory_space<vmem_shared>>
      tpu.wait_dma2 semaphore(%run_scoped3A : memref<!tpu.dma_semaphore, #tpu.memory_space<semaphore_mem>>) src(%arg6 : memref<64x128xf32, #tpu.memory_space<vmem>>) dst(%dma_wait3A_179 : memref<64x128xf32, #tpu.memory_space<vmem_shared>>)
      tpu.yield
    }) : () -> ()
    %mul3A_33 = arith.constant 640 : i32
    %mul3A_34 = arith.muli %arg1, %mul3A_33 : i32
    %add3A_35 = arith.constant 384 : i32
    %add3A_36 = arith.addi %mul3A_34, %add3A_35 : i32
    "tpu.region"() ({
      %run_scoped3A = tpu.sem_alloc : memref<!tpu.dma_semaphore, #tpu.memory_space<semaphore_mem>>
      %dma_start3A = arith.constant 0 : i32
      %dma_start3A_174 = tpu.memref_slice %arg7[%add3A_36, %dma_start3A] : memref<10240x128xf32, #tpu.memory_space<vmem_shared>> -> memref<64x128xf32, #tpu.memory_space<vmem_shared>>
      %dma_start3A_175 = arith.constant 0 : i32
      %dma_start3A_176 = tpu.memref_slice %arg7[%add3A_36, %dma_start3A_175] : memref<10240x128xf32, #tpu.memory_space<vmem_shared>> -> memref<64x128xf32, #tpu.memory_space<vmem_shared>>
      tpu.enqueue_dma source(%arg6 : memref<64x128xf32, #tpu.memory_space<vmem>>) target(%dma_start3A_176 : memref<64x128xf32, #tpu.memory_space<vmem_shared>>) target_semaphore(%run_scoped3A : memref<!tpu.dma_semaphore, #tpu.memory_space<semaphore_mem>>)
      %dma_wait3A = arith.constant 0 : i32
      %dma_wait3A_177 = tpu.memref_slice %arg7[%add3A_36, %dma_wait3A] : memref<10240x128xf32, #tpu.memory_space<vmem_shared>> -> memref<64x128xf32, #tpu.memory_space<vmem_shared>>
      %dma_wait3A_178 = arith.constant 0 : i32
      %dma_wait3A_179 = tpu.memref_slice %arg7[%add3A_36, %dma_wait3A_178] : memref<10240x128xf32, #tpu.memory_space<vmem_shared>> -> memref<64x128xf32, #tpu.memory_space<vmem_shared>>
      tpu.wait_dma2 semaphore(%run_scoped3A : memref<!tpu.dma_semaphore, #tpu.memory_space<semaphore_mem>>) src(%arg6 : memref<64x128xf32, #tpu.memory_space<vmem>>) dst(%dma_wait3A_179 : memref<64x128xf32, #tpu.memory_space<vmem_shared>>)
      tpu.yield
    }) : () -> ()
    %mul3A_37 = arith.constant 640 : i32
    %mul3A_38 = arith.muli %arg1, %mul3A_37 : i32
    %add3A_39 = arith.constant 448 : i32
    %add3A_40 = arith.addi %mul3A_38, %add3A_39 : i32
    "tpu.region"() ({
      %run_scoped3A = tpu.sem_alloc : memref<!tpu.dma_semaphore, #tpu.memory_space<semaphore_mem>>
      %dma_start3A = arith.constant 0 : i32
      %dma_start3A_174 = tpu.memref_slice %arg7[%add3A_40, %dma_start3A] : memref<10240x128xf32, #tpu.memory_space<vmem_shared>> -> memref<64x128xf32, #tpu.memory_space<vmem_shared>>
      %dma_start3A_175 = arith.constant 0 : i32
      %dma_start3A_176 = tpu.memref_slice %arg7[%add3A_40, %dma_start3A_175] : memref<10240x128xf32, #tpu.memory_space<vmem_shared>> -> memref<64x128xf32, #tpu.memory_space<vmem_shared>>
      tpu.enqueue_dma source(%arg6 : memref<64x128xf32, #tpu.memory_space<vmem>>) target(%dma_start3A_176 : memref<64x128xf32, #tpu.memory_space<vmem_shared>>) target_semaphore(%run_scoped3A : memref<!tpu.dma_semaphore, #tpu.memory_space<semaphore_mem>>)
      %dma_wait3A = arith.constant 0 : i32
      %dma_wait3A_177 = tpu.memref_slice %arg7[%add3A_40, %dma_wait3A] : memref<10240x128xf32, #tpu.memory_space<vmem_shared>> -> memref<64x128xf32, #tpu.memory_space<vmem_shared>>
      %dma_wait3A_178 = arith.constant 0 : i32
      %dma_wait3A_179 = tpu.memref_slice %arg7[%add3A_40, %dma_wait3A_178] : memref<10240x128xf32, #tpu.memory_space<vmem_shared>> -> memref<64x128xf32, #tpu.memory_space<vmem_shared>>
      tpu.wait_dma2 semaphore(%run_scoped3A : memref<!tpu.dma_semaphore, #tpu.memory_space<semaphore_mem>>) src(%arg6 : memref<64x128xf32, #tpu.memory_space<vmem>>) dst(%dma_wait3A_179 : memref<64x128xf32, #tpu.memory_space<vmem_shared>>)
      tpu.yield
    }) : () -> ()
    %mul3A_41 = arith.constant 640 : i32
    %mul3A_42 = arith.muli %arg1, %mul3A_41 : i32
    %add3A_43 = arith.constant 512 : i32
    %add3A_44 = arith.addi %mul3A_42, %add3A_43 : i32
    "tpu.region"() ({
      %run_scoped3A = tpu.sem_alloc : memref<!tpu.dma_semaphore, #tpu.memory_space<semaphore_mem>>
      %dma_start3A = arith.constant 0 : i32
      %dma_start3A_174 = tpu.memref_slice %arg7[%add3A_44, %dma_start3A] : memref<10240x128xf32, #tpu.memory_space<vmem_shared>> -> memref<64x128xf32, #tpu.memory_space<vmem_shared>>
      %dma_start3A_175 = arith.constant 0 : i32
      %dma_start3A_176 = tpu.memref_slice %arg7[%add3A_44, %dma_start3A_175] : memref<10240x128xf32, #tpu.memory_space<vmem_shared>> -> memref<64x128xf32, #tpu.memory_space<vmem_shared>>
      tpu.enqueue_dma source(%arg6 : memref<64x128xf32, #tpu.memory_space<vmem>>) target(%dma_start3A_176 : memref<64x128xf32, #tpu.memory_space<vmem_shared>>) target_semaphore(%run_scoped3A : memref<!tpu.dma_semaphore, #tpu.memory_space<semaphore_mem>>)
      %dma_wait3A = arith.constant 0 : i32
      %dma_wait3A_177 = tpu.memref_slice %arg7[%add3A_44, %dma_wait3A] : memref<10240x128xf32, #tpu.memory_space<vmem_shared>> -> memref<64x128xf32, #tpu.memory_space<vmem_shared>>
      %dma_wait3A_178 = arith.constant 0 : i32
      %dma_wait3A_179 = tpu.memref_slice %arg7[%add3A_44, %dma_wait3A_178] : memref<10240x128xf32, #tpu.memory_space<vmem_shared>> -> memref<64x128xf32, #tpu.memory_space<vmem_shared>>
      tpu.wait_dma2 semaphore(%run_scoped3A : memref<!tpu.dma_semaphore, #tpu.memory_space<semaphore_mem>>) src(%arg6 : memref<64x128xf32, #tpu.memory_space<vmem>>) dst(%dma_wait3A_179 : memref<64x128xf32, #tpu.memory_space<vmem_shared>>)
      tpu.yield
    }) : () -> ()
    %mul3A_45 = arith.constant 640 : i32
    %mul3A_46 = arith.muli %arg1, %mul3A_45 : i32
    %add3A_47 = arith.constant 576 : i32
    %add3A_48 = arith.addi %mul3A_46, %add3A_47 : i32
    "tpu.region"() ({
      %run_scoped3A = tpu.sem_alloc : memref<!tpu.dma_semaphore, #tpu.memory_space<semaphore_mem>>
      %dma_start3A = arith.constant 0 : i32
      %dma_start3A_174 = tpu.memref_slice %arg7[%add3A_48, %dma_start3A] : memref<10240x128xf32, #tpu.memory_space<vmem_shared>> -> memref<64x128xf32, #tpu.memory_space<vmem_shared>>
      %dma_start3A_175 = arith.constant 0 : i32
      %dma_start3A_176 = tpu.memref_slice %arg7[%add3A_48, %dma_start3A_175] : memref<10240x128xf32, #tpu.memory_space<vmem_shared>> -> memref<64x128xf32, #tpu.memory_space<vmem_shared>>
      tpu.enqueue_dma source(%arg6 : memref<64x128xf32, #tpu.memory_space<vmem>>) target(%dma_start3A_176 : memref<64x128xf32, #tpu.memory_space<vmem_shared>>) target_semaphore(%run_scoped3A : memref<!tpu.dma_semaphore, #tpu.memory_space<semaphore_mem>>)
      %dma_wait3A = arith.constant 0 : i32
      %dma_wait3A_177 = tpu.memref_slice %arg7[%add3A_48, %dma_wait3A] : memref<10240x128xf32, #tpu.memory_space<vmem_shared>> -> memref<64x128xf32, #tpu.memory_space<vmem_shared>>
      %dma_wait3A_178 = arith.constant 0 : i32
      %dma_wait3A_179 = tpu.memref_slice %arg7[%add3A_48, %dma_wait3A_178] : memref<10240x128xf32, #tpu.memory_space<vmem_shared>> -> memref<64x128xf32, #tpu.memory_space<vmem_shared>>
      tpu.wait_dma2 semaphore(%run_scoped3A : memref<!tpu.dma_semaphore, #tpu.memory_space<semaphore_mem>>) src(%arg6 : memref<64x128xf32, #tpu.memory_space<vmem>>) dst(%dma_wait3A_179 : memref<64x128xf32, #tpu.memory_space<vmem_shared>>)
      tpu.yield
    }) : () -> ()
    %scan3A_49 = arith.constant 0 : i32
    %scan3A_50 = arith.constant 0 : i32
    %scan3A_51 = arith.constant 64 : i32
    %scan3A_52 = arith.addi %scan3A_50, %scan3A_51 : i32
    %scan3A_53 = arith.constant 1 : i32
    scf.for %scan3A_174 = %scan3A_50 to %scan3A_52 step %scan3A_53  : i32 {
      %swap3A = arith.index_cast %scan3A_174 : i32 to index
      %swap3A_175 = arith.constant 0 : index
      %swap3A_176 = tpu.vector_load %arg6[%swap3A, %swap3A_175] {strides = array<i32>} : memref<64x128xf32, #tpu.memory_space<vmem>>, vector<1x16xf32>,
      %swap3A_177 = vector.shape_cast %swap3A_176 : vector<1x16xf32> to vector<16xf32>
      %swap3A_178 = vector.shape_cast %broadcast_in_dim3A_3 : vector<16xf32> to vector<1x16xf32>
      tpu.vector_store %arg6[%swap3A, %swap3A_175], %swap3A_178 {strides = array<i32>} : memref<64x128xf32, #tpu.memory_space<vmem>>, vector<1x16xf32>,
    }
    %scan3A_54 = arith.constant 64 : i32
    %barrier3A = arith.constant 0 : index
    tpu.barrier barrier_id(%barrier3A)
    %mul3A_55 = arith.constant 20 : i32
    %mul3A_56 = arith.muli %add3A, %mul3A_55 : i32
    %scan3A_57 = arith.constant 0 : i32
    %scan3A_58 = arith.constant 0 : i32
    %scan3A_59 = arith.constant 20 : i32
    %scan3A_60 = arith.addi %scan3A_58, %scan3A_59 : i32
    %scan3A_61 = arith.constant 1 : i32
    scf.for %scan3A_174 = %scan3A_58 to %scan3A_60 step %scan3A_61  : i32 {
      %add3A_175 = arith.addi %mul3A_56, %scan3A_174 : i32
      "tpu.region"() ({
        %run_scoped3A = tpu.sem_alloc : memref<!tpu.dma_semaphore, #tpu.memory_space<semaphore_mem>>
        %dma_start3A = arith.constant 0 : i32
        %dma_start3A_182 = arith.constant 0 : i32
        %dma_start3A_183 = tpu.memref_slice %arg2[%add3A_175, %dma_start3A, %dma_start3A_182] : memref<640x8x64xi32, #tpu.memory_space<hbm>> -> memref<1x8x64xi32, #tpu.memory_space<hbm>>
        %dma_start3A_184 = tpu.memref_squeeze %dma_start3A_183 : memref<1x8x64xi32, #tpu.memory_space<hbm>> -> memref<8x64xi32, #tpu.memory_space<hbm>>
        %dma_start3A_185 = arith.constant 0 : i32
        %dma_start3A_186 = arith.constant 0 : i32
        %dma_start3A_187 = tpu.memref_slice %arg2[%add3A_175, %dma_start3A_185, %dma_start3A_186] : memref<640x8x64xi32, #tpu.memory_space<hbm>> -> memref<1x8x64xi32, #tpu.memory_space<hbm>>
        %dma_start3A_188 = tpu.memref_squeeze %dma_start3A_187 : memref<1x8x64xi32, #tpu.memory_space<hbm>> -> memref<8x64xi32, #tpu.memory_space<hbm>>
        tpu.enqueue_dma source(%dma_start3A_188 : memref<8x64xi32, #tpu.memory_space<hbm>>) target(%arg4 : memref<8x64xi32, #tpu.memory_space<vmem>>) target_semaphore(%run_scoped3A : memref<!tpu.dma_semaphore, #tpu.memory_space<semaphore_mem>>)
        %dma_wait3A = arith.constant 0 : i32
        %dma_wait3A_189 = arith.constant 0 : i32
        %dma_wait3A_190 = tpu.memref_slice %arg2[%add3A_175, %dma_wait3A, %dma_wait3A_189] : memref<640x8x64xi32, #tpu.memory_space<hbm>> -> memref<1x8x64xi32, #tpu.memory_space<hbm>>
        %dma_wait3A_191 = tpu.memref_squeeze %dma_wait3A_190 : memref<1x8x64xi32, #tpu.memory_space<hbm>> -> memref<8x64xi32, #tpu.memory_space<hbm>>
        %dma_wait3A_192 = arith.constant 0 : i32
        %dma_wait3A_193 = arith.constant 0 : i32
        %dma_wait3A_194 = tpu.memref_slice %arg2[%add3A_175, %dma_wait3A_192, %dma_wait3A_193] : memref<640x8x64xi32, #tpu.memory_space<hbm>> -> memref<1x8x64xi32, #tpu.memory_space<hbm>>
        %dma_wait3A_195 = tpu.memref_squeeze %dma_wait3A_194 : memref<1x8x64xi32, #tpu.memory_space<hbm>> -> memref<8x64xi32, #tpu.memory_space<hbm>>
        tpu.wait_dma2 semaphore(%run_scoped3A : memref<!tpu.dma_semaphore, #tpu.memory_space<semaphore_mem>>) src(%dma_wait3A_195 : memref<8x64xi32, #tpu.memory_space<hbm>>) dst(%arg4 : memref<8x64xi32, #tpu.memory_space<vmem>>)
        tpu.yield
      }) : () -> ()
      %scan3A_176 = arith.constant 0 : i32
      %scan3A_177 = arith.constant 0 : i32
      %scan3A_178 = arith.constant 8 : i32
      %scan3A_179 = arith.addi %scan3A_177, %scan3A_178 : i32
      %scan3A_180 = arith.constant 1 : i32
      scf.for %scan3A_182 = %scan3A_177 to %scan3A_179 step %scan3A_180  : i32 {
        %get3A = arith.index_cast %scan3A_182 : i32 to index
        %get3A_183 = arith.constant 0 : index
        %get3A_184 = tpu.vector_load %arg4[%get3A, %get3A_183] {strides = array<i32>} : memref<8x64xi32, #tpu.memory_space<vmem>>, vector<1x16xi32>,
        %get3A_185 = vector.shape_cast %get3A_184 : vector<1x16xi32> to vector<16xi32>
        %swap3A = arith.constant 0 : index
        %swap3A_186 = tpu.vector_load %arg5[%swap3A] {strides = array<i32>} : memref<64xi32, #tpu.memory_space<vmem>>, vector<16xi32>,
        %swap3A_187 = vector.shape_cast %swap3A_186 : vector<16xi32> to vector<16xi32>
        %swap3A_188 = vector.shape_cast %get3A_185 : vector<16xi32> to vector<16xi32>
        tpu.vector_store %arg5[%swap3A], %swap3A_188 {strides = array<i32>} : memref<64xi32, #tpu.memory_space<vmem>>, vector<16xi32>,
        %get3A_189 = arith.index_cast %scan3A_182 : i32 to index
        %get3A_190 = arith.constant 16 : index
        %get3A_191 = tpu.vector_load %arg4[%get3A_189, %get3A_190] {strides = array<i32>} : memref<8x64xi32, #tpu.memory_space<vmem>>, vector<1x16xi32>,
        %get3A_192 = vector.shape_cast %get3A_191 : vector<1x16xi32> to vector<16xi32>
        %swap3A_193 = arith.constant 16 : index
        %swap3A_194 = tpu.vector_load %arg5[%swap3A_193] {strides = array<i32>} : memref<64xi32, #tpu.memory_space<vmem>>, vector<16xi32>,
        %swap3A_195 = vector.shape_cast %swap3A_194 : vector<16xi32> to vector<16xi32>
        %swap3A_196 = vector.shape_cast %get3A_192 : vector<16xi32> to vector<16xi32>
        tpu.vector_store %arg5[%swap3A_193], %swap3A_196 {strides = array<i32>} : memref<64xi32, #tpu.memory_space<vmem>>, vector<16xi32>,
        %get3A_197 = arith.index_cast %scan3A_182 : i32 to index
        %get3A_198 = arith.constant 32 : index
        %get3A_199 = tpu.vector_load %arg4[%get3A_197, %get3A_198] {strides = array<i32>} : memref<8x64xi32, #tpu.memory_space<vmem>>, vector<1x16xi32>,
        %get3A_200 = vector.shape_cast %get3A_199 : vector<1x16xi32> to vector<16xi32>
        %swap3A_201 = arith.constant 32 : index
        %swap3A_202 = tpu.vector_load %arg5[%swap3A_201] {strides = array<i32>} : memref<64xi32, #tpu.memory_space<vmem>>, vector<16xi32>,
        %swap3A_203 = vector.shape_cast %swap3A_202 : vector<16xi32> to vector<16xi32>
        %swap3A_204 = vector.shape_cast %get3A_200 : vector<16xi32> to vector<16xi32>
        tpu.vector_store %arg5[%swap3A_201], %swap3A_204 {strides = array<i32>} : memref<64xi32, #tpu.memory_space<vmem>>, vector<16xi32>,
        %get3A_205 = arith.index_cast %scan3A_182 : i32 to index
        %get3A_206 = arith.constant 48 : index
        %get3A_207 = tpu.vector_load %arg4[%get3A_205, %get3A_206] {strides = array<i32>} : memref<8x64xi32, #tpu.memory_space<vmem>>, vector<1x16xi32>,
        %get3A_208 = vector.shape_cast %get3A_207 : vector<1x16xi32> to vector<16xi32>
        %swap3A_209 = arith.constant 48 : index
        %swap3A_210 = tpu.vector_load %arg5[%swap3A_209] {strides = array<i32>} : memref<64xi32, #tpu.memory_space<vmem>>, vector<16xi32>,
        %swap3A_211 = vector.shape_cast %swap3A_210 : vector<16xi32> to vector<16xi32>
        %swap3A_212 = vector.shape_cast %get3A_208 : vector<16xi32> to vector<16xi32>
        tpu.vector_store %arg5[%swap3A_209], %swap3A_212 {strides = array<i32>} : memref<64xi32, #tpu.memory_space<vmem>>, vector<16xi32>,
        "tpu.region"() ({
          %run_scoped3A = tpu.sem_alloc : memref<!tpu.dma_semaphore, #tpu.memory_space<semaphore_mem>>
          %dma_start3A = arith.constant 0 : i32
          %dma_start3A_213 = arith.constant 0 : i32
          %dma_start3A_214 = tpu.memref_slice %arg6[%dma_start3A, %dma_start3A_213] : memref<64x128xf32, #tpu.memory_space<vmem>> -> memref<64x128xf32, #tpu.memory_space<vmem>>
          %dma_start3A_215 = arith.constant 0 : i32
          %dma_start3A_216 = arith.constant 0 : i32
          %dma_start3A_217 = tpu.memref_slice %arg7[%dma_start3A_215, %dma_start3A_216] : memref<10240x128xf32, #tpu.memory_space<vmem_shared>> -> memref<10240x128xf32, #tpu.memory_space<vmem_shared>>
          tpu.enqueue_indirect_dma source(%dma_start3A_214 : memref<64x128xf32, #tpu.memory_space<vmem>>) target(%dma_start3A_217 : memref<10240x128xf32, #tpu.memory_space<vmem_shared>>) offsets(%arg5 : memref<64xi32, #tpu.memory_space<vmem>>) semaphore(%run_scoped3A : memref<!tpu.dma_semaphore, #tpu.memory_space<semaphore_mem>>) {add = true}
          %dma_wait3A = arith.constant 0 : i32
          %dma_wait3A_218 = arith.constant 0 : i32
          %dma_wait3A_219 = tpu.memref_slice %arg6[%dma_wait3A, %dma_wait3A_218] : memref<64x128xf32, #tpu.memory_space<vmem>> -> memref<64x128xf32, #tpu.memory_space<vmem>>
          %dma_wait3A_220 = arith.constant 0 : i32
          %dma_wait3A_221 = arith.constant 0 : i32
          %dma_wait3A_222 = tpu.memref_slice %arg7[%dma_wait3A_220, %dma_wait3A_221] : memref<10240x128xf32, #tpu.memory_space<vmem_shared>> -> memref<10240x128xf32, #tpu.memory_space<vmem_shared>>
          tpu.wait_indirect_dma semaphore(%run_scoped3A : memref<!tpu.dma_semaphore, #tpu.memory_space<semaphore_mem>>) src(%dma_wait3A_219 : memref<64x128xf32, #tpu.memory_space<vmem>>) dst(%dma_wait3A_222 : memref<10240x128xf32, #tpu.memory_space<vmem_shared>>)
          tpu.yield
        }) : () -> ()
      }
      %scan3A_181 = arith.constant 8 : i32
    }
    %scan3A_62 = arith.constant 20 : i32
    %barrier3A_63 = arith.constant 0 : index
    tpu.barrier barrier_id(%barrier3A_63)
    %mul3A_64 = arith.constant 640 : i32
    %mul3A_65 = arith.muli %arg1, %mul3A_64 : i32
    %add3A_66 = arith.constant 0 : i32
    %add3A_67 = arith.addi %mul3A_65, %add3A_66 : i32
    "tpu.region"() ({
      %run_scoped3A = tpu.sem_alloc : memref<!tpu.dma_semaphore, #tpu.memory_space<semaphore_mem>>
      %dma_start3A = arith.constant 0 : i32
      %dma_start3A_174 = tpu.memref_slice %arg7[%add3A_67, %dma_start3A] : memref<10240x128xf32, #tpu.memory_space<vmem_shared>> -> memref<64x128xf32, #tpu.memory_space<vmem_shared>>
      %dma_start3A_175 = arith.constant 0 : i32
      %dma_start3A_176 = tpu.memref_slice %arg7[%add3A_67, %dma_start3A_175] : memref<10240x128xf32, #tpu.memory_space<vmem_shared>> -> memref<64x128xf32, #tpu.memory_space<vmem_shared>>
      tpu.enqueue_dma source(%dma_start3A_176 : memref<64x128xf32, #tpu.memory_space<vmem_shared>>) target(%arg6 : memref<64x128xf32, #tpu.memory_space<vmem>>) target_semaphore(%run_scoped3A : memref<!tpu.dma_semaphore, #tpu.memory_space<semaphore_mem>>)
      %dma_wait3A = arith.constant 0 : i32
      %dma_wait3A_177 = tpu.memref_slice %arg7[%add3A_67, %dma_wait3A] : memref<10240x128xf32, #tpu.memory_space<vmem_shared>> -> memref<64x128xf32, #tpu.memory_space<vmem_shared>>
      %dma_wait3A_178 = arith.constant 0 : i32
      %dma_wait3A_179 = tpu.memref_slice %arg7[%add3A_67, %dma_wait3A_178] : memref<10240x128xf32, #tpu.memory_space<vmem_shared>> -> memref<64x128xf32, #tpu.memory_space<vmem_shared>>
      tpu.wait_dma2 semaphore(%run_scoped3A : memref<!tpu.dma_semaphore, #tpu.memory_space<semaphore_mem>>) src(%dma_wait3A_179 : memref<64x128xf32, #tpu.memory_space<vmem_shared>>) dst(%arg6 : memref<64x128xf32, #tpu.memory_space<vmem>>)
      tpu.yield
    }) : () -> ()
    %mul3A_68 = arith.constant 10240 : i32
    %mul3A_69 = arith.muli %arg0, %mul3A_68 : i32
    %mul3A_70 = arith.constant 640 : i32
    %mul3A_71 = arith.muli %arg1, %mul3A_70 : i32
    %add3A_72 = arith.addi %mul3A_69, %mul3A_71 : i32
    %add3A_73 = arith.constant 0 : i32
    %add3A_74 = arith.addi %add3A_72, %add3A_73 : i32
    "tpu.region"() ({
      %run_scoped3A = tpu.sem_alloc : memref<!tpu.dma_semaphore, #tpu.memory_space<semaphore_mem>>
      %dma_start3A = arith.constant 0 : i32
      %dma_start3A_174 = tpu.memref_slice %arg3[%add3A_74, %dma_start3A] : memref<20480x128xf32, #tpu.memory_space<hbm>> -> memref<64x128xf32, #tpu.memory_space<hbm>>
      %dma_start3A_175 = arith.constant 0 : i32
      %dma_start3A_176 = tpu.memref_slice %arg3[%add3A_74, %dma_start3A_175] : memref<20480x128xf32, #tpu.memory_space<hbm>> -> memref<64x128xf32, #tpu.memory_space<hbm>>
      tpu.enqueue_dma source(%arg6 : memref<64x128xf32, #tpu.memory_space<vmem>>) target(%dma_start3A_176 : memref<64x128xf32, #tpu.memory_space<hbm>>) target_semaphore(%run_scoped3A : memref<!tpu.dma_semaphore, #tpu.memory_space<semaphore_mem>>)
      %dma_wait3A = arith.constant 0 : i32
      %dma_wait3A_177 = tpu.memref_slice %arg3[%add3A_74, %dma_wait3A] : memref<20480x128xf32, #tpu.memory_space<hbm>> -> memref<64x128xf32, #tpu.memory_space<hbm>>
      %dma_wait3A_178 = arith.constant 0 : i32
      %dma_wait3A_179 = tpu.memref_slice %arg3[%add3A_74, %dma_wait3A_178] : memref<20480x128xf32, #tpu.memory_space<hbm>> -> memref<64x128xf32, #tpu.memory_space<hbm>>
      tpu.wait_dma2 semaphore(%run_scoped3A : memref<!tpu.dma_semaphore, #tpu.memory_space<semaphore_mem>>) src(%arg6 : memref<64x128xf32, #tpu.memory_space<vmem>>) dst(%dma_wait3A_179 : memref<64x128xf32, #tpu.memory_space<hbm>>)
      tpu.yield
    }) : () -> ()
    %mul3A_75 = arith.constant 640 : i32
    %mul3A_76 = arith.muli %arg1, %mul3A_75 : i32
    %add3A_77 = arith.constant 64 : i32
    %add3A_78 = arith.addi %mul3A_76, %add3A_77 : i32
    "tpu.region"() ({
      %run_scoped3A = tpu.sem_alloc : memref<!tpu.dma_semaphore, #tpu.memory_space<semaphore_mem>>
      %dma_start3A = arith.constant 0 : i32
      %dma_start3A_174 = tpu.memref_slice %arg7[%add3A_78, %dma_start3A] : memref<10240x128xf32, #tpu.memory_space<vmem_shared>> -> memref<64x128xf32, #tpu.memory_space<vmem_shared>>
      %dma_start3A_175 = arith.constant 0 : i32
      %dma_start3A_176 = tpu.memref_slice %arg7[%add3A_78, %dma_start3A_175] : memref<10240x128xf32, #tpu.memory_space<vmem_shared>> -> memref<64x128xf32, #tpu.memory_space<vmem_shared>>
      tpu.enqueue_dma source(%dma_start3A_176 : memref<64x128xf32, #tpu.memory_space<vmem_shared>>) target(%arg6 : memref<64x128xf32, #tpu.memory_space<vmem>>) target_semaphore(%run_scoped3A : memref<!tpu.dma_semaphore, #tpu.memory_space<semaphore_mem>>)
      %dma_wait3A = arith.constant 0 : i32
      %dma_wait3A_177 = tpu.memref_slice %arg7[%add3A_78, %dma_wait3A] : memref<10240x128xf32, #tpu.memory_space<vmem_shared>> -> memref<64x128xf32, #tpu.memory_space<vmem_shared>>
      %dma_wait3A_178 = arith.constant 0 : i32
      %dma_wait3A_179 = tpu.memref_slice %arg7[%add3A_78, %dma_wait3A_178] : memref<10240x128xf32, #tpu.memory_space<vmem_shared>> -> memref<64x128xf32, #tpu.memory_space<vmem_shared>>
      tpu.wait_dma2 semaphore(%run_scoped3A : memref<!tpu.dma_semaphore, #tpu.memory_space<semaphore_mem>>) src(%dma_wait3A_179 : memref<64x128xf32, #tpu.memory_space<vmem_shared>>) dst(%arg6 : memref<64x128xf32, #tpu.memory_space<vmem>>)
      tpu.yield
    }) : () -> ()
    %mul3A_79 = arith.constant 10240 : i32
    %mul3A_80 = arith.muli %arg0, %mul3A_79 : i32
    %mul3A_81 = arith.constant 640 : i32
    %mul3A_82 = arith.muli %arg1, %mul3A_81 : i32
    %add3A_83 = arith.addi %mul3A_80, %mul3A_82 : i32
    %add3A_84 = arith.constant 64 : i32
    %add3A_85 = arith.addi %add3A_83, %add3A_84 : i32
    "tpu.region"() ({
      %run_scoped3A = tpu.sem_alloc : memref<!tpu.dma_semaphore, #tpu.memory_space<semaphore_mem>>
      %dma_start3A = arith.constant 0 : i32
      %dma_start3A_174 = tpu.memref_slice %arg3[%add3A_85, %dma_start3A] : memref<20480x128xf32, #tpu.memory_space<hbm>> -> memref<64x128xf32, #tpu.memory_space<hbm>>
      %dma_start3A_175 = arith.constant 0 : i32
      %dma_start3A_176 = tpu.memref_slice %arg3[%add3A_85, %dma_start3A_175] : memref<20480x128xf32, #tpu.memory_space<hbm>> -> memref<64x128xf32, #tpu.memory_space<hbm>>
      tpu.enqueue_dma source(%arg6 : memref<64x128xf32, #tpu.memory_space<vmem>>) target(%dma_start3A_176 : memref<64x128xf32, #tpu.memory_space<hbm>>) target_semaphore(%run_scoped3A : memref<!tpu.dma_semaphore, #tpu.memory_space<semaphore_mem>>)
      %dma_wait3A = arith.constant 0 : i32
      %dma_wait3A_177 = tpu.memref_slice %arg3[%add3A_85, %dma_wait3A] : memref<20480x128xf32, #tpu.memory_space<hbm>> -> memref<64x128xf32, #tpu.memory_space<hbm>>
      %dma_wait3A_178 = arith.constant 0 : i32
      %dma_wait3A_179 = tpu.memref_slice %arg3[%add3A_85, %dma_wait3A_178] : memref<20480x128xf32, #tpu.memory_space<hbm>> -> memref<64x128xf32, #tpu.memory_space<hbm>>
      tpu.wait_dma2 semaphore(%run_scoped3A : memref<!tpu.dma_semaphore, #tpu.memory_space<semaphore_mem>>) src(%arg6 : memref<64x128xf32, #tpu.memory_space<vmem>>) dst(%dma_wait3A_179 : memref<64x128xf32, #tpu.memory_space<hbm>>)
      tpu.yield
    }) : () -> ()
    %mul3A_86 = arith.constant 640 : i32
    %mul3A_87 = arith.muli %arg1, %mul3A_86 : i32
    %add3A_88 = arith.constant 128 : i32
    %add3A_89 = arith.addi %mul3A_87, %add3A_88 : i32
    "tpu.region"() ({
      %run_scoped3A = tpu.sem_alloc : memref<!tpu.dma_semaphore, #tpu.memory_space<semaphore_mem>>
      %dma_start3A = arith.constant 0 : i32
      %dma_start3A_174 = tpu.memref_slice %arg7[%add3A_89, %dma_start3A] : memref<10240x128xf32, #tpu.memory_space<vmem_shared>> -> memref<64x128xf32, #tpu.memory_space<vmem_shared>>
      %dma_start3A_175 = arith.constant 0 : i32
      %dma_start3A_176 = tpu.memref_slice %arg7[%add3A_89, %dma_start3A_175] : memref<10240x128xf32, #tpu.memory_space<vmem_shared>> -> memref<64x128xf32, #tpu.memory_space<vmem_shared>>
      tpu.enqueue_dma source(%dma_start3A_176 : memref<64x128xf32, #tpu.memory_space<vmem_shared>>) target(%arg6 : memref<64x128xf32, #tpu.memory_space<vmem>>) target_semaphore(%run_scoped3A : memref<!tpu.dma_semaphore, #tpu.memory_space<semaphore_mem>>)
      %dma_wait3A = arith.constant 0 : i32
      %dma_wait3A_177 = tpu.memref_slice %arg7[%add3A_89, %dma_wait3A] : memref<10240x128xf32, #tpu.memory_space<vmem_shared>> -> memref<64x128xf32, #tpu.memory_space<vmem_shared>>
      %dma_wait3A_178 = arith.constant 0 : i32
      %dma_wait3A_179 = tpu.memref_slice %arg7[%add3A_89, %dma_wait3A_178] : memref<10240x128xf32, #tpu.memory_space<vmem_shared>> -> memref<64x128xf32, #tpu.memory_space<vmem_shared>>
      tpu.wait_dma2 semaphore(%run_scoped3A : memref<!tpu.dma_semaphore, #tpu.memory_space<semaphore_mem>>) src(%dma_wait3A_179 : memref<64x128xf32, #tpu.memory_space<vmem_shared>>) dst(%arg6 : memref<64x128xf32, #tpu.memory_space<vmem>>)
      tpu.yield
    }) : () -> ()
    %mul3A_90 = arith.constant 10240 : i32
    %mul3A_91 = arith.muli %arg0, %mul3A_90 : i32
    %mul3A_92 = arith.constant 640 : i32
    %mul3A_93 = arith.muli %arg1, %mul3A_92 : i32
    %add3A_94 = arith.addi %mul3A_91, %mul3A_93 : i32
    %add3A_95 = arith.constant 128 : i32
    %add3A_96 = arith.addi %add3A_94, %add3A_95 : i32
    "tpu.region"() ({
      %run_scoped3A = tpu.sem_alloc : memref<!tpu.dma_semaphore, #tpu.memory_space<semaphore_mem>>
      %dma_start3A = arith.constant 0 : i32
      %dma_start3A_174 = tpu.memref_slice %arg3[%add3A_96, %dma_start3A] : memref<20480x128xf32, #tpu.memory_space<hbm>> -> memref<64x128xf32, #tpu.memory_space<hbm>>
      %dma_start3A_175 = arith.constant 0 : i32
      %dma_start3A_176 = tpu.memref_slice %arg3[%add3A_96, %dma_start3A_175] : memref<20480x128xf32, #tpu.memory_space<hbm>> -> memref<64x128xf32, #tpu.memory_space<hbm>>
      tpu.enqueue_dma source(%arg6 : memref<64x128xf32, #tpu.memory_space<vmem>>) target(%dma_start3A_176 : memref<64x128xf32, #tpu.memory_space<hbm>>) target_semaphore(%run_scoped3A : memref<!tpu.dma_semaphore, #tpu.memory_space<semaphore_mem>>)
      %dma_wait3A = arith.constant 0 : i32
      %dma_wait3A_177 = tpu.memref_slice %arg3[%add3A_96, %dma_wait3A] : memref<20480x128xf32, #tpu.memory_space<hbm>> -> memref<64x128xf32, #tpu.memory_space<hbm>>
      %dma_wait3A_178 = arith.constant 0 : i32
      %dma_wait3A_179 = tpu.memref_slice %arg3[%add3A_96, %dma_wait3A_178] : memref<20480x128xf32, #tpu.memory_space<hbm>> -> memref<64x128xf32, #tpu.memory_space<hbm>>
      tpu.wait_dma2 semaphore(%run_scoped3A : memref<!tpu.dma_semaphore, #tpu.memory_space<semaphore_mem>>) src(%arg6 : memref<64x128xf32, #tpu.memory_space<vmem>>) dst(%dma_wait3A_179 : memref<64x128xf32, #tpu.memory_space<hbm>>)
      tpu.yield
    }) : () -> ()
    %mul3A_97 = arith.constant 640 : i32
    %mul3A_98 = arith.muli %arg1, %mul3A_97 : i32
    %add3A_99 = arith.constant 192 : i32
    %add3A_100 = arith.addi %mul3A_98, %add3A_99 : i32
    "tpu.region"() ({
      %run_scoped3A = tpu.sem_alloc : memref<!tpu.dma_semaphore, #tpu.memory_space<semaphore_mem>>
      %dma_start3A = arith.constant 0 : i32
      %dma_start3A_174 = tpu.memref_slice %arg7[%add3A_100, %dma_start3A] : memref<10240x128xf32, #tpu.memory_space<vmem_shared>> -> memref<64x128xf32, #tpu.memory_space<vmem_shared>>
      %dma_start3A_175 = arith.constant 0 : i32
      %dma_start3A_176 = tpu.memref_slice %arg7[%add3A_100, %dma_start3A_175] : memref<10240x128xf32, #tpu.memory_space<vmem_shared>> -> memref<64x128xf32, #tpu.memory_space<vmem_shared>>
      tpu.enqueue_dma source(%dma_start3A_176 : memref<64x128xf32, #tpu.memory_space<vmem_shared>>) target(%arg6 : memref<64x128xf32, #tpu.memory_space<vmem>>) target_semaphore(%run_scoped3A : memref<!tpu.dma_semaphore, #tpu.memory_space<semaphore_mem>>)
      %dma_wait3A = arith.constant 0 : i32
      %dma_wait3A_177 = tpu.memref_slice %arg7[%add3A_100, %dma_wait3A] : memref<10240x128xf32, #tpu.memory_space<vmem_shared>> -> memref<64x128xf32, #tpu.memory_space<vmem_shared>>
      %dma_wait3A_178 = arith.constant 0 : i32
      %dma_wait3A_179 = tpu.memref_slice %arg7[%add3A_100, %dma_wait3A_178] : memref<10240x128xf32, #tpu.memory_space<vmem_shared>> -> memref<64x128xf32, #tpu.memory_space<vmem_shared>>
      tpu.wait_dma2 semaphore(%run_scoped3A : memref<!tpu.dma_semaphore, #tpu.memory_space<semaphore_mem>>) src(%dma_wait3A_179 : memref<64x128xf32, #tpu.memory_space<vmem_shared>>) dst(%arg6 : memref<64x128xf32, #tpu.memory_space<vmem>>)
      tpu.yield
    }) : () -> ()
    %mul3A_101 = arith.constant 10240 : i32
    %mul3A_102 = arith.muli %arg0, %mul3A_101 : i32
    %mul3A_103 = arith.constant 640 : i32
    %mul3A_104 = arith.muli %arg1, %mul3A_103 : i32
    %add3A_105 = arith.addi %mul3A_102, %mul3A_104 : i32
    %add3A_106 = arith.constant 192 : i32
    %add3A_107 = arith.addi %add3A_105, %add3A_106 : i32
    "tpu.region"() ({
      %run_scoped3A = tpu.sem_alloc : memref<!tpu.dma_semaphore, #tpu.memory_space<semaphore_mem>>
      %dma_start3A = arith.constant 0 : i32
      %dma_start3A_174 = tpu.memref_slice %arg3[%add3A_107, %dma_start3A] : memref<20480x128xf32, #tpu.memory_space<hbm>> -> memref<64x128xf32, #tpu.memory_space<hbm>>
      %dma_start3A_175 = arith.constant 0 : i32
      %dma_start3A_176 = tpu.memref_slice %arg3[%add3A_107, %dma_start3A_175] : memref<20480x128xf32, #tpu.memory_space<hbm>> -> memref<64x128xf32, #tpu.memory_space<hbm>>
      tpu.enqueue_dma source(%arg6 : memref<64x128xf32, #tpu.memory_space<vmem>>) target(%dma_start3A_176 : memref<64x128xf32, #tpu.memory_space<hbm>>) target_semaphore(%run_scoped3A : memref<!tpu.dma_semaphore, #tpu.memory_space<semaphore_mem>>)
      %dma_wait3A = arith.constant 0 : i32
      %dma_wait3A_177 = tpu.memref_slice %arg3[%add3A_107, %dma_wait3A] : memref<20480x128xf32, #tpu.memory_space<hbm>> -> memref<64x128xf32, #tpu.memory_space<hbm>>
      %dma_wait3A_178 = arith.constant 0 : i32
      %dma_wait3A_179 = tpu.memref_slice %arg3[%add3A_107, %dma_wait3A_178] : memref<20480x128xf32, #tpu.memory_space<hbm>> -> memref<64x128xf32, #tpu.memory_space<hbm>>
      tpu.wait_dma2 semaphore(%run_scoped3A : memref<!tpu.dma_semaphore, #tpu.memory_space<semaphore_mem>>) src(%arg6 : memref<64x128xf32, #tpu.memory_space<vmem>>) dst(%dma_wait3A_179 : memref<64x128xf32, #tpu.memory_space<hbm>>)
      tpu.yield
    }) : () -> ()
    %mul3A_108 = arith.constant 640 : i32
    %mul3A_109 = arith.muli %arg1, %mul3A_108 : i32
    %add3A_110 = arith.constant 256 : i32
    %add3A_111 = arith.addi %mul3A_109, %add3A_110 : i32
    "tpu.region"() ({
      %run_scoped3A = tpu.sem_alloc : memref<!tpu.dma_semaphore, #tpu.memory_space<semaphore_mem>>
      %dma_start3A = arith.constant 0 : i32
      %dma_start3A_174 = tpu.memref_slice %arg7[%add3A_111, %dma_start3A] : memref<10240x128xf32, #tpu.memory_space<vmem_shared>> -> memref<64x128xf32, #tpu.memory_space<vmem_shared>>
      %dma_start3A_175 = arith.constant 0 : i32
      %dma_start3A_176 = tpu.memref_slice %arg7[%add3A_111, %dma_start3A_175] : memref<10240x128xf32, #tpu.memory_space<vmem_shared>> -> memref<64x128xf32, #tpu.memory_space<vmem_shared>>
      tpu.enqueue_dma source(%dma_start3A_176 : memref<64x128xf32, #tpu.memory_space<vmem_shared>>) target(%arg6 : memref<64x128xf32, #tpu.memory_space<vmem>>) target_semaphore(%run_scoped3A : memref<!tpu.dma_semaphore, #tpu.memory_space<semaphore_mem>>)
      %dma_wait3A = arith.constant 0 : i32
      %dma_wait3A_177 = tpu.memref_slice %arg7[%add3A_111, %dma_wait3A] : memref<10240x128xf32, #tpu.memory_space<vmem_shared>> -> memref<64x128xf32, #tpu.memory_space<vmem_shared>>
      %dma_wait3A_178 = arith.constant 0 : i32
      %dma_wait3A_179 = tpu.memref_slice %arg7[%add3A_111, %dma_wait3A_178] : memref<10240x128xf32, #tpu.memory_space<vmem_shared>> -> memref<64x128xf32, #tpu.memory_space<vmem_shared>>
      tpu.wait_dma2 semaphore(%run_scoped3A : memref<!tpu.dma_semaphore, #tpu.memory_space<semaphore_mem>>) src(%dma_wait3A_179 : memref<64x128xf32, #tpu.memory_space<vmem_shared>>) dst(%arg6 : memref<64x128xf32, #tpu.memory_space<vmem>>)
      tpu.yield
    }) : () -> ()
    %mul3A_112 = arith.constant 10240 : i32
    %mul3A_113 = arith.muli %arg0, %mul3A_112 : i32
    %mul3A_114 = arith.constant 640 : i32
    %mul3A_115 = arith.muli %arg1, %mul3A_114 : i32
    %add3A_116 = arith.addi %mul3A_113, %mul3A_115 : i32
    %add3A_117 = arith.constant 256 : i32
    %add3A_118 = arith.addi %add3A_116, %add3A_117 : i32
    "tpu.region"() ({
      %run_scoped3A = tpu.sem_alloc : memref<!tpu.dma_semaphore, #tpu.memory_space<semaphore_mem>>
      %dma_start3A = arith.constant 0 : i32
      %dma_start3A_174 = tpu.memref_slice %arg3[%add3A_118, %dma_start3A] : memref<20480x128xf32, #tpu.memory_space<hbm>> -> memref<64x128xf32, #tpu.memory_space<hbm>>
      %dma_start3A_175 = arith.constant 0 : i32
      %dma_start3A_176 = tpu.memref_slice %arg3[%add3A_118, %dma_start3A_175] : memref<20480x128xf32, #tpu.memory_space<hbm>> -> memref<64x128xf32, #tpu.memory_space<hbm>>
      tpu.enqueue_dma source(%arg6 : memref<64x128xf32, #tpu.memory_space<vmem>>) target(%dma_start3A_176 : memref<64x128xf32, #tpu.memory_space<hbm>>) target_semaphore(%run_scoped3A : memref<!tpu.dma_semaphore, #tpu.memory_space<semaphore_mem>>)
      %dma_wait3A = arith.constant 0 : i32
      %dma_wait3A_177 = tpu.memref_slice %arg3[%add3A_118, %dma_wait3A] : memref<20480x128xf32, #tpu.memory_space<hbm>> -> memref<64x128xf32, #tpu.memory_space<hbm>>
      %dma_wait3A_178 = arith.constant 0 : i32
      %dma_wait3A_179 = tpu.memref_slice %arg3[%add3A_118, %dma_wait3A_178] : memref<20480x128xf32, #tpu.memory_space<hbm>> -> memref<64x128xf32, #tpu.memory_space<hbm>>
      tpu.wait_dma2 semaphore(%run_scoped3A : memref<!tpu.dma_semaphore, #tpu.memory_space<semaphore_mem>>) src(%arg6 : memref<64x128xf32, #tpu.memory_space<vmem>>) dst(%dma_wait3A_179 : memref<64x128xf32, #tpu.memory_space<hbm>>)
      tpu.yield
    }) : () -> ()
    %mul3A_119 = arith.constant 640 : i32
    %mul3A_120 = arith.muli %arg1, %mul3A_119 : i32
    %add3A_121 = arith.constant 320 : i32
    %add3A_122 = arith.addi %mul3A_120, %add3A_121 : i32
    "tpu.region"() ({
      %run_scoped3A = tpu.sem_alloc : memref<!tpu.dma_semaphore, #tpu.memory_space<semaphore_mem>>
      %dma_start3A = arith.constant 0 : i32
      %dma_start3A_174 = tpu.memref_slice %arg7[%add3A_122, %dma_start3A] : memref<10240x128xf32, #tpu.memory_space<vmem_shared>> -> memref<64x128xf32, #tpu.memory_space<vmem_shared>>
      %dma_start3A_175 = arith.constant 0 : i32
      %dma_start3A_176 = tpu.memref_slice %arg7[%add3A_122, %dma_start3A_175] : memref<10240x128xf32, #tpu.memory_space<vmem_shared>> -> memref<64x128xf32, #tpu.memory_space<vmem_shared>>
      tpu.enqueue_dma source(%dma_start3A_176 : memref<64x128xf32, #tpu.memory_space<vmem_shared>>) target(%arg6 : memref<64x128xf32, #tpu.memory_space<vmem>>) target_semaphore(%run_scoped3A : memref<!tpu.dma_semaphore, #tpu.memory_space<semaphore_mem>>)
      %dma_wait3A = arith.constant 0 : i32
      %dma_wait3A_177 = tpu.memref_slice %arg7[%add3A_122, %dma_wait3A] : memref<10240x128xf32, #tpu.memory_space<vmem_shared>> -> memref<64x128xf32, #tpu.memory_space<vmem_shared>>
      %dma_wait3A_178 = arith.constant 0 : i32
      %dma_wait3A_179 = tpu.memref_slice %arg7[%add3A_122, %dma_wait3A_178] : memref<10240x128xf32, #tpu.memory_space<vmem_shared>> -> memref<64x128xf32, #tpu.memory_space<vmem_shared>>
      tpu.wait_dma2 semaphore(%run_scoped3A : memref<!tpu.dma_semaphore, #tpu.memory_space<semaphore_mem>>) src(%dma_wait3A_179 : memref<64x128xf32, #tpu.memory_space<vmem_shared>>) dst(%arg6 : memref<64x128xf32, #tpu.memory_space<vmem>>)
      tpu.yield
    }) : () -> ()
    %mul3A_123 = arith.constant 10240 : i32
    %mul3A_124 = arith.muli %arg0, %mul3A_123 : i32
    %mul3A_125 = arith.constant 640 : i32
    %mul3A_126 = arith.muli %arg1, %mul3A_125 : i32
    %add3A_127 = arith.addi %mul3A_124, %mul3A_126 : i32
    %add3A_128 = arith.constant 320 : i32
    %add3A_129 = arith.addi %add3A_127, %add3A_128 : i32
    "tpu.region"() ({
      %run_scoped3A = tpu.sem_alloc : memref<!tpu.dma_semaphore, #tpu.memory_space<semaphore_mem>>
      %dma_start3A = arith.constant 0 : i32
      %dma_start3A_174 = tpu.memref_slice %arg3[%add3A_129, %dma_start3A] : memref<20480x128xf32, #tpu.memory_space<hbm>> -> memref<64x128xf32, #tpu.memory_space<hbm>>
      %dma_start3A_175 = arith.constant 0 : i32
      %dma_start3A_176 = tpu.memref_slice %arg3[%add3A_129, %dma_start3A_175] : memref<20480x128xf32, #tpu.memory_space<hbm>> -> memref<64x128xf32, #tpu.memory_space<hbm>>
      tpu.enqueue_dma source(%arg6 : memref<64x128xf32, #tpu.memory_space<vmem>>) target(%dma_start3A_176 : memref<64x128xf32, #tpu.memory_space<hbm>>) target_semaphore(%run_scoped3A : memref<!tpu.dma_semaphore, #tpu.memory_space<semaphore_mem>>)
      %dma_wait3A = arith.constant 0 : i32
      %dma_wait3A_177 = tpu.memref_slice %arg3[%add3A_129, %dma_wait3A] : memref<20480x128xf32, #tpu.memory_space<hbm>> -> memref<64x128xf32, #tpu.memory_space<hbm>>
      %dma_wait3A_178 = arith.constant 0 : i32
      %dma_wait3A_179 = tpu.memref_slice %arg3[%add3A_129, %dma_wait3A_178] : memref<20480x128xf32, #tpu.memory_space<hbm>> -> memref<64x128xf32, #tpu.memory_space<hbm>>
      tpu.wait_dma2 semaphore(%run_scoped3A : memref<!tpu.dma_semaphore, #tpu.memory_space<semaphore_mem>>) src(%arg6 : memref<64x128xf32, #tpu.memory_space<vmem>>) dst(%dma_wait3A_179 : memref<64x128xf32, #tpu.memory_space<hbm>>)
      tpu.yield
    }) : () -> ()
    %mul3A_130 = arith.constant 640 : i32
    %mul3A_131 = arith.muli %arg1, %mul3A_130 : i32
    %add3A_132 = arith.constant 384 : i32
    %add3A_133 = arith.addi %mul3A_131, %add3A_132 : i32
    "tpu.region"() ({
      %run_scoped3A = tpu.sem_alloc : memref<!tpu.dma_semaphore, #tpu.memory_space<semaphore_mem>>
      %dma_start3A = arith.constant 0 : i32
      %dma_start3A_174 = tpu.memref_slice %arg7[%add3A_133, %dma_start3A] : memref<10240x128xf32, #tpu.memory_space<vmem_shared>> -> memref<64x128xf32, #tpu.memory_space<vmem_shared>>
      %dma_start3A_175 = arith.constant 0 : i32
      %dma_start3A_176 = tpu.memref_slice %arg7[%add3A_133, %dma_start3A_175] : memref<10240x128xf32, #tpu.memory_space<vmem_shared>> -> memref<64x128xf32, #tpu.memory_space<vmem_shared>>
      tpu.enqueue_dma source(%dma_start3A_176 : memref<64x128xf32, #tpu.memory_space<vmem_shared>>) target(%arg6 : memref<64x128xf32, #tpu.memory_space<vmem>>) target_semaphore(%run_scoped3A : memref<!tpu.dma_semaphore, #tpu.memory_space<semaphore_mem>>)
      %dma_wait3A = arith.constant 0 : i32
      %dma_wait3A_177 = tpu.memref_slice %arg7[%add3A_133, %dma_wait3A] : memref<10240x128xf32, #tpu.memory_space<vmem_shared>> -> memref<64x128xf32, #tpu.memory_space<vmem_shared>>
      %dma_wait3A_178 = arith.constant 0 : i32
      %dma_wait3A_179 = tpu.memref_slice %arg7[%add3A_133, %dma_wait3A_178] : memref<10240x128xf32, #tpu.memory_space<vmem_shared>> -> memref<64x128xf32, #tpu.memory_space<vmem_shared>>
      tpu.wait_dma2 semaphore(%run_scoped3A : memref<!tpu.dma_semaphore, #tpu.memory_space<semaphore_mem>>) src(%dma_wait3A_179 : memref<64x128xf32, #tpu.memory_space<vmem_shared>>) dst(%arg6 : memref<64x128xf32, #tpu.memory_space<vmem>>)
      tpu.yield
    }) : () -> ()
    %mul3A_134 = arith.constant 10240 : i32
    %mul3A_135 = arith.muli %arg0, %mul3A_134 : i32
    %mul3A_136 = arith.constant 640 : i32
    %mul3A_137 = arith.muli %arg1, %mul3A_136 : i32
    %add3A_138 = arith.addi %mul3A_135, %mul3A_137 : i32
    %add3A_139 = arith.constant 384 : i32
    %add3A_140 = arith.addi %add3A_138, %add3A_139 : i32
    "tpu.region"() ({
      %run_scoped3A = tpu.sem_alloc : memref<!tpu.dma_semaphore, #tpu.memory_space<semaphore_mem>>
      %dma_start3A = arith.constant 0 : i32
      %dma_start3A_174 = tpu.memref_slice %arg3[%add3A_140, %dma_start3A] : memref<20480x128xf32, #tpu.memory_space<hbm>> -> memref<64x128xf32, #tpu.memory_space<hbm>>
      %dma_start3A_175 = arith.constant 0 : i32
      %dma_start3A_176 = tpu.memref_slice %arg3[%add3A_140, %dma_start3A_175] : memref<20480x128xf32, #tpu.memory_space<hbm>> -> memref<64x128xf32, #tpu.memory_space<hbm>>
      tpu.enqueue_dma source(%arg6 : memref<64x128xf32, #tpu.memory_space<vmem>>) target(%dma_start3A_176 : memref<64x128xf32, #tpu.memory_space<hbm>>) target_semaphore(%run_scoped3A : memref<!tpu.dma_semaphore, #tpu.memory_space<semaphore_mem>>)
      %dma_wait3A = arith.constant 0 : i32
      %dma_wait3A_177 = tpu.memref_slice %arg3[%add3A_140, %dma_wait3A] : memref<20480x128xf32, #tpu.memory_space<hbm>> -> memref<64x128xf32, #tpu.memory_space<hbm>>
      %dma_wait3A_178 = arith.constant 0 : i32
      %dma_wait3A_179 = tpu.memref_slice %arg3[%add3A_140, %dma_wait3A_178] : memref<20480x128xf32, #tpu.memory_space<hbm>> -> memref<64x128xf32, #tpu.memory_space<hbm>>
      tpu.wait_dma2 semaphore(%run_scoped3A : memref<!tpu.dma_semaphore, #tpu.memory_space<semaphore_mem>>) src(%arg6 : memref<64x128xf32, #tpu.memory_space<vmem>>) dst(%dma_wait3A_179 : memref<64x128xf32, #tpu.memory_space<hbm>>)
      tpu.yield
    }) : () -> ()
    %mul3A_141 = arith.constant 640 : i32
    %mul3A_142 = arith.muli %arg1, %mul3A_141 : i32
    %add3A_143 = arith.constant 448 : i32
    %add3A_144 = arith.addi %mul3A_142, %add3A_143 : i32
    "tpu.region"() ({
      %run_scoped3A = tpu.sem_alloc : memref<!tpu.dma_semaphore, #tpu.memory_space<semaphore_mem>>
      %dma_start3A = arith.constant 0 : i32
      %dma_start3A_174 = tpu.memref_slice %arg7[%add3A_144, %dma_start3A] : memref<10240x128xf32, #tpu.memory_space<vmem_shared>> -> memref<64x128xf32, #tpu.memory_space<vmem_shared>>
      %dma_start3A_175 = arith.constant 0 : i32
      %dma_start3A_176 = tpu.memref_slice %arg7[%add3A_144, %dma_start3A_175] : memref<10240x128xf32, #tpu.memory_space<vmem_shared>> -> memref<64x128xf32, #tpu.memory_space<vmem_shared>>
      tpu.enqueue_dma source(%dma_start3A_176 : memref<64x128xf32, #tpu.memory_space<vmem_shared>>) target(%arg6 : memref<64x128xf32, #tpu.memory_space<vmem>>) target_semaphore(%run_scoped3A : memref<!tpu.dma_semaphore, #tpu.memory_space<semaphore_mem>>)
      %dma_wait3A = arith.constant 0 : i32
      %dma_wait3A_177 = tpu.memref_slice %arg7[%add3A_144, %dma_wait3A] : memref<10240x128xf32, #tpu.memory_space<vmem_shared>> -> memref<64x128xf32, #tpu.memory_space<vmem_shared>>
      %dma_wait3A_178 = arith.constant 0 : i32
      %dma_wait3A_179 = tpu.memref_slice %arg7[%add3A_144, %dma_wait3A_178] : memref<10240x128xf32, #tpu.memory_space<vmem_shared>> -> memref<64x128xf32, #tpu.memory_space<vmem_shared>>
      tpu.wait_dma2 semaphore(%run_scoped3A : memref<!tpu.dma_semaphore, #tpu.memory_space<semaphore_mem>>) src(%dma_wait3A_179 : memref<64x128xf32, #tpu.memory_space<vmem_shared>>) dst(%arg6 : memref<64x128xf32, #tpu.memory_space<vmem>>)
      tpu.yield
    }) : () -> ()
    %mul3A_145 = arith.constant 10240 : i32
    %mul3A_146 = arith.muli %arg0, %mul3A_145 : i32
    %mul3A_147 = arith.constant 640 : i32
    %mul3A_148 = arith.muli %arg1, %mul3A_147 : i32
    %add3A_149 = arith.addi %mul3A_146, %mul3A_148 : i32
    %add3A_150 = arith.constant 448 : i32
    %add3A_151 = arith.addi %add3A_149, %add3A_150 : i32
    "tpu.region"() ({
      %run_scoped3A = tpu.sem_alloc : memref<!tpu.dma_semaphore, #tpu.memory_space<semaphore_mem>>
      %dma_start3A = arith.constant 0 : i32
      %dma_start3A_174 = tpu.memref_slice %arg3[%add3A_151, %dma_start3A] : memref<20480x128xf32, #tpu.memory_space<hbm>> -> memref<64x128xf32, #tpu.memory_space<hbm>>
      %dma_start3A_175 = arith.constant 0 : i32
      %dma_start3A_176 = tpu.memref_slice %arg3[%add3A_151, %dma_start3A_175] : memref<20480x128xf32, #tpu.memory_space<hbm>> -> memref<64x128xf32, #tpu.memory_space<hbm>>
      tpu.enqueue_dma source(%arg6 : memref<64x128xf32, #tpu.memory_space<vmem>>) target(%dma_start3A_176 : memref<64x128xf32, #tpu.memory_space<hbm>>) target_semaphore(%run_scoped3A : memref<!tpu.dma_semaphore, #tpu.memory_space<semaphore_mem>>)
      %dma_wait3A = arith.constant 0 : i32
      %dma_wait3A_177 = tpu.memref_slice %arg3[%add3A_151, %dma_wait3A] : memref<20480x128xf32, #tpu.memory_space<hbm>> -> memref<64x128xf32, #tpu.memory_space<hbm>>
      %dma_wait3A_178 = arith.constant 0 : i32
      %dma_wait3A_179 = tpu.memref_slice %arg3[%add3A_151, %dma_wait3A_178] : memref<20480x128xf32, #tpu.memory_space<hbm>> -> memref<64x128xf32, #tpu.memory_space<hbm>>
      tpu.wait_dma2 semaphore(%run_scoped3A : memref<!tpu.dma_semaphore, #tpu.memory_space<semaphore_mem>>) src(%arg6 : memref<64x128xf32, #tpu.memory_space<vmem>>) dst(%dma_wait3A_179 : memref<64x128xf32, #tpu.memory_space<hbm>>)
      tpu.yield
    }) : () -> ()
    %mul3A_152 = arith.constant 640 : i32
    %mul3A_153 = arith.muli %arg1, %mul3A_152 : i32
    %add3A_154 = arith.constant 512 : i32
    %add3A_155 = arith.addi %mul3A_153, %add3A_154 : i32
    "tpu.region"() ({
      %run_scoped3A = tpu.sem_alloc : memref<!tpu.dma_semaphore, #tpu.memory_space<semaphore_mem>>
      %dma_start3A = arith.constant 0 : i32
      %dma_start3A_174 = tpu.memref_slice %arg7[%add3A_155, %dma_start3A] : memref<10240x128xf32, #tpu.memory_space<vmem_shared>> -> memref<64x128xf32, #tpu.memory_space<vmem_shared>>
      %dma_start3A_175 = arith.constant 0 : i32
      %dma_start3A_176 = tpu.memref_slice %arg7[%add3A_155, %dma_start3A_175] : memref<10240x128xf32, #tpu.memory_space<vmem_shared>> -> memref<64x128xf32, #tpu.memory_space<vmem_shared>>
      tpu.enqueue_dma source(%dma_start3A_176 : memref<64x128xf32, #tpu.memory_space<vmem_shared>>) target(%arg6 : memref<64x128xf32, #tpu.memory_space<vmem>>) target_semaphore(%run_scoped3A : memref<!tpu.dma_semaphore, #tpu.memory_space<semaphore_mem>>)
      %dma_wait3A = arith.constant 0 : i32
      %dma_wait3A_177 = tpu.memref_slice %arg7[%add3A_155, %dma_wait3A] : memref<10240x128xf32, #tpu.memory_space<vmem_shared>> -> memref<64x128xf32, #tpu.memory_space<vmem_shared>>
      %dma_wait3A_178 = arith.constant 0 : i32
      %dma_wait3A_179 = tpu.memref_slice %arg7[%add3A_155, %dma_wait3A_178] : memref<10240x128xf32, #tpu.memory_space<vmem_shared>> -> memref<64x128xf32, #tpu.memory_space<vmem_shared>>
      tpu.wait_dma2 semaphore(%run_scoped3A : memref<!tpu.dma_semaphore, #tpu.memory_space<semaphore_mem>>) src(%dma_wait3A_179 : memref<64x128xf32, #tpu.memory_space<vmem_shared>>) dst(%arg6 : memref<64x128xf32, #tpu.memory_space<vmem>>)
      tpu.yield
    }) : () -> ()
    %mul3A_156 = arith.constant 10240 : i32
    %mul3A_157 = arith.muli %arg0, %mul3A_156 : i32
    %mul3A_158 = arith.constant 640 : i32
    %mul3A_159 = arith.muli %arg1, %mul3A_158 : i32
    %add3A_160 = arith.addi %mul3A_157, %mul3A_159 : i32
    %add3A_161 = arith.constant 512 : i32
    %add3A_162 = arith.addi %add3A_160, %add3A_161 : i32
    "tpu.region"() ({
      %run_scoped3A = tpu.sem_alloc : memref<!tpu.dma_semaphore, #tpu.memory_space<semaphore_mem>>
      %dma_start3A = arith.constant 0 : i32
      %dma_start3A_174 = tpu.memref_slice %arg3[%add3A_162, %dma_start3A] : memref<20480x128xf32, #tpu.memory_space<hbm>> -> memref<64x128xf32, #tpu.memory_space<hbm>>
      %dma_start3A_175 = arith.constant 0 : i32
      %dma_start3A_176 = tpu.memref_slice %arg3[%add3A_162, %dma_start3A_175] : memref<20480x128xf32, #tpu.memory_space<hbm>> -> memref<64x128xf32, #tpu.memory_space<hbm>>
      tpu.enqueue_dma source(%arg6 : memref<64x128xf32, #tpu.memory_space<vmem>>) target(%dma_start3A_176 : memref<64x128xf32, #tpu.memory_space<hbm>>) target_semaphore(%run_scoped3A : memref<!tpu.dma_semaphore, #tpu.memory_space<semaphore_mem>>)
      %dma_wait3A = arith.constant 0 : i32
      %dma_wait3A_177 = tpu.memref_slice %arg3[%add3A_162, %dma_wait3A] : memref<20480x128xf32, #tpu.memory_space<hbm>> -> memref<64x128xf32, #tpu.memory_space<hbm>>
      %dma_wait3A_178 = arith.constant 0 : i32
      %dma_wait3A_179 = tpu.memref_slice %arg3[%add3A_162, %dma_wait3A_178] : memref<20480x128xf32, #tpu.memory_space<hbm>> -> memref<64x128xf32, #tpu.memory_space<hbm>>
      tpu.wait_dma2 semaphore(%run_scoped3A : memref<!tpu.dma_semaphore, #tpu.memory_space<semaphore_mem>>) src(%arg6 : memref<64x128xf32, #tpu.memory_space<vmem>>) dst(%dma_wait3A_179 : memref<64x128xf32, #tpu.memory_space<hbm>>)
      tpu.yield
    }) : () -> ()
    %mul3A_163 = arith.constant 640 : i32
    %mul3A_164 = arith.muli %arg1, %mul3A_163 : i32
    %add3A_165 = arith.constant 576 : i32
    %add3A_166 = arith.addi %mul3A_164, %add3A_165 : i32
    "tpu.region"() ({
      %run_scoped3A = tpu.sem_alloc : memref<!tpu.dma_semaphore, #tpu.memory_space<semaphore_mem>>
      %dma_start3A = arith.constant 0 : i32
      %dma_start3A_174 = tpu.memref_slice %arg7[%add3A_166, %dma_start3A] : memref<10240x128xf32, #tpu.memory_space<vmem_shared>> -> memref<64x128xf32, #tpu.memory_space<vmem_shared>>
      %dma_start3A_175 = arith.constant 0 : i32
      %dma_start3A_176 = tpu.memref_slice %arg7[%add3A_166, %dma_start3A_175] : memref<10240x128xf32, #tpu.memory_space<vmem_shared>> -> memref<64x128xf32, #tpu.memory_space<vmem_shared>>
      tpu.enqueue_dma source(%dma_start3A_176 : memref<64x128xf32, #tpu.memory_space<vmem_shared>>) target(%arg6 : memref<64x128xf32, #tpu.memory_space<vmem>>) target_semaphore(%run_scoped3A : memref<!tpu.dma_semaphore, #tpu.memory_space<semaphore_mem>>)
      %dma_wait3A = arith.constant 0 : i32
      %dma_wait3A_177 = tpu.memref_slice %arg7[%add3A_166, %dma_wait3A] : memref<10240x128xf32, #tpu.memory_space<vmem_shared>> -> memref<64x128xf32, #tpu.memory_space<vmem_shared>>
      %dma_wait3A_178 = arith.constant 0 : i32
      %dma_wait3A_179 = tpu.memref_slice %arg7[%add3A_166, %dma_wait3A_178] : memref<10240x128xf32, #tpu.memory_space<vmem_shared>> -> memref<64x128xf32, #tpu.memory_space<vmem_shared>>
      tpu.wait_dma2 semaphore(%run_scoped3A : memref<!tpu.dma_semaphore, #tpu.memory_space<semaphore_mem>>) src(%dma_wait3A_179 : memref<64x128xf32, #tpu.memory_space<vmem_shared>>) dst(%arg6 : memref<64x128xf32, #tpu.memory_space<vmem>>)
      tpu.yield
    }) : () -> ()
    %mul3A_167 = arith.constant 10240 : i32
    %mul3A_168 = arith.muli %arg0, %mul3A_167 : i32
    %mul3A_169 = arith.constant 640 : i32
    %mul3A_170 = arith.muli %arg1, %mul3A_169 : i32
    %add3A_171 = arith.addi %mul3A_168, %mul3A_170 : i32
    %add3A_172 = arith.constant 576 : i32
    %add3A_173 = arith.addi %add3A_171, %add3A_172 : i32
    "tpu.region"() ({
      %run_scoped3A = tpu.sem_alloc : memref<!tpu.dma_semaphore, #tpu.memory_space<semaphore_mem>>
      %dma_start3A = arith.constant 0 : i32
      %dma_start3A_174 = tpu.memref_slice %arg3[%add3A_173, %dma_start3A] : memref<20480x128xf32, #tpu.memory_space<hbm>> -> memref<64x128xf32, #tpu.memory_space<hbm>>
      %dma_start3A_175 = arith.constant 0 : i32
      %dma_start3A_176 = tpu.memref_slice %arg3[%add3A_173, %dma_start3A_175] : memref<20480x128xf32, #tpu.memory_space<hbm>> -> memref<64x128xf32, #tpu.memory_space<hbm>>
      tpu.enqueue_dma source(%arg6 : memref<64x128xf32, #tpu.memory_space<vmem>>) target(%dma_start3A_176 : memref<64x128xf32, #tpu.memory_space<hbm>>) target_semaphore(%run_scoped3A : memref<!tpu.dma_semaphore, #tpu.memory_space<semaphore_mem>>)
      %dma_wait3A = arith.constant 0 : i32
      %dma_wait3A_177 = tpu.memref_slice %arg3[%add3A_173, %dma_wait3A] : memref<20480x128xf32, #tpu.memory_space<hbm>> -> memref<64x128xf32, #tpu.memory_space<hbm>>
      %dma_wait3A_178 = arith.constant 0 : i32
      %dma_wait3A_179 = tpu.memref_slice %arg3[%add3A_173, %dma_wait3A_178] : memref<20480x128xf32, #tpu.memory_space<hbm>> -> memref<64x128xf32, #tpu.memory_space<hbm>>
      tpu.wait_dma2 semaphore(%run_scoped3A : memref<!tpu.dma_semaphore, #tpu.memory_space<semaphore_mem>>) src(%arg6 : memref<64x128xf32, #tpu.memory_space<vmem>>) dst(%dma_wait3A_179 : memref<64x128xf32, #tpu.memory_space<hbm>>)
      tpu.yield
    }) : () -> ()
    return
  }
}

#map = affine_map<(d0, d1) -> (0, 0)>
#map1 = affine_map<(d0, d1) -> (0, 0, 0)>
module attributes {stable_mosaic.version = 14 : i64} {
  func.func @_sum_body(%arg0: i32, %arg1: i32, %arg2: memref<40000x128xf32, #tpu.memory_space<hbm>>, %arg3: memref<655360x128xf32, #tpu.memory_space<hbm>>, %arg4: memref<640x8x64xi32, #tpu.memory_space<hbm>>, %arg5: memref<640x8x64xi32, #tpu.memory_space<hbm>>, %arg6: memref<20480x128xf32, #tpu.memory_space<hbm>>, %arg7: memref<8x64xi32, #tpu.memory_space<vmem>>, %arg8: memref<8x64xi32, #tpu.memory_space<vmem>>, %arg9: memref<64xi32, #tpu.memory_space<vmem>>, %arg10: memref<64xi32, #tpu.memory_space<vmem>>, %arg11: memref<64xi32, #tpu.memory_space<vmem>>, %arg12: memref<64x128xf32, #tpu.memory_space<vmem>>, %arg13: memref<64x128xf32, #tpu.memory_space<vmem>>, %arg14: memref<64x128xf32, #tpu.memory_space<vmem>>, %arg15: memref<16x128xf32, #tpu.memory_space<vmem>>, %arg16: memref<10240x128xf32, #tpu.memory_space<vmem_shared>>, %arg17: memref<!tpu.dma_semaphore, #tpu.memory_space<semaphore_mem>>, %arg18: memref<!tpu.dma_semaphore, #tpu.memory_space<semaphore_mem>>, %arg19: memref<!tpu.dma_semaphore, #tpu.memory_space<semaphore_mem>>) attributes {dimension_semantics = [#tpu.dimension_semantics<core_parallel>, #tpu.dimension_semantics<subcore_parallel>], iteration_bounds = array<i64: 2, 16>, scalar_prefetch = 0 : i64, scratch_operands = 13 : i64, tpu.core_type = #tpu.core_type<sc_vector_subcore>, window_params = [{transform_indices = #map}, {transform_indices = #map}, {transform_indices = #map1}, {transform_indices = #map1}, {transform_indices = #map}]} {
    %mul3A = arith.constant 10000 : i32
    %mul3A_0 = arith.muli %arg0, %mul3A : i32
    %mul3A_1 = arith.constant 10000 : i32
    %mul3A_2 = arith.muli %arg0, %mul3A_1 : i32
    %add3A = arith.constant 20000 : i32
    %add3A_3 = arith.addi %add3A, %mul3A_2 : i32
    %broadcast_in_dim3A = arith.constant 0.000000e+00 : f32
    %broadcast_in_dim3A_4 = vector.broadcast %broadcast_in_dim3A : f32 to vector<16xf32>
    %scan3A = arith.constant 0 : i32
    %scan3A_5 = arith.constant 0 : i32
    %scan3A_6 = arith.constant 16 : i32
    %scan3A_7 = arith.addi %scan3A_5, %scan3A_6 : i32
    %scan3A_8 = arith.constant 1 : i32
    scf.for %scan3A_624 = %scan3A_5 to %scan3A_7 step %scan3A_8  : i32 {
      %swap3A = arith.index_cast %scan3A_624 : i32 to index
      %swap3A_625 = arith.constant 0 : index
      %swap3A_626 = tpu.vector_load %arg15[%swap3A, %swap3A_625] {strides = array<i32>} : memref<16x128xf32, #tpu.memory_space<vmem>>, vector<1x16xf32>,
      %swap3A_627 = vector.shape_cast %swap3A_626 : vector<1x16xf32> to vector<16xf32>
      %swap3A_628 = vector.shape_cast %broadcast_in_dim3A_4 : vector<16xf32> to vector<1x16xf32>
      tpu.vector_store %arg15[%swap3A, %swap3A_625], %swap3A_628 {strides = array<i32>} : memref<16x128xf32, #tpu.memory_space<vmem>>, vector<1x16xf32>,
      %swap3A_629 = arith.index_cast %scan3A_624 : i32 to index
      %swap3A_630 = arith.constant 16 : index
      %swap3A_631 = tpu.vector_load %arg15[%swap3A_629, %swap3A_630] {strides = array<i32>} : memref<16x128xf32, #tpu.memory_space<vmem>>, vector<1x16xf32>,
      %swap3A_632 = vector.shape_cast %swap3A_631 : vector<1x16xf32> to vector<16xf32>
      %swap3A_633 = vector.shape_cast %broadcast_in_dim3A_4 : vector<16xf32> to vector<1x16xf32>
      tpu.vector_store %arg15[%swap3A_629, %swap3A_630], %swap3A_633 {strides = array<i32>} : memref<16x128xf32, #tpu.memory_space<vmem>>, vector<1x16xf32>,
      %swap3A_634 = arith.index_cast %scan3A_624 : i32 to index
      %swap3A_635 = arith.constant 32 : index
      %swap3A_636 = tpu.vector_load %arg15[%swap3A_634, %swap3A_635] {strides = array<i32>} : memref<16x128xf32, #tpu.memory_space<vmem>>, vector<1x16xf32>,
      %swap3A_637 = vector.shape_cast %swap3A_636 : vector<1x16xf32> to vector<16xf32>
      %swap3A_638 = vector.shape_cast %broadcast_in_dim3A_4 : vector<16xf32> to vector<1x16xf32>
      tpu.vector_store %arg15[%swap3A_634, %swap3A_635], %swap3A_638 {strides = array<i32>} : memref<16x128xf32, #tpu.memory_space<vmem>>, vector<1x16xf32>,
      %swap3A_639 = arith.index_cast %scan3A_624 : i32 to index
      %swap3A_640 = arith.constant 48 : index
      %swap3A_641 = tpu.vector_load %arg15[%swap3A_639, %swap3A_640] {strides = array<i32>} : memref<16x128xf32, #tpu.memory_space<vmem>>, vector<1x16xf32>,
      %swap3A_642 = vector.shape_cast %swap3A_641 : vector<1x16xf32> to vector<16xf32>
      %swap3A_643 = vector.shape_cast %broadcast_in_dim3A_4 : vector<16xf32> to vector<1x16xf32>
      tpu.vector_store %arg15[%swap3A_639, %swap3A_640], %swap3A_643 {strides = array<i32>} : memref<16x128xf32, #tpu.memory_space<vmem>>, vector<1x16xf32>,
      %swap3A_644 = arith.index_cast %scan3A_624 : i32 to index
      %swap3A_645 = arith.constant 64 : index
      %swap3A_646 = tpu.vector_load %arg15[%swap3A_644, %swap3A_645] {strides = array<i32>} : memref<16x128xf32, #tpu.memory_space<vmem>>, vector<1x16xf32>,
      %swap3A_647 = vector.shape_cast %swap3A_646 : vector<1x16xf32> to vector<16xf32>
      %swap3A_648 = vector.shape_cast %broadcast_in_dim3A_4 : vector<16xf32> to vector<1x16xf32>
      tpu.vector_store %arg15[%swap3A_644, %swap3A_645], %swap3A_648 {strides = array<i32>} : memref<16x128xf32, #tpu.memory_space<vmem>>, vector<1x16xf32>,
      %swap3A_649 = arith.index_cast %scan3A_624 : i32 to index
      %swap3A_650 = arith.constant 80 : index
      %swap3A_651 = tpu.vector_load %arg15[%swap3A_649, %swap3A_650] {strides = array<i32>} : memref<16x128xf32, #tpu.memory_space<vmem>>, vector<1x16xf32>,
      %swap3A_652 = vector.shape_cast %swap3A_651 : vector<1x16xf32> to vector<16xf32>
      %swap3A_653 = vector.shape_cast %broadcast_in_dim3A_4 : vector<16xf32> to vector<1x16xf32>
      tpu.vector_store %arg15[%swap3A_649, %swap3A_650], %swap3A_653 {strides = array<i32>} : memref<16x128xf32, #tpu.memory_space<vmem>>, vector<1x16xf32>,
      %swap3A_654 = arith.index_cast %scan3A_624 : i32 to index
      %swap3A_655 = arith.constant 96 : index
      %swap3A_656 = tpu.vector_load %arg15[%swap3A_654, %swap3A_655] {strides = array<i32>} : memref<16x128xf32, #tpu.memory_space<vmem>>, vector<1x16xf32>,
      %swap3A_657 = vector.shape_cast %swap3A_656 : vector<1x16xf32> to vector<16xf32>
      %swap3A_658 = vector.shape_cast %broadcast_in_dim3A_4 : vector<16xf32> to vector<1x16xf32>
      tpu.vector_store %arg15[%swap3A_654, %swap3A_655], %swap3A_658 {strides = array<i32>} : memref<16x128xf32, #tpu.memory_space<vmem>>, vector<1x16xf32>,
      %swap3A_659 = arith.index_cast %scan3A_624 : i32 to index
      %swap3A_660 = arith.constant 112 : index
      %swap3A_661 = tpu.vector_load %arg15[%swap3A_659, %swap3A_660] {strides = array<i32>} : memref<16x128xf32, #tpu.memory_space<vmem>>, vector<1x16xf32>,
      %swap3A_662 = vector.shape_cast %swap3A_661 : vector<1x16xf32> to vector<16xf32>
      %swap3A_663 = vector.shape_cast %broadcast_in_dim3A_4 : vector<16xf32> to vector<1x16xf32>
      tpu.vector_store %arg15[%swap3A_659, %swap3A_660], %swap3A_663 {strides = array<i32>} : memref<16x128xf32, #tpu.memory_space<vmem>>, vector<1x16xf32>,
    }
    %scan3A_9 = arith.constant 16 : i32
    %mul3A_10 = arith.constant 640 : i32
    %mul3A_11 = arith.muli %arg1, %mul3A_10 : i32
    %add3A_12 = arith.constant 0 : i32
    %add3A_13 = arith.addi %mul3A_11, %add3A_12 : i32
    "tpu.region"() ({
      %run_scoped3A = tpu.sem_alloc : memref<!tpu.dma_semaphore, #tpu.memory_space<semaphore_mem>>
      %dma_start3A = arith.constant 0 : i32
      %dma_start3A_624 = tpu.memref_slice %arg16[%add3A_13, %dma_start3A] : memref<10240x128xf32, #tpu.memory_space<vmem_shared>> -> memref<16x128xf32, #tpu.memory_space<vmem_shared>>
      %dma_start3A_625 = arith.constant 0 : i32
      %dma_start3A_626 = tpu.memref_slice %arg16[%add3A_13, %dma_start3A_625] : memref<10240x128xf32, #tpu.memory_space<vmem_shared>> -> memref<16x128xf32, #tpu.memory_space<vmem_shared>>
      tpu.enqueue_dma source(%arg15 : memref<16x128xf32, #tpu.memory_space<vmem>>) target(%dma_start3A_626 : memref<16x128xf32, #tpu.memory_space<vmem_shared>>) target_semaphore(%run_scoped3A : memref<!tpu.dma_semaphore, #tpu.memory_space<semaphore_mem>>)
      %dma_wait3A = arith.constant 0 : i32
      %dma_wait3A_627 = tpu.memref_slice %arg16[%add3A_13, %dma_wait3A] : memref<10240x128xf32, #tpu.memory_space<vmem_shared>> -> memref<16x128xf32, #tpu.memory_space<vmem_shared>>
      %dma_wait3A_628 = arith.constant 0 : i32
      %dma_wait3A_629 = tpu.memref_slice %arg16[%add3A_13, %dma_wait3A_628] : memref<10240x128xf32, #tpu.memory_space<vmem_shared>> -> memref<16x128xf32, #tpu.memory_space<vmem_shared>>
      tpu.wait_dma2 semaphore(%run_scoped3A : memref<!tpu.dma_semaphore, #tpu.memory_space<semaphore_mem>>) src(%arg15 : memref<16x128xf32, #tpu.memory_space<vmem>>) dst(%dma_wait3A_629 : memref<16x128xf32, #tpu.memory_space<vmem_shared>>)
      tpu.yield
    }) : () -> ()
    %mul3A_14 = arith.constant 640 : i32
    %mul3A_15 = arith.muli %arg1, %mul3A_14 : i32
    %add3A_16 = arith.constant 16 : i32
    %add3A_17 = arith.addi %mul3A_15, %add3A_16 : i32
    "tpu.region"() ({
      %run_scoped3A = tpu.sem_alloc : memref<!tpu.dma_semaphore, #tpu.memory_space<semaphore_mem>>
      %dma_start3A = arith.constant 0 : i32
      %dma_start3A_624 = tpu.memref_slice %arg16[%add3A_17, %dma_start3A] : memref<10240x128xf32, #tpu.memory_space<vmem_shared>> -> memref<16x128xf32, #tpu.memory_space<vmem_shared>>
      %dma_start3A_625 = arith.constant 0 : i32
      %dma_start3A_626 = tpu.memref_slice %arg16[%add3A_17, %dma_start3A_625] : memref<10240x128xf32, #tpu.memory_space<vmem_shared>> -> memref<16x128xf32, #tpu.memory_space<vmem_shared>>
      tpu.enqueue_dma source(%arg15 : memref<16x128xf32, #tpu.memory_space<vmem>>) target(%dma_start3A_626 : memref<16x128xf32, #tpu.memory_space<vmem_shared>>) target_semaphore(%run_scoped3A : memref<!tpu.dma_semaphore, #tpu.memory_space<semaphore_mem>>)
      %dma_wait3A = arith.constant 0 : i32
      %dma_wait3A_627 = tpu.memref_slice %arg16[%add3A_17, %dma_wait3A] : memref<10240x128xf32, #tpu.memory_space<vmem_shared>> -> memref<16x128xf32, #tpu.memory_space<vmem_shared>>
      %dma_wait3A_628 = arith.constant 0 : i32
      %dma_wait3A_629 = tpu.memref_slice %arg16[%add3A_17, %dma_wait3A_628] : memref<10240x128xf32, #tpu.memory_space<vmem_shared>> -> memref<16x128xf32, #tpu.memory_space<vmem_shared>>
      tpu.wait_dma2 semaphore(%run_scoped3A : memref<!tpu.dma_semaphore, #tpu.memory_space<semaphore_mem>>) src(%arg15 : memref<16x128xf32, #tpu.memory_space<vmem>>) dst(%dma_wait3A_629 : memref<16x128xf32, #tpu.memory_space<vmem_shared>>)
      tpu.yield
    }) : () -> ()
    %mul3A_18 = arith.constant 640 : i32
    %mul3A_19 = arith.muli %arg1, %mul3A_18 : i32
    %add3A_20 = arith.constant 32 : i32
    %add3A_21 = arith.addi %mul3A_19, %add3A_20 : i32
    "tpu.region"() ({
      %run_scoped3A = tpu.sem_alloc : memref<!tpu.dma_semaphore, #tpu.memory_space<semaphore_mem>>
      %dma_start3A = arith.constant 0 : i32
      %dma_start3A_624 = tpu.memref_slice %arg16[%add3A_21, %dma_start3A] : memref<10240x128xf32, #tpu.memory_space<vmem_shared>> -> memref<16x128xf32, #tpu.memory_space<vmem_shared>>
      %dma_start3A_625 = arith.constant 0 : i32
      %dma_start3A_626 = tpu.memref_slice %arg16[%add3A_21, %dma_start3A_625] : memref<10240x128xf32, #tpu.memory_space<vmem_shared>> -> memref<16x128xf32, #tpu.memory_space<vmem_shared>>
      tpu.enqueue_dma source(%arg15 : memref<16x128xf32, #tpu.memory_space<vmem>>) target(%dma_start3A_626 : memref<16x128xf32, #tpu.memory_space<vmem_shared>>) target_semaphore(%run_scoped3A : memref<!tpu.dma_semaphore, #tpu.memory_space<semaphore_mem>>)
      %dma_wait3A = arith.constant 0 : i32
      %dma_wait3A_627 = tpu.memref_slice %arg16[%add3A_21, %dma_wait3A] : memref<10240x128xf32, #tpu.memory_space<vmem_shared>> -> memref<16x128xf32, #tpu.memory_space<vmem_shared>>
      %dma_wait3A_628 = arith.constant 0 : i32
      %dma_wait3A_629 = tpu.memref_slice %arg16[%add3A_21, %dma_wait3A_628] : memref<10240x128xf32, #tpu.memory_space<vmem_shared>> -> memref<16x128xf32, #tpu.memory_space<vmem_shared>>
      tpu.wait_dma2 semaphore(%run_scoped3A : memref<!tpu.dma_semaphore, #tpu.memory_space<semaphore_mem>>) src(%arg15 : memref<16x128xf32, #tpu.memory_space<vmem>>) dst(%dma_wait3A_629 : memref<16x128xf32, #tpu.memory_space<vmem_shared>>)
      tpu.yield
    }) : () -> ()
    %mul3A_22 = arith.constant 640 : i32
    %mul3A_23 = arith.muli %arg1, %mul3A_22 : i32
    %add3A_24 = arith.constant 48 : i32
    %add3A_25 = arith.addi %mul3A_23, %add3A_24 : i32
    "tpu.region"() ({
      %run_scoped3A = tpu.sem_alloc : memref<!tpu.dma_semaphore, #tpu.memory_space<semaphore_mem>>
      %dma_start3A = arith.constant 0 : i32
      %dma_start3A_624 = tpu.memref_slice %arg16[%add3A_25, %dma_start3A] : memref<10240x128xf32, #tpu.memory_space<vmem_shared>> -> memref<16x128xf32, #tpu.memory_space<vmem_shared>>
      %dma_start3A_625 = arith.constant 0 : i32
      %dma_start3A_626 = tpu.memref_slice %arg16[%add3A_25, %dma_start3A_625] : memref<10240x128xf32, #tpu.memory_space<vmem_shared>> -> memref<16x128xf32, #tpu.memory_space<vmem_shared>>
      tpu.enqueue_dma source(%arg15 : memref<16x128xf32, #tpu.memory_space<vmem>>) target(%dma_start3A_626 : memref<16x128xf32, #tpu.memory_space<vmem_shared>>) target_semaphore(%run_scoped3A : memref<!tpu.dma_semaphore, #tpu.memory_space<semaphore_mem>>)
      %dma_wait3A = arith.constant 0 : i32
      %dma_wait3A_627 = tpu.memref_slice %arg16[%add3A_25, %dma_wait3A] : memref<10240x128xf32, #tpu.memory_space<vmem_shared>> -> memref<16x128xf32, #tpu.memory_space<vmem_shared>>
      %dma_wait3A_628 = arith.constant 0 : i32
      %dma_wait3A_629 = tpu.memref_slice %arg16[%add3A_25, %dma_wait3A_628] : memref<10240x128xf32, #tpu.memory_space<vmem_shared>> -> memref<16x128xf32, #tpu.memory_space<vmem_shared>>
      tpu.wait_dma2 semaphore(%run_scoped3A : memref<!tpu.dma_semaphore, #tpu.memory_space<semaphore_mem>>) src(%arg15 : memref<16x128xf32, #tpu.memory_space<vmem>>) dst(%dma_wait3A_629 : memref<16x128xf32, #tpu.memory_space<vmem_shared>>)
      tpu.yield
    }) : () -> ()
    %mul3A_26 = arith.constant 640 : i32
    %mul3A_27 = arith.muli %arg1, %mul3A_26 : i32
    %add3A_28 = arith.constant 64 : i32
    %add3A_29 = arith.addi %mul3A_27, %add3A_28 : i32
    "tpu.region"() ({
      %run_scoped3A = tpu.sem_alloc : memref<!tpu.dma_semaphore, #tpu.memory_space<semaphore_mem>>
      %dma_start3A = arith.constant 0 : i32
      %dma_start3A_624 = tpu.memref_slice %arg16[%add3A_29, %dma_start3A] : memref<10240x128xf32, #tpu.memory_space<vmem_shared>> -> memref<16x128xf32, #tpu.memory_space<vmem_shared>>
      %dma_start3A_625 = arith.constant 0 : i32
      %dma_start3A_626 = tpu.memref_slice %arg16[%add3A_29, %dma_start3A_625] : memref<10240x128xf32, #tpu.memory_space<vmem_shared>> -> memref<16x128xf32, #tpu.memory_space<vmem_shared>>
      tpu.enqueue_dma source(%arg15 : memref<16x128xf32, #tpu.memory_space<vmem>>) target(%dma_start3A_626 : memref<16x128xf32, #tpu.memory_space<vmem_shared>>) target_semaphore(%run_scoped3A : memref<!tpu.dma_semaphore, #tpu.memory_space<semaphore_mem>>)
      %dma_wait3A = arith.constant 0 : i32
      %dma_wait3A_627 = tpu.memref_slice %arg16[%add3A_29, %dma_wait3A] : memref<10240x128xf32, #tpu.memory_space<vmem_shared>> -> memref<16x128xf32, #tpu.memory_space<vmem_shared>>
      %dma_wait3A_628 = arith.constant 0 : i32
      %dma_wait3A_629 = tpu.memref_slice %arg16[%add3A_29, %dma_wait3A_628] : memref<10240x128xf32, #tpu.memory_space<vmem_shared>> -> memref<16x128xf32, #tpu.memory_space<vmem_shared>>
      tpu.wait_dma2 semaphore(%run_scoped3A : memref<!tpu.dma_semaphore, #tpu.memory_space<semaphore_mem>>) src(%arg15 : memref<16x128xf32, #tpu.memory_space<vmem>>) dst(%dma_wait3A_629 : memref<16x128xf32, #tpu.memory_space<vmem_shared>>)
      tpu.yield
    }) : () -> ()
    %mul3A_30 = arith.constant 640 : i32
    %mul3A_31 = arith.muli %arg1, %mul3A_30 : i32
    %add3A_32 = arith.constant 80 : i32
    %add3A_33 = arith.addi %mul3A_31, %add3A_32 : i32
    "tpu.region"() ({
      %run_scoped3A = tpu.sem_alloc : memref<!tpu.dma_semaphore, #tpu.memory_space<semaphore_mem>>
      %dma_start3A = arith.constant 0 : i32
      %dma_start3A_624 = tpu.memref_slice %arg16[%add3A_33, %dma_start3A] : memref<10240x128xf32, #tpu.memory_space<vmem_shared>> -> memref<16x128xf32, #tpu.memory_space<vmem_shared>>
      %dma_start3A_625 = arith.constant 0 : i32
      %dma_start3A_626 = tpu.memref_slice %arg16[%add3A_33, %dma_start3A_625] : memref<10240x128xf32, #tpu.memory_space<vmem_shared>> -> memref<16x128xf32, #tpu.memory_space<vmem_shared>>
      tpu.enqueue_dma source(%arg15 : memref<16x128xf32, #tpu.memory_space<vmem>>) target(%dma_start3A_626 : memref<16x128xf32, #tpu.memory_space<vmem_shared>>) target_semaphore(%run_scoped3A : memref<!tpu.dma_semaphore, #tpu.memory_space<semaphore_mem>>)
      %dma_wait3A = arith.constant 0 : i32
      %dma_wait3A_627 = tpu.memref_slice %arg16[%add3A_33, %dma_wait3A] : memref<10240x128xf32, #tpu.memory_space<vmem_shared>> -> memref<16x128xf32, #tpu.memory_space<vmem_shared>>
      %dma_wait3A_628 = arith.constant 0 : i32
      %dma_wait3A_629 = tpu.memref_slice %arg16[%add3A_33, %dma_wait3A_628] : memref<10240x128xf32, #tpu.memory_space<vmem_shared>> -> memref<16x128xf32, #tpu.memory_space<vmem_shared>>
      tpu.wait_dma2 semaphore(%run_scoped3A : memref<!tpu.dma_semaphore, #tpu.memory_space<semaphore_mem>>) src(%arg15 : memref<16x128xf32, #tpu.memory_space<vmem>>) dst(%dma_wait3A_629 : memref<16x128xf32, #tpu.memory_space<vmem_shared>>)
      tpu.yield
    }) : () -> ()
    %mul3A_34 = arith.constant 640 : i32
    %mul3A_35 = arith.muli %arg1, %mul3A_34 : i32
    %add3A_36 = arith.constant 96 : i32
    %add3A_37 = arith.addi %mul3A_35, %add3A_36 : i32
    "tpu.region"() ({
      %run_scoped3A = tpu.sem_alloc : memref<!tpu.dma_semaphore, #tpu.memory_space<semaphore_mem>>
      %dma_start3A = arith.constant 0 : i32
      %dma_start3A_624 = tpu.memref_slice %arg16[%add3A_37, %dma_start3A] : memref<10240x128xf32, #tpu.memory_space<vmem_shared>> -> memref<16x128xf32, #tpu.memory_space<vmem_shared>>
      %dma_start3A_625 = arith.constant 0 : i32
      %dma_start3A_626 = tpu.memref_slice %arg16[%add3A_37, %dma_start3A_625] : memref<10240x128xf32, #tpu.memory_space<vmem_shared>> -> memref<16x128xf32, #tpu.memory_space<vmem_shared>>
      tpu.enqueue_dma source(%arg15 : memref<16x128xf32, #tpu.memory_space<vmem>>) target(%dma_start3A_626 : memref<16x128xf32, #tpu.memory_space<vmem_shared>>) target_semaphore(%run_scoped3A : memref<!tpu.dma_semaphore, #tpu.memory_space<semaphore_mem>>)
      %dma_wait3A = arith.constant 0 : i32
      %dma_wait3A_627 = tpu.memref_slice %arg16[%add3A_37, %dma_wait3A] : memref<10240x128xf32, #tpu.memory_space<vmem_shared>> -> memref<16x128xf32, #tpu.memory_space<vmem_shared>>
      %dma_wait3A_628 = arith.constant 0 : i32
      %dma_wait3A_629 = tpu.memref_slice %arg16[%add3A_37, %dma_wait3A_628] : memref<10240x128xf32, #tpu.memory_space<vmem_shared>> -> memref<16x128xf32, #tpu.memory_space<vmem_shared>>
      tpu.wait_dma2 semaphore(%run_scoped3A : memref<!tpu.dma_semaphore, #tpu.memory_space<semaphore_mem>>) src(%arg15 : memref<16x128xf32, #tpu.memory_space<vmem>>) dst(%dma_wait3A_629 : memref<16x128xf32, #tpu.memory_space<vmem_shared>>)
      tpu.yield
    }) : () -> ()
    %mul3A_38 = arith.constant 640 : i32
    %mul3A_39 = arith.muli %arg1, %mul3A_38 : i32
    %add3A_40 = arith.constant 112 : i32
    %add3A_41 = arith.addi %mul3A_39, %add3A_40 : i32
    "tpu.region"() ({
      %run_scoped3A = tpu.sem_alloc : memref<!tpu.dma_semaphore, #tpu.memory_space<semaphore_mem>>
      %dma_start3A = arith.constant 0 : i32
      %dma_start3A_624 = tpu.memref_slice %arg16[%add3A_41, %dma_start3A] : memref<10240x128xf32, #tpu.memory_space<vmem_shared>> -> memref<16x128xf32, #tpu.memory_space<vmem_shared>>
      %dma_start3A_625 = arith.constant 0 : i32
      %dma_start3A_626 = tpu.memref_slice %arg16[%add3A_41, %dma_start3A_625] : memref<10240x128xf32, #tpu.memory_space<vmem_shared>> -> memref<16x128xf32, #tpu.memory_space<vmem_shared>>
      tpu.enqueue_dma source(%arg15 : memref<16x128xf32, #tpu.memory_space<vmem>>) target(%dma_start3A_626 : memref<16x128xf32, #tpu.memory_space<vmem_shared>>) target_semaphore(%run_scoped3A : memref<!tpu.dma_semaphore, #tpu.memory_space<semaphore_mem>>)
      %dma_wait3A = arith.constant 0 : i32
      %dma_wait3A_627 = tpu.memref_slice %arg16[%add3A_41, %dma_wait3A] : memref<10240x128xf32, #tpu.memory_space<vmem_shared>> -> memref<16x128xf32, #tpu.memory_space<vmem_shared>>
      %dma_wait3A_628 = arith.constant 0 : i32
      %dma_wait3A_629 = tpu.memref_slice %arg16[%add3A_41, %dma_wait3A_628] : memref<10240x128xf32, #tpu.memory_space<vmem_shared>> -> memref<16x128xf32, #tpu.memory_space<vmem_shared>>
      tpu.wait_dma2 semaphore(%run_scoped3A : memref<!tpu.dma_semaphore, #tpu.memory_space<semaphore_mem>>) src(%arg15 : memref<16x128xf32, #tpu.memory_space<vmem>>) dst(%dma_wait3A_629 : memref<16x128xf32, #tpu.memory_space<vmem_shared>>)
      tpu.yield
    }) : () -> ()
    %mul3A_42 = arith.constant 640 : i32
    %mul3A_43 = arith.muli %arg1, %mul3A_42 : i32
    %add3A_44 = arith.constant 128 : i32
    %add3A_45 = arith.addi %mul3A_43, %add3A_44 : i32
    "tpu.region"() ({
      %run_scoped3A = tpu.sem_alloc : memref<!tpu.dma_semaphore, #tpu.memory_space<semaphore_mem>>
      %dma_start3A = arith.constant 0 : i32
      %dma_start3A_624 = tpu.memref_slice %arg16[%add3A_45, %dma_start3A] : memref<10240x128xf32, #tpu.memory_space<vmem_shared>> -> memref<16x128xf32, #tpu.memory_space<vmem_shared>>
      %dma_start3A_625 = arith.constant 0 : i32
      %dma_start3A_626 = tpu.memref_slice %arg16[%add3A_45, %dma_start3A_625] : memref<10240x128xf32, #tpu.memory_space<vmem_shared>> -> memref<16x128xf32, #tpu.memory_space<vmem_shared>>
      tpu.enqueue_dma source(%arg15 : memref<16x128xf32, #tpu.memory_space<vmem>>) target(%dma_start3A_626 : memref<16x128xf32, #tpu.memory_space<vmem_shared>>) target_semaphore(%run_scoped3A : memref<!tpu.dma_semaphore, #tpu.memory_space<semaphore_mem>>)
      %dma_wait3A = arith.constant 0 : i32
      %dma_wait3A_627 = tpu.memref_slice %arg16[%add3A_45, %dma_wait3A] : memref<10240x128xf32, #tpu.memory_space<vmem_shared>> -> memref<16x128xf32, #tpu.memory_space<vmem_shared>>
      %dma_wait3A_628 = arith.constant 0 : i32
      %dma_wait3A_629 = tpu.memref_slice %arg16[%add3A_45, %dma_wait3A_628] : memref<10240x128xf32, #tpu.memory_space<vmem_shared>> -> memref<16x128xf32, #tpu.memory_space<vmem_shared>>
      tpu.wait_dma2 semaphore(%run_scoped3A : memref<!tpu.dma_semaphore, #tpu.memory_space<semaphore_mem>>) src(%arg15 : memref<16x128xf32, #tpu.memory_space<vmem>>) dst(%dma_wait3A_629 : memref<16x128xf32, #tpu.memory_space<vmem_shared>>)
      tpu.yield
    }) : () -> ()
    %mul3A_46 = arith.constant 640 : i32
    %mul3A_47 = arith.muli %arg1, %mul3A_46 : i32
    %add3A_48 = arith.constant 144 : i32
    %add3A_49 = arith.addi %mul3A_47, %add3A_48 : i32
    "tpu.region"() ({
      %run_scoped3A = tpu.sem_alloc : memref<!tpu.dma_semaphore, #tpu.memory_space<semaphore_mem>>
      %dma_start3A = arith.constant 0 : i32
      %dma_start3A_624 = tpu.memref_slice %arg16[%add3A_49, %dma_start3A] : memref<10240x128xf32, #tpu.memory_space<vmem_shared>> -> memref<16x128xf32, #tpu.memory_space<vmem_shared>>
      %dma_start3A_625 = arith.constant 0 : i32
      %dma_start3A_626 = tpu.memref_slice %arg16[%add3A_49, %dma_start3A_625] : memref<10240x128xf32, #tpu.memory_space<vmem_shared>> -> memref<16x128xf32, #tpu.memory_space<vmem_shared>>
      tpu.enqueue_dma source(%arg15 : memref<16x128xf32, #tpu.memory_space<vmem>>) target(%dma_start3A_626 : memref<16x128xf32, #tpu.memory_space<vmem_shared>>) target_semaphore(%run_scoped3A : memref<!tpu.dma_semaphore, #tpu.memory_space<semaphore_mem>>)
      %dma_wait3A = arith.constant 0 : i32
      %dma_wait3A_627 = tpu.memref_slice %arg16[%add3A_49, %dma_wait3A] : memref<10240x128xf32, #tpu.memory_space<vmem_shared>> -> memref<16x128xf32, #tpu.memory_space<vmem_shared>>
      %dma_wait3A_628 = arith.constant 0 : i32
      %dma_wait3A_629 = tpu.memref_slice %arg16[%add3A_49, %dma_wait3A_628] : memref<10240x128xf32, #tpu.memory_space<vmem_shared>> -> memref<16x128xf32, #tpu.memory_space<vmem_shared>>
      tpu.wait_dma2 semaphore(%run_scoped3A : memref<!tpu.dma_semaphore, #tpu.memory_space<semaphore_mem>>) src(%arg15 : memref<16x128xf32, #tpu.memory_space<vmem>>) dst(%dma_wait3A_629 : memref<16x128xf32, #tpu.memory_space<vmem_shared>>)
      tpu.yield
    }) : () -> ()
    %mul3A_50 = arith.constant 640 : i32
    %mul3A_51 = arith.muli %arg1, %mul3A_50 : i32
    %add3A_52 = arith.constant 160 : i32
    %add3A_53 = arith.addi %mul3A_51, %add3A_52 : i32
    "tpu.region"() ({
      %run_scoped3A = tpu.sem_alloc : memref<!tpu.dma_semaphore, #tpu.memory_space<semaphore_mem>>
      %dma_start3A = arith.constant 0 : i32
      %dma_start3A_624 = tpu.memref_slice %arg16[%add3A_53, %dma_start3A] : memref<10240x128xf32, #tpu.memory_space<vmem_shared>> -> memref<16x128xf32, #tpu.memory_space<vmem_shared>>
      %dma_start3A_625 = arith.constant 0 : i32
      %dma_start3A_626 = tpu.memref_slice %arg16[%add3A_53, %dma_start3A_625] : memref<10240x128xf32, #tpu.memory_space<vmem_shared>> -> memref<16x128xf32, #tpu.memory_space<vmem_shared>>
      tpu.enqueue_dma source(%arg15 : memref<16x128xf32, #tpu.memory_space<vmem>>) target(%dma_start3A_626 : memref<16x128xf32, #tpu.memory_space<vmem_shared>>) target_semaphore(%run_scoped3A : memref<!tpu.dma_semaphore, #tpu.memory_space<semaphore_mem>>)
      %dma_wait3A = arith.constant 0 : i32
      %dma_wait3A_627 = tpu.memref_slice %arg16[%add3A_53, %dma_wait3A] : memref<10240x128xf32, #tpu.memory_space<vmem_shared>> -> memref<16x128xf32, #tpu.memory_space<vmem_shared>>
      %dma_wait3A_628 = arith.constant 0 : i32
      %dma_wait3A_629 = tpu.memref_slice %arg16[%add3A_53, %dma_wait3A_628] : memref<10240x128xf32, #tpu.memory_space<vmem_shared>> -> memref<16x128xf32, #tpu.memory_space<vmem_shared>>
      tpu.wait_dma2 semaphore(%run_scoped3A : memref<!tpu.dma_semaphore, #tpu.memory_space<semaphore_mem>>) src(%arg15 : memref<16x128xf32, #tpu.memory_space<vmem>>) dst(%dma_wait3A_629 : memref<16x128xf32, #tpu.memory_space<vmem_shared>>)
      tpu.yield
    }) : () -> ()
    %mul3A_54 = arith.constant 640 : i32
    %mul3A_55 = arith.muli %arg1, %mul3A_54 : i32
    %add3A_56 = arith.constant 176 : i32
    %add3A_57 = arith.addi %mul3A_55, %add3A_56 : i32
    "tpu.region"() ({
      %run_scoped3A = tpu.sem_alloc : memref<!tpu.dma_semaphore, #tpu.memory_space<semaphore_mem>>
      %dma_start3A = arith.constant 0 : i32
      %dma_start3A_624 = tpu.memref_slice %arg16[%add3A_57, %dma_start3A] : memref<10240x128xf32, #tpu.memory_space<vmem_shared>> -> memref<16x128xf32, #tpu.memory_space<vmem_shared>>
      %dma_start3A_625 = arith.constant 0 : i32
      %dma_start3A_626 = tpu.memref_slice %arg16[%add3A_57, %dma_start3A_625] : memref<10240x128xf32, #tpu.memory_space<vmem_shared>> -> memref<16x128xf32, #tpu.memory_space<vmem_shared>>
      tpu.enqueue_dma source(%arg15 : memref<16x128xf32, #tpu.memory_space<vmem>>) target(%dma_start3A_626 : memref<16x128xf32, #tpu.memory_space<vmem_shared>>) target_semaphore(%run_scoped3A : memref<!tpu.dma_semaphore, #tpu.memory_space<semaphore_mem>>)
      %dma_wait3A = arith.constant 0 : i32
      %dma_wait3A_627 = tpu.memref_slice %arg16[%add3A_57, %dma_wait3A] : memref<10240x128xf32, #tpu.memory_space<vmem_shared>> -> memref<16x128xf32, #tpu.memory_space<vmem_shared>>
      %dma_wait3A_628 = arith.constant 0 : i32
      %dma_wait3A_629 = tpu.memref_slice %arg16[%add3A_57, %dma_wait3A_628] : memref<10240x128xf32, #tpu.memory_space<vmem_shared>> -> memref<16x128xf32, #tpu.memory_space<vmem_shared>>
      tpu.wait_dma2 semaphore(%run_scoped3A : memref<!tpu.dma_semaphore, #tpu.memory_space<semaphore_mem>>) src(%arg15 : memref<16x128xf32, #tpu.memory_space<vmem>>) dst(%dma_wait3A_629 : memref<16x128xf32, #tpu.memory_space<vmem_shared>>)
      tpu.yield
    }) : () -> ()
    %mul3A_58 = arith.constant 640 : i32
    %mul3A_59 = arith.muli %arg1, %mul3A_58 : i32
    %add3A_60 = arith.constant 192 : i32
    %add3A_61 = arith.addi %mul3A_59, %add3A_60 : i32
    "tpu.region"() ({
      %run_scoped3A = tpu.sem_alloc : memref<!tpu.dma_semaphore, #tpu.memory_space<semaphore_mem>>
      %dma_start3A = arith.constant 0 : i32
      %dma_start3A_624 = tpu.memref_slice %arg16[%add3A_61, %dma_start3A] : memref<10240x128xf32, #tpu.memory_space<vmem_shared>> -> memref<16x128xf32, #tpu.memory_space<vmem_shared>>
      %dma_start3A_625 = arith.constant 0 : i32
      %dma_start3A_626 = tpu.memref_slice %arg16[%add3A_61, %dma_start3A_625] : memref<10240x128xf32, #tpu.memory_space<vmem_shared>> -> memref<16x128xf32, #tpu.memory_space<vmem_shared>>
      tpu.enqueue_dma source(%arg15 : memref<16x128xf32, #tpu.memory_space<vmem>>) target(%dma_start3A_626 : memref<16x128xf32, #tpu.memory_space<vmem_shared>>) target_semaphore(%run_scoped3A : memref<!tpu.dma_semaphore, #tpu.memory_space<semaphore_mem>>)
      %dma_wait3A = arith.constant 0 : i32
      %dma_wait3A_627 = tpu.memref_slice %arg16[%add3A_61, %dma_wait3A] : memref<10240x128xf32, #tpu.memory_space<vmem_shared>> -> memref<16x128xf32, #tpu.memory_space<vmem_shared>>
      %dma_wait3A_628 = arith.constant 0 : i32
      %dma_wait3A_629 = tpu.memref_slice %arg16[%add3A_61, %dma_wait3A_628] : memref<10240x128xf32, #tpu.memory_space<vmem_shared>> -> memref<16x128xf32, #tpu.memory_space<vmem_shared>>
      tpu.wait_dma2 semaphore(%run_scoped3A : memref<!tpu.dma_semaphore, #tpu.memory_space<semaphore_mem>>) src(%arg15 : memref<16x128xf32, #tpu.memory_space<vmem>>) dst(%dma_wait3A_629 : memref<16x128xf32, #tpu.memory_space<vmem_shared>>)
      tpu.yield
    }) : () -> ()
    %mul3A_62 = arith.constant 640 : i32
    %mul3A_63 = arith.muli %arg1, %mul3A_62 : i32
    %add3A_64 = arith.constant 208 : i32
    %add3A_65 = arith.addi %mul3A_63, %add3A_64 : i32
    "tpu.region"() ({
      %run_scoped3A = tpu.sem_alloc : memref<!tpu.dma_semaphore, #tpu.memory_space<semaphore_mem>>
      %dma_start3A = arith.constant 0 : i32
      %dma_start3A_624 = tpu.memref_slice %arg16[%add3A_65, %dma_start3A] : memref<10240x128xf32, #tpu.memory_space<vmem_shared>> -> memref<16x128xf32, #tpu.memory_space<vmem_shared>>
      %dma_start3A_625 = arith.constant 0 : i32
      %dma_start3A_626 = tpu.memref_slice %arg16[%add3A_65, %dma_start3A_625] : memref<10240x128xf32, #tpu.memory_space<vmem_shared>> -> memref<16x128xf32, #tpu.memory_space<vmem_shared>>
      tpu.enqueue_dma source(%arg15 : memref<16x128xf32, #tpu.memory_space<vmem>>) target(%dma_start3A_626 : memref<16x128xf32, #tpu.memory_space<vmem_shared>>) target_semaphore(%run_scoped3A : memref<!tpu.dma_semaphore, #tpu.memory_space<semaphore_mem>>)
      %dma_wait3A = arith.constant 0 : i32
      %dma_wait3A_627 = tpu.memref_slice %arg16[%add3A_65, %dma_wait3A] : memref<10240x128xf32, #tpu.memory_space<vmem_shared>> -> memref<16x128xf32, #tpu.memory_space<vmem_shared>>
      %dma_wait3A_628 = arith.constant 0 : i32
      %dma_wait3A_629 = tpu.memref_slice %arg16[%add3A_65, %dma_wait3A_628] : memref<10240x128xf32, #tpu.memory_space<vmem_shared>> -> memref<16x128xf32, #tpu.memory_space<vmem_shared>>
      tpu.wait_dma2 semaphore(%run_scoped3A : memref<!tpu.dma_semaphore, #tpu.memory_space<semaphore_mem>>) src(%arg15 : memref<16x128xf32, #tpu.memory_space<vmem>>) dst(%dma_wait3A_629 : memref<16x128xf32, #tpu.memory_space<vmem_shared>>)
      tpu.yield
    }) : () -> ()
    %mul3A_66 = arith.constant 640 : i32
    %mul3A_67 = arith.muli %arg1, %mul3A_66 : i32
    %add3A_68 = arith.constant 224 : i32
    %add3A_69 = arith.addi %mul3A_67, %add3A_68 : i32
    "tpu.region"() ({
      %run_scoped3A = tpu.sem_alloc : memref<!tpu.dma_semaphore, #tpu.memory_space<semaphore_mem>>
      %dma_start3A = arith.constant 0 : i32
      %dma_start3A_624 = tpu.memref_slice %arg16[%add3A_69, %dma_start3A] : memref<10240x128xf32, #tpu.memory_space<vmem_shared>> -> memref<16x128xf32, #tpu.memory_space<vmem_shared>>
      %dma_start3A_625 = arith.constant 0 : i32
      %dma_start3A_626 = tpu.memref_slice %arg16[%add3A_69, %dma_start3A_625] : memref<10240x128xf32, #tpu.memory_space<vmem_shared>> -> memref<16x128xf32, #tpu.memory_space<vmem_shared>>
      tpu.enqueue_dma source(%arg15 : memref<16x128xf32, #tpu.memory_space<vmem>>) target(%dma_start3A_626 : memref<16x128xf32, #tpu.memory_space<vmem_shared>>) target_semaphore(%run_scoped3A : memref<!tpu.dma_semaphore, #tpu.memory_space<semaphore_mem>>)
      %dma_wait3A = arith.constant 0 : i32
      %dma_wait3A_627 = tpu.memref_slice %arg16[%add3A_69, %dma_wait3A] : memref<10240x128xf32, #tpu.memory_space<vmem_shared>> -> memref<16x128xf32, #tpu.memory_space<vmem_shared>>
      %dma_wait3A_628 = arith.constant 0 : i32
      %dma_wait3A_629 = tpu.memref_slice %arg16[%add3A_69, %dma_wait3A_628] : memref<10240x128xf32, #tpu.memory_space<vmem_shared>> -> memref<16x128xf32, #tpu.memory_space<vmem_shared>>
      tpu.wait_dma2 semaphore(%run_scoped3A : memref<!tpu.dma_semaphore, #tpu.memory_space<semaphore_mem>>) src(%arg15 : memref<16x128xf32, #tpu.memory_space<vmem>>) dst(%dma_wait3A_629 : memref<16x128xf32, #tpu.memory_space<vmem_shared>>)
      tpu.yield
    }) : () -> ()
    %mul3A_70 = arith.constant 640 : i32
    %mul3A_71 = arith.muli %arg1, %mul3A_70 : i32
    %add3A_72 = arith.constant 240 : i32
    %add3A_73 = arith.addi %mul3A_71, %add3A_72 : i32
    "tpu.region"() ({
      %run_scoped3A = tpu.sem_alloc : memref<!tpu.dma_semaphore, #tpu.memory_space<semaphore_mem>>
      %dma_start3A = arith.constant 0 : i32
      %dma_start3A_624 = tpu.memref_slice %arg16[%add3A_73, %dma_start3A] : memref<10240x128xf32, #tpu.memory_space<vmem_shared>> -> memref<16x128xf32, #tpu.memory_space<vmem_shared>>
      %dma_start3A_625 = arith.constant 0 : i32
      %dma_start3A_626 = tpu.memref_slice %arg16[%add3A_73, %dma_start3A_625] : memref<10240x128xf32, #tpu.memory_space<vmem_shared>> -> memref<16x128xf32, #tpu.memory_space<vmem_shared>>
      tpu.enqueue_dma source(%arg15 : memref<16x128xf32, #tpu.memory_space<vmem>>) target(%dma_start3A_626 : memref<16x128xf32, #tpu.memory_space<vmem_shared>>) target_semaphore(%run_scoped3A : memref<!tpu.dma_semaphore, #tpu.memory_space<semaphore_mem>>)
      %dma_wait3A = arith.constant 0 : i32
      %dma_wait3A_627 = tpu.memref_slice %arg16[%add3A_73, %dma_wait3A] : memref<10240x128xf32, #tpu.memory_space<vmem_shared>> -> memref<16x128xf32, #tpu.memory_space<vmem_shared>>
      %dma_wait3A_628 = arith.constant 0 : i32
      %dma_wait3A_629 = tpu.memref_slice %arg16[%add3A_73, %dma_wait3A_628] : memref<10240x128xf32, #tpu.memory_space<vmem_shared>> -> memref<16x128xf32, #tpu.memory_space<vmem_shared>>
      tpu.wait_dma2 semaphore(%run_scoped3A : memref<!tpu.dma_semaphore, #tpu.memory_space<semaphore_mem>>) src(%arg15 : memref<16x128xf32, #tpu.memory_space<vmem>>) dst(%dma_wait3A_629 : memref<16x128xf32, #tpu.memory_space<vmem_shared>>)
      tpu.yield
    }) : () -> ()
    %mul3A_74 = arith.constant 640 : i32
    %mul3A_75 = arith.muli %arg1, %mul3A_74 : i32
    %add3A_76 = arith.constant 256 : i32
    %add3A_77 = arith.addi %mul3A_75, %add3A_76 : i32
    "tpu.region"() ({
      %run_scoped3A = tpu.sem_alloc : memref<!tpu.dma_semaphore, #tpu.memory_space<semaphore_mem>>
      %dma_start3A = arith.constant 0 : i32
      %dma_start3A_624 = tpu.memref_slice %arg16[%add3A_77, %dma_start3A] : memref<10240x128xf32, #tpu.memory_space<vmem_shared>> -> memref<16x128xf32, #tpu.memory_space<vmem_shared>>
      %dma_start3A_625 = arith.constant 0 : i32
      %dma_start3A_626 = tpu.memref_slice %arg16[%add3A_77, %dma_start3A_625] : memref<10240x128xf32, #tpu.memory_space<vmem_shared>> -> memref<16x128xf32, #tpu.memory_space<vmem_shared>>
      tpu.enqueue_dma source(%arg15 : memref<16x128xf32, #tpu.memory_space<vmem>>) target(%dma_start3A_626 : memref<16x128xf32, #tpu.memory_space<vmem_shared>>) target_semaphore(%run_scoped3A : memref<!tpu.dma_semaphore, #tpu.memory_space<semaphore_mem>>)
      %dma_wait3A = arith.constant 0 : i32
      %dma_wait3A_627 = tpu.memref_slice %arg16[%add3A_77, %dma_wait3A] : memref<10240x128xf32, #tpu.memory_space<vmem_shared>> -> memref<16x128xf32, #tpu.memory_space<vmem_shared>>
      %dma_wait3A_628 = arith.constant 0 : i32
      %dma_wait3A_629 = tpu.memref_slice %arg16[%add3A_77, %dma_wait3A_628] : memref<10240x128xf32, #tpu.memory_space<vmem_shared>> -> memref<16x128xf32, #tpu.memory_space<vmem_shared>>
      tpu.wait_dma2 semaphore(%run_scoped3A : memref<!tpu.dma_semaphore, #tpu.memory_space<semaphore_mem>>) src(%arg15 : memref<16x128xf32, #tpu.memory_space<vmem>>) dst(%dma_wait3A_629 : memref<16x128xf32, #tpu.memory_space<vmem_shared>>)
      tpu.yield
    }) : () -> ()
    %mul3A_78 = arith.constant 640 : i32
    %mul3A_79 = arith.muli %arg1, %mul3A_78 : i32
    %add3A_80 = arith.constant 272 : i32
    %add3A_81 = arith.addi %mul3A_79, %add3A_80 : i32
    "tpu.region"() ({
      %run_scoped3A = tpu.sem_alloc : memref<!tpu.dma_semaphore, #tpu.memory_space<semaphore_mem>>
      %dma_start3A = arith.constant 0 : i32
      %dma_start3A_624 = tpu.memref_slice %arg16[%add3A_81, %dma_start3A] : memref<10240x128xf32, #tpu.memory_space<vmem_shared>> -> memref<16x128xf32, #tpu.memory_space<vmem_shared>>
      %dma_start3A_625 = arith.constant 0 : i32
      %dma_start3A_626 = tpu.memref_slice %arg16[%add3A_81, %dma_start3A_625] : memref<10240x128xf32, #tpu.memory_space<vmem_shared>> -> memref<16x128xf32, #tpu.memory_space<vmem_shared>>
      tpu.enqueue_dma source(%arg15 : memref<16x128xf32, #tpu.memory_space<vmem>>) target(%dma_start3A_626 : memref<16x128xf32, #tpu.memory_space<vmem_shared>>) target_semaphore(%run_scoped3A : memref<!tpu.dma_semaphore, #tpu.memory_space<semaphore_mem>>)
      %dma_wait3A = arith.constant 0 : i32
      %dma_wait3A_627 = tpu.memref_slice %arg16[%add3A_81, %dma_wait3A] : memref<10240x128xf32, #tpu.memory_space<vmem_shared>> -> memref<16x128xf32, #tpu.memory_space<vmem_shared>>
      %dma_wait3A_628 = arith.constant 0 : i32
      %dma_wait3A_629 = tpu.memref_slice %arg16[%add3A_81, %dma_wait3A_628] : memref<10240x128xf32, #tpu.memory_space<vmem_shared>> -> memref<16x128xf32, #tpu.memory_space<vmem_shared>>
      tpu.wait_dma2 semaphore(%run_scoped3A : memref<!tpu.dma_semaphore, #tpu.memory_space<semaphore_mem>>) src(%arg15 : memref<16x128xf32, #tpu.memory_space<vmem>>) dst(%dma_wait3A_629 : memref<16x128xf32, #tpu.memory_space<vmem_shared>>)
      tpu.yield
    }) : () -> ()
    %mul3A_82 = arith.constant 640 : i32
    %mul3A_83 = arith.muli %arg1, %mul3A_82 : i32
    %add3A_84 = arith.constant 288 : i32
    %add3A_85 = arith.addi %mul3A_83, %add3A_84 : i32
    "tpu.region"() ({
      %run_scoped3A = tpu.sem_alloc : memref<!tpu.dma_semaphore, #tpu.memory_space<semaphore_mem>>
      %dma_start3A = arith.constant 0 : i32
      %dma_start3A_624 = tpu.memref_slice %arg16[%add3A_85, %dma_start3A] : memref<10240x128xf32, #tpu.memory_space<vmem_shared>> -> memref<16x128xf32, #tpu.memory_space<vmem_shared>>
      %dma_start3A_625 = arith.constant 0 : i32
      %dma_start3A_626 = tpu.memref_slice %arg16[%add3A_85, %dma_start3A_625] : memref<10240x128xf32, #tpu.memory_space<vmem_shared>> -> memref<16x128xf32, #tpu.memory_space<vmem_shared>>
      tpu.enqueue_dma source(%arg15 : memref<16x128xf32, #tpu.memory_space<vmem>>) target(%dma_start3A_626 : memref<16x128xf32, #tpu.memory_space<vmem_shared>>) target_semaphore(%run_scoped3A : memref<!tpu.dma_semaphore, #tpu.memory_space<semaphore_mem>>)
      %dma_wait3A = arith.constant 0 : i32
      %dma_wait3A_627 = tpu.memref_slice %arg16[%add3A_85, %dma_wait3A] : memref<10240x128xf32, #tpu.memory_space<vmem_shared>> -> memref<16x128xf32, #tpu.memory_space<vmem_shared>>
      %dma_wait3A_628 = arith.constant 0 : i32
      %dma_wait3A_629 = tpu.memref_slice %arg16[%add3A_85, %dma_wait3A_628] : memref<10240x128xf32, #tpu.memory_space<vmem_shared>> -> memref<16x128xf32, #tpu.memory_space<vmem_shared>>
      tpu.wait_dma2 semaphore(%run_scoped3A : memref<!tpu.dma_semaphore, #tpu.memory_space<semaphore_mem>>) src(%arg15 : memref<16x128xf32, #tpu.memory_space<vmem>>) dst(%dma_wait3A_629 : memref<16x128xf32, #tpu.memory_space<vmem_shared>>)
      tpu.yield
    }) : () -> ()
    %mul3A_86 = arith.constant 640 : i32
    %mul3A_87 = arith.muli %arg1, %mul3A_86 : i32
    %add3A_88 = arith.constant 304 : i32
    %add3A_89 = arith.addi %mul3A_87, %add3A_88 : i32
    "tpu.region"() ({
      %run_scoped3A = tpu.sem_alloc : memref<!tpu.dma_semaphore, #tpu.memory_space<semaphore_mem>>
      %dma_start3A = arith.constant 0 : i32
      %dma_start3A_624 = tpu.memref_slice %arg16[%add3A_89, %dma_start3A] : memref<10240x128xf32, #tpu.memory_space<vmem_shared>> -> memref<16x128xf32, #tpu.memory_space<vmem_shared>>
      %dma_start3A_625 = arith.constant 0 : i32
      %dma_start3A_626 = tpu.memref_slice %arg16[%add3A_89, %dma_start3A_625] : memref<10240x128xf32, #tpu.memory_space<vmem_shared>> -> memref<16x128xf32, #tpu.memory_space<vmem_shared>>
      tpu.enqueue_dma source(%arg15 : memref<16x128xf32, #tpu.memory_space<vmem>>) target(%dma_start3A_626 : memref<16x128xf32, #tpu.memory_space<vmem_shared>>) target_semaphore(%run_scoped3A : memref<!tpu.dma_semaphore, #tpu.memory_space<semaphore_mem>>)
      %dma_wait3A = arith.constant 0 : i32
      %dma_wait3A_627 = tpu.memref_slice %arg16[%add3A_89, %dma_wait3A] : memref<10240x128xf32, #tpu.memory_space<vmem_shared>> -> memref<16x128xf32, #tpu.memory_space<vmem_shared>>
      %dma_wait3A_628 = arith.constant 0 : i32
      %dma_wait3A_629 = tpu.memref_slice %arg16[%add3A_89, %dma_wait3A_628] : memref<10240x128xf32, #tpu.memory_space<vmem_shared>> -> memref<16x128xf32, #tpu.memory_space<vmem_shared>>
      tpu.wait_dma2 semaphore(%run_scoped3A : memref<!tpu.dma_semaphore, #tpu.memory_space<semaphore_mem>>) src(%arg15 : memref<16x128xf32, #tpu.memory_space<vmem>>) dst(%dma_wait3A_629 : memref<16x128xf32, #tpu.memory_space<vmem_shared>>)
      tpu.yield
    }) : () -> ()
    %mul3A_90 = arith.constant 640 : i32
    %mul3A_91 = arith.muli %arg1, %mul3A_90 : i32
    %add3A_92 = arith.constant 320 : i32
    %add3A_93 = arith.addi %mul3A_91, %add3A_92 : i32
    "tpu.region"() ({
      %run_scoped3A = tpu.sem_alloc : memref<!tpu.dma_semaphore, #tpu.memory_space<semaphore_mem>>
      %dma_start3A = arith.constant 0 : i32
      %dma_start3A_624 = tpu.memref_slice %arg16[%add3A_93, %dma_start3A] : memref<10240x128xf32, #tpu.memory_space<vmem_shared>> -> memref<16x128xf32, #tpu.memory_space<vmem_shared>>
      %dma_start3A_625 = arith.constant 0 : i32
      %dma_start3A_626 = tpu.memref_slice %arg16[%add3A_93, %dma_start3A_625] : memref<10240x128xf32, #tpu.memory_space<vmem_shared>> -> memref<16x128xf32, #tpu.memory_space<vmem_shared>>
      tpu.enqueue_dma source(%arg15 : memref<16x128xf32, #tpu.memory_space<vmem>>) target(%dma_start3A_626 : memref<16x128xf32, #tpu.memory_space<vmem_shared>>) target_semaphore(%run_scoped3A : memref<!tpu.dma_semaphore, #tpu.memory_space<semaphore_mem>>)
      %dma_wait3A = arith.constant 0 : i32
      %dma_wait3A_627 = tpu.memref_slice %arg16[%add3A_93, %dma_wait3A] : memref<10240x128xf32, #tpu.memory_space<vmem_shared>> -> memref<16x128xf32, #tpu.memory_space<vmem_shared>>
      %dma_wait3A_628 = arith.constant 0 : i32
      %dma_wait3A_629 = tpu.memref_slice %arg16[%add3A_93, %dma_wait3A_628] : memref<10240x128xf32, #tpu.memory_space<vmem_shared>> -> memref<16x128xf32, #tpu.memory_space<vmem_shared>>
      tpu.wait_dma2 semaphore(%run_scoped3A : memref<!tpu.dma_semaphore, #tpu.memory_space<semaphore_mem>>) src(%arg15 : memref<16x128xf32, #tpu.memory_space<vmem>>) dst(%dma_wait3A_629 : memref<16x128xf32, #tpu.memory_space<vmem_shared>>)
      tpu.yield
    }) : () -> ()
    %mul3A_94 = arith.constant 640 : i32
    %mul3A_95 = arith.muli %arg1, %mul3A_94 : i32
    %add3A_96 = arith.constant 336 : i32
    %add3A_97 = arith.addi %mul3A_95, %add3A_96 : i32
    "tpu.region"() ({
      %run_scoped3A = tpu.sem_alloc : memref<!tpu.dma_semaphore, #tpu.memory_space<semaphore_mem>>
      %dma_start3A = arith.constant 0 : i32
      %dma_start3A_624 = tpu.memref_slice %arg16[%add3A_97, %dma_start3A] : memref<10240x128xf32, #tpu.memory_space<vmem_shared>> -> memref<16x128xf32, #tpu.memory_space<vmem_shared>>
      %dma_start3A_625 = arith.constant 0 : i32
      %dma_start3A_626 = tpu.memref_slice %arg16[%add3A_97, %dma_start3A_625] : memref<10240x128xf32, #tpu.memory_space<vmem_shared>> -> memref<16x128xf32, #tpu.memory_space<vmem_shared>>
      tpu.enqueue_dma source(%arg15 : memref<16x128xf32, #tpu.memory_space<vmem>>) target(%dma_start3A_626 : memref<16x128xf32, #tpu.memory_space<vmem_shared>>) target_semaphore(%run_scoped3A : memref<!tpu.dma_semaphore, #tpu.memory_space<semaphore_mem>>)
      %dma_wait3A = arith.constant 0 : i32
      %dma_wait3A_627 = tpu.memref_slice %arg16[%add3A_97, %dma_wait3A] : memref<10240x128xf32, #tpu.memory_space<vmem_shared>> -> memref<16x128xf32, #tpu.memory_space<vmem_shared>>
      %dma_wait3A_628 = arith.constant 0 : i32
      %dma_wait3A_629 = tpu.memref_slice %arg16[%add3A_97, %dma_wait3A_628] : memref<10240x128xf32, #tpu.memory_space<vmem_shared>> -> memref<16x128xf32, #tpu.memory_space<vmem_shared>>
      tpu.wait_dma2 semaphore(%run_scoped3A : memref<!tpu.dma_semaphore, #tpu.memory_space<semaphore_mem>>) src(%arg15 : memref<16x128xf32, #tpu.memory_space<vmem>>) dst(%dma_wait3A_629 : memref<16x128xf32, #tpu.memory_space<vmem_shared>>)
      tpu.yield
    }) : () -> ()
    %mul3A_98 = arith.constant 640 : i32
    %mul3A_99 = arith.muli %arg1, %mul3A_98 : i32
    %add3A_100 = arith.constant 352 : i32
    %add3A_101 = arith.addi %mul3A_99, %add3A_100 : i32
    "tpu.region"() ({
      %run_scoped3A = tpu.sem_alloc : memref<!tpu.dma_semaphore, #tpu.memory_space<semaphore_mem>>
      %dma_start3A = arith.constant 0 : i32
      %dma_start3A_624 = tpu.memref_slice %arg16[%add3A_101, %dma_start3A] : memref<10240x128xf32, #tpu.memory_space<vmem_shared>> -> memref<16x128xf32, #tpu.memory_space<vmem_shared>>
      %dma_start3A_625 = arith.constant 0 : i32
      %dma_start3A_626 = tpu.memref_slice %arg16[%add3A_101, %dma_start3A_625] : memref<10240x128xf32, #tpu.memory_space<vmem_shared>> -> memref<16x128xf32, #tpu.memory_space<vmem_shared>>
      tpu.enqueue_dma source(%arg15 : memref<16x128xf32, #tpu.memory_space<vmem>>) target(%dma_start3A_626 : memref<16x128xf32, #tpu.memory_space<vmem_shared>>) target_semaphore(%run_scoped3A : memref<!tpu.dma_semaphore, #tpu.memory_space<semaphore_mem>>)
      %dma_wait3A = arith.constant 0 : i32
      %dma_wait3A_627 = tpu.memref_slice %arg16[%add3A_101, %dma_wait3A] : memref<10240x128xf32, #tpu.memory_space<vmem_shared>> -> memref<16x128xf32, #tpu.memory_space<vmem_shared>>
      %dma_wait3A_628 = arith.constant 0 : i32
      %dma_wait3A_629 = tpu.memref_slice %arg16[%add3A_101, %dma_wait3A_628] : memref<10240x128xf32, #tpu.memory_space<vmem_shared>> -> memref<16x128xf32, #tpu.memory_space<vmem_shared>>
      tpu.wait_dma2 semaphore(%run_scoped3A : memref<!tpu.dma_semaphore, #tpu.memory_space<semaphore_mem>>) src(%arg15 : memref<16x128xf32, #tpu.memory_space<vmem>>) dst(%dma_wait3A_629 : memref<16x128xf32, #tpu.memory_space<vmem_shared>>)
      tpu.yield
    }) : () -> ()
    %mul3A_102 = arith.constant 640 : i32
    %mul3A_103 = arith.muli %arg1, %mul3A_102 : i32
    %add3A_104 = arith.constant 368 : i32
    %add3A_105 = arith.addi %mul3A_103, %add3A_104 : i32
    "tpu.region"() ({
      %run_scoped3A = tpu.sem_alloc : memref<!tpu.dma_semaphore, #tpu.memory_space<semaphore_mem>>
      %dma_start3A = arith.constant 0 : i32
      %dma_start3A_624 = tpu.memref_slice %arg16[%add3A_105, %dma_start3A] : memref<10240x128xf32, #tpu.memory_space<vmem_shared>> -> memref<16x128xf32, #tpu.memory_space<vmem_shared>>
      %dma_start3A_625 = arith.constant 0 : i32
      %dma_start3A_626 = tpu.memref_slice %arg16[%add3A_105, %dma_start3A_625] : memref<10240x128xf32, #tpu.memory_space<vmem_shared>> -> memref<16x128xf32, #tpu.memory_space<vmem_shared>>
      tpu.enqueue_dma source(%arg15 : memref<16x128xf32, #tpu.memory_space<vmem>>) target(%dma_start3A_626 : memref<16x128xf32, #tpu.memory_space<vmem_shared>>) target_semaphore(%run_scoped3A : memref<!tpu.dma_semaphore, #tpu.memory_space<semaphore_mem>>)
      %dma_wait3A = arith.constant 0 : i32
      %dma_wait3A_627 = tpu.memref_slice %arg16[%add3A_105, %dma_wait3A] : memref<10240x128xf32, #tpu.memory_space<vmem_shared>> -> memref<16x128xf32, #tpu.memory_space<vmem_shared>>
      %dma_wait3A_628 = arith.constant 0 : i32
      %dma_wait3A_629 = tpu.memref_slice %arg16[%add3A_105, %dma_wait3A_628] : memref<10240x128xf32, #tpu.memory_space<vmem_shared>> -> memref<16x128xf32, #tpu.memory_space<vmem_shared>>
      tpu.wait_dma2 semaphore(%run_scoped3A : memref<!tpu.dma_semaphore, #tpu.memory_space<semaphore_mem>>) src(%arg15 : memref<16x128xf32, #tpu.memory_space<vmem>>) dst(%dma_wait3A_629 : memref<16x128xf32, #tpu.memory_space<vmem_shared>>)
      tpu.yield
    }) : () -> ()
    %mul3A_106 = arith.constant 640 : i32
    %mul3A_107 = arith.muli %arg1, %mul3A_106 : i32
    %add3A_108 = arith.constant 384 : i32
    %add3A_109 = arith.addi %mul3A_107, %add3A_108 : i32
    "tpu.region"() ({
      %run_scoped3A = tpu.sem_alloc : memref<!tpu.dma_semaphore, #tpu.memory_space<semaphore_mem>>
      %dma_start3A = arith.constant 0 : i32
      %dma_start3A_624 = tpu.memref_slice %arg16[%add3A_109, %dma_start3A] : memref<10240x128xf32, #tpu.memory_space<vmem_shared>> -> memref<16x128xf32, #tpu.memory_space<vmem_shared>>
      %dma_start3A_625 = arith.constant 0 : i32
      %dma_start3A_626 = tpu.memref_slice %arg16[%add3A_109, %dma_start3A_625] : memref<10240x128xf32, #tpu.memory_space<vmem_shared>> -> memref<16x128xf32, #tpu.memory_space<vmem_shared>>
      tpu.enqueue_dma source(%arg15 : memref<16x128xf32, #tpu.memory_space<vmem>>) target(%dma_start3A_626 : memref<16x128xf32, #tpu.memory_space<vmem_shared>>) target_semaphore(%run_scoped3A : memref<!tpu.dma_semaphore, #tpu.memory_space<semaphore_mem>>)
      %dma_wait3A = arith.constant 0 : i32
      %dma_wait3A_627 = tpu.memref_slice %arg16[%add3A_109, %dma_wait3A] : memref<10240x128xf32, #tpu.memory_space<vmem_shared>> -> memref<16x128xf32, #tpu.memory_space<vmem_shared>>
      %dma_wait3A_628 = arith.constant 0 : i32
      %dma_wait3A_629 = tpu.memref_slice %arg16[%add3A_109, %dma_wait3A_628] : memref<10240x128xf32, #tpu.memory_space<vmem_shared>> -> memref<16x128xf32, #tpu.memory_space<vmem_shared>>
      tpu.wait_dma2 semaphore(%run_scoped3A : memref<!tpu.dma_semaphore, #tpu.memory_space<semaphore_mem>>) src(%arg15 : memref<16x128xf32, #tpu.memory_space<vmem>>) dst(%dma_wait3A_629 : memref<16x128xf32, #tpu.memory_space<vmem_shared>>)
      tpu.yield
    }) : () -> ()
    %mul3A_110 = arith.constant 640 : i32
    %mul3A_111 = arith.muli %arg1, %mul3A_110 : i32
    %add3A_112 = arith.constant 400 : i32
    %add3A_113 = arith.addi %mul3A_111, %add3A_112 : i32
    "tpu.region"() ({
      %run_scoped3A = tpu.sem_alloc : memref<!tpu.dma_semaphore, #tpu.memory_space<semaphore_mem>>
      %dma_start3A = arith.constant 0 : i32
      %dma_start3A_624 = tpu.memref_slice %arg16[%add3A_113, %dma_start3A] : memref<10240x128xf32, #tpu.memory_space<vmem_shared>> -> memref<16x128xf32, #tpu.memory_space<vmem_shared>>
      %dma_start3A_625 = arith.constant 0 : i32
      %dma_start3A_626 = tpu.memref_slice %arg16[%add3A_113, %dma_start3A_625] : memref<10240x128xf32, #tpu.memory_space<vmem_shared>> -> memref<16x128xf32, #tpu.memory_space<vmem_shared>>
      tpu.enqueue_dma source(%arg15 : memref<16x128xf32, #tpu.memory_space<vmem>>) target(%dma_start3A_626 : memref<16x128xf32, #tpu.memory_space<vmem_shared>>) target_semaphore(%run_scoped3A : memref<!tpu.dma_semaphore, #tpu.memory_space<semaphore_mem>>)
      %dma_wait3A = arith.constant 0 : i32
      %dma_wait3A_627 = tpu.memref_slice %arg16[%add3A_113, %dma_wait3A] : memref<10240x128xf32, #tpu.memory_space<vmem_shared>> -> memref<16x128xf32, #tpu.memory_space<vmem_shared>>
      %dma_wait3A_628 = arith.constant 0 : i32
      %dma_wait3A_629 = tpu.memref_slice %arg16[%add3A_113, %dma_wait3A_628] : memref<10240x128xf32, #tpu.memory_space<vmem_shared>> -> memref<16x128xf32, #tpu.memory_space<vmem_shared>>
      tpu.wait_dma2 semaphore(%run_scoped3A : memref<!tpu.dma_semaphore, #tpu.memory_space<semaphore_mem>>) src(%arg15 : memref<16x128xf32, #tpu.memory_space<vmem>>) dst(%dma_wait3A_629 : memref<16x128xf32, #tpu.memory_space<vmem_shared>>)
      tpu.yield
    }) : () -> ()
    %mul3A_114 = arith.constant 640 : i32
    %mul3A_115 = arith.muli %arg1, %mul3A_114 : i32
    %add3A_116 = arith.constant 416 : i32
    %add3A_117 = arith.addi %mul3A_115, %add3A_116 : i32
    "tpu.region"() ({
      %run_scoped3A = tpu.sem_alloc : memref<!tpu.dma_semaphore, #tpu.memory_space<semaphore_mem>>
      %dma_start3A = arith.constant 0 : i32
      %dma_start3A_624 = tpu.memref_slice %arg16[%add3A_117, %dma_start3A] : memref<10240x128xf32, #tpu.memory_space<vmem_shared>> -> memref<16x128xf32, #tpu.memory_space<vmem_shared>>
      %dma_start3A_625 = arith.constant 0 : i32
      %dma_start3A_626 = tpu.memref_slice %arg16[%add3A_117, %dma_start3A_625] : memref<10240x128xf32, #tpu.memory_space<vmem_shared>> -> memref<16x128xf32, #tpu.memory_space<vmem_shared>>
      tpu.enqueue_dma source(%arg15 : memref<16x128xf32, #tpu.memory_space<vmem>>) target(%dma_start3A_626 : memref<16x128xf32, #tpu.memory_space<vmem_shared>>) target_semaphore(%run_scoped3A : memref<!tpu.dma_semaphore, #tpu.memory_space<semaphore_mem>>)
      %dma_wait3A = arith.constant 0 : i32
      %dma_wait3A_627 = tpu.memref_slice %arg16[%add3A_117, %dma_wait3A] : memref<10240x128xf32, #tpu.memory_space<vmem_shared>> -> memref<16x128xf32, #tpu.memory_space<vmem_shared>>
      %dma_wait3A_628 = arith.constant 0 : i32
      %dma_wait3A_629 = tpu.memref_slice %arg16[%add3A_117, %dma_wait3A_628] : memref<10240x128xf32, #tpu.memory_space<vmem_shared>> -> memref<16x128xf32, #tpu.memory_space<vmem_shared>>
      tpu.wait_dma2 semaphore(%run_scoped3A : memref<!tpu.dma_semaphore, #tpu.memory_space<semaphore_mem>>) src(%arg15 : memref<16x128xf32, #tpu.memory_space<vmem>>) dst(%dma_wait3A_629 : memref<16x128xf32, #tpu.memory_space<vmem_shared>>)
      tpu.yield
    }) : () -> ()
    %mul3A_118 = arith.constant 640 : i32
    %mul3A_119 = arith.muli %arg1, %mul3A_118 : i32
    %add3A_120 = arith.constant 432 : i32
    %add3A_121 = arith.addi %mul3A_119, %add3A_120 : i32
    "tpu.region"() ({
      %run_scoped3A = tpu.sem_alloc : memref<!tpu.dma_semaphore, #tpu.memory_space<semaphore_mem>>
      %dma_start3A = arith.constant 0 : i32
      %dma_start3A_624 = tpu.memref_slice %arg16[%add3A_121, %dma_start3A] : memref<10240x128xf32, #tpu.memory_space<vmem_shared>> -> memref<16x128xf32, #tpu.memory_space<vmem_shared>>
      %dma_start3A_625 = arith.constant 0 : i32
      %dma_start3A_626 = tpu.memref_slice %arg16[%add3A_121, %dma_start3A_625] : memref<10240x128xf32, #tpu.memory_space<vmem_shared>> -> memref<16x128xf32, #tpu.memory_space<vmem_shared>>
      tpu.enqueue_dma source(%arg15 : memref<16x128xf32, #tpu.memory_space<vmem>>) target(%dma_start3A_626 : memref<16x128xf32, #tpu.memory_space<vmem_shared>>) target_semaphore(%run_scoped3A : memref<!tpu.dma_semaphore, #tpu.memory_space<semaphore_mem>>)
      %dma_wait3A = arith.constant 0 : i32
      %dma_wait3A_627 = tpu.memref_slice %arg16[%add3A_121, %dma_wait3A] : memref<10240x128xf32, #tpu.memory_space<vmem_shared>> -> memref<16x128xf32, #tpu.memory_space<vmem_shared>>
      %dma_wait3A_628 = arith.constant 0 : i32
      %dma_wait3A_629 = tpu.memref_slice %arg16[%add3A_121, %dma_wait3A_628] : memref<10240x128xf32, #tpu.memory_space<vmem_shared>> -> memref<16x128xf32, #tpu.memory_space<vmem_shared>>
      tpu.wait_dma2 semaphore(%run_scoped3A : memref<!tpu.dma_semaphore, #tpu.memory_space<semaphore_mem>>) src(%arg15 : memref<16x128xf32, #tpu.memory_space<vmem>>) dst(%dma_wait3A_629 : memref<16x128xf32, #tpu.memory_space<vmem_shared>>)
      tpu.yield
    }) : () -> ()
    %mul3A_122 = arith.constant 640 : i32
    %mul3A_123 = arith.muli %arg1, %mul3A_122 : i32
    %add3A_124 = arith.constant 448 : i32
    %add3A_125 = arith.addi %mul3A_123, %add3A_124 : i32
    "tpu.region"() ({
      %run_scoped3A = tpu.sem_alloc : memref<!tpu.dma_semaphore, #tpu.memory_space<semaphore_mem>>
      %dma_start3A = arith.constant 0 : i32
      %dma_start3A_624 = tpu.memref_slice %arg16[%add3A_125, %dma_start3A] : memref<10240x128xf32, #tpu.memory_space<vmem_shared>> -> memref<16x128xf32, #tpu.memory_space<vmem_shared>>
      %dma_start3A_625 = arith.constant 0 : i32
      %dma_start3A_626 = tpu.memref_slice %arg16[%add3A_125, %dma_start3A_625] : memref<10240x128xf32, #tpu.memory_space<vmem_shared>> -> memref<16x128xf32, #tpu.memory_space<vmem_shared>>
      tpu.enqueue_dma source(%arg15 : memref<16x128xf32, #tpu.memory_space<vmem>>) target(%dma_start3A_626 : memref<16x128xf32, #tpu.memory_space<vmem_shared>>) target_semaphore(%run_scoped3A : memref<!tpu.dma_semaphore, #tpu.memory_space<semaphore_mem>>)
      %dma_wait3A = arith.constant 0 : i32
      %dma_wait3A_627 = tpu.memref_slice %arg16[%add3A_125, %dma_wait3A] : memref<10240x128xf32, #tpu.memory_space<vmem_shared>> -> memref<16x128xf32, #tpu.memory_space<vmem_shared>>
      %dma_wait3A_628 = arith.constant 0 : i32
      %dma_wait3A_629 = tpu.memref_slice %arg16[%add3A_125, %dma_wait3A_628] : memref<10240x128xf32, #tpu.memory_space<vmem_shared>> -> memref<16x128xf32, #tpu.memory_space<vmem_shared>>
      tpu.wait_dma2 semaphore(%run_scoped3A : memref<!tpu.dma_semaphore, #tpu.memory_space<semaphore_mem>>) src(%arg15 : memref<16x128xf32, #tpu.memory_space<vmem>>) dst(%dma_wait3A_629 : memref<16x128xf32, #tpu.memory_space<vmem_shared>>)
      tpu.yield
    }) : () -> ()
    %mul3A_126 = arith.constant 640 : i32
    %mul3A_127 = arith.muli %arg1, %mul3A_126 : i32
    %add3A_128 = arith.constant 464 : i32
    %add3A_129 = arith.addi %mul3A_127, %add3A_128 : i32
    "tpu.region"() ({
      %run_scoped3A = tpu.sem_alloc : memref<!tpu.dma_semaphore, #tpu.memory_space<semaphore_mem>>
      %dma_start3A = arith.constant 0 : i32
      %dma_start3A_624 = tpu.memref_slice %arg16[%add3A_129, %dma_start3A] : memref<10240x128xf32, #tpu.memory_space<vmem_shared>> -> memref<16x128xf32, #tpu.memory_space<vmem_shared>>
      %dma_start3A_625 = arith.constant 0 : i32
      %dma_start3A_626 = tpu.memref_slice %arg16[%add3A_129, %dma_start3A_625] : memref<10240x128xf32, #tpu.memory_space<vmem_shared>> -> memref<16x128xf32, #tpu.memory_space<vmem_shared>>
      tpu.enqueue_dma source(%arg15 : memref<16x128xf32, #tpu.memory_space<vmem>>) target(%dma_start3A_626 : memref<16x128xf32, #tpu.memory_space<vmem_shared>>) target_semaphore(%run_scoped3A : memref<!tpu.dma_semaphore, #tpu.memory_space<semaphore_mem>>)
      %dma_wait3A = arith.constant 0 : i32
      %dma_wait3A_627 = tpu.memref_slice %arg16[%add3A_129, %dma_wait3A] : memref<10240x128xf32, #tpu.memory_space<vmem_shared>> -> memref<16x128xf32, #tpu.memory_space<vmem_shared>>
      %dma_wait3A_628 = arith.constant 0 : i32
      %dma_wait3A_629 = tpu.memref_slice %arg16[%add3A_129, %dma_wait3A_628] : memref<10240x128xf32, #tpu.memory_space<vmem_shared>> -> memref<16x128xf32, #tpu.memory_space<vmem_shared>>
      tpu.wait_dma2 semaphore(%run_scoped3A : memref<!tpu.dma_semaphore, #tpu.memory_space<semaphore_mem>>) src(%arg15 : memref<16x128xf32, #tpu.memory_space<vmem>>) dst(%dma_wait3A_629 : memref<16x128xf32, #tpu.memory_space<vmem_shared>>)
      tpu.yield
    }) : () -> ()
    %mul3A_130 = arith.constant 640 : i32
    %mul3A_131 = arith.muli %arg1, %mul3A_130 : i32
    %add3A_132 = arith.constant 480 : i32
    %add3A_133 = arith.addi %mul3A_131, %add3A_132 : i32
    "tpu.region"() ({
      %run_scoped3A = tpu.sem_alloc : memref<!tpu.dma_semaphore, #tpu.memory_space<semaphore_mem>>
      %dma_start3A = arith.constant 0 : i32
      %dma_start3A_624 = tpu.memref_slice %arg16[%add3A_133, %dma_start3A] : memref<10240x128xf32, #tpu.memory_space<vmem_shared>> -> memref<16x128xf32, #tpu.memory_space<vmem_shared>>
      %dma_start3A_625 = arith.constant 0 : i32
      %dma_start3A_626 = tpu.memref_slice %arg16[%add3A_133, %dma_start3A_625] : memref<10240x128xf32, #tpu.memory_space<vmem_shared>> -> memref<16x128xf32, #tpu.memory_space<vmem_shared>>
      tpu.enqueue_dma source(%arg15 : memref<16x128xf32, #tpu.memory_space<vmem>>) target(%dma_start3A_626 : memref<16x128xf32, #tpu.memory_space<vmem_shared>>) target_semaphore(%run_scoped3A : memref<!tpu.dma_semaphore, #tpu.memory_space<semaphore_mem>>)
      %dma_wait3A = arith.constant 0 : i32
      %dma_wait3A_627 = tpu.memref_slice %arg16[%add3A_133, %dma_wait3A] : memref<10240x128xf32, #tpu.memory_space<vmem_shared>> -> memref<16x128xf32, #tpu.memory_space<vmem_shared>>
      %dma_wait3A_628 = arith.constant 0 : i32
      %dma_wait3A_629 = tpu.memref_slice %arg16[%add3A_133, %dma_wait3A_628] : memref<10240x128xf32, #tpu.memory_space<vmem_shared>> -> memref<16x128xf32, #tpu.memory_space<vmem_shared>>
      tpu.wait_dma2 semaphore(%run_scoped3A : memref<!tpu.dma_semaphore, #tpu.memory_space<semaphore_mem>>) src(%arg15 : memref<16x128xf32, #tpu.memory_space<vmem>>) dst(%dma_wait3A_629 : memref<16x128xf32, #tpu.memory_space<vmem_shared>>)
      tpu.yield
    }) : () -> ()
    %mul3A_134 = arith.constant 640 : i32
    %mul3A_135 = arith.muli %arg1, %mul3A_134 : i32
    %add3A_136 = arith.constant 496 : i32
    %add3A_137 = arith.addi %mul3A_135, %add3A_136 : i32
    "tpu.region"() ({
      %run_scoped3A = tpu.sem_alloc : memref<!tpu.dma_semaphore, #tpu.memory_space<semaphore_mem>>
      %dma_start3A = arith.constant 0 : i32
      %dma_start3A_624 = tpu.memref_slice %arg16[%add3A_137, %dma_start3A] : memref<10240x128xf32, #tpu.memory_space<vmem_shared>> -> memref<16x128xf32, #tpu.memory_space<vmem_shared>>
      %dma_start3A_625 = arith.constant 0 : i32
      %dma_start3A_626 = tpu.memref_slice %arg16[%add3A_137, %dma_start3A_625] : memref<10240x128xf32, #tpu.memory_space<vmem_shared>> -> memref<16x128xf32, #tpu.memory_space<vmem_shared>>
      tpu.enqueue_dma source(%arg15 : memref<16x128xf32, #tpu.memory_space<vmem>>) target(%dma_start3A_626 : memref<16x128xf32, #tpu.memory_space<vmem_shared>>) target_semaphore(%run_scoped3A : memref<!tpu.dma_semaphore, #tpu.memory_space<semaphore_mem>>)
      %dma_wait3A = arith.constant 0 : i32
      %dma_wait3A_627 = tpu.memref_slice %arg16[%add3A_137, %dma_wait3A] : memref<10240x128xf32, #tpu.memory_space<vmem_shared>> -> memref<16x128xf32, #tpu.memory_space<vmem_shared>>
      %dma_wait3A_628 = arith.constant 0 : i32
      %dma_wait3A_629 = tpu.memref_slice %arg16[%add3A_137, %dma_wait3A_628] : memref<10240x128xf32, #tpu.memory_space<vmem_shared>> -> memref<16x128xf32, #tpu.memory_space<vmem_shared>>
      tpu.wait_dma2 semaphore(%run_scoped3A : memref<!tpu.dma_semaphore, #tpu.memory_space<semaphore_mem>>) src(%arg15 : memref<16x128xf32, #tpu.memory_space<vmem>>) dst(%dma_wait3A_629 : memref<16x128xf32, #tpu.memory_space<vmem_shared>>)
      tpu.yield
    }) : () -> ()
    %mul3A_138 = arith.constant 640 : i32
    %mul3A_139 = arith.muli %arg1, %mul3A_138 : i32
    %add3A_140 = arith.constant 512 : i32
    %add3A_141 = arith.addi %mul3A_139, %add3A_140 : i32
    "tpu.region"() ({
      %run_scoped3A = tpu.sem_alloc : memref<!tpu.dma_semaphore, #tpu.memory_space<semaphore_mem>>
      %dma_start3A = arith.constant 0 : i32
      %dma_start3A_624 = tpu.memref_slice %arg16[%add3A_141, %dma_start3A] : memref<10240x128xf32, #tpu.memory_space<vmem_shared>> -> memref<16x128xf32, #tpu.memory_space<vmem_shared>>
      %dma_start3A_625 = arith.constant 0 : i32
      %dma_start3A_626 = tpu.memref_slice %arg16[%add3A_141, %dma_start3A_625] : memref<10240x128xf32, #tpu.memory_space<vmem_shared>> -> memref<16x128xf32, #tpu.memory_space<vmem_shared>>
      tpu.enqueue_dma source(%arg15 : memref<16x128xf32, #tpu.memory_space<vmem>>) target(%dma_start3A_626 : memref<16x128xf32, #tpu.memory_space<vmem_shared>>) target_semaphore(%run_scoped3A : memref<!tpu.dma_semaphore, #tpu.memory_space<semaphore_mem>>)
      %dma_wait3A = arith.constant 0 : i32
      %dma_wait3A_627 = tpu.memref_slice %arg16[%add3A_141, %dma_wait3A] : memref<10240x128xf32, #tpu.memory_space<vmem_shared>> -> memref<16x128xf32, #tpu.memory_space<vmem_shared>>
      %dma_wait3A_628 = arith.constant 0 : i32
      %dma_wait3A_629 = tpu.memref_slice %arg16[%add3A_141, %dma_wait3A_628] : memref<10240x128xf32, #tpu.memory_space<vmem_shared>> -> memref<16x128xf32, #tpu.memory_space<vmem_shared>>
      tpu.wait_dma2 semaphore(%run_scoped3A : memref<!tpu.dma_semaphore, #tpu.memory_space<semaphore_mem>>) src(%arg15 : memref<16x128xf32, #tpu.memory_space<vmem>>) dst(%dma_wait3A_629 : memref<16x128xf32, #tpu.memory_space<vmem_shared>>)
      tpu.yield
    }) : () -> ()
    %mul3A_142 = arith.constant 640 : i32
    %mul3A_143 = arith.muli %arg1, %mul3A_142 : i32
    %add3A_144 = arith.constant 528 : i32
    %add3A_145 = arith.addi %mul3A_143, %add3A_144 : i32
    "tpu.region"() ({
      %run_scoped3A = tpu.sem_alloc : memref<!tpu.dma_semaphore, #tpu.memory_space<semaphore_mem>>
      %dma_start3A = arith.constant 0 : i32
      %dma_start3A_624 = tpu.memref_slice %arg16[%add3A_145, %dma_start3A] : memref<10240x128xf32, #tpu.memory_space<vmem_shared>> -> memref<16x128xf32, #tpu.memory_space<vmem_shared>>
      %dma_start3A_625 = arith.constant 0 : i32
      %dma_start3A_626 = tpu.memref_slice %arg16[%add3A_145, %dma_start3A_625] : memref<10240x128xf32, #tpu.memory_space<vmem_shared>> -> memref<16x128xf32, #tpu.memory_space<vmem_shared>>
      tpu.enqueue_dma source(%arg15 : memref<16x128xf32, #tpu.memory_space<vmem>>) target(%dma_start3A_626 : memref<16x128xf32, #tpu.memory_space<vmem_shared>>) target_semaphore(%run_scoped3A : memref<!tpu.dma_semaphore, #tpu.memory_space<semaphore_mem>>)
      %dma_wait3A = arith.constant 0 : i32
      %dma_wait3A_627 = tpu.memref_slice %arg16[%add3A_145, %dma_wait3A] : memref<10240x128xf32, #tpu.memory_space<vmem_shared>> -> memref<16x128xf32, #tpu.memory_space<vmem_shared>>
      %dma_wait3A_628 = arith.constant 0 : i32
      %dma_wait3A_629 = tpu.memref_slice %arg16[%add3A_145, %dma_wait3A_628] : memref<10240x128xf32, #tpu.memory_space<vmem_shared>> -> memref<16x128xf32, #tpu.memory_space<vmem_shared>>
      tpu.wait_dma2 semaphore(%run_scoped3A : memref<!tpu.dma_semaphore, #tpu.memory_space<semaphore_mem>>) src(%arg15 : memref<16x128xf32, #tpu.memory_space<vmem>>) dst(%dma_wait3A_629 : memref<16x128xf32, #tpu.memory_space<vmem_shared>>)
      tpu.yield
    }) : () -> ()
    %mul3A_146 = arith.constant 640 : i32
    %mul3A_147 = arith.muli %arg1, %mul3A_146 : i32
    %add3A_148 = arith.constant 544 : i32
    %add3A_149 = arith.addi %mul3A_147, %add3A_148 : i32
    "tpu.region"() ({
      %run_scoped3A = tpu.sem_alloc : memref<!tpu.dma_semaphore, #tpu.memory_space<semaphore_mem>>
      %dma_start3A = arith.constant 0 : i32
      %dma_start3A_624 = tpu.memref_slice %arg16[%add3A_149, %dma_start3A] : memref<10240x128xf32, #tpu.memory_space<vmem_shared>> -> memref<16x128xf32, #tpu.memory_space<vmem_shared>>
      %dma_start3A_625 = arith.constant 0 : i32
      %dma_start3A_626 = tpu.memref_slice %arg16[%add3A_149, %dma_start3A_625] : memref<10240x128xf32, #tpu.memory_space<vmem_shared>> -> memref<16x128xf32, #tpu.memory_space<vmem_shared>>
      tpu.enqueue_dma source(%arg15 : memref<16x128xf32, #tpu.memory_space<vmem>>) target(%dma_start3A_626 : memref<16x128xf32, #tpu.memory_space<vmem_shared>>) target_semaphore(%run_scoped3A : memref<!tpu.dma_semaphore, #tpu.memory_space<semaphore_mem>>)
      %dma_wait3A = arith.constant 0 : i32
      %dma_wait3A_627 = tpu.memref_slice %arg16[%add3A_149, %dma_wait3A] : memref<10240x128xf32, #tpu.memory_space<vmem_shared>> -> memref<16x128xf32, #tpu.memory_space<vmem_shared>>
      %dma_wait3A_628 = arith.constant 0 : i32
      %dma_wait3A_629 = tpu.memref_slice %arg16[%add3A_149, %dma_wait3A_628] : memref<10240x128xf32, #tpu.memory_space<vmem_shared>> -> memref<16x128xf32, #tpu.memory_space<vmem_shared>>
      tpu.wait_dma2 semaphore(%run_scoped3A : memref<!tpu.dma_semaphore, #tpu.memory_space<semaphore_mem>>) src(%arg15 : memref<16x128xf32, #tpu.memory_space<vmem>>) dst(%dma_wait3A_629 : memref<16x128xf32, #tpu.memory_space<vmem_shared>>)
      tpu.yield
    }) : () -> ()
    %mul3A_150 = arith.constant 640 : i32
    %mul3A_151 = arith.muli %arg1, %mul3A_150 : i32
    %add3A_152 = arith.constant 560 : i32
    %add3A_153 = arith.addi %mul3A_151, %add3A_152 : i32
    "tpu.region"() ({
      %run_scoped3A = tpu.sem_alloc : memref<!tpu.dma_semaphore, #tpu.memory_space<semaphore_mem>>
      %dma_start3A = arith.constant 0 : i32
      %dma_start3A_624 = tpu.memref_slice %arg16[%add3A_153, %dma_start3A] : memref<10240x128xf32, #tpu.memory_space<vmem_shared>> -> memref<16x128xf32, #tpu.memory_space<vmem_shared>>
      %dma_start3A_625 = arith.constant 0 : i32
      %dma_start3A_626 = tpu.memref_slice %arg16[%add3A_153, %dma_start3A_625] : memref<10240x128xf32, #tpu.memory_space<vmem_shared>> -> memref<16x128xf32, #tpu.memory_space<vmem_shared>>
      tpu.enqueue_dma source(%arg15 : memref<16x128xf32, #tpu.memory_space<vmem>>) target(%dma_start3A_626 : memref<16x128xf32, #tpu.memory_space<vmem_shared>>) target_semaphore(%run_scoped3A : memref<!tpu.dma_semaphore, #tpu.memory_space<semaphore_mem>>)
      %dma_wait3A = arith.constant 0 : i32
      %dma_wait3A_627 = tpu.memref_slice %arg16[%add3A_153, %dma_wait3A] : memref<10240x128xf32, #tpu.memory_space<vmem_shared>> -> memref<16x128xf32, #tpu.memory_space<vmem_shared>>
      %dma_wait3A_628 = arith.constant 0 : i32
      %dma_wait3A_629 = tpu.memref_slice %arg16[%add3A_153, %dma_wait3A_628] : memref<10240x128xf32, #tpu.memory_space<vmem_shared>> -> memref<16x128xf32, #tpu.memory_space<vmem_shared>>
      tpu.wait_dma2 semaphore(%run_scoped3A : memref<!tpu.dma_semaphore, #tpu.memory_space<semaphore_mem>>) src(%arg15 : memref<16x128xf32, #tpu.memory_space<vmem>>) dst(%dma_wait3A_629 : memref<16x128xf32, #tpu.memory_space<vmem_shared>>)
      tpu.yield
    }) : () -> ()
    %mul3A_154 = arith.constant 640 : i32
    %mul3A_155 = arith.muli %arg1, %mul3A_154 : i32
    %add3A_156 = arith.constant 576 : i32
    %add3A_157 = arith.addi %mul3A_155, %add3A_156 : i32
    "tpu.region"() ({
      %run_scoped3A = tpu.sem_alloc : memref<!tpu.dma_semaphore, #tpu.memory_space<semaphore_mem>>
      %dma_start3A = arith.constant 0 : i32
      %dma_start3A_624 = tpu.memref_slice %arg16[%add3A_157, %dma_start3A] : memref<10240x128xf32, #tpu.memory_space<vmem_shared>> -> memref<16x128xf32, #tpu.memory_space<vmem_shared>>
      %dma_start3A_625 = arith.constant 0 : i32
      %dma_start3A_626 = tpu.memref_slice %arg16[%add3A_157, %dma_start3A_625] : memref<10240x128xf32, #tpu.memory_space<vmem_shared>> -> memref<16x128xf32, #tpu.memory_space<vmem_shared>>
      tpu.enqueue_dma source(%arg15 : memref<16x128xf32, #tpu.memory_space<vmem>>) target(%dma_start3A_626 : memref<16x128xf32, #tpu.memory_space<vmem_shared>>) target_semaphore(%run_scoped3A : memref<!tpu.dma_semaphore, #tpu.memory_space<semaphore_mem>>)
      %dma_wait3A = arith.constant 0 : i32
      %dma_wait3A_627 = tpu.memref_slice %arg16[%add3A_157, %dma_wait3A] : memref<10240x128xf32, #tpu.memory_space<vmem_shared>> -> memref<16x128xf32, #tpu.memory_space<vmem_shared>>
      %dma_wait3A_628 = arith.constant 0 : i32
      %dma_wait3A_629 = tpu.memref_slice %arg16[%add3A_157, %dma_wait3A_628] : memref<10240x128xf32, #tpu.memory_space<vmem_shared>> -> memref<16x128xf32, #tpu.memory_space<vmem_shared>>
      tpu.wait_dma2 semaphore(%run_scoped3A : memref<!tpu.dma_semaphore, #tpu.memory_space<semaphore_mem>>) src(%arg15 : memref<16x128xf32, #tpu.memory_space<vmem>>) dst(%dma_wait3A_629 : memref<16x128xf32, #tpu.memory_space<vmem_shared>>)
      tpu.yield
    }) : () -> ()
    %mul3A_158 = arith.constant 640 : i32
    %mul3A_159 = arith.muli %arg1, %mul3A_158 : i32
    %add3A_160 = arith.constant 592 : i32
    %add3A_161 = arith.addi %mul3A_159, %add3A_160 : i32
    "tpu.region"() ({
      %run_scoped3A = tpu.sem_alloc : memref<!tpu.dma_semaphore, #tpu.memory_space<semaphore_mem>>
      %dma_start3A = arith.constant 0 : i32
      %dma_start3A_624 = tpu.memref_slice %arg16[%add3A_161, %dma_start3A] : memref<10240x128xf32, #tpu.memory_space<vmem_shared>> -> memref<16x128xf32, #tpu.memory_space<vmem_shared>>
      %dma_start3A_625 = arith.constant 0 : i32
      %dma_start3A_626 = tpu.memref_slice %arg16[%add3A_161, %dma_start3A_625] : memref<10240x128xf32, #tpu.memory_space<vmem_shared>> -> memref<16x128xf32, #tpu.memory_space<vmem_shared>>
      tpu.enqueue_dma source(%arg15 : memref<16x128xf32, #tpu.memory_space<vmem>>) target(%dma_start3A_626 : memref<16x128xf32, #tpu.memory_space<vmem_shared>>) target_semaphore(%run_scoped3A : memref<!tpu.dma_semaphore, #tpu.memory_space<semaphore_mem>>)
      %dma_wait3A = arith.constant 0 : i32
      %dma_wait3A_627 = tpu.memref_slice %arg16[%add3A_161, %dma_wait3A] : memref<10240x128xf32, #tpu.memory_space<vmem_shared>> -> memref<16x128xf32, #tpu.memory_space<vmem_shared>>
      %dma_wait3A_628 = arith.constant 0 : i32
      %dma_wait3A_629 = tpu.memref_slice %arg16[%add3A_161, %dma_wait3A_628] : memref<10240x128xf32, #tpu.memory_space<vmem_shared>> -> memref<16x128xf32, #tpu.memory_space<vmem_shared>>
      tpu.wait_dma2 semaphore(%run_scoped3A : memref<!tpu.dma_semaphore, #tpu.memory_space<semaphore_mem>>) src(%arg15 : memref<16x128xf32, #tpu.memory_space<vmem>>) dst(%dma_wait3A_629 : memref<16x128xf32, #tpu.memory_space<vmem_shared>>)
      tpu.yield
    }) : () -> ()
    %mul3A_162 = arith.constant 640 : i32
    %mul3A_163 = arith.muli %arg1, %mul3A_162 : i32
    %add3A_164 = arith.constant 608 : i32
    %add3A_165 = arith.addi %mul3A_163, %add3A_164 : i32
    "tpu.region"() ({
      %run_scoped3A = tpu.sem_alloc : memref<!tpu.dma_semaphore, #tpu.memory_space<semaphore_mem>>
      %dma_start3A = arith.constant 0 : i32
      %dma_start3A_624 = tpu.memref_slice %arg16[%add3A_165, %dma_start3A] : memref<10240x128xf32, #tpu.memory_space<vmem_shared>> -> memref<16x128xf32, #tpu.memory_space<vmem_shared>>
      %dma_start3A_625 = arith.constant 0 : i32
      %dma_start3A_626 = tpu.memref_slice %arg16[%add3A_165, %dma_start3A_625] : memref<10240x128xf32, #tpu.memory_space<vmem_shared>> -> memref<16x128xf32, #tpu.memory_space<vmem_shared>>
      tpu.enqueue_dma source(%arg15 : memref<16x128xf32, #tpu.memory_space<vmem>>) target(%dma_start3A_626 : memref<16x128xf32, #tpu.memory_space<vmem_shared>>) target_semaphore(%run_scoped3A : memref<!tpu.dma_semaphore, #tpu.memory_space<semaphore_mem>>)
      %dma_wait3A = arith.constant 0 : i32
      %dma_wait3A_627 = tpu.memref_slice %arg16[%add3A_165, %dma_wait3A] : memref<10240x128xf32, #tpu.memory_space<vmem_shared>> -> memref<16x128xf32, #tpu.memory_space<vmem_shared>>
      %dma_wait3A_628 = arith.constant 0 : i32
      %dma_wait3A_629 = tpu.memref_slice %arg16[%add3A_165, %dma_wait3A_628] : memref<10240x128xf32, #tpu.memory_space<vmem_shared>> -> memref<16x128xf32, #tpu.memory_space<vmem_shared>>
      tpu.wait_dma2 semaphore(%run_scoped3A : memref<!tpu.dma_semaphore, #tpu.memory_space<semaphore_mem>>) src(%arg15 : memref<16x128xf32, #tpu.memory_space<vmem>>) dst(%dma_wait3A_629 : memref<16x128xf32, #tpu.memory_space<vmem_shared>>)
      tpu.yield
    }) : () -> ()
    %mul3A_166 = arith.constant 640 : i32
    %mul3A_167 = arith.muli %arg1, %mul3A_166 : i32
    %add3A_168 = arith.constant 624 : i32
    %add3A_169 = arith.addi %mul3A_167, %add3A_168 : i32
    "tpu.region"() ({
      %run_scoped3A = tpu.sem_alloc : memref<!tpu.dma_semaphore, #tpu.memory_space<semaphore_mem>>
      %dma_start3A = arith.constant 0 : i32
      %dma_start3A_624 = tpu.memref_slice %arg16[%add3A_169, %dma_start3A] : memref<10240x128xf32, #tpu.memory_space<vmem_shared>> -> memref<16x128xf32, #tpu.memory_space<vmem_shared>>
      %dma_start3A_625 = arith.constant 0 : i32
      %dma_start3A_626 = tpu.memref_slice %arg16[%add3A_169, %dma_start3A_625] : memref<10240x128xf32, #tpu.memory_space<vmem_shared>> -> memref<16x128xf32, #tpu.memory_space<vmem_shared>>
      tpu.enqueue_dma source(%arg15 : memref<16x128xf32, #tpu.memory_space<vmem>>) target(%dma_start3A_626 : memref<16x128xf32, #tpu.memory_space<vmem_shared>>) target_semaphore(%run_scoped3A : memref<!tpu.dma_semaphore, #tpu.memory_space<semaphore_mem>>)
      %dma_wait3A = arith.constant 0 : i32
      %dma_wait3A_627 = tpu.memref_slice %arg16[%add3A_169, %dma_wait3A] : memref<10240x128xf32, #tpu.memory_space<vmem_shared>> -> memref<16x128xf32, #tpu.memory_space<vmem_shared>>
      %dma_wait3A_628 = arith.constant 0 : i32
      %dma_wait3A_629 = tpu.memref_slice %arg16[%add3A_169, %dma_wait3A_628] : memref<10240x128xf32, #tpu.memory_space<vmem_shared>> -> memref<16x128xf32, #tpu.memory_space<vmem_shared>>
      tpu.wait_dma2 semaphore(%run_scoped3A : memref<!tpu.dma_semaphore, #tpu.memory_space<semaphore_mem>>) src(%arg15 : memref<16x128xf32, #tpu.memory_space<vmem>>) dst(%dma_wait3A_629 : memref<16x128xf32, #tpu.memory_space<vmem_shared>>)
      tpu.yield
    }) : () -> ()
    %barrier3A = arith.constant 0 : index
    tpu.barrier barrier_id(%barrier3A)
    %mul3A_170 = arith.constant 327680 : i32
    %mul3A_171 = arith.muli %arg0, %mul3A_170 : i32
    %mul3A_172 = arith.constant 20480 : i32
    %mul3A_173 = arith.muli %arg1, %mul3A_172 : i32
    %add3A_174 = arith.addi %mul3A_171, %mul3A_173 : i32
    %mul3A_175 = arith.constant 40 : i32
    %mul3A_176 = arith.muli %arg1, %mul3A_175 : i32
    %scan3A_177 = arith.constant 0 : i32
    %scan3A_178 = arith.constant 0 : i32
    %scan3A_179 = arith.constant 40 : i32
    %scan3A_180 = arith.addi %scan3A_178, %scan3A_179 : i32
    %scan3A_181 = arith.constant 1 : i32
    scf.for %scan3A_624 = %scan3A_178 to %scan3A_180 step %scan3A_181  : i32 {
      %add3A_625 = arith.addi %mul3A_176, %scan3A_624 : i32
      "tpu.region"() ({
        %run_scoped3A = tpu.sem_alloc : memref<!tpu.dma_semaphore, #tpu.memory_space<semaphore_mem>>
        %dma_start3A = arith.constant 0 : i32
        %dma_start3A_633 = arith.constant 0 : i32
        %dma_start3A_634 = tpu.memref_slice %arg4[%add3A_625, %dma_start3A, %dma_start3A_633] : memref<640x8x64xi32, #tpu.memory_space<hbm>> -> memref<1x8x64xi32, #tpu.memory_space<hbm>>
        %dma_start3A_635 = tpu.memref_squeeze %dma_start3A_634 : memref<1x8x64xi32, #tpu.memory_space<hbm>> -> memref<8x64xi32, #tpu.memory_space<hbm>>
        %dma_start3A_636 = arith.constant 0 : i32
        %dma_start3A_637 = arith.constant 0 : i32
        %dma_start3A_638 = tpu.memref_slice %arg4[%add3A_625, %dma_start3A_636, %dma_start3A_637] : memref<640x8x64xi32, #tpu.memory_space<hbm>> -> memref<1x8x64xi32, #tpu.memory_space<hbm>>
        %dma_start3A_639 = tpu.memref_squeeze %dma_start3A_638 : memref<1x8x64xi32, #tpu.memory_space<hbm>> -> memref<8x64xi32, #tpu.memory_space<hbm>>
        tpu.enqueue_dma source(%dma_start3A_639 : memref<8x64xi32, #tpu.memory_space<hbm>>) target(%arg7 : memref<8x64xi32, #tpu.memory_space<vmem>>) target_semaphore(%run_scoped3A : memref<!tpu.dma_semaphore, #tpu.memory_space<semaphore_mem>>)
        %dma_wait3A = arith.constant 0 : i32
        %dma_wait3A_640 = arith.constant 0 : i32
        %dma_wait3A_641 = tpu.memref_slice %arg4[%add3A_625, %dma_wait3A, %dma_wait3A_640] : memref<640x8x64xi32, #tpu.memory_space<hbm>> -> memref<1x8x64xi32, #tpu.memory_space<hbm>>
        %dma_wait3A_642 = tpu.memref_squeeze %dma_wait3A_641 : memref<1x8x64xi32, #tpu.memory_space<hbm>> -> memref<8x64xi32, #tpu.memory_space<hbm>>
        %dma_wait3A_643 = arith.constant 0 : i32
        %dma_wait3A_644 = arith.constant 0 : i32
        %dma_wait3A_645 = tpu.memref_slice %arg4[%add3A_625, %dma_wait3A_643, %dma_wait3A_644] : memref<640x8x64xi32, #tpu.memory_space<hbm>> -> memref<1x8x64xi32, #tpu.memory_space<hbm>>
        %dma_wait3A_646 = tpu.memref_squeeze %dma_wait3A_645 : memref<1x8x64xi32, #tpu.memory_space<hbm>> -> memref<8x64xi32, #tpu.memory_space<hbm>>
        tpu.wait_dma2 semaphore(%run_scoped3A : memref<!tpu.dma_semaphore, #tpu.memory_space<semaphore_mem>>) src(%dma_wait3A_646 : memref<8x64xi32, #tpu.memory_space<hbm>>) dst(%arg7 : memref<8x64xi32, #tpu.memory_space<vmem>>)
        tpu.yield
      }) : () -> ()
      %add3A_626 = arith.addi %mul3A_176, %scan3A_624 : i32
      "tpu.region"() ({
        %run_scoped3A = tpu.sem_alloc : memref<!tpu.dma_semaphore, #tpu.memory_space<semaphore_mem>>
        %dma_start3A = arith.constant 0 : i32
        %dma_start3A_633 = arith.constant 0 : i32
        %dma_start3A_634 = tpu.memref_slice %arg5[%add3A_626, %dma_start3A, %dma_start3A_633] : memref<640x8x64xi32, #tpu.memory_space<hbm>> -> memref<1x8x64xi32, #tpu.memory_space<hbm>>
        %dma_start3A_635 = tpu.memref_squeeze %dma_start3A_634 : memref<1x8x64xi32, #tpu.memory_space<hbm>> -> memref<8x64xi32, #tpu.memory_space<hbm>>
        %dma_start3A_636 = arith.constant 0 : i32
        %dma_start3A_637 = arith.constant 0 : i32
        %dma_start3A_638 = tpu.memref_slice %arg5[%add3A_626, %dma_start3A_636, %dma_start3A_637] : memref<640x8x64xi32, #tpu.memory_space<hbm>> -> memref<1x8x64xi32, #tpu.memory_space<hbm>>
        %dma_start3A_639 = tpu.memref_squeeze %dma_start3A_638 : memref<1x8x64xi32, #tpu.memory_space<hbm>> -> memref<8x64xi32, #tpu.memory_space<hbm>>
        tpu.enqueue_dma source(%dma_start3A_639 : memref<8x64xi32, #tpu.memory_space<hbm>>) target(%arg8 : memref<8x64xi32, #tpu.memory_space<vmem>>) target_semaphore(%run_scoped3A : memref<!tpu.dma_semaphore, #tpu.memory_space<semaphore_mem>>)
        %dma_wait3A = arith.constant 0 : i32
        %dma_wait3A_640 = arith.constant 0 : i32
        %dma_wait3A_641 = tpu.memref_slice %arg5[%add3A_626, %dma_wait3A, %dma_wait3A_640] : memref<640x8x64xi32, #tpu.memory_space<hbm>> -> memref<1x8x64xi32, #tpu.memory_space<hbm>>
        %dma_wait3A_642 = tpu.memref_squeeze %dma_wait3A_641 : memref<1x8x64xi32, #tpu.memory_space<hbm>> -> memref<8x64xi32, #tpu.memory_space<hbm>>
        %dma_wait3A_643 = arith.constant 0 : i32
        %dma_wait3A_644 = arith.constant 0 : i32
        %dma_wait3A_645 = tpu.memref_slice %arg5[%add3A_626, %dma_wait3A_643, %dma_wait3A_644] : memref<640x8x64xi32, #tpu.memory_space<hbm>> -> memref<1x8x64xi32, #tpu.memory_space<hbm>>
        %dma_wait3A_646 = tpu.memref_squeeze %dma_wait3A_645 : memref<1x8x64xi32, #tpu.memory_space<hbm>> -> memref<8x64xi32, #tpu.memory_space<hbm>>
        tpu.wait_dma2 semaphore(%run_scoped3A : memref<!tpu.dma_semaphore, #tpu.memory_space<semaphore_mem>>) src(%dma_wait3A_646 : memref<8x64xi32, #tpu.memory_space<hbm>>) dst(%arg8 : memref<8x64xi32, #tpu.memory_space<vmem>>)
        tpu.yield
      }) : () -> ()
      %scan3A_627 = arith.constant 0 : i32
      %scan3A_628 = arith.constant 0 : i32
      %scan3A_629 = arith.constant 8 : i32
      %scan3A_630 = arith.addi %scan3A_628, %scan3A_629 : i32
      %scan3A_631 = arith.constant 1 : i32
      scf.for %scan3A_633 = %scan3A_628 to %scan3A_630 step %scan3A_631  : i32 {
        %mul3A_634 = arith.constant 8 : i32
        %mul3A_635 = arith.muli %scan3A_624, %mul3A_634 : i32
        %add3A_636 = arith.addi %mul3A_635, %scan3A_633 : i32
        %get3A = arith.index_cast %scan3A_633 : i32 to index
        %get3A_637 = arith.constant 0 : index
        %get3A_638 = tpu.vector_load %arg7[%get3A, %get3A_637] {strides = array<i32>} : memref<8x64xi32, #tpu.memory_space<vmem>>, vector<1x16xi32>,
        %get3A_639 = vector.shape_cast %get3A_638 : vector<1x16xi32> to vector<16xi32>
        %add3A_640 = vector.broadcast %mul3A_0 : i32 to vector<16xi32>
        %add3A_641 = arith.addi %get3A_639, %add3A_640 : vector<16xi32>
        %swap3A = arith.constant 0 : index
        %swap3A_642 = tpu.vector_load %arg9[%swap3A] {strides = array<i32>} : memref<64xi32, #tpu.memory_space<vmem>>, vector<16xi32>,
        %swap3A_643 = vector.shape_cast %swap3A_642 : vector<16xi32> to vector<16xi32>
        %swap3A_644 = vector.shape_cast %add3A_641 : vector<16xi32> to vector<16xi32>
        tpu.vector_store %arg9[%swap3A], %swap3A_644 {strides = array<i32>} : memref<64xi32, #tpu.memory_space<vmem>>, vector<16xi32>,
        %get3A_645 = arith.index_cast %scan3A_633 : i32 to index
        %get3A_646 = arith.constant 0 : index
        %get3A_647 = tpu.vector_load %arg8[%get3A_645, %get3A_646] {strides = array<i32>} : memref<8x64xi32, #tpu.memory_space<vmem>>, vector<1x16xi32>,
        %get3A_648 = vector.shape_cast %get3A_647 : vector<1x16xi32> to vector<16xi32>
        %min3A = arith.constant 9999 : i32
        %min3A_649 = vector.broadcast %min3A : i32 to vector<16xi32>
        %min3A_650 = arith.minsi %get3A_648, %min3A_649 : vector<16xi32>
        %add3A_651 = vector.broadcast %add3A_3 : i32 to vector<16xi32>
        %add3A_652 = arith.addi %min3A_650, %add3A_651 : vector<16xi32>
        %swap3A_653 = arith.constant 0 : index
        %swap3A_654 = tpu.vector_load %arg10[%swap3A_653] {strides = array<i32>} : memref<64xi32, #tpu.memory_space<vmem>>, vector<16xi32>,
        %swap3A_655 = vector.shape_cast %swap3A_654 : vector<16xi32> to vector<16xi32>
        %swap3A_656 = vector.shape_cast %add3A_652 : vector<16xi32> to vector<16xi32>
        tpu.vector_store %arg10[%swap3A_653], %swap3A_656 {strides = array<i32>} : memref<64xi32, #tpu.memory_space<vmem>>, vector<16xi32>,
        %get3A_657 = arith.index_cast %scan3A_633 : i32 to index
        %get3A_658 = arith.constant 0 : index
        %get3A_659 = tpu.vector_load %arg8[%get3A_657, %get3A_658] {strides = array<i32>} : memref<8x64xi32, #tpu.memory_space<vmem>>, vector<1x16xi32>,
        %get3A_660 = vector.shape_cast %get3A_659 : vector<1x16xi32> to vector<16xi32>
        %swap3A_661 = arith.constant 0 : index
        %swap3A_662 = tpu.vector_load %arg11[%swap3A_661] {strides = array<i32>} : memref<64xi32, #tpu.memory_space<vmem>>, vector<16xi32>,
        %swap3A_663 = vector.shape_cast %swap3A_662 : vector<16xi32> to vector<16xi32>
        %swap3A_664 = vector.shape_cast %get3A_660 : vector<16xi32> to vector<16xi32>
        tpu.vector_store %arg11[%swap3A_661], %swap3A_664 {strides = array<i32>} : memref<64xi32, #tpu.memory_space<vmem>>, vector<16xi32>,
        %get3A_665 = arith.index_cast %scan3A_633 : i32 to index
        %get3A_666 = arith.constant 16 : index
        %get3A_667 = tpu.vector_load %arg7[%get3A_665, %get3A_666] {strides = array<i32>} : memref<8x64xi32, #tpu.memory_space<vmem>>, vector<1x16xi32>,
        %get3A_668 = vector.shape_cast %get3A_667 : vector<1x16xi32> to vector<16xi32>
        %add3A_669 = vector.broadcast %mul3A_0 : i32 to vector<16xi32>
        %add3A_670 = arith.addi %get3A_668, %add3A_669 : vector<16xi32>
        %swap3A_671 = arith.constant 16 : index
        %swap3A_672 = tpu.vector_load %arg9[%swap3A_671] {strides = array<i32>} : memref<64xi32, #tpu.memory_space<vmem>>, vector<16xi32>,
        %swap3A_673 = vector.shape_cast %swap3A_672 : vector<16xi32> to vector<16xi32>
        %swap3A_674 = vector.shape_cast %add3A_670 : vector<16xi32> to vector<16xi32>
        tpu.vector_store %arg9[%swap3A_671], %swap3A_674 {strides = array<i32>} : memref<64xi32, #tpu.memory_space<vmem>>, vector<16xi32>,
        %get3A_675 = arith.index_cast %scan3A_633 : i32 to index
        %get3A_676 = arith.constant 16 : index
        %get3A_677 = tpu.vector_load %arg8[%get3A_675, %get3A_676] {strides = array<i32>} : memref<8x64xi32, #tpu.memory_space<vmem>>, vector<1x16xi32>,
        %get3A_678 = vector.shape_cast %get3A_677 : vector<1x16xi32> to vector<16xi32>
        %min3A_679 = arith.constant 9999 : i32
        %min3A_680 = vector.broadcast %min3A_679 : i32 to vector<16xi32>
        %min3A_681 = arith.minsi %get3A_678, %min3A_680 : vector<16xi32>
        %add3A_682 = vector.broadcast %add3A_3 : i32 to vector<16xi32>
        %add3A_683 = arith.addi %min3A_681, %add3A_682 : vector<16xi32>
        %swap3A_684 = arith.constant 16 : index
        %swap3A_685 = tpu.vector_load %arg10[%swap3A_684] {strides = array<i32>} : memref<64xi32, #tpu.memory_space<vmem>>, vector<16xi32>,
        %swap3A_686 = vector.shape_cast %swap3A_685 : vector<16xi32> to vector<16xi32>
        %swap3A_687 = vector.shape_cast %add3A_683 : vector<16xi32> to vector<16xi32>
        tpu.vector_store %arg10[%swap3A_684], %swap3A_687 {strides = array<i32>} : memref<64xi32, #tpu.memory_space<vmem>>, vector<16xi32>,
        %get3A_688 = arith.index_cast %scan3A_633 : i32 to index
        %get3A_689 = arith.constant 16 : index
        %get3A_690 = tpu.vector_load %arg8[%get3A_688, %get3A_689] {strides = array<i32>} : memref<8x64xi32, #tpu.memory_space<vmem>>, vector<1x16xi32>,
        %get3A_691 = vector.shape_cast %get3A_690 : vector<1x16xi32> to vector<16xi32>
        %swap3A_692 = arith.constant 16 : index
        %swap3A_693 = tpu.vector_load %arg11[%swap3A_692] {strides = array<i32>} : memref<64xi32, #tpu.memory_space<vmem>>, vector<16xi32>,
        %swap3A_694 = vector.shape_cast %swap3A_693 : vector<16xi32> to vector<16xi32>
        %swap3A_695 = vector.shape_cast %get3A_691 : vector<16xi32> to vector<16xi32>
        tpu.vector_store %arg11[%swap3A_692], %swap3A_695 {strides = array<i32>} : memref<64xi32, #tpu.memory_space<vmem>>, vector<16xi32>,
        %get3A_696 = arith.index_cast %scan3A_633 : i32 to index
        %get3A_697 = arith.constant 32 : index
        %get3A_698 = tpu.vector_load %arg7[%get3A_696, %get3A_697] {strides = array<i32>} : memref<8x64xi32, #tpu.memory_space<vmem>>, vector<1x16xi32>,
        %get3A_699 = vector.shape_cast %get3A_698 : vector<1x16xi32> to vector<16xi32>
        %add3A_700 = vector.broadcast %mul3A_0 : i32 to vector<16xi32>
        %add3A_701 = arith.addi %get3A_699, %add3A_700 : vector<16xi32>
        %swap3A_702 = arith.constant 32 : index
        %swap3A_703 = tpu.vector_load %arg9[%swap3A_702] {strides = array<i32>} : memref<64xi32, #tpu.memory_space<vmem>>, vector<16xi32>,
        %swap3A_704 = vector.shape_cast %swap3A_703 : vector<16xi32> to vector<16xi32>
        %swap3A_705 = vector.shape_cast %add3A_701 : vector<16xi32> to vector<16xi32>
        tpu.vector_store %arg9[%swap3A_702], %swap3A_705 {strides = array<i32>} : memref<64xi32, #tpu.memory_space<vmem>>, vector<16xi32>,
        %get3A_706 = arith.index_cast %scan3A_633 : i32 to index
        %get3A_707 = arith.constant 32 : index
        %get3A_708 = tpu.vector_load %arg8[%get3A_706, %get3A_707] {strides = array<i32>} : memref<8x64xi32, #tpu.memory_space<vmem>>, vector<1x16xi32>,
        %get3A_709 = vector.shape_cast %get3A_708 : vector<1x16xi32> to vector<16xi32>
        %min3A_710 = arith.constant 9999 : i32
        %min3A_711 = vector.broadcast %min3A_710 : i32 to vector<16xi32>
        %min3A_712 = arith.minsi %get3A_709, %min3A_711 : vector<16xi32>
        %add3A_713 = vector.broadcast %add3A_3 : i32 to vector<16xi32>
        %add3A_714 = arith.addi %min3A_712, %add3A_713 : vector<16xi32>
        %swap3A_715 = arith.constant 32 : index
        %swap3A_716 = tpu.vector_load %arg10[%swap3A_715] {strides = array<i32>} : memref<64xi32, #tpu.memory_space<vmem>>, vector<16xi32>,
        %swap3A_717 = vector.shape_cast %swap3A_716 : vector<16xi32> to vector<16xi32>
        %swap3A_718 = vector.shape_cast %add3A_714 : vector<16xi32> to vector<16xi32>
        tpu.vector_store %arg10[%swap3A_715], %swap3A_718 {strides = array<i32>} : memref<64xi32, #tpu.memory_space<vmem>>, vector<16xi32>,
        %get3A_719 = arith.index_cast %scan3A_633 : i32 to index
        %get3A_720 = arith.constant 32 : index
        %get3A_721 = tpu.vector_load %arg8[%get3A_719, %get3A_720] {strides = array<i32>} : memref<8x64xi32, #tpu.memory_space<vmem>>, vector<1x16xi32>,
        %get3A_722 = vector.shape_cast %get3A_721 : vector<1x16xi32> to vector<16xi32>
        %swap3A_723 = arith.constant 32 : index
        %swap3A_724 = tpu.vector_load %arg11[%swap3A_723] {strides = array<i32>} : memref<64xi32, #tpu.memory_space<vmem>>, vector<16xi32>,
        %swap3A_725 = vector.shape_cast %swap3A_724 : vector<16xi32> to vector<16xi32>
        %swap3A_726 = vector.shape_cast %get3A_722 : vector<16xi32> to vector<16xi32>
        tpu.vector_store %arg11[%swap3A_723], %swap3A_726 {strides = array<i32>} : memref<64xi32, #tpu.memory_space<vmem>>, vector<16xi32>,
        %get3A_727 = arith.index_cast %scan3A_633 : i32 to index
        %get3A_728 = arith.constant 48 : index
        %get3A_729 = tpu.vector_load %arg7[%get3A_727, %get3A_728] {strides = array<i32>} : memref<8x64xi32, #tpu.memory_space<vmem>>, vector<1x16xi32>,
        %get3A_730 = vector.shape_cast %get3A_729 : vector<1x16xi32> to vector<16xi32>
        %add3A_731 = vector.broadcast %mul3A_0 : i32 to vector<16xi32>
        %add3A_732 = arith.addi %get3A_730, %add3A_731 : vector<16xi32>
        %swap3A_733 = arith.constant 48 : index
        %swap3A_734 = tpu.vector_load %arg9[%swap3A_733] {strides = array<i32>} : memref<64xi32, #tpu.memory_space<vmem>>, vector<16xi32>,
        %swap3A_735 = vector.shape_cast %swap3A_734 : vector<16xi32> to vector<16xi32>
        %swap3A_736 = vector.shape_cast %add3A_732 : vector<16xi32> to vector<16xi32>
        tpu.vector_store %arg9[%swap3A_733], %swap3A_736 {strides = array<i32>} : memref<64xi32, #tpu.memory_space<vmem>>, vector<16xi32>,
        %get3A_737 = arith.index_cast %scan3A_633 : i32 to index
        %get3A_738 = arith.constant 48 : index
        %get3A_739 = tpu.vector_load %arg8[%get3A_737, %get3A_738] {strides = array<i32>} : memref<8x64xi32, #tpu.memory_space<vmem>>, vector<1x16xi32>,
        %get3A_740 = vector.shape_cast %get3A_739 : vector<1x16xi32> to vector<16xi32>
        %min3A_741 = arith.constant 9999 : i32
        %min3A_742 = vector.broadcast %min3A_741 : i32 to vector<16xi32>
        %min3A_743 = arith.minsi %get3A_740, %min3A_742 : vector<16xi32>
        %add3A_744 = vector.broadcast %add3A_3 : i32 to vector<16xi32>
        %add3A_745 = arith.addi %min3A_743, %add3A_744 : vector<16xi32>
        %swap3A_746 = arith.constant 48 : index
        %swap3A_747 = tpu.vector_load %arg10[%swap3A_746] {strides = array<i32>} : memref<64xi32, #tpu.memory_space<vmem>>, vector<16xi32>,
        %swap3A_748 = vector.shape_cast %swap3A_747 : vector<16xi32> to vector<16xi32>
        %swap3A_749 = vector.shape_cast %add3A_745 : vector<16xi32> to vector<16xi32>
        tpu.vector_store %arg10[%swap3A_746], %swap3A_749 {strides = array<i32>} : memref<64xi32, #tpu.memory_space<vmem>>, vector<16xi32>,
        %get3A_750 = arith.index_cast %scan3A_633 : i32 to index
        %get3A_751 = arith.constant 48 : index
        %get3A_752 = tpu.vector_load %arg8[%get3A_750, %get3A_751] {strides = array<i32>} : memref<8x64xi32, #tpu.memory_space<vmem>>, vector<1x16xi32>,
        %get3A_753 = vector.shape_cast %get3A_752 : vector<1x16xi32> to vector<16xi32>
        %swap3A_754 = arith.constant 48 : index
        %swap3A_755 = tpu.vector_load %arg11[%swap3A_754] {strides = array<i32>} : memref<64xi32, #tpu.memory_space<vmem>>, vector<16xi32>,
        %swap3A_756 = vector.shape_cast %swap3A_755 : vector<16xi32> to vector<16xi32>
        %swap3A_757 = vector.shape_cast %get3A_753 : vector<16xi32> to vector<16xi32>
        tpu.vector_store %arg11[%swap3A_754], %swap3A_757 {strides = array<i32>} : memref<64xi32, #tpu.memory_space<vmem>>, vector<16xi32>,
        %dma_start3A = arith.constant 0 : i32
        %dma_start3A_758 = arith.constant 0 : i32
        %dma_start3A_759 = tpu.memref_slice %arg2[%dma_start3A, %dma_start3A_758] : memref<40000x128xf32, #tpu.memory_space<hbm>> -> memref<40000x128xf32, #tpu.memory_space<hbm>>
        tpu.enqueue_indirect_dma source(%dma_start3A_759 : memref<40000x128xf32, #tpu.memory_space<hbm>>) target(%arg12 : memref<64x128xf32, #tpu.memory_space<vmem>>) offsets(%arg9 : memref<64xi32, #tpu.memory_space<vmem>>) semaphore(%arg17 : memref<!tpu.dma_semaphore, #tpu.memory_space<semaphore_mem>>)
        %dma_start3A_760 = arith.constant 0 : i32
        %dma_start3A_761 = arith.constant 0 : i32
        %dma_start3A_762 = tpu.memref_slice %arg2[%dma_start3A_760, %dma_start3A_761] : memref<40000x128xf32, #tpu.memory_space<hbm>> -> memref<40000x128xf32, #tpu.memory_space<hbm>>
        tpu.enqueue_indirect_dma source(%dma_start3A_762 : memref<40000x128xf32, #tpu.memory_space<hbm>>) target(%arg13 : memref<64x128xf32, #tpu.memory_space<vmem>>) offsets(%arg10 : memref<64xi32, #tpu.memory_space<vmem>>) semaphore(%arg18 : memref<!tpu.dma_semaphore, #tpu.memory_space<semaphore_mem>>)
        %mul3A_763 = arith.constant 64 : i32
        %mul3A_764 = arith.muli %add3A_636, %mul3A_763 : i32
        %add3A_765 = arith.addi %add3A_174, %mul3A_764 : i32
        %dma_start3A_766 = arith.constant 0 : i32
        %dma_start3A_767 = tpu.memref_slice %arg3[%add3A_765, %dma_start3A_766] : memref<655360x128xf32, #tpu.memory_space<hbm>> -> memref<64x128xf32, #tpu.memory_space<hbm>>
        %dma_start3A_768 = arith.constant 0 : i32
        %dma_start3A_769 = tpu.memref_slice %arg3[%add3A_765, %dma_start3A_768] : memref<655360x128xf32, #tpu.memory_space<hbm>> -> memref<64x128xf32, #tpu.memory_space<hbm>>
        tpu.enqueue_dma source(%dma_start3A_769 : memref<64x128xf32, #tpu.memory_space<hbm>>) target(%arg14 : memref<64x128xf32, #tpu.memory_space<vmem>>) target_semaphore(%arg19 : memref<!tpu.dma_semaphore, #tpu.memory_space<semaphore_mem>>)
        %dma_wait3A = arith.constant 0 : i32
        %dma_wait3A_770 = arith.constant 0 : i32
        %dma_wait3A_771 = tpu.memref_slice %arg2[%dma_wait3A, %dma_wait3A_770] : memref<40000x128xf32, #tpu.memory_space<hbm>> -> memref<40000x128xf32, #tpu.memory_space<hbm>>
        tpu.wait_indirect_dma semaphore(%arg17 : memref<!tpu.dma_semaphore, #tpu.memory_space<semaphore_mem>>) src(%dma_wait3A_771 : memref<40000x128xf32, #tpu.memory_space<hbm>>) dst(%arg12 : memref<64x128xf32, #tpu.memory_space<vmem>>)
        %dma_wait3A_772 = arith.constant 0 : i32
        %dma_wait3A_773 = arith.constant 0 : i32
        %dma_wait3A_774 = tpu.memref_slice %arg2[%dma_wait3A_772, %dma_wait3A_773] : memref<40000x128xf32, #tpu.memory_space<hbm>> -> memref<40000x128xf32, #tpu.memory_space<hbm>>
        tpu.wait_indirect_dma semaphore(%arg18 : memref<!tpu.dma_semaphore, #tpu.memory_space<semaphore_mem>>) src(%dma_wait3A_774 : memref<40000x128xf32, #tpu.memory_space<hbm>>) dst(%arg13 : memref<64x128xf32, #tpu.memory_space<vmem>>)
        %dma_wait3A_775 = arith.constant 0 : i32
        %dma_wait3A_776 = tpu.memref_slice %arg3[%add3A_765, %dma_wait3A_775] : memref<655360x128xf32, #tpu.memory_space<hbm>> -> memref<64x128xf32, #tpu.memory_space<hbm>>
        %dma_wait3A_777 = arith.constant 0 : i32
        %dma_wait3A_778 = tpu.memref_slice %arg3[%add3A_765, %dma_wait3A_777] : memref<655360x128xf32, #tpu.memory_space<hbm>> -> memref<64x128xf32, #tpu.memory_space<hbm>>
        tpu.wait_dma2 semaphore(%arg19 : memref<!tpu.dma_semaphore, #tpu.memory_space<semaphore_mem>>) src(%dma_wait3A_778 : memref<64x128xf32, #tpu.memory_space<hbm>>) dst(%arg14 : memref<64x128xf32, #tpu.memory_space<vmem>>)
        %scan3A_779 = arith.constant 0 : i32
        %scan3A_780 = arith.constant 0 : i32
        %scan3A_781 = arith.constant 64 : i32
        %scan3A_782 = arith.addi %scan3A_780, %scan3A_781 : i32
        %scan3A_783 = arith.constant 1 : i32
        scf.for %scan3A_785 = %scan3A_780 to %scan3A_782 step %scan3A_783  : i32 {
          %get3A_786 = arith.index_cast %scan3A_785 : i32 to index
          %get3A_787 = arith.constant 0 : index
          %get3A_788 = tpu.vector_load %arg12[%get3A_786, %get3A_787] {strides = array<i32>} : memref<64x128xf32, #tpu.memory_space<vmem>>, vector<1x16xf32>,
          %get3A_789 = vector.shape_cast %get3A_788 : vector<1x16xf32> to vector<16xf32>
          %get3A_790 = arith.index_cast %scan3A_785 : i32 to index
          %get3A_791 = arith.constant 0 : index
          %get3A_792 = tpu.vector_load %arg13[%get3A_790, %get3A_791] {strides = array<i32>} : memref<64x128xf32, #tpu.memory_space<vmem>>, vector<1x16xf32>,
          %get3A_793 = vector.shape_cast %get3A_792 : vector<1x16xf32> to vector<16xf32>
          %add3A_794 = arith.addf %get3A_789, %get3A_793 : vector<16xf32>
          %get3A_795 = arith.index_cast %scan3A_785 : i32 to index
          %get3A_796 = arith.constant 0 : index
          %get3A_797 = tpu.vector_load %arg14[%get3A_795, %get3A_796] {strides = array<i32>} : memref<64x128xf32, #tpu.memory_space<vmem>>, vector<1x16xf32>,
          %get3A_798 = vector.shape_cast %get3A_797 : vector<1x16xf32> to vector<16xf32>
          %add3A_799 = arith.addf %add3A_794, %get3A_798 : vector<16xf32>
          %max3A = arith.constant 0.000000e+00 : f32
          %max3A_800 = vector.broadcast %max3A : f32 to vector<16xf32>
          %max3A_801 = arith.maximumf %add3A_799, %max3A_800 : vector<16xf32>
          %swap3A_802 = arith.index_cast %scan3A_785 : i32 to index
          %swap3A_803 = arith.constant 0 : index
          %swap3A_804 = tpu.vector_load %arg12[%swap3A_802, %swap3A_803] {strides = array<i32>} : memref<64x128xf32, #tpu.memory_space<vmem>>, vector<1x16xf32>,
          %swap3A_805 = vector.shape_cast %swap3A_804 : vector<1x16xf32> to vector<16xf32>
          %swap3A_806 = vector.shape_cast %max3A_801 : vector<16xf32> to vector<1x16xf32>
          tpu.vector_store %arg12[%swap3A_802, %swap3A_803], %swap3A_806 {strides = array<i32>} : memref<64x128xf32, #tpu.memory_space<vmem>>, vector<1x16xf32>,
          %get3A_807 = arith.index_cast %scan3A_785 : i32 to index
          %get3A_808 = arith.constant 16 : index
          %get3A_809 = tpu.vector_load %arg12[%get3A_807, %get3A_808] {strides = array<i32>} : memref<64x128xf32, #tpu.memory_space<vmem>>, vector<1x16xf32>,
          %get3A_810 = vector.shape_cast %get3A_809 : vector<1x16xf32> to vector<16xf32>
          %get3A_811 = arith.index_cast %scan3A_785 : i32 to index
          %get3A_812 = arith.constant 16 : index
          %get3A_813 = tpu.vector_load %arg13[%get3A_811, %get3A_812] {strides = array<i32>} : memref<64x128xf32, #tpu.memory_space<vmem>>, vector<1x16xf32>,
          %get3A_814 = vector.shape_cast %get3A_813 : vector<1x16xf32> to vector<16xf32>
          %add3A_815 = arith.addf %get3A_810, %get3A_814 : vector<16xf32>
          %get3A_816 = arith.index_cast %scan3A_785 : i32 to index
          %get3A_817 = arith.constant 16 : index
          %get3A_818 = tpu.vector_load %arg14[%get3A_816, %get3A_817] {strides = array<i32>} : memref<64x128xf32, #tpu.memory_space<vmem>>, vector<1x16xf32>,
          %get3A_819 = vector.shape_cast %get3A_818 : vector<1x16xf32> to vector<16xf32>
          %add3A_820 = arith.addf %add3A_815, %get3A_819 : vector<16xf32>
          %max3A_821 = arith.constant 0.000000e+00 : f32
          %max3A_822 = vector.broadcast %max3A_821 : f32 to vector<16xf32>
          %max3A_823 = arith.maximumf %add3A_820, %max3A_822 : vector<16xf32>
          %swap3A_824 = arith.index_cast %scan3A_785 : i32 to index
          %swap3A_825 = arith.constant 16 : index
          %swap3A_826 = tpu.vector_load %arg12[%swap3A_824, %swap3A_825] {strides = array<i32>} : memref<64x128xf32, #tpu.memory_space<vmem>>, vector<1x16xf32>,
          %swap3A_827 = vector.shape_cast %swap3A_826 : vector<1x16xf32> to vector<16xf32>
          %swap3A_828 = vector.shape_cast %max3A_823 : vector<16xf32> to vector<1x16xf32>
          tpu.vector_store %arg12[%swap3A_824, %swap3A_825], %swap3A_828 {strides = array<i32>} : memref<64x128xf32, #tpu.memory_space<vmem>>, vector<1x16xf32>,
          %get3A_829 = arith.index_cast %scan3A_785 : i32 to index
          %get3A_830 = arith.constant 32 : index
          %get3A_831 = tpu.vector_load %arg12[%get3A_829, %get3A_830] {strides = array<i32>} : memref<64x128xf32, #tpu.memory_space<vmem>>, vector<1x16xf32>,
          %get3A_832 = vector.shape_cast %get3A_831 : vector<1x16xf32> to vector<16xf32>
          %get3A_833 = arith.index_cast %scan3A_785 : i32 to index
          %get3A_834 = arith.constant 32 : index
          %get3A_835 = tpu.vector_load %arg13[%get3A_833, %get3A_834] {strides = array<i32>} : memref<64x128xf32, #tpu.memory_space<vmem>>, vector<1x16xf32>,
          %get3A_836 = vector.shape_cast %get3A_835 : vector<1x16xf32> to vector<16xf32>
          %add3A_837 = arith.addf %get3A_832, %get3A_836 : vector<16xf32>
          %get3A_838 = arith.index_cast %scan3A_785 : i32 to index
          %get3A_839 = arith.constant 32 : index
          %get3A_840 = tpu.vector_load %arg14[%get3A_838, %get3A_839] {strides = array<i32>} : memref<64x128xf32, #tpu.memory_space<vmem>>, vector<1x16xf32>,
          %get3A_841 = vector.shape_cast %get3A_840 : vector<1x16xf32> to vector<16xf32>
          %add3A_842 = arith.addf %add3A_837, %get3A_841 : vector<16xf32>
          %max3A_843 = arith.constant 0.000000e+00 : f32
          %max3A_844 = vector.broadcast %max3A_843 : f32 to vector<16xf32>
          %max3A_845 = arith.maximumf %add3A_842, %max3A_844 : vector<16xf32>
          %swap3A_846 = arith.index_cast %scan3A_785 : i32 to index
          %swap3A_847 = arith.constant 32 : index
          %swap3A_848 = tpu.vector_load %arg12[%swap3A_846, %swap3A_847] {strides = array<i32>} : memref<64x128xf32, #tpu.memory_space<vmem>>, vector<1x16xf32>,
          %swap3A_849 = vector.shape_cast %swap3A_848 : vector<1x16xf32> to vector<16xf32>
          %swap3A_850 = vector.shape_cast %max3A_845 : vector<16xf32> to vector<1x16xf32>
          tpu.vector_store %arg12[%swap3A_846, %swap3A_847], %swap3A_850 {strides = array<i32>} : memref<64x128xf32, #tpu.memory_space<vmem>>, vector<1x16xf32>,
          %get3A_851 = arith.index_cast %scan3A_785 : i32 to index
          %get3A_852 = arith.constant 48 : index
          %get3A_853 = tpu.vector_load %arg12[%get3A_851, %get3A_852] {strides = array<i32>} : memref<64x128xf32, #tpu.memory_space<vmem>>, vector<1x16xf32>,
          %get3A_854 = vector.shape_cast %get3A_853 : vector<1x16xf32> to vector<16xf32>
          %get3A_855 = arith.index_cast %scan3A_785 : i32 to index
          %get3A_856 = arith.constant 48 : index
          %get3A_857 = tpu.vector_load %arg13[%get3A_855, %get3A_856] {strides = array<i32>} : memref<64x128xf32, #tpu.memory_space<vmem>>, vector<1x16xf32>,
          %get3A_858 = vector.shape_cast %get3A_857 : vector<1x16xf32> to vector<16xf32>
          %add3A_859 = arith.addf %get3A_854, %get3A_858 : vector<16xf32>
          %get3A_860 = arith.index_cast %scan3A_785 : i32 to index
          %get3A_861 = arith.constant 48 : index
          %get3A_862 = tpu.vector_load %arg14[%get3A_860, %get3A_861] {strides = array<i32>} : memref<64x128xf32, #tpu.memory_space<vmem>>, vector<1x16xf32>,
          %get3A_863 = vector.shape_cast %get3A_862 : vector<1x16xf32> to vector<16xf32>
          %add3A_864 = arith.addf %add3A_859, %get3A_863 : vector<16xf32>
          %max3A_865 = arith.constant 0.000000e+00 : f32
          %max3A_866 = vector.broadcast %max3A_865 : f32 to vector<16xf32>
          %max3A_867 = arith.maximumf %add3A_864, %max3A_866 : vector<16xf32>
          %swap3A_868 = arith.index_cast %scan3A_785 : i32 to index
          %swap3A_869 = arith.constant 48 : index
          %swap3A_870 = tpu.vector_load %arg12[%swap3A_868, %swap3A_869] {strides = array<i32>} : memref<64x128xf32, #tpu.memory_space<vmem>>, vector<1x16xf32>,
          %swap3A_871 = vector.shape_cast %swap3A_870 : vector<1x16xf32> to vector<16xf32>
          %swap3A_872 = vector.shape_cast %max3A_867 : vector<16xf32> to vector<1x16xf32>
          tpu.vector_store %arg12[%swap3A_868, %swap3A_869], %swap3A_872 {strides = array<i32>} : memref<64x128xf32, #tpu.memory_space<vmem>>, vector<1x16xf32>,
          %get3A_873 = arith.index_cast %scan3A_785 : i32 to index
          %get3A_874 = arith.constant 64 : index
          %get3A_875 = tpu.vector_load %arg12[%get3A_873, %get3A_874] {strides = array<i32>} : memref<64x128xf32, #tpu.memory_space<vmem>>, vector<1x16xf32>,
          %get3A_876 = vector.shape_cast %get3A_875 : vector<1x16xf32> to vector<16xf32>
          %get3A_877 = arith.index_cast %scan3A_785 : i32 to index
          %get3A_878 = arith.constant 64 : index
          %get3A_879 = tpu.vector_load %arg13[%get3A_877, %get3A_878] {strides = array<i32>} : memref<64x128xf32, #tpu.memory_space<vmem>>, vector<1x16xf32>,
          %get3A_880 = vector.shape_cast %get3A_879 : vector<1x16xf32> to vector<16xf32>
          %add3A_881 = arith.addf %get3A_876, %get3A_880 : vector<16xf32>
          %get3A_882 = arith.index_cast %scan3A_785 : i32 to index
          %get3A_883 = arith.constant 64 : index
          %get3A_884 = tpu.vector_load %arg14[%get3A_882, %get3A_883] {strides = array<i32>} : memref<64x128xf32, #tpu.memory_space<vmem>>, vector<1x16xf32>,
          %get3A_885 = vector.shape_cast %get3A_884 : vector<1x16xf32> to vector<16xf32>
          %add3A_886 = arith.addf %add3A_881, %get3A_885 : vector<16xf32>
          %max3A_887 = arith.constant 0.000000e+00 : f32
          %max3A_888 = vector.broadcast %max3A_887 : f32 to vector<16xf32>
          %max3A_889 = arith.maximumf %add3A_886, %max3A_888 : vector<16xf32>
          %swap3A_890 = arith.index_cast %scan3A_785 : i32 to index
          %swap3A_891 = arith.constant 64 : index
          %swap3A_892 = tpu.vector_load %arg12[%swap3A_890, %swap3A_891] {strides = array<i32>} : memref<64x128xf32, #tpu.memory_space<vmem>>, vector<1x16xf32>,
          %swap3A_893 = vector.shape_cast %swap3A_892 : vector<1x16xf32> to vector<16xf32>
          %swap3A_894 = vector.shape_cast %max3A_889 : vector<16xf32> to vector<1x16xf32>
          tpu.vector_store %arg12[%swap3A_890, %swap3A_891], %swap3A_894 {strides = array<i32>} : memref<64x128xf32, #tpu.memory_space<vmem>>, vector<1x16xf32>,
          %get3A_895 = arith.index_cast %scan3A_785 : i32 to index
          %get3A_896 = arith.constant 80 : index
          %get3A_897 = tpu.vector_load %arg12[%get3A_895, %get3A_896] {strides = array<i32>} : memref<64x128xf32, #tpu.memory_space<vmem>>, vector<1x16xf32>,
          %get3A_898 = vector.shape_cast %get3A_897 : vector<1x16xf32> to vector<16xf32>
          %get3A_899 = arith.index_cast %scan3A_785 : i32 to index
          %get3A_900 = arith.constant 80 : index
          %get3A_901 = tpu.vector_load %arg13[%get3A_899, %get3A_900] {strides = array<i32>} : memref<64x128xf32, #tpu.memory_space<vmem>>, vector<1x16xf32>,
          %get3A_902 = vector.shape_cast %get3A_901 : vector<1x16xf32> to vector<16xf32>
          %add3A_903 = arith.addf %get3A_898, %get3A_902 : vector<16xf32>
          %get3A_904 = arith.index_cast %scan3A_785 : i32 to index
          %get3A_905 = arith.constant 80 : index
          %get3A_906 = tpu.vector_load %arg14[%get3A_904, %get3A_905] {strides = array<i32>} : memref<64x128xf32, #tpu.memory_space<vmem>>, vector<1x16xf32>,
          %get3A_907 = vector.shape_cast %get3A_906 : vector<1x16xf32> to vector<16xf32>
          %add3A_908 = arith.addf %add3A_903, %get3A_907 : vector<16xf32>
          %max3A_909 = arith.constant 0.000000e+00 : f32
          %max3A_910 = vector.broadcast %max3A_909 : f32 to vector<16xf32>
          %max3A_911 = arith.maximumf %add3A_908, %max3A_910 : vector<16xf32>
          %swap3A_912 = arith.index_cast %scan3A_785 : i32 to index
          %swap3A_913 = arith.constant 80 : index
          %swap3A_914 = tpu.vector_load %arg12[%swap3A_912, %swap3A_913] {strides = array<i32>} : memref<64x128xf32, #tpu.memory_space<vmem>>, vector<1x16xf32>,
          %swap3A_915 = vector.shape_cast %swap3A_914 : vector<1x16xf32> to vector<16xf32>
          %swap3A_916 = vector.shape_cast %max3A_911 : vector<16xf32> to vector<1x16xf32>
          tpu.vector_store %arg12[%swap3A_912, %swap3A_913], %swap3A_916 {strides = array<i32>} : memref<64x128xf32, #tpu.memory_space<vmem>>, vector<1x16xf32>,
          %get3A_917 = arith.index_cast %scan3A_785 : i32 to index
          %get3A_918 = arith.constant 96 : index
          %get3A_919 = tpu.vector_load %arg12[%get3A_917, %get3A_918] {strides = array<i32>} : memref<64x128xf32, #tpu.memory_space<vmem>>, vector<1x16xf32>,
          %get3A_920 = vector.shape_cast %get3A_919 : vector<1x16xf32> to vector<16xf32>
          %get3A_921 = arith.index_cast %scan3A_785 : i32 to index
          %get3A_922 = arith.constant 96 : index
          %get3A_923 = tpu.vector_load %arg13[%get3A_921, %get3A_922] {strides = array<i32>} : memref<64x128xf32, #tpu.memory_space<vmem>>, vector<1x16xf32>,
          %get3A_924 = vector.shape_cast %get3A_923 : vector<1x16xf32> to vector<16xf32>
          %add3A_925 = arith.addf %get3A_920, %get3A_924 : vector<16xf32>
          %get3A_926 = arith.index_cast %scan3A_785 : i32 to index
          %get3A_927 = arith.constant 96 : index
          %get3A_928 = tpu.vector_load %arg14[%get3A_926, %get3A_927] {strides = array<i32>} : memref<64x128xf32, #tpu.memory_space<vmem>>, vector<1x16xf32>,
          %get3A_929 = vector.shape_cast %get3A_928 : vector<1x16xf32> to vector<16xf32>
          %add3A_930 = arith.addf %add3A_925, %get3A_929 : vector<16xf32>
          %max3A_931 = arith.constant 0.000000e+00 : f32
          %max3A_932 = vector.broadcast %max3A_931 : f32 to vector<16xf32>
          %max3A_933 = arith.maximumf %add3A_930, %max3A_932 : vector<16xf32>
          %swap3A_934 = arith.index_cast %scan3A_785 : i32 to index
          %swap3A_935 = arith.constant 96 : index
          %swap3A_936 = tpu.vector_load %arg12[%swap3A_934, %swap3A_935] {strides = array<i32>} : memref<64x128xf32, #tpu.memory_space<vmem>>, vector<1x16xf32>,
          %swap3A_937 = vector.shape_cast %swap3A_936 : vector<1x16xf32> to vector<16xf32>
          %swap3A_938 = vector.shape_cast %max3A_933 : vector<16xf32> to vector<1x16xf32>
          tpu.vector_store %arg12[%swap3A_934, %swap3A_935], %swap3A_938 {strides = array<i32>} : memref<64x128xf32, #tpu.memory_space<vmem>>, vector<1x16xf32>,
          %get3A_939 = arith.index_cast %scan3A_785 : i32 to index
          %get3A_940 = arith.constant 112 : index
          %get3A_941 = tpu.vector_load %arg12[%get3A_939, %get3A_940] {strides = array<i32>} : memref<64x128xf32, #tpu.memory_space<vmem>>, vector<1x16xf32>,
          %get3A_942 = vector.shape_cast %get3A_941 : vector<1x16xf32> to vector<16xf32>
          %get3A_943 = arith.index_cast %scan3A_785 : i32 to index
          %get3A_944 = arith.constant 112 : index
          %get3A_945 = tpu.vector_load %arg13[%get3A_943, %get3A_944] {strides = array<i32>} : memref<64x128xf32, #tpu.memory_space<vmem>>, vector<1x16xf32>,
          %get3A_946 = vector.shape_cast %get3A_945 : vector<1x16xf32> to vector<16xf32>
          %add3A_947 = arith.addf %get3A_942, %get3A_946 : vector<16xf32>
          %get3A_948 = arith.index_cast %scan3A_785 : i32 to index
          %get3A_949 = arith.constant 112 : index
          %get3A_950 = tpu.vector_load %arg14[%get3A_948, %get3A_949] {strides = array<i32>} : memref<64x128xf32, #tpu.memory_space<vmem>>, vector<1x16xf32>,
          %get3A_951 = vector.shape_cast %get3A_950 : vector<1x16xf32> to vector<16xf32>
          %add3A_952 = arith.addf %add3A_947, %get3A_951 : vector<16xf32>
          %max3A_953 = arith.constant 0.000000e+00 : f32
          %max3A_954 = vector.broadcast %max3A_953 : f32 to vector<16xf32>
          %max3A_955 = arith.maximumf %add3A_952, %max3A_954 : vector<16xf32>
          %swap3A_956 = arith.index_cast %scan3A_785 : i32 to index
          %swap3A_957 = arith.constant 112 : index
          %swap3A_958 = tpu.vector_load %arg12[%swap3A_956, %swap3A_957] {strides = array<i32>} : memref<64x128xf32, #tpu.memory_space<vmem>>, vector<1x16xf32>,
          %swap3A_959 = vector.shape_cast %swap3A_958 : vector<1x16xf32> to vector<16xf32>
          %swap3A_960 = vector.shape_cast %max3A_955 : vector<16xf32> to vector<1x16xf32>
          tpu.vector_store %arg12[%swap3A_956, %swap3A_957], %swap3A_960 {strides = array<i32>} : memref<64x128xf32, #tpu.memory_space<vmem>>, vector<1x16xf32>,
        }
        %scan3A_784 = arith.constant 64 : i32
        "tpu.region"() ({
          %run_scoped3A = tpu.sem_alloc : memref<!tpu.dma_semaphore, #tpu.memory_space<semaphore_mem>>
          %dma_start3A_785 = arith.constant 0 : i32
          %dma_start3A_786 = arith.constant 0 : i32
          %dma_start3A_787 = tpu.memref_slice %arg16[%dma_start3A_785, %dma_start3A_786] : memref<10240x128xf32, #tpu.memory_space<vmem_shared>> -> memref<10240x128xf32, #tpu.memory_space<vmem_shared>>
          tpu.enqueue_indirect_dma source(%arg12 : memref<64x128xf32, #tpu.memory_space<vmem>>) target(%dma_start3A_787 : memref<10240x128xf32, #tpu.memory_space<vmem_shared>>) offsets(%arg11 : memref<64xi32, #tpu.memory_space<vmem>>) semaphore(%run_scoped3A : memref<!tpu.dma_semaphore, #tpu.memory_space<semaphore_mem>>) {add = true}
          %dma_wait3A_788 = arith.constant 0 : i32
          %dma_wait3A_789 = arith.constant 0 : i32
          %dma_wait3A_790 = tpu.memref_slice %arg16[%dma_wait3A_788, %dma_wait3A_789] : memref<10240x128xf32, #tpu.memory_space<vmem_shared>> -> memref<10240x128xf32, #tpu.memory_space<vmem_shared>>
          tpu.wait_indirect_dma semaphore(%run_scoped3A : memref<!tpu.dma_semaphore, #tpu.memory_space<semaphore_mem>>) src(%arg12 : memref<64x128xf32, #tpu.memory_space<vmem>>) dst(%dma_wait3A_790 : memref<10240x128xf32, #tpu.memory_space<vmem_shared>>)
          tpu.yield
        }) : () -> ()
      }
      %scan3A_632 = arith.constant 8 : i32
    }
    %scan3A_182 = arith.constant 40 : i32
    %barrier3A_183 = arith.constant 0 : index
    tpu.barrier barrier_id(%barrier3A_183)
    %mul3A_184 = arith.constant 640 : i32
    %mul3A_185 = arith.muli %arg1, %mul3A_184 : i32
    %add3A_186 = arith.constant 0 : i32
    %add3A_187 = arith.addi %mul3A_185, %add3A_186 : i32
    "tpu.region"() ({
      %run_scoped3A = tpu.sem_alloc : memref<!tpu.dma_semaphore, #tpu.memory_space<semaphore_mem>>
      %dma_start3A = arith.constant 0 : i32
      %dma_start3A_624 = tpu.memref_slice %arg16[%add3A_187, %dma_start3A] : memref<10240x128xf32, #tpu.memory_space<vmem_shared>> -> memref<16x128xf32, #tpu.memory_space<vmem_shared>>
      %dma_start3A_625 = arith.constant 0 : i32
      %dma_start3A_626 = tpu.memref_slice %arg16[%add3A_187, %dma_start3A_625] : memref<10240x128xf32, #tpu.memory_space<vmem_shared>> -> memref<16x128xf32, #tpu.memory_space<vmem_shared>>
      tpu.enqueue_dma source(%dma_start3A_626 : memref<16x128xf32, #tpu.memory_space<vmem_shared>>) target(%arg15 : memref<16x128xf32, #tpu.memory_space<vmem>>) target_semaphore(%run_scoped3A : memref<!tpu.dma_semaphore, #tpu.memory_space<semaphore_mem>>)
      %dma_wait3A = arith.constant 0 : i32
      %dma_wait3A_627 = tpu.memref_slice %arg16[%add3A_187, %dma_wait3A] : memref<10240x128xf32, #tpu.memory_space<vmem_shared>> -> memref<16x128xf32, #tpu.memory_space<vmem_shared>>
      %dma_wait3A_628 = arith.constant 0 : i32
      %dma_wait3A_629 = tpu.memref_slice %arg16[%add3A_187, %dma_wait3A_628] : memref<10240x128xf32, #tpu.memory_space<vmem_shared>> -> memref<16x128xf32, #tpu.memory_space<vmem_shared>>
      tpu.wait_dma2 semaphore(%run_scoped3A : memref<!tpu.dma_semaphore, #tpu.memory_space<semaphore_mem>>) src(%dma_wait3A_629 : memref<16x128xf32, #tpu.memory_space<vmem_shared>>) dst(%arg15 : memref<16x128xf32, #tpu.memory_space<vmem>>)
      tpu.yield
    }) : () -> ()
    %mul3A_188 = arith.constant 10240 : i32
    %mul3A_189 = arith.muli %arg0, %mul3A_188 : i32
    %mul3A_190 = arith.constant 640 : i32
    %mul3A_191 = arith.muli %arg1, %mul3A_190 : i32
    %add3A_192 = arith.addi %mul3A_189, %mul3A_191 : i32
    %add3A_193 = arith.constant 0 : i32
    %add3A_194 = arith.addi %add3A_192, %add3A_193 : i32
    "tpu.region"() ({
      %run_scoped3A = tpu.sem_alloc : memref<!tpu.dma_semaphore, #tpu.memory_space<semaphore_mem>>
      %dma_start3A = arith.constant 0 : i32
      %dma_start3A_624 = tpu.memref_slice %arg6[%add3A_194, %dma_start3A] : memref<20480x128xf32, #tpu.memory_space<hbm>> -> memref<16x128xf32, #tpu.memory_space<hbm>>
      %dma_start3A_625 = arith.constant 0 : i32
      %dma_start3A_626 = tpu.memref_slice %arg6[%add3A_194, %dma_start3A_625] : memref<20480x128xf32, #tpu.memory_space<hbm>> -> memref<16x128xf32, #tpu.memory_space<hbm>>
      tpu.enqueue_dma source(%arg15 : memref<16x128xf32, #tpu.memory_space<vmem>>) target(%dma_start3A_626 : memref<16x128xf32, #tpu.memory_space<hbm>>) target_semaphore(%run_scoped3A : memref<!tpu.dma_semaphore, #tpu.memory_space<semaphore_mem>>)
      %dma_wait3A = arith.constant 0 : i32
      %dma_wait3A_627 = tpu.memref_slice %arg6[%add3A_194, %dma_wait3A] : memref<20480x128xf32, #tpu.memory_space<hbm>> -> memref<16x128xf32, #tpu.memory_space<hbm>>
      %dma_wait3A_628 = arith.constant 0 : i32
      %dma_wait3A_629 = tpu.memref_slice %arg6[%add3A_194, %dma_wait3A_628] : memref<20480x128xf32, #tpu.memory_space<hbm>> -> memref<16x128xf32, #tpu.memory_space<hbm>>
      tpu.wait_dma2 semaphore(%run_scoped3A : memref<!tpu.dma_semaphore, #tpu.memory_space<semaphore_mem>>) src(%arg15 : memref<16x128xf32, #tpu.memory_space<vmem>>) dst(%dma_wait3A_629 : memref<16x128xf32, #tpu.memory_space<hbm>>)
      tpu.yield
    }) : () -> ()
    %mul3A_195 = arith.constant 640 : i32
    %mul3A_196 = arith.muli %arg1, %mul3A_195 : i32
    %add3A_197 = arith.constant 16 : i32
    %add3A_198 = arith.addi %mul3A_196, %add3A_197 : i32
    "tpu.region"() ({
      %run_scoped3A = tpu.sem_alloc : memref<!tpu.dma_semaphore, #tpu.memory_space<semaphore_mem>>
      %dma_start3A = arith.constant 0 : i32
      %dma_start3A_624 = tpu.memref_slice %arg16[%add3A_198, %dma_start3A] : memref<10240x128xf32, #tpu.memory_space<vmem_shared>> -> memref<16x128xf32, #tpu.memory_space<vmem_shared>>
      %dma_start3A_625 = arith.constant 0 : i32
      %dma_start3A_626 = tpu.memref_slice %arg16[%add3A_198, %dma_start3A_625] : memref<10240x128xf32, #tpu.memory_space<vmem_shared>> -> memref<16x128xf32, #tpu.memory_space<vmem_shared>>
      tpu.enqueue_dma source(%dma_start3A_626 : memref<16x128xf32, #tpu.memory_space<vmem_shared>>) target(%arg15 : memref<16x128xf32, #tpu.memory_space<vmem>>) target_semaphore(%run_scoped3A : memref<!tpu.dma_semaphore, #tpu.memory_space<semaphore_mem>>)
      %dma_wait3A = arith.constant 0 : i32
      %dma_wait3A_627 = tpu.memref_slice %arg16[%add3A_198, %dma_wait3A] : memref<10240x128xf32, #tpu.memory_space<vmem_shared>> -> memref<16x128xf32, #tpu.memory_space<vmem_shared>>
      %dma_wait3A_628 = arith.constant 0 : i32
      %dma_wait3A_629 = tpu.memref_slice %arg16[%add3A_198, %dma_wait3A_628] : memref<10240x128xf32, #tpu.memory_space<vmem_shared>> -> memref<16x128xf32, #tpu.memory_space<vmem_shared>>
      tpu.wait_dma2 semaphore(%run_scoped3A : memref<!tpu.dma_semaphore, #tpu.memory_space<semaphore_mem>>) src(%dma_wait3A_629 : memref<16x128xf32, #tpu.memory_space<vmem_shared>>) dst(%arg15 : memref<16x128xf32, #tpu.memory_space<vmem>>)
      tpu.yield
    }) : () -> ()
    %mul3A_199 = arith.constant 10240 : i32
    %mul3A_200 = arith.muli %arg0, %mul3A_199 : i32
    %mul3A_201 = arith.constant 640 : i32
    %mul3A_202 = arith.muli %arg1, %mul3A_201 : i32
    %add3A_203 = arith.addi %mul3A_200, %mul3A_202 : i32
    %add3A_204 = arith.constant 16 : i32
    %add3A_205 = arith.addi %add3A_203, %add3A_204 : i32
    "tpu.region"() ({
      %run_scoped3A = tpu.sem_alloc : memref<!tpu.dma_semaphore, #tpu.memory_space<semaphore_mem>>
      %dma_start3A = arith.constant 0 : i32
      %dma_start3A_624 = tpu.memref_slice %arg6[%add3A_205, %dma_start3A] : memref<20480x128xf32, #tpu.memory_space<hbm>> -> memref<16x128xf32, #tpu.memory_space<hbm>>
      %dma_start3A_625 = arith.constant 0 : i32
      %dma_start3A_626 = tpu.memref_slice %arg6[%add3A_205, %dma_start3A_625] : memref<20480x128xf32, #tpu.memory_space<hbm>> -> memref<16x128xf32, #tpu.memory_space<hbm>>
      tpu.enqueue_dma source(%arg15 : memref<16x128xf32, #tpu.memory_space<vmem>>) target(%dma_start3A_626 : memref<16x128xf32, #tpu.memory_space<hbm>>) target_semaphore(%run_scoped3A : memref<!tpu.dma_semaphore, #tpu.memory_space<semaphore_mem>>)
      %dma_wait3A = arith.constant 0 : i32
      %dma_wait3A_627 = tpu.memref_slice %arg6[%add3A_205, %dma_wait3A] : memref<20480x128xf32, #tpu.memory_space<hbm>> -> memref<16x128xf32, #tpu.memory_space<hbm>>
      %dma_wait3A_628 = arith.constant 0 : i32
      %dma_wait3A_629 = tpu.memref_slice %arg6[%add3A_205, %dma_wait3A_628] : memref<20480x128xf32, #tpu.memory_space<hbm>> -> memref<16x128xf32, #tpu.memory_space<hbm>>
      tpu.wait_dma2 semaphore(%run_scoped3A : memref<!tpu.dma_semaphore, #tpu.memory_space<semaphore_mem>>) src(%arg15 : memref<16x128xf32, #tpu.memory_space<vmem>>) dst(%dma_wait3A_629 : memref<16x128xf32, #tpu.memory_space<hbm>>)
      tpu.yield
    }) : () -> ()
    %mul3A_206 = arith.constant 640 : i32
    %mul3A_207 = arith.muli %arg1, %mul3A_206 : i32
    %add3A_208 = arith.constant 32 : i32
    %add3A_209 = arith.addi %mul3A_207, %add3A_208 : i32
    "tpu.region"() ({
      %run_scoped3A = tpu.sem_alloc : memref<!tpu.dma_semaphore, #tpu.memory_space<semaphore_mem>>
      %dma_start3A = arith.constant 0 : i32
      %dma_start3A_624 = tpu.memref_slice %arg16[%add3A_209, %dma_start3A] : memref<10240x128xf32, #tpu.memory_space<vmem_shared>> -> memref<16x128xf32, #tpu.memory_space<vmem_shared>>
      %dma_start3A_625 = arith.constant 0 : i32
      %dma_start3A_626 = tpu.memref_slice %arg16[%add3A_209, %dma_start3A_625] : memref<10240x128xf32, #tpu.memory_space<vmem_shared>> -> memref<16x128xf32, #tpu.memory_space<vmem_shared>>
      tpu.enqueue_dma source(%dma_start3A_626 : memref<16x128xf32, #tpu.memory_space<vmem_shared>>) target(%arg15 : memref<16x128xf32, #tpu.memory_space<vmem>>) target_semaphore(%run_scoped3A : memref<!tpu.dma_semaphore, #tpu.memory_space<semaphore_mem>>)
      %dma_wait3A = arith.constant 0 : i32
      %dma_wait3A_627 = tpu.memref_slice %arg16[%add3A_209, %dma_wait3A] : memref<10240x128xf32, #tpu.memory_space<vmem_shared>> -> memref<16x128xf32, #tpu.memory_space<vmem_shared>>
      %dma_wait3A_628 = arith.constant 0 : i32
      %dma_wait3A_629 = tpu.memref_slice %arg16[%add3A_209, %dma_wait3A_628] : memref<10240x128xf32, #tpu.memory_space<vmem_shared>> -> memref<16x128xf32, #tpu.memory_space<vmem_shared>>
      tpu.wait_dma2 semaphore(%run_scoped3A : memref<!tpu.dma_semaphore, #tpu.memory_space<semaphore_mem>>) src(%dma_wait3A_629 : memref<16x128xf32, #tpu.memory_space<vmem_shared>>) dst(%arg15 : memref<16x128xf32, #tpu.memory_space<vmem>>)
      tpu.yield
    }) : () -> ()
    %mul3A_210 = arith.constant 10240 : i32
    %mul3A_211 = arith.muli %arg0, %mul3A_210 : i32
    %mul3A_212 = arith.constant 640 : i32
    %mul3A_213 = arith.muli %arg1, %mul3A_212 : i32
    %add3A_214 = arith.addi %mul3A_211, %mul3A_213 : i32
    %add3A_215 = arith.constant 32 : i32
    %add3A_216 = arith.addi %add3A_214, %add3A_215 : i32
    "tpu.region"() ({
      %run_scoped3A = tpu.sem_alloc : memref<!tpu.dma_semaphore, #tpu.memory_space<semaphore_mem>>
      %dma_start3A = arith.constant 0 : i32
      %dma_start3A_624 = tpu.memref_slice %arg6[%add3A_216, %dma_start3A] : memref<20480x128xf32, #tpu.memory_space<hbm>> -> memref<16x128xf32, #tpu.memory_space<hbm>>
      %dma_start3A_625 = arith.constant 0 : i32
      %dma_start3A_626 = tpu.memref_slice %arg6[%add3A_216, %dma_start3A_625] : memref<20480x128xf32, #tpu.memory_space<hbm>> -> memref<16x128xf32, #tpu.memory_space<hbm>>
      tpu.enqueue_dma source(%arg15 : memref<16x128xf32, #tpu.memory_space<vmem>>) target(%dma_start3A_626 : memref<16x128xf32, #tpu.memory_space<hbm>>) target_semaphore(%run_scoped3A : memref<!tpu.dma_semaphore, #tpu.memory_space<semaphore_mem>>)
      %dma_wait3A = arith.constant 0 : i32
      %dma_wait3A_627 = tpu.memref_slice %arg6[%add3A_216, %dma_wait3A] : memref<20480x128xf32, #tpu.memory_space<hbm>> -> memref<16x128xf32, #tpu.memory_space<hbm>>
      %dma_wait3A_628 = arith.constant 0 : i32
      %dma_wait3A_629 = tpu.memref_slice %arg6[%add3A_216, %dma_wait3A_628] : memref<20480x128xf32, #tpu.memory_space<hbm>> -> memref<16x128xf32, #tpu.memory_space<hbm>>
      tpu.wait_dma2 semaphore(%run_scoped3A : memref<!tpu.dma_semaphore, #tpu.memory_space<semaphore_mem>>) src(%arg15 : memref<16x128xf32, #tpu.memory_space<vmem>>) dst(%dma_wait3A_629 : memref<16x128xf32, #tpu.memory_space<hbm>>)
      tpu.yield
    }) : () -> ()
    %mul3A_217 = arith.constant 640 : i32
    %mul3A_218 = arith.muli %arg1, %mul3A_217 : i32
    %add3A_219 = arith.constant 48 : i32
    %add3A_220 = arith.addi %mul3A_218, %add3A_219 : i32
    "tpu.region"() ({
      %run_scoped3A = tpu.sem_alloc : memref<!tpu.dma_semaphore, #tpu.memory_space<semaphore_mem>>
      %dma_start3A = arith.constant 0 : i32
      %dma_start3A_624 = tpu.memref_slice %arg16[%add3A_220, %dma_start3A] : memref<10240x128xf32, #tpu.memory_space<vmem_shared>> -> memref<16x128xf32, #tpu.memory_space<vmem_shared>>
      %dma_start3A_625 = arith.constant 0 : i32
      %dma_start3A_626 = tpu.memref_slice %arg16[%add3A_220, %dma_start3A_625] : memref<10240x128xf32, #tpu.memory_space<vmem_shared>> -> memref<16x128xf32, #tpu.memory_space<vmem_shared>>
      tpu.enqueue_dma source(%dma_start3A_626 : memref<16x128xf32, #tpu.memory_space<vmem_shared>>) target(%arg15 : memref<16x128xf32, #tpu.memory_space<vmem>>) target_semaphore(%run_scoped3A : memref<!tpu.dma_semaphore, #tpu.memory_space<semaphore_mem>>)
      %dma_wait3A = arith.constant 0 : i32
      %dma_wait3A_627 = tpu.memref_slice %arg16[%add3A_220, %dma_wait3A] : memref<10240x128xf32, #tpu.memory_space<vmem_shared>> -> memref<16x128xf32, #tpu.memory_space<vmem_shared>>
      %dma_wait3A_628 = arith.constant 0 : i32
      %dma_wait3A_629 = tpu.memref_slice %arg16[%add3A_220, %dma_wait3A_628] : memref<10240x128xf32, #tpu.memory_space<vmem_shared>> -> memref<16x128xf32, #tpu.memory_space<vmem_shared>>
      tpu.wait_dma2 semaphore(%run_scoped3A : memref<!tpu.dma_semaphore, #tpu.memory_space<semaphore_mem>>) src(%dma_wait3A_629 : memref<16x128xf32, #tpu.memory_space<vmem_shared>>) dst(%arg15 : memref<16x128xf32, #tpu.memory_space<vmem>>)
      tpu.yield
    }) : () -> ()
    %mul3A_221 = arith.constant 10240 : i32
    %mul3A_222 = arith.muli %arg0, %mul3A_221 : i32
    %mul3A_223 = arith.constant 640 : i32
    %mul3A_224 = arith.muli %arg1, %mul3A_223 : i32
    %add3A_225 = arith.addi %mul3A_222, %mul3A_224 : i32
    %add3A_226 = arith.constant 48 : i32
    %add3A_227 = arith.addi %add3A_225, %add3A_226 : i32
    "tpu.region"() ({
      %run_scoped3A = tpu.sem_alloc : memref<!tpu.dma_semaphore, #tpu.memory_space<semaphore_mem>>
      %dma_start3A = arith.constant 0 : i32
      %dma_start3A_624 = tpu.memref_slice %arg6[%add3A_227, %dma_start3A] : memref<20480x128xf32, #tpu.memory_space<hbm>> -> memref<16x128xf32, #tpu.memory_space<hbm>>
      %dma_start3A_625 = arith.constant 0 : i32
      %dma_start3A_626 = tpu.memref_slice %arg6[%add3A_227, %dma_start3A_625] : memref<20480x128xf32, #tpu.memory_space<hbm>> -> memref<16x128xf32, #tpu.memory_space<hbm>>
      tpu.enqueue_dma source(%arg15 : memref<16x128xf32, #tpu.memory_space<vmem>>) target(%dma_start3A_626 : memref<16x128xf32, #tpu.memory_space<hbm>>) target_semaphore(%run_scoped3A : memref<!tpu.dma_semaphore, #tpu.memory_space<semaphore_mem>>)
      %dma_wait3A = arith.constant 0 : i32
      %dma_wait3A_627 = tpu.memref_slice %arg6[%add3A_227, %dma_wait3A] : memref<20480x128xf32, #tpu.memory_space<hbm>> -> memref<16x128xf32, #tpu.memory_space<hbm>>
      %dma_wait3A_628 = arith.constant 0 : i32
      %dma_wait3A_629 = tpu.memref_slice %arg6[%add3A_227, %dma_wait3A_628] : memref<20480x128xf32, #tpu.memory_space<hbm>> -> memref<16x128xf32, #tpu.memory_space<hbm>>
      tpu.wait_dma2 semaphore(%run_scoped3A : memref<!tpu.dma_semaphore, #tpu.memory_space<semaphore_mem>>) src(%arg15 : memref<16x128xf32, #tpu.memory_space<vmem>>) dst(%dma_wait3A_629 : memref<16x128xf32, #tpu.memory_space<hbm>>)
      tpu.yield
    }) : () -> ()
    %mul3A_228 = arith.constant 640 : i32
    %mul3A_229 = arith.muli %arg1, %mul3A_228 : i32
    %add3A_230 = arith.constant 64 : i32
    %add3A_231 = arith.addi %mul3A_229, %add3A_230 : i32
    "tpu.region"() ({
      %run_scoped3A = tpu.sem_alloc : memref<!tpu.dma_semaphore, #tpu.memory_space<semaphore_mem>>
      %dma_start3A = arith.constant 0 : i32
      %dma_start3A_624 = tpu.memref_slice %arg16[%add3A_231, %dma_start3A] : memref<10240x128xf32, #tpu.memory_space<vmem_shared>> -> memref<16x128xf32, #tpu.memory_space<vmem_shared>>
      %dma_start3A_625 = arith.constant 0 : i32
      %dma_start3A_626 = tpu.memref_slice %arg16[%add3A_231, %dma_start3A_625] : memref<10240x128xf32, #tpu.memory_space<vmem_shared>> -> memref<16x128xf32, #tpu.memory_space<vmem_shared>>
      tpu.enqueue_dma source(%dma_start3A_626 : memref<16x128xf32, #tpu.memory_space<vmem_shared>>) target(%arg15 : memref<16x128xf32, #tpu.memory_space<vmem>>) target_semaphore(%run_scoped3A : memref<!tpu.dma_semaphore, #tpu.memory_space<semaphore_mem>>)
      %dma_wait3A = arith.constant 0 : i32
      %dma_wait3A_627 = tpu.memref_slice %arg16[%add3A_231, %dma_wait3A] : memref<10240x128xf32, #tpu.memory_space<vmem_shared>> -> memref<16x128xf32, #tpu.memory_space<vmem_shared>>
      %dma_wait3A_628 = arith.constant 0 : i32
      %dma_wait3A_629 = tpu.memref_slice %arg16[%add3A_231, %dma_wait3A_628] : memref<10240x128xf32, #tpu.memory_space<vmem_shared>> -> memref<16x128xf32, #tpu.memory_space<vmem_shared>>
      tpu.wait_dma2 semaphore(%run_scoped3A : memref<!tpu.dma_semaphore, #tpu.memory_space<semaphore_mem>>) src(%dma_wait3A_629 : memref<16x128xf32, #tpu.memory_space<vmem_shared>>) dst(%arg15 : memref<16x128xf32, #tpu.memory_space<vmem>>)
      tpu.yield
    }) : () -> ()
    %mul3A_232 = arith.constant 10240 : i32
    %mul3A_233 = arith.muli %arg0, %mul3A_232 : i32
    %mul3A_234 = arith.constant 640 : i32
    %mul3A_235 = arith.muli %arg1, %mul3A_234 : i32
    %add3A_236 = arith.addi %mul3A_233, %mul3A_235 : i32
    %add3A_237 = arith.constant 64 : i32
    %add3A_238 = arith.addi %add3A_236, %add3A_237 : i32
    "tpu.region"() ({
      %run_scoped3A = tpu.sem_alloc : memref<!tpu.dma_semaphore, #tpu.memory_space<semaphore_mem>>
      %dma_start3A = arith.constant 0 : i32
      %dma_start3A_624 = tpu.memref_slice %arg6[%add3A_238, %dma_start3A] : memref<20480x128xf32, #tpu.memory_space<hbm>> -> memref<16x128xf32, #tpu.memory_space<hbm>>
      %dma_start3A_625 = arith.constant 0 : i32
      %dma_start3A_626 = tpu.memref_slice %arg6[%add3A_238, %dma_start3A_625] : memref<20480x128xf32, #tpu.memory_space<hbm>> -> memref<16x128xf32, #tpu.memory_space<hbm>>
      tpu.enqueue_dma source(%arg15 : memref<16x128xf32, #tpu.memory_space<vmem>>) target(%dma_start3A_626 : memref<16x128xf32, #tpu.memory_space<hbm>>) target_semaphore(%run_scoped3A : memref<!tpu.dma_semaphore, #tpu.memory_space<semaphore_mem>>)
      %dma_wait3A = arith.constant 0 : i32
      %dma_wait3A_627 = tpu.memref_slice %arg6[%add3A_238, %dma_wait3A] : memref<20480x128xf32, #tpu.memory_space<hbm>> -> memref<16x128xf32, #tpu.memory_space<hbm>>
      %dma_wait3A_628 = arith.constant 0 : i32
      %dma_wait3A_629 = tpu.memref_slice %arg6[%add3A_238, %dma_wait3A_628] : memref<20480x128xf32, #tpu.memory_space<hbm>> -> memref<16x128xf32, #tpu.memory_space<hbm>>
      tpu.wait_dma2 semaphore(%run_scoped3A : memref<!tpu.dma_semaphore, #tpu.memory_space<semaphore_mem>>) src(%arg15 : memref<16x128xf32, #tpu.memory_space<vmem>>) dst(%dma_wait3A_629 : memref<16x128xf32, #tpu.memory_space<hbm>>)
      tpu.yield
    }) : () -> ()
    %mul3A_239 = arith.constant 640 : i32
    %mul3A_240 = arith.muli %arg1, %mul3A_239 : i32
    %add3A_241 = arith.constant 80 : i32
    %add3A_242 = arith.addi %mul3A_240, %add3A_241 : i32
    "tpu.region"() ({
      %run_scoped3A = tpu.sem_alloc : memref<!tpu.dma_semaphore, #tpu.memory_space<semaphore_mem>>
      %dma_start3A = arith.constant 0 : i32
      %dma_start3A_624 = tpu.memref_slice %arg16[%add3A_242, %dma_start3A] : memref<10240x128xf32, #tpu.memory_space<vmem_shared>> -> memref<16x128xf32, #tpu.memory_space<vmem_shared>>
      %dma_start3A_625 = arith.constant 0 : i32
      %dma_start3A_626 = tpu.memref_slice %arg16[%add3A_242, %dma_start3A_625] : memref<10240x128xf32, #tpu.memory_space<vmem_shared>> -> memref<16x128xf32, #tpu.memory_space<vmem_shared>>
      tpu.enqueue_dma source(%dma_start3A_626 : memref<16x128xf32, #tpu.memory_space<vmem_shared>>) target(%arg15 : memref<16x128xf32, #tpu.memory_space<vmem>>) target_semaphore(%run_scoped3A : memref<!tpu.dma_semaphore, #tpu.memory_space<semaphore_mem>>)
      %dma_wait3A = arith.constant 0 : i32
      %dma_wait3A_627 = tpu.memref_slice %arg16[%add3A_242, %dma_wait3A] : memref<10240x128xf32, #tpu.memory_space<vmem_shared>> -> memref<16x128xf32, #tpu.memory_space<vmem_shared>>
      %dma_wait3A_628 = arith.constant 0 : i32
      %dma_wait3A_629 = tpu.memref_slice %arg16[%add3A_242, %dma_wait3A_628] : memref<10240x128xf32, #tpu.memory_space<vmem_shared>> -> memref<16x128xf32, #tpu.memory_space<vmem_shared>>
      tpu.wait_dma2 semaphore(%run_scoped3A : memref<!tpu.dma_semaphore, #tpu.memory_space<semaphore_mem>>) src(%dma_wait3A_629 : memref<16x128xf32, #tpu.memory_space<vmem_shared>>) dst(%arg15 : memref<16x128xf32, #tpu.memory_space<vmem>>)
      tpu.yield
    }) : () -> ()
    %mul3A_243 = arith.constant 10240 : i32
    %mul3A_244 = arith.muli %arg0, %mul3A_243 : i32
    %mul3A_245 = arith.constant 640 : i32
    %mul3A_246 = arith.muli %arg1, %mul3A_245 : i32
    %add3A_247 = arith.addi %mul3A_244, %mul3A_246 : i32
    %add3A_248 = arith.constant 80 : i32
    %add3A_249 = arith.addi %add3A_247, %add3A_248 : i32
    "tpu.region"() ({
      %run_scoped3A = tpu.sem_alloc : memref<!tpu.dma_semaphore, #tpu.memory_space<semaphore_mem>>
      %dma_start3A = arith.constant 0 : i32
      %dma_start3A_624 = tpu.memref_slice %arg6[%add3A_249, %dma_start3A] : memref<20480x128xf32, #tpu.memory_space<hbm>> -> memref<16x128xf32, #tpu.memory_space<hbm>>
      %dma_start3A_625 = arith.constant 0 : i32
      %dma_start3A_626 = tpu.memref_slice %arg6[%add3A_249, %dma_start3A_625] : memref<20480x128xf32, #tpu.memory_space<hbm>> -> memref<16x128xf32, #tpu.memory_space<hbm>>
      tpu.enqueue_dma source(%arg15 : memref<16x128xf32, #tpu.memory_space<vmem>>) target(%dma_start3A_626 : memref<16x128xf32, #tpu.memory_space<hbm>>) target_semaphore(%run_scoped3A : memref<!tpu.dma_semaphore, #tpu.memory_space<semaphore_mem>>)
      %dma_wait3A = arith.constant 0 : i32
      %dma_wait3A_627 = tpu.memref_slice %arg6[%add3A_249, %dma_wait3A] : memref<20480x128xf32, #tpu.memory_space<hbm>> -> memref<16x128xf32, #tpu.memory_space<hbm>>
      %dma_wait3A_628 = arith.constant 0 : i32
      %dma_wait3A_629 = tpu.memref_slice %arg6[%add3A_249, %dma_wait3A_628] : memref<20480x128xf32, #tpu.memory_space<hbm>> -> memref<16x128xf32, #tpu.memory_space<hbm>>
      tpu.wait_dma2 semaphore(%run_scoped3A : memref<!tpu.dma_semaphore, #tpu.memory_space<semaphore_mem>>) src(%arg15 : memref<16x128xf32, #tpu.memory_space<vmem>>) dst(%dma_wait3A_629 : memref<16x128xf32, #tpu.memory_space<hbm>>)
      tpu.yield
    }) : () -> ()
    %mul3A_250 = arith.constant 640 : i32
    %mul3A_251 = arith.muli %arg1, %mul3A_250 : i32
    %add3A_252 = arith.constant 96 : i32
    %add3A_253 = arith.addi %mul3A_251, %add3A_252 : i32
    "tpu.region"() ({
      %run_scoped3A = tpu.sem_alloc : memref<!tpu.dma_semaphore, #tpu.memory_space<semaphore_mem>>
      %dma_start3A = arith.constant 0 : i32
      %dma_start3A_624 = tpu.memref_slice %arg16[%add3A_253, %dma_start3A] : memref<10240x128xf32, #tpu.memory_space<vmem_shared>> -> memref<16x128xf32, #tpu.memory_space<vmem_shared>>
      %dma_start3A_625 = arith.constant 0 : i32
      %dma_start3A_626 = tpu.memref_slice %arg16[%add3A_253, %dma_start3A_625] : memref<10240x128xf32, #tpu.memory_space<vmem_shared>> -> memref<16x128xf32, #tpu.memory_space<vmem_shared>>
      tpu.enqueue_dma source(%dma_start3A_626 : memref<16x128xf32, #tpu.memory_space<vmem_shared>>) target(%arg15 : memref<16x128xf32, #tpu.memory_space<vmem>>) target_semaphore(%run_scoped3A : memref<!tpu.dma_semaphore, #tpu.memory_space<semaphore_mem>>)
      %dma_wait3A = arith.constant 0 : i32
      %dma_wait3A_627 = tpu.memref_slice %arg16[%add3A_253, %dma_wait3A] : memref<10240x128xf32, #tpu.memory_space<vmem_shared>> -> memref<16x128xf32, #tpu.memory_space<vmem_shared>>
      %dma_wait3A_628 = arith.constant 0 : i32
      %dma_wait3A_629 = tpu.memref_slice %arg16[%add3A_253, %dma_wait3A_628] : memref<10240x128xf32, #tpu.memory_space<vmem_shared>> -> memref<16x128xf32, #tpu.memory_space<vmem_shared>>
      tpu.wait_dma2 semaphore(%run_scoped3A : memref<!tpu.dma_semaphore, #tpu.memory_space<semaphore_mem>>) src(%dma_wait3A_629 : memref<16x128xf32, #tpu.memory_space<vmem_shared>>) dst(%arg15 : memref<16x128xf32, #tpu.memory_space<vmem>>)
      tpu.yield
    }) : () -> ()
    %mul3A_254 = arith.constant 10240 : i32
    %mul3A_255 = arith.muli %arg0, %mul3A_254 : i32
    %mul3A_256 = arith.constant 640 : i32
    %mul3A_257 = arith.muli %arg1, %mul3A_256 : i32
    %add3A_258 = arith.addi %mul3A_255, %mul3A_257 : i32
    %add3A_259 = arith.constant 96 : i32
    %add3A_260 = arith.addi %add3A_258, %add3A_259 : i32
    "tpu.region"() ({
      %run_scoped3A = tpu.sem_alloc : memref<!tpu.dma_semaphore, #tpu.memory_space<semaphore_mem>>
      %dma_start3A = arith.constant 0 : i32
      %dma_start3A_624 = tpu.memref_slice %arg6[%add3A_260, %dma_start3A] : memref<20480x128xf32, #tpu.memory_space<hbm>> -> memref<16x128xf32, #tpu.memory_space<hbm>>
      %dma_start3A_625 = arith.constant 0 : i32
      %dma_start3A_626 = tpu.memref_slice %arg6[%add3A_260, %dma_start3A_625] : memref<20480x128xf32, #tpu.memory_space<hbm>> -> memref<16x128xf32, #tpu.memory_space<hbm>>
      tpu.enqueue_dma source(%arg15 : memref<16x128xf32, #tpu.memory_space<vmem>>) target(%dma_start3A_626 : memref<16x128xf32, #tpu.memory_space<hbm>>) target_semaphore(%run_scoped3A : memref<!tpu.dma_semaphore, #tpu.memory_space<semaphore_mem>>)
      %dma_wait3A = arith.constant 0 : i32
      %dma_wait3A_627 = tpu.memref_slice %arg6[%add3A_260, %dma_wait3A] : memref<20480x128xf32, #tpu.memory_space<hbm>> -> memref<16x128xf32, #tpu.memory_space<hbm>>
      %dma_wait3A_628 = arith.constant 0 : i32
      %dma_wait3A_629 = tpu.memref_slice %arg6[%add3A_260, %dma_wait3A_628] : memref<20480x128xf32, #tpu.memory_space<hbm>> -> memref<16x128xf32, #tpu.memory_space<hbm>>
      tpu.wait_dma2 semaphore(%run_scoped3A : memref<!tpu.dma_semaphore, #tpu.memory_space<semaphore_mem>>) src(%arg15 : memref<16x128xf32, #tpu.memory_space<vmem>>) dst(%dma_wait3A_629 : memref<16x128xf32, #tpu.memory_space<hbm>>)
      tpu.yield
    }) : () -> ()
    %mul3A_261 = arith.constant 640 : i32
    %mul3A_262 = arith.muli %arg1, %mul3A_261 : i32
    %add3A_263 = arith.constant 112 : i32
    %add3A_264 = arith.addi %mul3A_262, %add3A_263 : i32
    "tpu.region"() ({
      %run_scoped3A = tpu.sem_alloc : memref<!tpu.dma_semaphore, #tpu.memory_space<semaphore_mem>>
      %dma_start3A = arith.constant 0 : i32
      %dma_start3A_624 = tpu.memref_slice %arg16[%add3A_264, %dma_start3A] : memref<10240x128xf32, #tpu.memory_space<vmem_shared>> -> memref<16x128xf32, #tpu.memory_space<vmem_shared>>
      %dma_start3A_625 = arith.constant 0 : i32
      %dma_start3A_626 = tpu.memref_slice %arg16[%add3A_264, %dma_start3A_625] : memref<10240x128xf32, #tpu.memory_space<vmem_shared>> -> memref<16x128xf32, #tpu.memory_space<vmem_shared>>
      tpu.enqueue_dma source(%dma_start3A_626 : memref<16x128xf32, #tpu.memory_space<vmem_shared>>) target(%arg15 : memref<16x128xf32, #tpu.memory_space<vmem>>) target_semaphore(%run_scoped3A : memref<!tpu.dma_semaphore, #tpu.memory_space<semaphore_mem>>)
      %dma_wait3A = arith.constant 0 : i32
      %dma_wait3A_627 = tpu.memref_slice %arg16[%add3A_264, %dma_wait3A] : memref<10240x128xf32, #tpu.memory_space<vmem_shared>> -> memref<16x128xf32, #tpu.memory_space<vmem_shared>>
      %dma_wait3A_628 = arith.constant 0 : i32
      %dma_wait3A_629 = tpu.memref_slice %arg16[%add3A_264, %dma_wait3A_628] : memref<10240x128xf32, #tpu.memory_space<vmem_shared>> -> memref<16x128xf32, #tpu.memory_space<vmem_shared>>
      tpu.wait_dma2 semaphore(%run_scoped3A : memref<!tpu.dma_semaphore, #tpu.memory_space<semaphore_mem>>) src(%dma_wait3A_629 : memref<16x128xf32, #tpu.memory_space<vmem_shared>>) dst(%arg15 : memref<16x128xf32, #tpu.memory_space<vmem>>)
      tpu.yield
    }) : () -> ()
    %mul3A_265 = arith.constant 10240 : i32
    %mul3A_266 = arith.muli %arg0, %mul3A_265 : i32
    %mul3A_267 = arith.constant 640 : i32
    %mul3A_268 = arith.muli %arg1, %mul3A_267 : i32
    %add3A_269 = arith.addi %mul3A_266, %mul3A_268 : i32
    %add3A_270 = arith.constant 112 : i32
    %add3A_271 = arith.addi %add3A_269, %add3A_270 : i32
    "tpu.region"() ({
      %run_scoped3A = tpu.sem_alloc : memref<!tpu.dma_semaphore, #tpu.memory_space<semaphore_mem>>
      %dma_start3A = arith.constant 0 : i32
      %dma_start3A_624 = tpu.memref_slice %arg6[%add3A_271, %dma_start3A] : memref<20480x128xf32, #tpu.memory_space<hbm>> -> memref<16x128xf32, #tpu.memory_space<hbm>>
      %dma_start3A_625 = arith.constant 0 : i32
      %dma_start3A_626 = tpu.memref_slice %arg6[%add3A_271, %dma_start3A_625] : memref<20480x128xf32, #tpu.memory_space<hbm>> -> memref<16x128xf32, #tpu.memory_space<hbm>>
      tpu.enqueue_dma source(%arg15 : memref<16x128xf32, #tpu.memory_space<vmem>>) target(%dma_start3A_626 : memref<16x128xf32, #tpu.memory_space<hbm>>) target_semaphore(%run_scoped3A : memref<!tpu.dma_semaphore, #tpu.memory_space<semaphore_mem>>)
      %dma_wait3A = arith.constant 0 : i32
      %dma_wait3A_627 = tpu.memref_slice %arg6[%add3A_271, %dma_wait3A] : memref<20480x128xf32, #tpu.memory_space<hbm>> -> memref<16x128xf32, #tpu.memory_space<hbm>>
      %dma_wait3A_628 = arith.constant 0 : i32
      %dma_wait3A_629 = tpu.memref_slice %arg6[%add3A_271, %dma_wait3A_628] : memref<20480x128xf32, #tpu.memory_space<hbm>> -> memref<16x128xf32, #tpu.memory_space<hbm>>
      tpu.wait_dma2 semaphore(%run_scoped3A : memref<!tpu.dma_semaphore, #tpu.memory_space<semaphore_mem>>) src(%arg15 : memref<16x128xf32, #tpu.memory_space<vmem>>) dst(%dma_wait3A_629 : memref<16x128xf32, #tpu.memory_space<hbm>>)
      tpu.yield
    }) : () -> ()
    %mul3A_272 = arith.constant 640 : i32
    %mul3A_273 = arith.muli %arg1, %mul3A_272 : i32
    %add3A_274 = arith.constant 128 : i32
    %add3A_275 = arith.addi %mul3A_273, %add3A_274 : i32
    "tpu.region"() ({
      %run_scoped3A = tpu.sem_alloc : memref<!tpu.dma_semaphore, #tpu.memory_space<semaphore_mem>>
      %dma_start3A = arith.constant 0 : i32
      %dma_start3A_624 = tpu.memref_slice %arg16[%add3A_275, %dma_start3A] : memref<10240x128xf32, #tpu.memory_space<vmem_shared>> -> memref<16x128xf32, #tpu.memory_space<vmem_shared>>
      %dma_start3A_625 = arith.constant 0 : i32
      %dma_start3A_626 = tpu.memref_slice %arg16[%add3A_275, %dma_start3A_625] : memref<10240x128xf32, #tpu.memory_space<vmem_shared>> -> memref<16x128xf32, #tpu.memory_space<vmem_shared>>
      tpu.enqueue_dma source(%dma_start3A_626 : memref<16x128xf32, #tpu.memory_space<vmem_shared>>) target(%arg15 : memref<16x128xf32, #tpu.memory_space<vmem>>) target_semaphore(%run_scoped3A : memref<!tpu.dma_semaphore, #tpu.memory_space<semaphore_mem>>)
      %dma_wait3A = arith.constant 0 : i32
      %dma_wait3A_627 = tpu.memref_slice %arg16[%add3A_275, %dma_wait3A] : memref<10240x128xf32, #tpu.memory_space<vmem_shared>> -> memref<16x128xf32, #tpu.memory_space<vmem_shared>>
      %dma_wait3A_628 = arith.constant 0 : i32
      %dma_wait3A_629 = tpu.memref_slice %arg16[%add3A_275, %dma_wait3A_628] : memref<10240x128xf32, #tpu.memory_space<vmem_shared>> -> memref<16x128xf32, #tpu.memory_space<vmem_shared>>
      tpu.wait_dma2 semaphore(%run_scoped3A : memref<!tpu.dma_semaphore, #tpu.memory_space<semaphore_mem>>) src(%dma_wait3A_629 : memref<16x128xf32, #tpu.memory_space<vmem_shared>>) dst(%arg15 : memref<16x128xf32, #tpu.memory_space<vmem>>)
      tpu.yield
    }) : () -> ()
    %mul3A_276 = arith.constant 10240 : i32
    %mul3A_277 = arith.muli %arg0, %mul3A_276 : i32
    %mul3A_278 = arith.constant 640 : i32
    %mul3A_279 = arith.muli %arg1, %mul3A_278 : i32
    %add3A_280 = arith.addi %mul3A_277, %mul3A_279 : i32
    %add3A_281 = arith.constant 128 : i32
    %add3A_282 = arith.addi %add3A_280, %add3A_281 : i32
    "tpu.region"() ({
      %run_scoped3A = tpu.sem_alloc : memref<!tpu.dma_semaphore, #tpu.memory_space<semaphore_mem>>
      %dma_start3A = arith.constant 0 : i32
      %dma_start3A_624 = tpu.memref_slice %arg6[%add3A_282, %dma_start3A] : memref<20480x128xf32, #tpu.memory_space<hbm>> -> memref<16x128xf32, #tpu.memory_space<hbm>>
      %dma_start3A_625 = arith.constant 0 : i32
      %dma_start3A_626 = tpu.memref_slice %arg6[%add3A_282, %dma_start3A_625] : memref<20480x128xf32, #tpu.memory_space<hbm>> -> memref<16x128xf32, #tpu.memory_space<hbm>>
      tpu.enqueue_dma source(%arg15 : memref<16x128xf32, #tpu.memory_space<vmem>>) target(%dma_start3A_626 : memref<16x128xf32, #tpu.memory_space<hbm>>) target_semaphore(%run_scoped3A : memref<!tpu.dma_semaphore, #tpu.memory_space<semaphore_mem>>)
      %dma_wait3A = arith.constant 0 : i32
      %dma_wait3A_627 = tpu.memref_slice %arg6[%add3A_282, %dma_wait3A] : memref<20480x128xf32, #tpu.memory_space<hbm>> -> memref<16x128xf32, #tpu.memory_space<hbm>>
      %dma_wait3A_628 = arith.constant 0 : i32
      %dma_wait3A_629 = tpu.memref_slice %arg6[%add3A_282, %dma_wait3A_628] : memref<20480x128xf32, #tpu.memory_space<hbm>> -> memref<16x128xf32, #tpu.memory_space<hbm>>
      tpu.wait_dma2 semaphore(%run_scoped3A : memref<!tpu.dma_semaphore, #tpu.memory_space<semaphore_mem>>) src(%arg15 : memref<16x128xf32, #tpu.memory_space<vmem>>) dst(%dma_wait3A_629 : memref<16x128xf32, #tpu.memory_space<hbm>>)
      tpu.yield
    }) : () -> ()
    %mul3A_283 = arith.constant 640 : i32
    %mul3A_284 = arith.muli %arg1, %mul3A_283 : i32
    %add3A_285 = arith.constant 144 : i32
    %add3A_286 = arith.addi %mul3A_284, %add3A_285 : i32
    "tpu.region"() ({
      %run_scoped3A = tpu.sem_alloc : memref<!tpu.dma_semaphore, #tpu.memory_space<semaphore_mem>>
      %dma_start3A = arith.constant 0 : i32
      %dma_start3A_624 = tpu.memref_slice %arg16[%add3A_286, %dma_start3A] : memref<10240x128xf32, #tpu.memory_space<vmem_shared>> -> memref<16x128xf32, #tpu.memory_space<vmem_shared>>
      %dma_start3A_625 = arith.constant 0 : i32
      %dma_start3A_626 = tpu.memref_slice %arg16[%add3A_286, %dma_start3A_625] : memref<10240x128xf32, #tpu.memory_space<vmem_shared>> -> memref<16x128xf32, #tpu.memory_space<vmem_shared>>
      tpu.enqueue_dma source(%dma_start3A_626 : memref<16x128xf32, #tpu.memory_space<vmem_shared>>) target(%arg15 : memref<16x128xf32, #tpu.memory_space<vmem>>) target_semaphore(%run_scoped3A : memref<!tpu.dma_semaphore, #tpu.memory_space<semaphore_mem>>)
      %dma_wait3A = arith.constant 0 : i32
      %dma_wait3A_627 = tpu.memref_slice %arg16[%add3A_286, %dma_wait3A] : memref<10240x128xf32, #tpu.memory_space<vmem_shared>> -> memref<16x128xf32, #tpu.memory_space<vmem_shared>>
      %dma_wait3A_628 = arith.constant 0 : i32
      %dma_wait3A_629 = tpu.memref_slice %arg16[%add3A_286, %dma_wait3A_628] : memref<10240x128xf32, #tpu.memory_space<vmem_shared>> -> memref<16x128xf32, #tpu.memory_space<vmem_shared>>
      tpu.wait_dma2 semaphore(%run_scoped3A : memref<!tpu.dma_semaphore, #tpu.memory_space<semaphore_mem>>) src(%dma_wait3A_629 : memref<16x128xf32, #tpu.memory_space<vmem_shared>>) dst(%arg15 : memref<16x128xf32, #tpu.memory_space<vmem>>)
      tpu.yield
    }) : () -> ()
    %mul3A_287 = arith.constant 10240 : i32
    %mul3A_288 = arith.muli %arg0, %mul3A_287 : i32
    %mul3A_289 = arith.constant 640 : i32
    %mul3A_290 = arith.muli %arg1, %mul3A_289 : i32
    %add3A_291 = arith.addi %mul3A_288, %mul3A_290 : i32
    %add3A_292 = arith.constant 144 : i32
    %add3A_293 = arith.addi %add3A_291, %add3A_292 : i32
    "tpu.region"() ({
      %run_scoped3A = tpu.sem_alloc : memref<!tpu.dma_semaphore, #tpu.memory_space<semaphore_mem>>
      %dma_start3A = arith.constant 0 : i32
      %dma_start3A_624 = tpu.memref_slice %arg6[%add3A_293, %dma_start3A] : memref<20480x128xf32, #tpu.memory_space<hbm>> -> memref<16x128xf32, #tpu.memory_space<hbm>>
      %dma_start3A_625 = arith.constant 0 : i32
      %dma_start3A_626 = tpu.memref_slice %arg6[%add3A_293, %dma_start3A_625] : memref<20480x128xf32, #tpu.memory_space<hbm>> -> memref<16x128xf32, #tpu.memory_space<hbm>>
      tpu.enqueue_dma source(%arg15 : memref<16x128xf32, #tpu.memory_space<vmem>>) target(%dma_start3A_626 : memref<16x128xf32, #tpu.memory_space<hbm>>) target_semaphore(%run_scoped3A : memref<!tpu.dma_semaphore, #tpu.memory_space<semaphore_mem>>)
      %dma_wait3A = arith.constant 0 : i32
      %dma_wait3A_627 = tpu.memref_slice %arg6[%add3A_293, %dma_wait3A] : memref<20480x128xf32, #tpu.memory_space<hbm>> -> memref<16x128xf32, #tpu.memory_space<hbm>>
      %dma_wait3A_628 = arith.constant 0 : i32
      %dma_wait3A_629 = tpu.memref_slice %arg6[%add3A_293, %dma_wait3A_628] : memref<20480x128xf32, #tpu.memory_space<hbm>> -> memref<16x128xf32, #tpu.memory_space<hbm>>
      tpu.wait_dma2 semaphore(%run_scoped3A : memref<!tpu.dma_semaphore, #tpu.memory_space<semaphore_mem>>) src(%arg15 : memref<16x128xf32, #tpu.memory_space<vmem>>) dst(%dma_wait3A_629 : memref<16x128xf32, #tpu.memory_space<hbm>>)
      tpu.yield
    }) : () -> ()
    %mul3A_294 = arith.constant 640 : i32
    %mul3A_295 = arith.muli %arg1, %mul3A_294 : i32
    %add3A_296 = arith.constant 160 : i32
    %add3A_297 = arith.addi %mul3A_295, %add3A_296 : i32
    "tpu.region"() ({
      %run_scoped3A = tpu.sem_alloc : memref<!tpu.dma_semaphore, #tpu.memory_space<semaphore_mem>>
      %dma_start3A = arith.constant 0 : i32
      %dma_start3A_624 = tpu.memref_slice %arg16[%add3A_297, %dma_start3A] : memref<10240x128xf32, #tpu.memory_space<vmem_shared>> -> memref<16x128xf32, #tpu.memory_space<vmem_shared>>
      %dma_start3A_625 = arith.constant 0 : i32
      %dma_start3A_626 = tpu.memref_slice %arg16[%add3A_297, %dma_start3A_625] : memref<10240x128xf32, #tpu.memory_space<vmem_shared>> -> memref<16x128xf32, #tpu.memory_space<vmem_shared>>
      tpu.enqueue_dma source(%dma_start3A_626 : memref<16x128xf32, #tpu.memory_space<vmem_shared>>) target(%arg15 : memref<16x128xf32, #tpu.memory_space<vmem>>) target_semaphore(%run_scoped3A : memref<!tpu.dma_semaphore, #tpu.memory_space<semaphore_mem>>)
      %dma_wait3A = arith.constant 0 : i32
      %dma_wait3A_627 = tpu.memref_slice %arg16[%add3A_297, %dma_wait3A] : memref<10240x128xf32, #tpu.memory_space<vmem_shared>> -> memref<16x128xf32, #tpu.memory_space<vmem_shared>>
      %dma_wait3A_628 = arith.constant 0 : i32
      %dma_wait3A_629 = tpu.memref_slice %arg16[%add3A_297, %dma_wait3A_628] : memref<10240x128xf32, #tpu.memory_space<vmem_shared>> -> memref<16x128xf32, #tpu.memory_space<vmem_shared>>
      tpu.wait_dma2 semaphore(%run_scoped3A : memref<!tpu.dma_semaphore, #tpu.memory_space<semaphore_mem>>) src(%dma_wait3A_629 : memref<16x128xf32, #tpu.memory_space<vmem_shared>>) dst(%arg15 : memref<16x128xf32, #tpu.memory_space<vmem>>)
      tpu.yield
    }) : () -> ()
    %mul3A_298 = arith.constant 10240 : i32
    %mul3A_299 = arith.muli %arg0, %mul3A_298 : i32
    %mul3A_300 = arith.constant 640 : i32
    %mul3A_301 = arith.muli %arg1, %mul3A_300 : i32
    %add3A_302 = arith.addi %mul3A_299, %mul3A_301 : i32
    %add3A_303 = arith.constant 160 : i32
    %add3A_304 = arith.addi %add3A_302, %add3A_303 : i32
    "tpu.region"() ({
      %run_scoped3A = tpu.sem_alloc : memref<!tpu.dma_semaphore, #tpu.memory_space<semaphore_mem>>
      %dma_start3A = arith.constant 0 : i32
      %dma_start3A_624 = tpu.memref_slice %arg6[%add3A_304, %dma_start3A] : memref<20480x128xf32, #tpu.memory_space<hbm>> -> memref<16x128xf32, #tpu.memory_space<hbm>>
      %dma_start3A_625 = arith.constant 0 : i32
      %dma_start3A_626 = tpu.memref_slice %arg6[%add3A_304, %dma_start3A_625] : memref<20480x128xf32, #tpu.memory_space<hbm>> -> memref<16x128xf32, #tpu.memory_space<hbm>>
      tpu.enqueue_dma source(%arg15 : memref<16x128xf32, #tpu.memory_space<vmem>>) target(%dma_start3A_626 : memref<16x128xf32, #tpu.memory_space<hbm>>) target_semaphore(%run_scoped3A : memref<!tpu.dma_semaphore, #tpu.memory_space<semaphore_mem>>)
      %dma_wait3A = arith.constant 0 : i32
      %dma_wait3A_627 = tpu.memref_slice %arg6[%add3A_304, %dma_wait3A] : memref<20480x128xf32, #tpu.memory_space<hbm>> -> memref<16x128xf32, #tpu.memory_space<hbm>>
      %dma_wait3A_628 = arith.constant 0 : i32
      %dma_wait3A_629 = tpu.memref_slice %arg6[%add3A_304, %dma_wait3A_628] : memref<20480x128xf32, #tpu.memory_space<hbm>> -> memref<16x128xf32, #tpu.memory_space<hbm>>
      tpu.wait_dma2 semaphore(%run_scoped3A : memref<!tpu.dma_semaphore, #tpu.memory_space<semaphore_mem>>) src(%arg15 : memref<16x128xf32, #tpu.memory_space<vmem>>) dst(%dma_wait3A_629 : memref<16x128xf32, #tpu.memory_space<hbm>>)
      tpu.yield
    }) : () -> ()
    %mul3A_305 = arith.constant 640 : i32
    %mul3A_306 = arith.muli %arg1, %mul3A_305 : i32
    %add3A_307 = arith.constant 176 : i32
    %add3A_308 = arith.addi %mul3A_306, %add3A_307 : i32
    "tpu.region"() ({
      %run_scoped3A = tpu.sem_alloc : memref<!tpu.dma_semaphore, #tpu.memory_space<semaphore_mem>>
      %dma_start3A = arith.constant 0 : i32
      %dma_start3A_624 = tpu.memref_slice %arg16[%add3A_308, %dma_start3A] : memref<10240x128xf32, #tpu.memory_space<vmem_shared>> -> memref<16x128xf32, #tpu.memory_space<vmem_shared>>
      %dma_start3A_625 = arith.constant 0 : i32
      %dma_start3A_626 = tpu.memref_slice %arg16[%add3A_308, %dma_start3A_625] : memref<10240x128xf32, #tpu.memory_space<vmem_shared>> -> memref<16x128xf32, #tpu.memory_space<vmem_shared>>
      tpu.enqueue_dma source(%dma_start3A_626 : memref<16x128xf32, #tpu.memory_space<vmem_shared>>) target(%arg15 : memref<16x128xf32, #tpu.memory_space<vmem>>) target_semaphore(%run_scoped3A : memref<!tpu.dma_semaphore, #tpu.memory_space<semaphore_mem>>)
      %dma_wait3A = arith.constant 0 : i32
      %dma_wait3A_627 = tpu.memref_slice %arg16[%add3A_308, %dma_wait3A] : memref<10240x128xf32, #tpu.memory_space<vmem_shared>> -> memref<16x128xf32, #tpu.memory_space<vmem_shared>>
      %dma_wait3A_628 = arith.constant 0 : i32
      %dma_wait3A_629 = tpu.memref_slice %arg16[%add3A_308, %dma_wait3A_628] : memref<10240x128xf32, #tpu.memory_space<vmem_shared>> -> memref<16x128xf32, #tpu.memory_space<vmem_shared>>
      tpu.wait_dma2 semaphore(%run_scoped3A : memref<!tpu.dma_semaphore, #tpu.memory_space<semaphore_mem>>) src(%dma_wait3A_629 : memref<16x128xf32, #tpu.memory_space<vmem_shared>>) dst(%arg15 : memref<16x128xf32, #tpu.memory_space<vmem>>)
      tpu.yield
    }) : () -> ()
    %mul3A_309 = arith.constant 10240 : i32
    %mul3A_310 = arith.muli %arg0, %mul3A_309 : i32
    %mul3A_311 = arith.constant 640 : i32
    %mul3A_312 = arith.muli %arg1, %mul3A_311 : i32
    %add3A_313 = arith.addi %mul3A_310, %mul3A_312 : i32
    %add3A_314 = arith.constant 176 : i32
    %add3A_315 = arith.addi %add3A_313, %add3A_314 : i32
    "tpu.region"() ({
      %run_scoped3A = tpu.sem_alloc : memref<!tpu.dma_semaphore, #tpu.memory_space<semaphore_mem>>
      %dma_start3A = arith.constant 0 : i32
      %dma_start3A_624 = tpu.memref_slice %arg6[%add3A_315, %dma_start3A] : memref<20480x128xf32, #tpu.memory_space<hbm>> -> memref<16x128xf32, #tpu.memory_space<hbm>>
      %dma_start3A_625 = arith.constant 0 : i32
      %dma_start3A_626 = tpu.memref_slice %arg6[%add3A_315, %dma_start3A_625] : memref<20480x128xf32, #tpu.memory_space<hbm>> -> memref<16x128xf32, #tpu.memory_space<hbm>>
      tpu.enqueue_dma source(%arg15 : memref<16x128xf32, #tpu.memory_space<vmem>>) target(%dma_start3A_626 : memref<16x128xf32, #tpu.memory_space<hbm>>) target_semaphore(%run_scoped3A : memref<!tpu.dma_semaphore, #tpu.memory_space<semaphore_mem>>)
      %dma_wait3A = arith.constant 0 : i32
      %dma_wait3A_627 = tpu.memref_slice %arg6[%add3A_315, %dma_wait3A] : memref<20480x128xf32, #tpu.memory_space<hbm>> -> memref<16x128xf32, #tpu.memory_space<hbm>>
      %dma_wait3A_628 = arith.constant 0 : i32
      %dma_wait3A_629 = tpu.memref_slice %arg6[%add3A_315, %dma_wait3A_628] : memref<20480x128xf32, #tpu.memory_space<hbm>> -> memref<16x128xf32, #tpu.memory_space<hbm>>
      tpu.wait_dma2 semaphore(%run_scoped3A : memref<!tpu.dma_semaphore, #tpu.memory_space<semaphore_mem>>) src(%arg15 : memref<16x128xf32, #tpu.memory_space<vmem>>) dst(%dma_wait3A_629 : memref<16x128xf32, #tpu.memory_space<hbm>>)
      tpu.yield
    }) : () -> ()
    %mul3A_316 = arith.constant 640 : i32
    %mul3A_317 = arith.muli %arg1, %mul3A_316 : i32
    %add3A_318 = arith.constant 192 : i32
    %add3A_319 = arith.addi %mul3A_317, %add3A_318 : i32
    "tpu.region"() ({
      %run_scoped3A = tpu.sem_alloc : memref<!tpu.dma_semaphore, #tpu.memory_space<semaphore_mem>>
      %dma_start3A = arith.constant 0 : i32
      %dma_start3A_624 = tpu.memref_slice %arg16[%add3A_319, %dma_start3A] : memref<10240x128xf32, #tpu.memory_space<vmem_shared>> -> memref<16x128xf32, #tpu.memory_space<vmem_shared>>
      %dma_start3A_625 = arith.constant 0 : i32
      %dma_start3A_626 = tpu.memref_slice %arg16[%add3A_319, %dma_start3A_625] : memref<10240x128xf32, #tpu.memory_space<vmem_shared>> -> memref<16x128xf32, #tpu.memory_space<vmem_shared>>
      tpu.enqueue_dma source(%dma_start3A_626 : memref<16x128xf32, #tpu.memory_space<vmem_shared>>) target(%arg15 : memref<16x128xf32, #tpu.memory_space<vmem>>) target_semaphore(%run_scoped3A : memref<!tpu.dma_semaphore, #tpu.memory_space<semaphore_mem>>)
      %dma_wait3A = arith.constant 0 : i32
      %dma_wait3A_627 = tpu.memref_slice %arg16[%add3A_319, %dma_wait3A] : memref<10240x128xf32, #tpu.memory_space<vmem_shared>> -> memref<16x128xf32, #tpu.memory_space<vmem_shared>>
      %dma_wait3A_628 = arith.constant 0 : i32
      %dma_wait3A_629 = tpu.memref_slice %arg16[%add3A_319, %dma_wait3A_628] : memref<10240x128xf32, #tpu.memory_space<vmem_shared>> -> memref<16x128xf32, #tpu.memory_space<vmem_shared>>
      tpu.wait_dma2 semaphore(%run_scoped3A : memref<!tpu.dma_semaphore, #tpu.memory_space<semaphore_mem>>) src(%dma_wait3A_629 : memref<16x128xf32, #tpu.memory_space<vmem_shared>>) dst(%arg15 : memref<16x128xf32, #tpu.memory_space<vmem>>)
      tpu.yield
    }) : () -> ()
    %mul3A_320 = arith.constant 10240 : i32
    %mul3A_321 = arith.muli %arg0, %mul3A_320 : i32
    %mul3A_322 = arith.constant 640 : i32
    %mul3A_323 = arith.muli %arg1, %mul3A_322 : i32
    %add3A_324 = arith.addi %mul3A_321, %mul3A_323 : i32
    %add3A_325 = arith.constant 192 : i32
    %add3A_326 = arith.addi %add3A_324, %add3A_325 : i32
    "tpu.region"() ({
      %run_scoped3A = tpu.sem_alloc : memref<!tpu.dma_semaphore, #tpu.memory_space<semaphore_mem>>
      %dma_start3A = arith.constant 0 : i32
      %dma_start3A_624 = tpu.memref_slice %arg6[%add3A_326, %dma_start3A] : memref<20480x128xf32, #tpu.memory_space<hbm>> -> memref<16x128xf32, #tpu.memory_space<hbm>>
      %dma_start3A_625 = arith.constant 0 : i32
      %dma_start3A_626 = tpu.memref_slice %arg6[%add3A_326, %dma_start3A_625] : memref<20480x128xf32, #tpu.memory_space<hbm>> -> memref<16x128xf32, #tpu.memory_space<hbm>>
      tpu.enqueue_dma source(%arg15 : memref<16x128xf32, #tpu.memory_space<vmem>>) target(%dma_start3A_626 : memref<16x128xf32, #tpu.memory_space<hbm>>) target_semaphore(%run_scoped3A : memref<!tpu.dma_semaphore, #tpu.memory_space<semaphore_mem>>)
      %dma_wait3A = arith.constant 0 : i32
      %dma_wait3A_627 = tpu.memref_slice %arg6[%add3A_326, %dma_wait3A] : memref<20480x128xf32, #tpu.memory_space<hbm>> -> memref<16x128xf32, #tpu.memory_space<hbm>>
      %dma_wait3A_628 = arith.constant 0 : i32
      %dma_wait3A_629 = tpu.memref_slice %arg6[%add3A_326, %dma_wait3A_628] : memref<20480x128xf32, #tpu.memory_space<hbm>> -> memref<16x128xf32, #tpu.memory_space<hbm>>
      tpu.wait_dma2 semaphore(%run_scoped3A : memref<!tpu.dma_semaphore, #tpu.memory_space<semaphore_mem>>) src(%arg15 : memref<16x128xf32, #tpu.memory_space<vmem>>) dst(%dma_wait3A_629 : memref<16x128xf32, #tpu.memory_space<hbm>>)
      tpu.yield
    }) : () -> ()
    %mul3A_327 = arith.constant 640 : i32
    %mul3A_328 = arith.muli %arg1, %mul3A_327 : i32
    %add3A_329 = arith.constant 208 : i32
    %add3A_330 = arith.addi %mul3A_328, %add3A_329 : i32
    "tpu.region"() ({
      %run_scoped3A = tpu.sem_alloc : memref<!tpu.dma_semaphore, #tpu.memory_space<semaphore_mem>>
      %dma_start3A = arith.constant 0 : i32
      %dma_start3A_624 = tpu.memref_slice %arg16[%add3A_330, %dma_start3A] : memref<10240x128xf32, #tpu.memory_space<vmem_shared>> -> memref<16x128xf32, #tpu.memory_space<vmem_shared>>
      %dma_start3A_625 = arith.constant 0 : i32
      %dma_start3A_626 = tpu.memref_slice %arg16[%add3A_330, %dma_start3A_625] : memref<10240x128xf32, #tpu.memory_space<vmem_shared>> -> memref<16x128xf32, #tpu.memory_space<vmem_shared>>
      tpu.enqueue_dma source(%dma_start3A_626 : memref<16x128xf32, #tpu.memory_space<vmem_shared>>) target(%arg15 : memref<16x128xf32, #tpu.memory_space<vmem>>) target_semaphore(%run_scoped3A : memref<!tpu.dma_semaphore, #tpu.memory_space<semaphore_mem>>)
      %dma_wait3A = arith.constant 0 : i32
      %dma_wait3A_627 = tpu.memref_slice %arg16[%add3A_330, %dma_wait3A] : memref<10240x128xf32, #tpu.memory_space<vmem_shared>> -> memref<16x128xf32, #tpu.memory_space<vmem_shared>>
      %dma_wait3A_628 = arith.constant 0 : i32
      %dma_wait3A_629 = tpu.memref_slice %arg16[%add3A_330, %dma_wait3A_628] : memref<10240x128xf32, #tpu.memory_space<vmem_shared>> -> memref<16x128xf32, #tpu.memory_space<vmem_shared>>
      tpu.wait_dma2 semaphore(%run_scoped3A : memref<!tpu.dma_semaphore, #tpu.memory_space<semaphore_mem>>) src(%dma_wait3A_629 : memref<16x128xf32, #tpu.memory_space<vmem_shared>>) dst(%arg15 : memref<16x128xf32, #tpu.memory_space<vmem>>)
      tpu.yield
    }) : () -> ()
    %mul3A_331 = arith.constant 10240 : i32
    %mul3A_332 = arith.muli %arg0, %mul3A_331 : i32
    %mul3A_333 = arith.constant 640 : i32
    %mul3A_334 = arith.muli %arg1, %mul3A_333 : i32
    %add3A_335 = arith.addi %mul3A_332, %mul3A_334 : i32
    %add3A_336 = arith.constant 208 : i32
    %add3A_337 = arith.addi %add3A_335, %add3A_336 : i32
    "tpu.region"() ({
      %run_scoped3A = tpu.sem_alloc : memref<!tpu.dma_semaphore, #tpu.memory_space<semaphore_mem>>
      %dma_start3A = arith.constant 0 : i32
      %dma_start3A_624 = tpu.memref_slice %arg6[%add3A_337, %dma_start3A] : memref<20480x128xf32, #tpu.memory_space<hbm>> -> memref<16x128xf32, #tpu.memory_space<hbm>>
      %dma_start3A_625 = arith.constant 0 : i32
      %dma_start3A_626 = tpu.memref_slice %arg6[%add3A_337, %dma_start3A_625] : memref<20480x128xf32, #tpu.memory_space<hbm>> -> memref<16x128xf32, #tpu.memory_space<hbm>>
      tpu.enqueue_dma source(%arg15 : memref<16x128xf32, #tpu.memory_space<vmem>>) target(%dma_start3A_626 : memref<16x128xf32, #tpu.memory_space<hbm>>) target_semaphore(%run_scoped3A : memref<!tpu.dma_semaphore, #tpu.memory_space<semaphore_mem>>)
      %dma_wait3A = arith.constant 0 : i32
      %dma_wait3A_627 = tpu.memref_slice %arg6[%add3A_337, %dma_wait3A] : memref<20480x128xf32, #tpu.memory_space<hbm>> -> memref<16x128xf32, #tpu.memory_space<hbm>>
      %dma_wait3A_628 = arith.constant 0 : i32
      %dma_wait3A_629 = tpu.memref_slice %arg6[%add3A_337, %dma_wait3A_628] : memref<20480x128xf32, #tpu.memory_space<hbm>> -> memref<16x128xf32, #tpu.memory_space<hbm>>
      tpu.wait_dma2 semaphore(%run_scoped3A : memref<!tpu.dma_semaphore, #tpu.memory_space<semaphore_mem>>) src(%arg15 : memref<16x128xf32, #tpu.memory_space<vmem>>) dst(%dma_wait3A_629 : memref<16x128xf32, #tpu.memory_space<hbm>>)
      tpu.yield
    }) : () -> ()
    %mul3A_338 = arith.constant 640 : i32
    %mul3A_339 = arith.muli %arg1, %mul3A_338 : i32
    %add3A_340 = arith.constant 224 : i32
    %add3A_341 = arith.addi %mul3A_339, %add3A_340 : i32
    "tpu.region"() ({
      %run_scoped3A = tpu.sem_alloc : memref<!tpu.dma_semaphore, #tpu.memory_space<semaphore_mem>>
      %dma_start3A = arith.constant 0 : i32
      %dma_start3A_624 = tpu.memref_slice %arg16[%add3A_341, %dma_start3A] : memref<10240x128xf32, #tpu.memory_space<vmem_shared>> -> memref<16x128xf32, #tpu.memory_space<vmem_shared>>
      %dma_start3A_625 = arith.constant 0 : i32
      %dma_start3A_626 = tpu.memref_slice %arg16[%add3A_341, %dma_start3A_625] : memref<10240x128xf32, #tpu.memory_space<vmem_shared>> -> memref<16x128xf32, #tpu.memory_space<vmem_shared>>
      tpu.enqueue_dma source(%dma_start3A_626 : memref<16x128xf32, #tpu.memory_space<vmem_shared>>) target(%arg15 : memref<16x128xf32, #tpu.memory_space<vmem>>) target_semaphore(%run_scoped3A : memref<!tpu.dma_semaphore, #tpu.memory_space<semaphore_mem>>)
      %dma_wait3A = arith.constant 0 : i32
      %dma_wait3A_627 = tpu.memref_slice %arg16[%add3A_341, %dma_wait3A] : memref<10240x128xf32, #tpu.memory_space<vmem_shared>> -> memref<16x128xf32, #tpu.memory_space<vmem_shared>>
      %dma_wait3A_628 = arith.constant 0 : i32
      %dma_wait3A_629 = tpu.memref_slice %arg16[%add3A_341, %dma_wait3A_628] : memref<10240x128xf32, #tpu.memory_space<vmem_shared>> -> memref<16x128xf32, #tpu.memory_space<vmem_shared>>
      tpu.wait_dma2 semaphore(%run_scoped3A : memref<!tpu.dma_semaphore, #tpu.memory_space<semaphore_mem>>) src(%dma_wait3A_629 : memref<16x128xf32, #tpu.memory_space<vmem_shared>>) dst(%arg15 : memref<16x128xf32, #tpu.memory_space<vmem>>)
      tpu.yield
    }) : () -> ()
    %mul3A_342 = arith.constant 10240 : i32
    %mul3A_343 = arith.muli %arg0, %mul3A_342 : i32
    %mul3A_344 = arith.constant 640 : i32
    %mul3A_345 = arith.muli %arg1, %mul3A_344 : i32
    %add3A_346 = arith.addi %mul3A_343, %mul3A_345 : i32
    %add3A_347 = arith.constant 224 : i32
    %add3A_348 = arith.addi %add3A_346, %add3A_347 : i32
    "tpu.region"() ({
      %run_scoped3A = tpu.sem_alloc : memref<!tpu.dma_semaphore, #tpu.memory_space<semaphore_mem>>
      %dma_start3A = arith.constant 0 : i32
      %dma_start3A_624 = tpu.memref_slice %arg6[%add3A_348, %dma_start3A] : memref<20480x128xf32, #tpu.memory_space<hbm>> -> memref<16x128xf32, #tpu.memory_space<hbm>>
      %dma_start3A_625 = arith.constant 0 : i32
      %dma_start3A_626 = tpu.memref_slice %arg6[%add3A_348, %dma_start3A_625] : memref<20480x128xf32, #tpu.memory_space<hbm>> -> memref<16x128xf32, #tpu.memory_space<hbm>>
      tpu.enqueue_dma source(%arg15 : memref<16x128xf32, #tpu.memory_space<vmem>>) target(%dma_start3A_626 : memref<16x128xf32, #tpu.memory_space<hbm>>) target_semaphore(%run_scoped3A : memref<!tpu.dma_semaphore, #tpu.memory_space<semaphore_mem>>)
      %dma_wait3A = arith.constant 0 : i32
      %dma_wait3A_627 = tpu.memref_slice %arg6[%add3A_348, %dma_wait3A] : memref<20480x128xf32, #tpu.memory_space<hbm>> -> memref<16x128xf32, #tpu.memory_space<hbm>>
      %dma_wait3A_628 = arith.constant 0 : i32
      %dma_wait3A_629 = tpu.memref_slice %arg6[%add3A_348, %dma_wait3A_628] : memref<20480x128xf32, #tpu.memory_space<hbm>> -> memref<16x128xf32, #tpu.memory_space<hbm>>
      tpu.wait_dma2 semaphore(%run_scoped3A : memref<!tpu.dma_semaphore, #tpu.memory_space<semaphore_mem>>) src(%arg15 : memref<16x128xf32, #tpu.memory_space<vmem>>) dst(%dma_wait3A_629 : memref<16x128xf32, #tpu.memory_space<hbm>>)
      tpu.yield
    }) : () -> ()
    %mul3A_349 = arith.constant 640 : i32
    %mul3A_350 = arith.muli %arg1, %mul3A_349 : i32
    %add3A_351 = arith.constant 240 : i32
    %add3A_352 = arith.addi %mul3A_350, %add3A_351 : i32
    "tpu.region"() ({
      %run_scoped3A = tpu.sem_alloc : memref<!tpu.dma_semaphore, #tpu.memory_space<semaphore_mem>>
      %dma_start3A = arith.constant 0 : i32
      %dma_start3A_624 = tpu.memref_slice %arg16[%add3A_352, %dma_start3A] : memref<10240x128xf32, #tpu.memory_space<vmem_shared>> -> memref<16x128xf32, #tpu.memory_space<vmem_shared>>
      %dma_start3A_625 = arith.constant 0 : i32
      %dma_start3A_626 = tpu.memref_slice %arg16[%add3A_352, %dma_start3A_625] : memref<10240x128xf32, #tpu.memory_space<vmem_shared>> -> memref<16x128xf32, #tpu.memory_space<vmem_shared>>
      tpu.enqueue_dma source(%dma_start3A_626 : memref<16x128xf32, #tpu.memory_space<vmem_shared>>) target(%arg15 : memref<16x128xf32, #tpu.memory_space<vmem>>) target_semaphore(%run_scoped3A : memref<!tpu.dma_semaphore, #tpu.memory_space<semaphore_mem>>)
      %dma_wait3A = arith.constant 0 : i32
      %dma_wait3A_627 = tpu.memref_slice %arg16[%add3A_352, %dma_wait3A] : memref<10240x128xf32, #tpu.memory_space<vmem_shared>> -> memref<16x128xf32, #tpu.memory_space<vmem_shared>>
      %dma_wait3A_628 = arith.constant 0 : i32
      %dma_wait3A_629 = tpu.memref_slice %arg16[%add3A_352, %dma_wait3A_628] : memref<10240x128xf32, #tpu.memory_space<vmem_shared>> -> memref<16x128xf32, #tpu.memory_space<vmem_shared>>
      tpu.wait_dma2 semaphore(%run_scoped3A : memref<!tpu.dma_semaphore, #tpu.memory_space<semaphore_mem>>) src(%dma_wait3A_629 : memref<16x128xf32, #tpu.memory_space<vmem_shared>>) dst(%arg15 : memref<16x128xf32, #tpu.memory_space<vmem>>)
      tpu.yield
    }) : () -> ()
    %mul3A_353 = arith.constant 10240 : i32
    %mul3A_354 = arith.muli %arg0, %mul3A_353 : i32
    %mul3A_355 = arith.constant 640 : i32
    %mul3A_356 = arith.muli %arg1, %mul3A_355 : i32
    %add3A_357 = arith.addi %mul3A_354, %mul3A_356 : i32
    %add3A_358 = arith.constant 240 : i32
    %add3A_359 = arith.addi %add3A_357, %add3A_358 : i32
    "tpu.region"() ({
      %run_scoped3A = tpu.sem_alloc : memref<!tpu.dma_semaphore, #tpu.memory_space<semaphore_mem>>
      %dma_start3A = arith.constant 0 : i32
      %dma_start3A_624 = tpu.memref_slice %arg6[%add3A_359, %dma_start3A] : memref<20480x128xf32, #tpu.memory_space<hbm>> -> memref<16x128xf32, #tpu.memory_space<hbm>>
      %dma_start3A_625 = arith.constant 0 : i32
      %dma_start3A_626 = tpu.memref_slice %arg6[%add3A_359, %dma_start3A_625] : memref<20480x128xf32, #tpu.memory_space<hbm>> -> memref<16x128xf32, #tpu.memory_space<hbm>>
      tpu.enqueue_dma source(%arg15 : memref<16x128xf32, #tpu.memory_space<vmem>>) target(%dma_start3A_626 : memref<16x128xf32, #tpu.memory_space<hbm>>) target_semaphore(%run_scoped3A : memref<!tpu.dma_semaphore, #tpu.memory_space<semaphore_mem>>)
      %dma_wait3A = arith.constant 0 : i32
      %dma_wait3A_627 = tpu.memref_slice %arg6[%add3A_359, %dma_wait3A] : memref<20480x128xf32, #tpu.memory_space<hbm>> -> memref<16x128xf32, #tpu.memory_space<hbm>>
      %dma_wait3A_628 = arith.constant 0 : i32
      %dma_wait3A_629 = tpu.memref_slice %arg6[%add3A_359, %dma_wait3A_628] : memref<20480x128xf32, #tpu.memory_space<hbm>> -> memref<16x128xf32, #tpu.memory_space<hbm>>
      tpu.wait_dma2 semaphore(%run_scoped3A : memref<!tpu.dma_semaphore, #tpu.memory_space<semaphore_mem>>) src(%arg15 : memref<16x128xf32, #tpu.memory_space<vmem>>) dst(%dma_wait3A_629 : memref<16x128xf32, #tpu.memory_space<hbm>>)
      tpu.yield
    }) : () -> ()
    %mul3A_360 = arith.constant 640 : i32
    %mul3A_361 = arith.muli %arg1, %mul3A_360 : i32
    %add3A_362 = arith.constant 256 : i32
    %add3A_363 = arith.addi %mul3A_361, %add3A_362 : i32
    "tpu.region"() ({
      %run_scoped3A = tpu.sem_alloc : memref<!tpu.dma_semaphore, #tpu.memory_space<semaphore_mem>>
      %dma_start3A = arith.constant 0 : i32
      %dma_start3A_624 = tpu.memref_slice %arg16[%add3A_363, %dma_start3A] : memref<10240x128xf32, #tpu.memory_space<vmem_shared>> -> memref<16x128xf32, #tpu.memory_space<vmem_shared>>
      %dma_start3A_625 = arith.constant 0 : i32
      %dma_start3A_626 = tpu.memref_slice %arg16[%add3A_363, %dma_start3A_625] : memref<10240x128xf32, #tpu.memory_space<vmem_shared>> -> memref<16x128xf32, #tpu.memory_space<vmem_shared>>
      tpu.enqueue_dma source(%dma_start3A_626 : memref<16x128xf32, #tpu.memory_space<vmem_shared>>) target(%arg15 : memref<16x128xf32, #tpu.memory_space<vmem>>) target_semaphore(%run_scoped3A : memref<!tpu.dma_semaphore, #tpu.memory_space<semaphore_mem>>)
      %dma_wait3A = arith.constant 0 : i32
      %dma_wait3A_627 = tpu.memref_slice %arg16[%add3A_363, %dma_wait3A] : memref<10240x128xf32, #tpu.memory_space<vmem_shared>> -> memref<16x128xf32, #tpu.memory_space<vmem_shared>>
      %dma_wait3A_628 = arith.constant 0 : i32
      %dma_wait3A_629 = tpu.memref_slice %arg16[%add3A_363, %dma_wait3A_628] : memref<10240x128xf32, #tpu.memory_space<vmem_shared>> -> memref<16x128xf32, #tpu.memory_space<vmem_shared>>
      tpu.wait_dma2 semaphore(%run_scoped3A : memref<!tpu.dma_semaphore, #tpu.memory_space<semaphore_mem>>) src(%dma_wait3A_629 : memref<16x128xf32, #tpu.memory_space<vmem_shared>>) dst(%arg15 : memref<16x128xf32, #tpu.memory_space<vmem>>)
      tpu.yield
    }) : () -> ()
    %mul3A_364 = arith.constant 10240 : i32
    %mul3A_365 = arith.muli %arg0, %mul3A_364 : i32
    %mul3A_366 = arith.constant 640 : i32
    %mul3A_367 = arith.muli %arg1, %mul3A_366 : i32
    %add3A_368 = arith.addi %mul3A_365, %mul3A_367 : i32
    %add3A_369 = arith.constant 256 : i32
    %add3A_370 = arith.addi %add3A_368, %add3A_369 : i32
    "tpu.region"() ({
      %run_scoped3A = tpu.sem_alloc : memref<!tpu.dma_semaphore, #tpu.memory_space<semaphore_mem>>
      %dma_start3A = arith.constant 0 : i32
      %dma_start3A_624 = tpu.memref_slice %arg6[%add3A_370, %dma_start3A] : memref<20480x128xf32, #tpu.memory_space<hbm>> -> memref<16x128xf32, #tpu.memory_space<hbm>>
      %dma_start3A_625 = arith.constant 0 : i32
      %dma_start3A_626 = tpu.memref_slice %arg6[%add3A_370, %dma_start3A_625] : memref<20480x128xf32, #tpu.memory_space<hbm>> -> memref<16x128xf32, #tpu.memory_space<hbm>>
      tpu.enqueue_dma source(%arg15 : memref<16x128xf32, #tpu.memory_space<vmem>>) target(%dma_start3A_626 : memref<16x128xf32, #tpu.memory_space<hbm>>) target_semaphore(%run_scoped3A : memref<!tpu.dma_semaphore, #tpu.memory_space<semaphore_mem>>)
      %dma_wait3A = arith.constant 0 : i32
      %dma_wait3A_627 = tpu.memref_slice %arg6[%add3A_370, %dma_wait3A] : memref<20480x128xf32, #tpu.memory_space<hbm>> -> memref<16x128xf32, #tpu.memory_space<hbm>>
      %dma_wait3A_628 = arith.constant 0 : i32
      %dma_wait3A_629 = tpu.memref_slice %arg6[%add3A_370, %dma_wait3A_628] : memref<20480x128xf32, #tpu.memory_space<hbm>> -> memref<16x128xf32, #tpu.memory_space<hbm>>
      tpu.wait_dma2 semaphore(%run_scoped3A : memref<!tpu.dma_semaphore, #tpu.memory_space<semaphore_mem>>) src(%arg15 : memref<16x128xf32, #tpu.memory_space<vmem>>) dst(%dma_wait3A_629 : memref<16x128xf32, #tpu.memory_space<hbm>>)
      tpu.yield
    }) : () -> ()
    %mul3A_371 = arith.constant 640 : i32
    %mul3A_372 = arith.muli %arg1, %mul3A_371 : i32
    %add3A_373 = arith.constant 272 : i32
    %add3A_374 = arith.addi %mul3A_372, %add3A_373 : i32
    "tpu.region"() ({
      %run_scoped3A = tpu.sem_alloc : memref<!tpu.dma_semaphore, #tpu.memory_space<semaphore_mem>>
      %dma_start3A = arith.constant 0 : i32
      %dma_start3A_624 = tpu.memref_slice %arg16[%add3A_374, %dma_start3A] : memref<10240x128xf32, #tpu.memory_space<vmem_shared>> -> memref<16x128xf32, #tpu.memory_space<vmem_shared>>
      %dma_start3A_625 = arith.constant 0 : i32
      %dma_start3A_626 = tpu.memref_slice %arg16[%add3A_374, %dma_start3A_625] : memref<10240x128xf32, #tpu.memory_space<vmem_shared>> -> memref<16x128xf32, #tpu.memory_space<vmem_shared>>
      tpu.enqueue_dma source(%dma_start3A_626 : memref<16x128xf32, #tpu.memory_space<vmem_shared>>) target(%arg15 : memref<16x128xf32, #tpu.memory_space<vmem>>) target_semaphore(%run_scoped3A : memref<!tpu.dma_semaphore, #tpu.memory_space<semaphore_mem>>)
      %dma_wait3A = arith.constant 0 : i32
      %dma_wait3A_627 = tpu.memref_slice %arg16[%add3A_374, %dma_wait3A] : memref<10240x128xf32, #tpu.memory_space<vmem_shared>> -> memref<16x128xf32, #tpu.memory_space<vmem_shared>>
      %dma_wait3A_628 = arith.constant 0 : i32
      %dma_wait3A_629 = tpu.memref_slice %arg16[%add3A_374, %dma_wait3A_628] : memref<10240x128xf32, #tpu.memory_space<vmem_shared>> -> memref<16x128xf32, #tpu.memory_space<vmem_shared>>
      tpu.wait_dma2 semaphore(%run_scoped3A : memref<!tpu.dma_semaphore, #tpu.memory_space<semaphore_mem>>) src(%dma_wait3A_629 : memref<16x128xf32, #tpu.memory_space<vmem_shared>>) dst(%arg15 : memref<16x128xf32, #tpu.memory_space<vmem>>)
      tpu.yield
    }) : () -> ()
    %mul3A_375 = arith.constant 10240 : i32
    %mul3A_376 = arith.muli %arg0, %mul3A_375 : i32
    %mul3A_377 = arith.constant 640 : i32
    %mul3A_378 = arith.muli %arg1, %mul3A_377 : i32
    %add3A_379 = arith.addi %mul3A_376, %mul3A_378 : i32
    %add3A_380 = arith.constant 272 : i32
    %add3A_381 = arith.addi %add3A_379, %add3A_380 : i32
    "tpu.region"() ({
      %run_scoped3A = tpu.sem_alloc : memref<!tpu.dma_semaphore, #tpu.memory_space<semaphore_mem>>
      %dma_start3A = arith.constant 0 : i32
      %dma_start3A_624 = tpu.memref_slice %arg6[%add3A_381, %dma_start3A] : memref<20480x128xf32, #tpu.memory_space<hbm>> -> memref<16x128xf32, #tpu.memory_space<hbm>>
      %dma_start3A_625 = arith.constant 0 : i32
      %dma_start3A_626 = tpu.memref_slice %arg6[%add3A_381, %dma_start3A_625] : memref<20480x128xf32, #tpu.memory_space<hbm>> -> memref<16x128xf32, #tpu.memory_space<hbm>>
      tpu.enqueue_dma source(%arg15 : memref<16x128xf32, #tpu.memory_space<vmem>>) target(%dma_start3A_626 : memref<16x128xf32, #tpu.memory_space<hbm>>) target_semaphore(%run_scoped3A : memref<!tpu.dma_semaphore, #tpu.memory_space<semaphore_mem>>)
      %dma_wait3A = arith.constant 0 : i32
      %dma_wait3A_627 = tpu.memref_slice %arg6[%add3A_381, %dma_wait3A] : memref<20480x128xf32, #tpu.memory_space<hbm>> -> memref<16x128xf32, #tpu.memory_space<hbm>>
      %dma_wait3A_628 = arith.constant 0 : i32
      %dma_wait3A_629 = tpu.memref_slice %arg6[%add3A_381, %dma_wait3A_628] : memref<20480x128xf32, #tpu.memory_space<hbm>> -> memref<16x128xf32, #tpu.memory_space<hbm>>
      tpu.wait_dma2 semaphore(%run_scoped3A : memref<!tpu.dma_semaphore, #tpu.memory_space<semaphore_mem>>) src(%arg15 : memref<16x128xf32, #tpu.memory_space<vmem>>) dst(%dma_wait3A_629 : memref<16x128xf32, #tpu.memory_space<hbm>>)
      tpu.yield
    }) : () -> ()
    %mul3A_382 = arith.constant 640 : i32
    %mul3A_383 = arith.muli %arg1, %mul3A_382 : i32
    %add3A_384 = arith.constant 288 : i32
    %add3A_385 = arith.addi %mul3A_383, %add3A_384 : i32
    "tpu.region"() ({
      %run_scoped3A = tpu.sem_alloc : memref<!tpu.dma_semaphore, #tpu.memory_space<semaphore_mem>>
      %dma_start3A = arith.constant 0 : i32
      %dma_start3A_624 = tpu.memref_slice %arg16[%add3A_385, %dma_start3A] : memref<10240x128xf32, #tpu.memory_space<vmem_shared>> -> memref<16x128xf32, #tpu.memory_space<vmem_shared>>
      %dma_start3A_625 = arith.constant 0 : i32
      %dma_start3A_626 = tpu.memref_slice %arg16[%add3A_385, %dma_start3A_625] : memref<10240x128xf32, #tpu.memory_space<vmem_shared>> -> memref<16x128xf32, #tpu.memory_space<vmem_shared>>
      tpu.enqueue_dma source(%dma_start3A_626 : memref<16x128xf32, #tpu.memory_space<vmem_shared>>) target(%arg15 : memref<16x128xf32, #tpu.memory_space<vmem>>) target_semaphore(%run_scoped3A : memref<!tpu.dma_semaphore, #tpu.memory_space<semaphore_mem>>)
      %dma_wait3A = arith.constant 0 : i32
      %dma_wait3A_627 = tpu.memref_slice %arg16[%add3A_385, %dma_wait3A] : memref<10240x128xf32, #tpu.memory_space<vmem_shared>> -> memref<16x128xf32, #tpu.memory_space<vmem_shared>>
      %dma_wait3A_628 = arith.constant 0 : i32
      %dma_wait3A_629 = tpu.memref_slice %arg16[%add3A_385, %dma_wait3A_628] : memref<10240x128xf32, #tpu.memory_space<vmem_shared>> -> memref<16x128xf32, #tpu.memory_space<vmem_shared>>
      tpu.wait_dma2 semaphore(%run_scoped3A : memref<!tpu.dma_semaphore, #tpu.memory_space<semaphore_mem>>) src(%dma_wait3A_629 : memref<16x128xf32, #tpu.memory_space<vmem_shared>>) dst(%arg15 : memref<16x128xf32, #tpu.memory_space<vmem>>)
      tpu.yield
    }) : () -> ()
    %mul3A_386 = arith.constant 10240 : i32
    %mul3A_387 = arith.muli %arg0, %mul3A_386 : i32
    %mul3A_388 = arith.constant 640 : i32
    %mul3A_389 = arith.muli %arg1, %mul3A_388 : i32
    %add3A_390 = arith.addi %mul3A_387, %mul3A_389 : i32
    %add3A_391 = arith.constant 288 : i32
    %add3A_392 = arith.addi %add3A_390, %add3A_391 : i32
    "tpu.region"() ({
      %run_scoped3A = tpu.sem_alloc : memref<!tpu.dma_semaphore, #tpu.memory_space<semaphore_mem>>
      %dma_start3A = arith.constant 0 : i32
      %dma_start3A_624 = tpu.memref_slice %arg6[%add3A_392, %dma_start3A] : memref<20480x128xf32, #tpu.memory_space<hbm>> -> memref<16x128xf32, #tpu.memory_space<hbm>>
      %dma_start3A_625 = arith.constant 0 : i32
      %dma_start3A_626 = tpu.memref_slice %arg6[%add3A_392, %dma_start3A_625] : memref<20480x128xf32, #tpu.memory_space<hbm>> -> memref<16x128xf32, #tpu.memory_space<hbm>>
      tpu.enqueue_dma source(%arg15 : memref<16x128xf32, #tpu.memory_space<vmem>>) target(%dma_start3A_626 : memref<16x128xf32, #tpu.memory_space<hbm>>) target_semaphore(%run_scoped3A : memref<!tpu.dma_semaphore, #tpu.memory_space<semaphore_mem>>)
      %dma_wait3A = arith.constant 0 : i32
      %dma_wait3A_627 = tpu.memref_slice %arg6[%add3A_392, %dma_wait3A] : memref<20480x128xf32, #tpu.memory_space<hbm>> -> memref<16x128xf32, #tpu.memory_space<hbm>>
      %dma_wait3A_628 = arith.constant 0 : i32
      %dma_wait3A_629 = tpu.memref_slice %arg6[%add3A_392, %dma_wait3A_628] : memref<20480x128xf32, #tpu.memory_space<hbm>> -> memref<16x128xf32, #tpu.memory_space<hbm>>
      tpu.wait_dma2 semaphore(%run_scoped3A : memref<!tpu.dma_semaphore, #tpu.memory_space<semaphore_mem>>) src(%arg15 : memref<16x128xf32, #tpu.memory_space<vmem>>) dst(%dma_wait3A_629 : memref<16x128xf32, #tpu.memory_space<hbm>>)
      tpu.yield
    }) : () -> ()
    %mul3A_393 = arith.constant 640 : i32
    %mul3A_394 = arith.muli %arg1, %mul3A_393 : i32
    %add3A_395 = arith.constant 304 : i32
    %add3A_396 = arith.addi %mul3A_394, %add3A_395 : i32
    "tpu.region"() ({
      %run_scoped3A = tpu.sem_alloc : memref<!tpu.dma_semaphore, #tpu.memory_space<semaphore_mem>>
      %dma_start3A = arith.constant 0 : i32
      %dma_start3A_624 = tpu.memref_slice %arg16[%add3A_396, %dma_start3A] : memref<10240x128xf32, #tpu.memory_space<vmem_shared>> -> memref<16x128xf32, #tpu.memory_space<vmem_shared>>
      %dma_start3A_625 = arith.constant 0 : i32
      %dma_start3A_626 = tpu.memref_slice %arg16[%add3A_396, %dma_start3A_625] : memref<10240x128xf32, #tpu.memory_space<vmem_shared>> -> memref<16x128xf32, #tpu.memory_space<vmem_shared>>
      tpu.enqueue_dma source(%dma_start3A_626 : memref<16x128xf32, #tpu.memory_space<vmem_shared>>) target(%arg15 : memref<16x128xf32, #tpu.memory_space<vmem>>) target_semaphore(%run_scoped3A : memref<!tpu.dma_semaphore, #tpu.memory_space<semaphore_mem>>)
      %dma_wait3A = arith.constant 0 : i32
      %dma_wait3A_627 = tpu.memref_slice %arg16[%add3A_396, %dma_wait3A] : memref<10240x128xf32, #tpu.memory_space<vmem_shared>> -> memref<16x128xf32, #tpu.memory_space<vmem_shared>>
      %dma_wait3A_628 = arith.constant 0 : i32
      %dma_wait3A_629 = tpu.memref_slice %arg16[%add3A_396, %dma_wait3A_628] : memref<10240x128xf32, #tpu.memory_space<vmem_shared>> -> memref<16x128xf32, #tpu.memory_space<vmem_shared>>
      tpu.wait_dma2 semaphore(%run_scoped3A : memref<!tpu.dma_semaphore, #tpu.memory_space<semaphore_mem>>) src(%dma_wait3A_629 : memref<16x128xf32, #tpu.memory_space<vmem_shared>>) dst(%arg15 : memref<16x128xf32, #tpu.memory_space<vmem>>)
      tpu.yield
    }) : () -> ()
    %mul3A_397 = arith.constant 10240 : i32
    %mul3A_398 = arith.muli %arg0, %mul3A_397 : i32
    %mul3A_399 = arith.constant 640 : i32
    %mul3A_400 = arith.muli %arg1, %mul3A_399 : i32
    %add3A_401 = arith.addi %mul3A_398, %mul3A_400 : i32
    %add3A_402 = arith.constant 304 : i32
    %add3A_403 = arith.addi %add3A_401, %add3A_402 : i32
    "tpu.region"() ({
      %run_scoped3A = tpu.sem_alloc : memref<!tpu.dma_semaphore, #tpu.memory_space<semaphore_mem>>
      %dma_start3A = arith.constant 0 : i32
      %dma_start3A_624 = tpu.memref_slice %arg6[%add3A_403, %dma_start3A] : memref<20480x128xf32, #tpu.memory_space<hbm>> -> memref<16x128xf32, #tpu.memory_space<hbm>>
      %dma_start3A_625 = arith.constant 0 : i32
      %dma_start3A_626 = tpu.memref_slice %arg6[%add3A_403, %dma_start3A_625] : memref<20480x128xf32, #tpu.memory_space<hbm>> -> memref<16x128xf32, #tpu.memory_space<hbm>>
      tpu.enqueue_dma source(%arg15 : memref<16x128xf32, #tpu.memory_space<vmem>>) target(%dma_start3A_626 : memref<16x128xf32, #tpu.memory_space<hbm>>) target_semaphore(%run_scoped3A : memref<!tpu.dma_semaphore, #tpu.memory_space<semaphore_mem>>)
      %dma_wait3A = arith.constant 0 : i32
      %dma_wait3A_627 = tpu.memref_slice %arg6[%add3A_403, %dma_wait3A] : memref<20480x128xf32, #tpu.memory_space<hbm>> -> memref<16x128xf32, #tpu.memory_space<hbm>>
      %dma_wait3A_628 = arith.constant 0 : i32
      %dma_wait3A_629 = tpu.memref_slice %arg6[%add3A_403, %dma_wait3A_628] : memref<20480x128xf32, #tpu.memory_space<hbm>> -> memref<16x128xf32, #tpu.memory_space<hbm>>
      tpu.wait_dma2 semaphore(%run_scoped3A : memref<!tpu.dma_semaphore, #tpu.memory_space<semaphore_mem>>) src(%arg15 : memref<16x128xf32, #tpu.memory_space<vmem>>) dst(%dma_wait3A_629 : memref<16x128xf32, #tpu.memory_space<hbm>>)
      tpu.yield
    }) : () -> ()
    %mul3A_404 = arith.constant 640 : i32
    %mul3A_405 = arith.muli %arg1, %mul3A_404 : i32
    %add3A_406 = arith.constant 320 : i32
    %add3A_407 = arith.addi %mul3A_405, %add3A_406 : i32
    "tpu.region"() ({
      %run_scoped3A = tpu.sem_alloc : memref<!tpu.dma_semaphore, #tpu.memory_space<semaphore_mem>>
      %dma_start3A = arith.constant 0 : i32
      %dma_start3A_624 = tpu.memref_slice %arg16[%add3A_407, %dma_start3A] : memref<10240x128xf32, #tpu.memory_space<vmem_shared>> -> memref<16x128xf32, #tpu.memory_space<vmem_shared>>
      %dma_start3A_625 = arith.constant 0 : i32
      %dma_start3A_626 = tpu.memref_slice %arg16[%add3A_407, %dma_start3A_625] : memref<10240x128xf32, #tpu.memory_space<vmem_shared>> -> memref<16x128xf32, #tpu.memory_space<vmem_shared>>
      tpu.enqueue_dma source(%dma_start3A_626 : memref<16x128xf32, #tpu.memory_space<vmem_shared>>) target(%arg15 : memref<16x128xf32, #tpu.memory_space<vmem>>) target_semaphore(%run_scoped3A : memref<!tpu.dma_semaphore, #tpu.memory_space<semaphore_mem>>)
      %dma_wait3A = arith.constant 0 : i32
      %dma_wait3A_627 = tpu.memref_slice %arg16[%add3A_407, %dma_wait3A] : memref<10240x128xf32, #tpu.memory_space<vmem_shared>> -> memref<16x128xf32, #tpu.memory_space<vmem_shared>>
      %dma_wait3A_628 = arith.constant 0 : i32
      %dma_wait3A_629 = tpu.memref_slice %arg16[%add3A_407, %dma_wait3A_628] : memref<10240x128xf32, #tpu.memory_space<vmem_shared>> -> memref<16x128xf32, #tpu.memory_space<vmem_shared>>
      tpu.wait_dma2 semaphore(%run_scoped3A : memref<!tpu.dma_semaphore, #tpu.memory_space<semaphore_mem>>) src(%dma_wait3A_629 : memref<16x128xf32, #tpu.memory_space<vmem_shared>>) dst(%arg15 : memref<16x128xf32, #tpu.memory_space<vmem>>)
      tpu.yield
    }) : () -> ()
    %mul3A_408 = arith.constant 10240 : i32
    %mul3A_409 = arith.muli %arg0, %mul3A_408 : i32
    %mul3A_410 = arith.constant 640 : i32
    %mul3A_411 = arith.muli %arg1, %mul3A_410 : i32
    %add3A_412 = arith.addi %mul3A_409, %mul3A_411 : i32
    %add3A_413 = arith.constant 320 : i32
    %add3A_414 = arith.addi %add3A_412, %add3A_413 : i32
    "tpu.region"() ({
      %run_scoped3A = tpu.sem_alloc : memref<!tpu.dma_semaphore, #tpu.memory_space<semaphore_mem>>
      %dma_start3A = arith.constant 0 : i32
      %dma_start3A_624 = tpu.memref_slice %arg6[%add3A_414, %dma_start3A] : memref<20480x128xf32, #tpu.memory_space<hbm>> -> memref<16x128xf32, #tpu.memory_space<hbm>>
      %dma_start3A_625 = arith.constant 0 : i32
      %dma_start3A_626 = tpu.memref_slice %arg6[%add3A_414, %dma_start3A_625] : memref<20480x128xf32, #tpu.memory_space<hbm>> -> memref<16x128xf32, #tpu.memory_space<hbm>>
      tpu.enqueue_dma source(%arg15 : memref<16x128xf32, #tpu.memory_space<vmem>>) target(%dma_start3A_626 : memref<16x128xf32, #tpu.memory_space<hbm>>) target_semaphore(%run_scoped3A : memref<!tpu.dma_semaphore, #tpu.memory_space<semaphore_mem>>)
      %dma_wait3A = arith.constant 0 : i32
      %dma_wait3A_627 = tpu.memref_slice %arg6[%add3A_414, %dma_wait3A] : memref<20480x128xf32, #tpu.memory_space<hbm>> -> memref<16x128xf32, #tpu.memory_space<hbm>>
      %dma_wait3A_628 = arith.constant 0 : i32
      %dma_wait3A_629 = tpu.memref_slice %arg6[%add3A_414, %dma_wait3A_628] : memref<20480x128xf32, #tpu.memory_space<hbm>> -> memref<16x128xf32, #tpu.memory_space<hbm>>
      tpu.wait_dma2 semaphore(%run_scoped3A : memref<!tpu.dma_semaphore, #tpu.memory_space<semaphore_mem>>) src(%arg15 : memref<16x128xf32, #tpu.memory_space<vmem>>) dst(%dma_wait3A_629 : memref<16x128xf32, #tpu.memory_space<hbm>>)
      tpu.yield
    }) : () -> ()
    %mul3A_415 = arith.constant 640 : i32
    %mul3A_416 = arith.muli %arg1, %mul3A_415 : i32
    %add3A_417 = arith.constant 336 : i32
    %add3A_418 = arith.addi %mul3A_416, %add3A_417 : i32
    "tpu.region"() ({
      %run_scoped3A = tpu.sem_alloc : memref<!tpu.dma_semaphore, #tpu.memory_space<semaphore_mem>>
      %dma_start3A = arith.constant 0 : i32
      %dma_start3A_624 = tpu.memref_slice %arg16[%add3A_418, %dma_start3A] : memref<10240x128xf32, #tpu.memory_space<vmem_shared>> -> memref<16x128xf32, #tpu.memory_space<vmem_shared>>
      %dma_start3A_625 = arith.constant 0 : i32
      %dma_start3A_626 = tpu.memref_slice %arg16[%add3A_418, %dma_start3A_625] : memref<10240x128xf32, #tpu.memory_space<vmem_shared>> -> memref<16x128xf32, #tpu.memory_space<vmem_shared>>
      tpu.enqueue_dma source(%dma_start3A_626 : memref<16x128xf32, #tpu.memory_space<vmem_shared>>) target(%arg15 : memref<16x128xf32, #tpu.memory_space<vmem>>) target_semaphore(%run_scoped3A : memref<!tpu.dma_semaphore, #tpu.memory_space<semaphore_mem>>)
      %dma_wait3A = arith.constant 0 : i32
      %dma_wait3A_627 = tpu.memref_slice %arg16[%add3A_418, %dma_wait3A] : memref<10240x128xf32, #tpu.memory_space<vmem_shared>> -> memref<16x128xf32, #tpu.memory_space<vmem_shared>>
      %dma_wait3A_628 = arith.constant 0 : i32
      %dma_wait3A_629 = tpu.memref_slice %arg16[%add3A_418, %dma_wait3A_628] : memref<10240x128xf32, #tpu.memory_space<vmem_shared>> -> memref<16x128xf32, #tpu.memory_space<vmem_shared>>
      tpu.wait_dma2 semaphore(%run_scoped3A : memref<!tpu.dma_semaphore, #tpu.memory_space<semaphore_mem>>) src(%dma_wait3A_629 : memref<16x128xf32, #tpu.memory_space<vmem_shared>>) dst(%arg15 : memref<16x128xf32, #tpu.memory_space<vmem>>)
      tpu.yield
    }) : () -> ()
    %mul3A_419 = arith.constant 10240 : i32
    %mul3A_420 = arith.muli %arg0, %mul3A_419 : i32
    %mul3A_421 = arith.constant 640 : i32
    %mul3A_422 = arith.muli %arg1, %mul3A_421 : i32
    %add3A_423 = arith.addi %mul3A_420, %mul3A_422 : i32
    %add3A_424 = arith.constant 336 : i32
    %add3A_425 = arith.addi %add3A_423, %add3A_424 : i32
    "tpu.region"() ({
      %run_scoped3A = tpu.sem_alloc : memref<!tpu.dma_semaphore, #tpu.memory_space<semaphore_mem>>
      %dma_start3A = arith.constant 0 : i32
      %dma_start3A_624 = tpu.memref_slice %arg6[%add3A_425, %dma_start3A] : memref<20480x128xf32, #tpu.memory_space<hbm>> -> memref<16x128xf32, #tpu.memory_space<hbm>>
      %dma_start3A_625 = arith.constant 0 : i32
      %dma_start3A_626 = tpu.memref_slice %arg6[%add3A_425, %dma_start3A_625] : memref<20480x128xf32, #tpu.memory_space<hbm>> -> memref<16x128xf32, #tpu.memory_space<hbm>>
      tpu.enqueue_dma source(%arg15 : memref<16x128xf32, #tpu.memory_space<vmem>>) target(%dma_start3A_626 : memref<16x128xf32, #tpu.memory_space<hbm>>) target_semaphore(%run_scoped3A : memref<!tpu.dma_semaphore, #tpu.memory_space<semaphore_mem>>)
      %dma_wait3A = arith.constant 0 : i32
      %dma_wait3A_627 = tpu.memref_slice %arg6[%add3A_425, %dma_wait3A] : memref<20480x128xf32, #tpu.memory_space<hbm>> -> memref<16x128xf32, #tpu.memory_space<hbm>>
      %dma_wait3A_628 = arith.constant 0 : i32
      %dma_wait3A_629 = tpu.memref_slice %arg6[%add3A_425, %dma_wait3A_628] : memref<20480x128xf32, #tpu.memory_space<hbm>> -> memref<16x128xf32, #tpu.memory_space<hbm>>
      tpu.wait_dma2 semaphore(%run_scoped3A : memref<!tpu.dma_semaphore, #tpu.memory_space<semaphore_mem>>) src(%arg15 : memref<16x128xf32, #tpu.memory_space<vmem>>) dst(%dma_wait3A_629 : memref<16x128xf32, #tpu.memory_space<hbm>>)
      tpu.yield
    }) : () -> ()
    %mul3A_426 = arith.constant 640 : i32
    %mul3A_427 = arith.muli %arg1, %mul3A_426 : i32
    %add3A_428 = arith.constant 352 : i32
    %add3A_429 = arith.addi %mul3A_427, %add3A_428 : i32
    "tpu.region"() ({
      %run_scoped3A = tpu.sem_alloc : memref<!tpu.dma_semaphore, #tpu.memory_space<semaphore_mem>>
      %dma_start3A = arith.constant 0 : i32
      %dma_start3A_624 = tpu.memref_slice %arg16[%add3A_429, %dma_start3A] : memref<10240x128xf32, #tpu.memory_space<vmem_shared>> -> memref<16x128xf32, #tpu.memory_space<vmem_shared>>
      %dma_start3A_625 = arith.constant 0 : i32
      %dma_start3A_626 = tpu.memref_slice %arg16[%add3A_429, %dma_start3A_625] : memref<10240x128xf32, #tpu.memory_space<vmem_shared>> -> memref<16x128xf32, #tpu.memory_space<vmem_shared>>
      tpu.enqueue_dma source(%dma_start3A_626 : memref<16x128xf32, #tpu.memory_space<vmem_shared>>) target(%arg15 : memref<16x128xf32, #tpu.memory_space<vmem>>) target_semaphore(%run_scoped3A : memref<!tpu.dma_semaphore, #tpu.memory_space<semaphore_mem>>)
      %dma_wait3A = arith.constant 0 : i32
      %dma_wait3A_627 = tpu.memref_slice %arg16[%add3A_429, %dma_wait3A] : memref<10240x128xf32, #tpu.memory_space<vmem_shared>> -> memref<16x128xf32, #tpu.memory_space<vmem_shared>>
      %dma_wait3A_628 = arith.constant 0 : i32
      %dma_wait3A_629 = tpu.memref_slice %arg16[%add3A_429, %dma_wait3A_628] : memref<10240x128xf32, #tpu.memory_space<vmem_shared>> -> memref<16x128xf32, #tpu.memory_space<vmem_shared>>
      tpu.wait_dma2 semaphore(%run_scoped3A : memref<!tpu.dma_semaphore, #tpu.memory_space<semaphore_mem>>) src(%dma_wait3A_629 : memref<16x128xf32, #tpu.memory_space<vmem_shared>>) dst(%arg15 : memref<16x128xf32, #tpu.memory_space<vmem>>)
      tpu.yield
    }) : () -> ()
    %mul3A_430 = arith.constant 10240 : i32
    %mul3A_431 = arith.muli %arg0, %mul3A_430 : i32
    %mul3A_432 = arith.constant 640 : i32
    %mul3A_433 = arith.muli %arg1, %mul3A_432 : i32
    %add3A_434 = arith.addi %mul3A_431, %mul3A_433 : i32
    %add3A_435 = arith.constant 352 : i32
    %add3A_436 = arith.addi %add3A_434, %add3A_435 : i32
    "tpu.region"() ({
      %run_scoped3A = tpu.sem_alloc : memref<!tpu.dma_semaphore, #tpu.memory_space<semaphore_mem>>
      %dma_start3A = arith.constant 0 : i32
      %dma_start3A_624 = tpu.memref_slice %arg6[%add3A_436, %dma_start3A] : memref<20480x128xf32, #tpu.memory_space<hbm>> -> memref<16x128xf32, #tpu.memory_space<hbm>>
      %dma_start3A_625 = arith.constant 0 : i32
      %dma_start3A_626 = tpu.memref_slice %arg6[%add3A_436, %dma_start3A_625] : memref<20480x128xf32, #tpu.memory_space<hbm>> -> memref<16x128xf32, #tpu.memory_space<hbm>>
      tpu.enqueue_dma source(%arg15 : memref<16x128xf32, #tpu.memory_space<vmem>>) target(%dma_start3A_626 : memref<16x128xf32, #tpu.memory_space<hbm>>) target_semaphore(%run_scoped3A : memref<!tpu.dma_semaphore, #tpu.memory_space<semaphore_mem>>)
      %dma_wait3A = arith.constant 0 : i32
      %dma_wait3A_627 = tpu.memref_slice %arg6[%add3A_436, %dma_wait3A] : memref<20480x128xf32, #tpu.memory_space<hbm>> -> memref<16x128xf32, #tpu.memory_space<hbm>>
      %dma_wait3A_628 = arith.constant 0 : i32
      %dma_wait3A_629 = tpu.memref_slice %arg6[%add3A_436, %dma_wait3A_628] : memref<20480x128xf32, #tpu.memory_space<hbm>> -> memref<16x128xf32, #tpu.memory_space<hbm>>
      tpu.wait_dma2 semaphore(%run_scoped3A : memref<!tpu.dma_semaphore, #tpu.memory_space<semaphore_mem>>) src(%arg15 : memref<16x128xf32, #tpu.memory_space<vmem>>) dst(%dma_wait3A_629 : memref<16x128xf32, #tpu.memory_space<hbm>>)
      tpu.yield
    }) : () -> ()
    %mul3A_437 = arith.constant 640 : i32
    %mul3A_438 = arith.muli %arg1, %mul3A_437 : i32
    %add3A_439 = arith.constant 368 : i32
    %add3A_440 = arith.addi %mul3A_438, %add3A_439 : i32
    "tpu.region"() ({
      %run_scoped3A = tpu.sem_alloc : memref<!tpu.dma_semaphore, #tpu.memory_space<semaphore_mem>>
      %dma_start3A = arith.constant 0 : i32
      %dma_start3A_624 = tpu.memref_slice %arg16[%add3A_440, %dma_start3A] : memref<10240x128xf32, #tpu.memory_space<vmem_shared>> -> memref<16x128xf32, #tpu.memory_space<vmem_shared>>
      %dma_start3A_625 = arith.constant 0 : i32
      %dma_start3A_626 = tpu.memref_slice %arg16[%add3A_440, %dma_start3A_625] : memref<10240x128xf32, #tpu.memory_space<vmem_shared>> -> memref<16x128xf32, #tpu.memory_space<vmem_shared>>
      tpu.enqueue_dma source(%dma_start3A_626 : memref<16x128xf32, #tpu.memory_space<vmem_shared>>) target(%arg15 : memref<16x128xf32, #tpu.memory_space<vmem>>) target_semaphore(%run_scoped3A : memref<!tpu.dma_semaphore, #tpu.memory_space<semaphore_mem>>)
      %dma_wait3A = arith.constant 0 : i32
      %dma_wait3A_627 = tpu.memref_slice %arg16[%add3A_440, %dma_wait3A] : memref<10240x128xf32, #tpu.memory_space<vmem_shared>> -> memref<16x128xf32, #tpu.memory_space<vmem_shared>>
      %dma_wait3A_628 = arith.constant 0 : i32
      %dma_wait3A_629 = tpu.memref_slice %arg16[%add3A_440, %dma_wait3A_628] : memref<10240x128xf32, #tpu.memory_space<vmem_shared>> -> memref<16x128xf32, #tpu.memory_space<vmem_shared>>
      tpu.wait_dma2 semaphore(%run_scoped3A : memref<!tpu.dma_semaphore, #tpu.memory_space<semaphore_mem>>) src(%dma_wait3A_629 : memref<16x128xf32, #tpu.memory_space<vmem_shared>>) dst(%arg15 : memref<16x128xf32, #tpu.memory_space<vmem>>)
      tpu.yield
    }) : () -> ()
    %mul3A_441 = arith.constant 10240 : i32
    %mul3A_442 = arith.muli %arg0, %mul3A_441 : i32
    %mul3A_443 = arith.constant 640 : i32
    %mul3A_444 = arith.muli %arg1, %mul3A_443 : i32
    %add3A_445 = arith.addi %mul3A_442, %mul3A_444 : i32
    %add3A_446 = arith.constant 368 : i32
    %add3A_447 = arith.addi %add3A_445, %add3A_446 : i32
    "tpu.region"() ({
      %run_scoped3A = tpu.sem_alloc : memref<!tpu.dma_semaphore, #tpu.memory_space<semaphore_mem>>
      %dma_start3A = arith.constant 0 : i32
      %dma_start3A_624 = tpu.memref_slice %arg6[%add3A_447, %dma_start3A] : memref<20480x128xf32, #tpu.memory_space<hbm>> -> memref<16x128xf32, #tpu.memory_space<hbm>>
      %dma_start3A_625 = arith.constant 0 : i32
      %dma_start3A_626 = tpu.memref_slice %arg6[%add3A_447, %dma_start3A_625] : memref<20480x128xf32, #tpu.memory_space<hbm>> -> memref<16x128xf32, #tpu.memory_space<hbm>>
      tpu.enqueue_dma source(%arg15 : memref<16x128xf32, #tpu.memory_space<vmem>>) target(%dma_start3A_626 : memref<16x128xf32, #tpu.memory_space<hbm>>) target_semaphore(%run_scoped3A : memref<!tpu.dma_semaphore, #tpu.memory_space<semaphore_mem>>)
      %dma_wait3A = arith.constant 0 : i32
      %dma_wait3A_627 = tpu.memref_slice %arg6[%add3A_447, %dma_wait3A] : memref<20480x128xf32, #tpu.memory_space<hbm>> -> memref<16x128xf32, #tpu.memory_space<hbm>>
      %dma_wait3A_628 = arith.constant 0 : i32
      %dma_wait3A_629 = tpu.memref_slice %arg6[%add3A_447, %dma_wait3A_628] : memref<20480x128xf32, #tpu.memory_space<hbm>> -> memref<16x128xf32, #tpu.memory_space<hbm>>
      tpu.wait_dma2 semaphore(%run_scoped3A : memref<!tpu.dma_semaphore, #tpu.memory_space<semaphore_mem>>) src(%arg15 : memref<16x128xf32, #tpu.memory_space<vmem>>) dst(%dma_wait3A_629 : memref<16x128xf32, #tpu.memory_space<hbm>>)
      tpu.yield
    }) : () -> ()
    %mul3A_448 = arith.constant 640 : i32
    %mul3A_449 = arith.muli %arg1, %mul3A_448 : i32
    %add3A_450 = arith.constant 384 : i32
    %add3A_451 = arith.addi %mul3A_449, %add3A_450 : i32
    "tpu.region"() ({
      %run_scoped3A = tpu.sem_alloc : memref<!tpu.dma_semaphore, #tpu.memory_space<semaphore_mem>>
      %dma_start3A = arith.constant 0 : i32
      %dma_start3A_624 = tpu.memref_slice %arg16[%add3A_451, %dma_start3A] : memref<10240x128xf32, #tpu.memory_space<vmem_shared>> -> memref<16x128xf32, #tpu.memory_space<vmem_shared>>
      %dma_start3A_625 = arith.constant 0 : i32
      %dma_start3A_626 = tpu.memref_slice %arg16[%add3A_451, %dma_start3A_625] : memref<10240x128xf32, #tpu.memory_space<vmem_shared>> -> memref<16x128xf32, #tpu.memory_space<vmem_shared>>
      tpu.enqueue_dma source(%dma_start3A_626 : memref<16x128xf32, #tpu.memory_space<vmem_shared>>) target(%arg15 : memref<16x128xf32, #tpu.memory_space<vmem>>) target_semaphore(%run_scoped3A : memref<!tpu.dma_semaphore, #tpu.memory_space<semaphore_mem>>)
      %dma_wait3A = arith.constant 0 : i32
      %dma_wait3A_627 = tpu.memref_slice %arg16[%add3A_451, %dma_wait3A] : memref<10240x128xf32, #tpu.memory_space<vmem_shared>> -> memref<16x128xf32, #tpu.memory_space<vmem_shared>>
      %dma_wait3A_628 = arith.constant 0 : i32
      %dma_wait3A_629 = tpu.memref_slice %arg16[%add3A_451, %dma_wait3A_628] : memref<10240x128xf32, #tpu.memory_space<vmem_shared>> -> memref<16x128xf32, #tpu.memory_space<vmem_shared>>
      tpu.wait_dma2 semaphore(%run_scoped3A : memref<!tpu.dma_semaphore, #tpu.memory_space<semaphore_mem>>) src(%dma_wait3A_629 : memref<16x128xf32, #tpu.memory_space<vmem_shared>>) dst(%arg15 : memref<16x128xf32, #tpu.memory_space<vmem>>)
      tpu.yield
    }) : () -> ()
    %mul3A_452 = arith.constant 10240 : i32
    %mul3A_453 = arith.muli %arg0, %mul3A_452 : i32
    %mul3A_454 = arith.constant 640 : i32
    %mul3A_455 = arith.muli %arg1, %mul3A_454 : i32
    %add3A_456 = arith.addi %mul3A_453, %mul3A_455 : i32
    %add3A_457 = arith.constant 384 : i32
    %add3A_458 = arith.addi %add3A_456, %add3A_457 : i32
    "tpu.region"() ({
      %run_scoped3A = tpu.sem_alloc : memref<!tpu.dma_semaphore, #tpu.memory_space<semaphore_mem>>
      %dma_start3A = arith.constant 0 : i32
      %dma_start3A_624 = tpu.memref_slice %arg6[%add3A_458, %dma_start3A] : memref<20480x128xf32, #tpu.memory_space<hbm>> -> memref<16x128xf32, #tpu.memory_space<hbm>>
      %dma_start3A_625 = arith.constant 0 : i32
      %dma_start3A_626 = tpu.memref_slice %arg6[%add3A_458, %dma_start3A_625] : memref<20480x128xf32, #tpu.memory_space<hbm>> -> memref<16x128xf32, #tpu.memory_space<hbm>>
      tpu.enqueue_dma source(%arg15 : memref<16x128xf32, #tpu.memory_space<vmem>>) target(%dma_start3A_626 : memref<16x128xf32, #tpu.memory_space<hbm>>) target_semaphore(%run_scoped3A : memref<!tpu.dma_semaphore, #tpu.memory_space<semaphore_mem>>)
      %dma_wait3A = arith.constant 0 : i32
      %dma_wait3A_627 = tpu.memref_slice %arg6[%add3A_458, %dma_wait3A] : memref<20480x128xf32, #tpu.memory_space<hbm>> -> memref<16x128xf32, #tpu.memory_space<hbm>>
      %dma_wait3A_628 = arith.constant 0 : i32
      %dma_wait3A_629 = tpu.memref_slice %arg6[%add3A_458, %dma_wait3A_628] : memref<20480x128xf32, #tpu.memory_space<hbm>> -> memref<16x128xf32, #tpu.memory_space<hbm>>
      tpu.wait_dma2 semaphore(%run_scoped3A : memref<!tpu.dma_semaphore, #tpu.memory_space<semaphore_mem>>) src(%arg15 : memref<16x128xf32, #tpu.memory_space<vmem>>) dst(%dma_wait3A_629 : memref<16x128xf32, #tpu.memory_space<hbm>>)
      tpu.yield
    }) : () -> ()
    %mul3A_459 = arith.constant 640 : i32
    %mul3A_460 = arith.muli %arg1, %mul3A_459 : i32
    %add3A_461 = arith.constant 400 : i32
    %add3A_462 = arith.addi %mul3A_460, %add3A_461 : i32
    "tpu.region"() ({
      %run_scoped3A = tpu.sem_alloc : memref<!tpu.dma_semaphore, #tpu.memory_space<semaphore_mem>>
      %dma_start3A = arith.constant 0 : i32
      %dma_start3A_624 = tpu.memref_slice %arg16[%add3A_462, %dma_start3A] : memref<10240x128xf32, #tpu.memory_space<vmem_shared>> -> memref<16x128xf32, #tpu.memory_space<vmem_shared>>
      %dma_start3A_625 = arith.constant 0 : i32
      %dma_start3A_626 = tpu.memref_slice %arg16[%add3A_462, %dma_start3A_625] : memref<10240x128xf32, #tpu.memory_space<vmem_shared>> -> memref<16x128xf32, #tpu.memory_space<vmem_shared>>
      tpu.enqueue_dma source(%dma_start3A_626 : memref<16x128xf32, #tpu.memory_space<vmem_shared>>) target(%arg15 : memref<16x128xf32, #tpu.memory_space<vmem>>) target_semaphore(%run_scoped3A : memref<!tpu.dma_semaphore, #tpu.memory_space<semaphore_mem>>)
      %dma_wait3A = arith.constant 0 : i32
      %dma_wait3A_627 = tpu.memref_slice %arg16[%add3A_462, %dma_wait3A] : memref<10240x128xf32, #tpu.memory_space<vmem_shared>> -> memref<16x128xf32, #tpu.memory_space<vmem_shared>>
      %dma_wait3A_628 = arith.constant 0 : i32
      %dma_wait3A_629 = tpu.memref_slice %arg16[%add3A_462, %dma_wait3A_628] : memref<10240x128xf32, #tpu.memory_space<vmem_shared>> -> memref<16x128xf32, #tpu.memory_space<vmem_shared>>
      tpu.wait_dma2 semaphore(%run_scoped3A : memref<!tpu.dma_semaphore, #tpu.memory_space<semaphore_mem>>) src(%dma_wait3A_629 : memref<16x128xf32, #tpu.memory_space<vmem_shared>>) dst(%arg15 : memref<16x128xf32, #tpu.memory_space<vmem>>)
      tpu.yield
    }) : () -> ()
    %mul3A_463 = arith.constant 10240 : i32
    %mul3A_464 = arith.muli %arg0, %mul3A_463 : i32
    %mul3A_465 = arith.constant 640 : i32
    %mul3A_466 = arith.muli %arg1, %mul3A_465 : i32
    %add3A_467 = arith.addi %mul3A_464, %mul3A_466 : i32
    %add3A_468 = arith.constant 400 : i32
    %add3A_469 = arith.addi %add3A_467, %add3A_468 : i32
    "tpu.region"() ({
      %run_scoped3A = tpu.sem_alloc : memref<!tpu.dma_semaphore, #tpu.memory_space<semaphore_mem>>
      %dma_start3A = arith.constant 0 : i32
      %dma_start3A_624 = tpu.memref_slice %arg6[%add3A_469, %dma_start3A] : memref<20480x128xf32, #tpu.memory_space<hbm>> -> memref<16x128xf32, #tpu.memory_space<hbm>>
      %dma_start3A_625 = arith.constant 0 : i32
      %dma_start3A_626 = tpu.memref_slice %arg6[%add3A_469, %dma_start3A_625] : memref<20480x128xf32, #tpu.memory_space<hbm>> -> memref<16x128xf32, #tpu.memory_space<hbm>>
      tpu.enqueue_dma source(%arg15 : memref<16x128xf32, #tpu.memory_space<vmem>>) target(%dma_start3A_626 : memref<16x128xf32, #tpu.memory_space<hbm>>) target_semaphore(%run_scoped3A : memref<!tpu.dma_semaphore, #tpu.memory_space<semaphore_mem>>)
      %dma_wait3A = arith.constant 0 : i32
      %dma_wait3A_627 = tpu.memref_slice %arg6[%add3A_469, %dma_wait3A] : memref<20480x128xf32, #tpu.memory_space<hbm>> -> memref<16x128xf32, #tpu.memory_space<hbm>>
      %dma_wait3A_628 = arith.constant 0 : i32
      %dma_wait3A_629 = tpu.memref_slice %arg6[%add3A_469, %dma_wait3A_628] : memref<20480x128xf32, #tpu.memory_space<hbm>> -> memref<16x128xf32, #tpu.memory_space<hbm>>
      tpu.wait_dma2 semaphore(%run_scoped3A : memref<!tpu.dma_semaphore, #tpu.memory_space<semaphore_mem>>) src(%arg15 : memref<16x128xf32, #tpu.memory_space<vmem>>) dst(%dma_wait3A_629 : memref<16x128xf32, #tpu.memory_space<hbm>>)
      tpu.yield
    }) : () -> ()
    %mul3A_470 = arith.constant 640 : i32
    %mul3A_471 = arith.muli %arg1, %mul3A_470 : i32
    %add3A_472 = arith.constant 416 : i32
    %add3A_473 = arith.addi %mul3A_471, %add3A_472 : i32
    "tpu.region"() ({
      %run_scoped3A = tpu.sem_alloc : memref<!tpu.dma_semaphore, #tpu.memory_space<semaphore_mem>>
      %dma_start3A = arith.constant 0 : i32
      %dma_start3A_624 = tpu.memref_slice %arg16[%add3A_473, %dma_start3A] : memref<10240x128xf32, #tpu.memory_space<vmem_shared>> -> memref<16x128xf32, #tpu.memory_space<vmem_shared>>
      %dma_start3A_625 = arith.constant 0 : i32
      %dma_start3A_626 = tpu.memref_slice %arg16[%add3A_473, %dma_start3A_625] : memref<10240x128xf32, #tpu.memory_space<vmem_shared>> -> memref<16x128xf32, #tpu.memory_space<vmem_shared>>
      tpu.enqueue_dma source(%dma_start3A_626 : memref<16x128xf32, #tpu.memory_space<vmem_shared>>) target(%arg15 : memref<16x128xf32, #tpu.memory_space<vmem>>) target_semaphore(%run_scoped3A : memref<!tpu.dma_semaphore, #tpu.memory_space<semaphore_mem>>)
      %dma_wait3A = arith.constant 0 : i32
      %dma_wait3A_627 = tpu.memref_slice %arg16[%add3A_473, %dma_wait3A] : memref<10240x128xf32, #tpu.memory_space<vmem_shared>> -> memref<16x128xf32, #tpu.memory_space<vmem_shared>>
      %dma_wait3A_628 = arith.constant 0 : i32
      %dma_wait3A_629 = tpu.memref_slice %arg16[%add3A_473, %dma_wait3A_628] : memref<10240x128xf32, #tpu.memory_space<vmem_shared>> -> memref<16x128xf32, #tpu.memory_space<vmem_shared>>
      tpu.wait_dma2 semaphore(%run_scoped3A : memref<!tpu.dma_semaphore, #tpu.memory_space<semaphore_mem>>) src(%dma_wait3A_629 : memref<16x128xf32, #tpu.memory_space<vmem_shared>>) dst(%arg15 : memref<16x128xf32, #tpu.memory_space<vmem>>)
      tpu.yield
    }) : () -> ()
    %mul3A_474 = arith.constant 10240 : i32
    %mul3A_475 = arith.muli %arg0, %mul3A_474 : i32
    %mul3A_476 = arith.constant 640 : i32
    %mul3A_477 = arith.muli %arg1, %mul3A_476 : i32
    %add3A_478 = arith.addi %mul3A_475, %mul3A_477 : i32
    %add3A_479 = arith.constant 416 : i32
    %add3A_480 = arith.addi %add3A_478, %add3A_479 : i32
    "tpu.region"() ({
      %run_scoped3A = tpu.sem_alloc : memref<!tpu.dma_semaphore, #tpu.memory_space<semaphore_mem>>
      %dma_start3A = arith.constant 0 : i32
      %dma_start3A_624 = tpu.memref_slice %arg6[%add3A_480, %dma_start3A] : memref<20480x128xf32, #tpu.memory_space<hbm>> -> memref<16x128xf32, #tpu.memory_space<hbm>>
      %dma_start3A_625 = arith.constant 0 : i32
      %dma_start3A_626 = tpu.memref_slice %arg6[%add3A_480, %dma_start3A_625] : memref<20480x128xf32, #tpu.memory_space<hbm>> -> memref<16x128xf32, #tpu.memory_space<hbm>>
      tpu.enqueue_dma source(%arg15 : memref<16x128xf32, #tpu.memory_space<vmem>>) target(%dma_start3A_626 : memref<16x128xf32, #tpu.memory_space<hbm>>) target_semaphore(%run_scoped3A : memref<!tpu.dma_semaphore, #tpu.memory_space<semaphore_mem>>)
      %dma_wait3A = arith.constant 0 : i32
      %dma_wait3A_627 = tpu.memref_slice %arg6[%add3A_480, %dma_wait3A] : memref<20480x128xf32, #tpu.memory_space<hbm>> -> memref<16x128xf32, #tpu.memory_space<hbm>>
      %dma_wait3A_628 = arith.constant 0 : i32
      %dma_wait3A_629 = tpu.memref_slice %arg6[%add3A_480, %dma_wait3A_628] : memref<20480x128xf32, #tpu.memory_space<hbm>> -> memref<16x128xf32, #tpu.memory_space<hbm>>
      tpu.wait_dma2 semaphore(%run_scoped3A : memref<!tpu.dma_semaphore, #tpu.memory_space<semaphore_mem>>) src(%arg15 : memref<16x128xf32, #tpu.memory_space<vmem>>) dst(%dma_wait3A_629 : memref<16x128xf32, #tpu.memory_space<hbm>>)
      tpu.yield
    }) : () -> ()
    %mul3A_481 = arith.constant 640 : i32
    %mul3A_482 = arith.muli %arg1, %mul3A_481 : i32
    %add3A_483 = arith.constant 432 : i32
    %add3A_484 = arith.addi %mul3A_482, %add3A_483 : i32
    "tpu.region"() ({
      %run_scoped3A = tpu.sem_alloc : memref<!tpu.dma_semaphore, #tpu.memory_space<semaphore_mem>>
      %dma_start3A = arith.constant 0 : i32
      %dma_start3A_624 = tpu.memref_slice %arg16[%add3A_484, %dma_start3A] : memref<10240x128xf32, #tpu.memory_space<vmem_shared>> -> memref<16x128xf32, #tpu.memory_space<vmem_shared>>
      %dma_start3A_625 = arith.constant 0 : i32
      %dma_start3A_626 = tpu.memref_slice %arg16[%add3A_484, %dma_start3A_625] : memref<10240x128xf32, #tpu.memory_space<vmem_shared>> -> memref<16x128xf32, #tpu.memory_space<vmem_shared>>
      tpu.enqueue_dma source(%dma_start3A_626 : memref<16x128xf32, #tpu.memory_space<vmem_shared>>) target(%arg15 : memref<16x128xf32, #tpu.memory_space<vmem>>) target_semaphore(%run_scoped3A : memref<!tpu.dma_semaphore, #tpu.memory_space<semaphore_mem>>)
      %dma_wait3A = arith.constant 0 : i32
      %dma_wait3A_627 = tpu.memref_slice %arg16[%add3A_484, %dma_wait3A] : memref<10240x128xf32, #tpu.memory_space<vmem_shared>> -> memref<16x128xf32, #tpu.memory_space<vmem_shared>>
      %dma_wait3A_628 = arith.constant 0 : i32
      %dma_wait3A_629 = tpu.memref_slice %arg16[%add3A_484, %dma_wait3A_628] : memref<10240x128xf32, #tpu.memory_space<vmem_shared>> -> memref<16x128xf32, #tpu.memory_space<vmem_shared>>
      tpu.wait_dma2 semaphore(%run_scoped3A : memref<!tpu.dma_semaphore, #tpu.memory_space<semaphore_mem>>) src(%dma_wait3A_629 : memref<16x128xf32, #tpu.memory_space<vmem_shared>>) dst(%arg15 : memref<16x128xf32, #tpu.memory_space<vmem>>)
      tpu.yield
    }) : () -> ()
    %mul3A_485 = arith.constant 10240 : i32
    %mul3A_486 = arith.muli %arg0, %mul3A_485 : i32
    %mul3A_487 = arith.constant 640 : i32
    %mul3A_488 = arith.muli %arg1, %mul3A_487 : i32
    %add3A_489 = arith.addi %mul3A_486, %mul3A_488 : i32
    %add3A_490 = arith.constant 432 : i32
    %add3A_491 = arith.addi %add3A_489, %add3A_490 : i32
    "tpu.region"() ({
      %run_scoped3A = tpu.sem_alloc : memref<!tpu.dma_semaphore, #tpu.memory_space<semaphore_mem>>
      %dma_start3A = arith.constant 0 : i32
      %dma_start3A_624 = tpu.memref_slice %arg6[%add3A_491, %dma_start3A] : memref<20480x128xf32, #tpu.memory_space<hbm>> -> memref<16x128xf32, #tpu.memory_space<hbm>>
      %dma_start3A_625 = arith.constant 0 : i32
      %dma_start3A_626 = tpu.memref_slice %arg6[%add3A_491, %dma_start3A_625] : memref<20480x128xf32, #tpu.memory_space<hbm>> -> memref<16x128xf32, #tpu.memory_space<hbm>>
      tpu.enqueue_dma source(%arg15 : memref<16x128xf32, #tpu.memory_space<vmem>>) target(%dma_start3A_626 : memref<16x128xf32, #tpu.memory_space<hbm>>) target_semaphore(%run_scoped3A : memref<!tpu.dma_semaphore, #tpu.memory_space<semaphore_mem>>)
      %dma_wait3A = arith.constant 0 : i32
      %dma_wait3A_627 = tpu.memref_slice %arg6[%add3A_491, %dma_wait3A] : memref<20480x128xf32, #tpu.memory_space<hbm>> -> memref<16x128xf32, #tpu.memory_space<hbm>>
      %dma_wait3A_628 = arith.constant 0 : i32
      %dma_wait3A_629 = tpu.memref_slice %arg6[%add3A_491, %dma_wait3A_628] : memref<20480x128xf32, #tpu.memory_space<hbm>> -> memref<16x128xf32, #tpu.memory_space<hbm>>
      tpu.wait_dma2 semaphore(%run_scoped3A : memref<!tpu.dma_semaphore, #tpu.memory_space<semaphore_mem>>) src(%arg15 : memref<16x128xf32, #tpu.memory_space<vmem>>) dst(%dma_wait3A_629 : memref<16x128xf32, #tpu.memory_space<hbm>>)
      tpu.yield
    }) : () -> ()
    %mul3A_492 = arith.constant 640 : i32
    %mul3A_493 = arith.muli %arg1, %mul3A_492 : i32
    %add3A_494 = arith.constant 448 : i32
    %add3A_495 = arith.addi %mul3A_493, %add3A_494 : i32
    "tpu.region"() ({
      %run_scoped3A = tpu.sem_alloc : memref<!tpu.dma_semaphore, #tpu.memory_space<semaphore_mem>>
      %dma_start3A = arith.constant 0 : i32
      %dma_start3A_624 = tpu.memref_slice %arg16[%add3A_495, %dma_start3A] : memref<10240x128xf32, #tpu.memory_space<vmem_shared>> -> memref<16x128xf32, #tpu.memory_space<vmem_shared>>
      %dma_start3A_625 = arith.constant 0 : i32
      %dma_start3A_626 = tpu.memref_slice %arg16[%add3A_495, %dma_start3A_625] : memref<10240x128xf32, #tpu.memory_space<vmem_shared>> -> memref<16x128xf32, #tpu.memory_space<vmem_shared>>
      tpu.enqueue_dma source(%dma_start3A_626 : memref<16x128xf32, #tpu.memory_space<vmem_shared>>) target(%arg15 : memref<16x128xf32, #tpu.memory_space<vmem>>) target_semaphore(%run_scoped3A : memref<!tpu.dma_semaphore, #tpu.memory_space<semaphore_mem>>)
      %dma_wait3A = arith.constant 0 : i32
      %dma_wait3A_627 = tpu.memref_slice %arg16[%add3A_495, %dma_wait3A] : memref<10240x128xf32, #tpu.memory_space<vmem_shared>> -> memref<16x128xf32, #tpu.memory_space<vmem_shared>>
      %dma_wait3A_628 = arith.constant 0 : i32
      %dma_wait3A_629 = tpu.memref_slice %arg16[%add3A_495, %dma_wait3A_628] : memref<10240x128xf32, #tpu.memory_space<vmem_shared>> -> memref<16x128xf32, #tpu.memory_space<vmem_shared>>
      tpu.wait_dma2 semaphore(%run_scoped3A : memref<!tpu.dma_semaphore, #tpu.memory_space<semaphore_mem>>) src(%dma_wait3A_629 : memref<16x128xf32, #tpu.memory_space<vmem_shared>>) dst(%arg15 : memref<16x128xf32, #tpu.memory_space<vmem>>)
      tpu.yield
    }) : () -> ()
    %mul3A_496 = arith.constant 10240 : i32
    %mul3A_497 = arith.muli %arg0, %mul3A_496 : i32
    %mul3A_498 = arith.constant 640 : i32
    %mul3A_499 = arith.muli %arg1, %mul3A_498 : i32
    %add3A_500 = arith.addi %mul3A_497, %mul3A_499 : i32
    %add3A_501 = arith.constant 448 : i32
    %add3A_502 = arith.addi %add3A_500, %add3A_501 : i32
    "tpu.region"() ({
      %run_scoped3A = tpu.sem_alloc : memref<!tpu.dma_semaphore, #tpu.memory_space<semaphore_mem>>
      %dma_start3A = arith.constant 0 : i32
      %dma_start3A_624 = tpu.memref_slice %arg6[%add3A_502, %dma_start3A] : memref<20480x128xf32, #tpu.memory_space<hbm>> -> memref<16x128xf32, #tpu.memory_space<hbm>>
      %dma_start3A_625 = arith.constant 0 : i32
      %dma_start3A_626 = tpu.memref_slice %arg6[%add3A_502, %dma_start3A_625] : memref<20480x128xf32, #tpu.memory_space<hbm>> -> memref<16x128xf32, #tpu.memory_space<hbm>>
      tpu.enqueue_dma source(%arg15 : memref<16x128xf32, #tpu.memory_space<vmem>>) target(%dma_start3A_626 : memref<16x128xf32, #tpu.memory_space<hbm>>) target_semaphore(%run_scoped3A : memref<!tpu.dma_semaphore, #tpu.memory_space<semaphore_mem>>)
      %dma_wait3A = arith.constant 0 : i32
      %dma_wait3A_627 = tpu.memref_slice %arg6[%add3A_502, %dma_wait3A] : memref<20480x128xf32, #tpu.memory_space<hbm>> -> memref<16x128xf32, #tpu.memory_space<hbm>>
      %dma_wait3A_628 = arith.constant 0 : i32
      %dma_wait3A_629 = tpu.memref_slice %arg6[%add3A_502, %dma_wait3A_628] : memref<20480x128xf32, #tpu.memory_space<hbm>> -> memref<16x128xf32, #tpu.memory_space<hbm>>
      tpu.wait_dma2 semaphore(%run_scoped3A : memref<!tpu.dma_semaphore, #tpu.memory_space<semaphore_mem>>) src(%arg15 : memref<16x128xf32, #tpu.memory_space<vmem>>) dst(%dma_wait3A_629 : memref<16x128xf32, #tpu.memory_space<hbm>>)
      tpu.yield
    }) : () -> ()
    %mul3A_503 = arith.constant 640 : i32
    %mul3A_504 = arith.muli %arg1, %mul3A_503 : i32
    %add3A_505 = arith.constant 464 : i32
    %add3A_506 = arith.addi %mul3A_504, %add3A_505 : i32
    "tpu.region"() ({
      %run_scoped3A = tpu.sem_alloc : memref<!tpu.dma_semaphore, #tpu.memory_space<semaphore_mem>>
      %dma_start3A = arith.constant 0 : i32
      %dma_start3A_624 = tpu.memref_slice %arg16[%add3A_506, %dma_start3A] : memref<10240x128xf32, #tpu.memory_space<vmem_shared>> -> memref<16x128xf32, #tpu.memory_space<vmem_shared>>
      %dma_start3A_625 = arith.constant 0 : i32
      %dma_start3A_626 = tpu.memref_slice %arg16[%add3A_506, %dma_start3A_625] : memref<10240x128xf32, #tpu.memory_space<vmem_shared>> -> memref<16x128xf32, #tpu.memory_space<vmem_shared>>
      tpu.enqueue_dma source(%dma_start3A_626 : memref<16x128xf32, #tpu.memory_space<vmem_shared>>) target(%arg15 : memref<16x128xf32, #tpu.memory_space<vmem>>) target_semaphore(%run_scoped3A : memref<!tpu.dma_semaphore, #tpu.memory_space<semaphore_mem>>)
      %dma_wait3A = arith.constant 0 : i32
      %dma_wait3A_627 = tpu.memref_slice %arg16[%add3A_506, %dma_wait3A] : memref<10240x128xf32, #tpu.memory_space<vmem_shared>> -> memref<16x128xf32, #tpu.memory_space<vmem_shared>>
      %dma_wait3A_628 = arith.constant 0 : i32
      %dma_wait3A_629 = tpu.memref_slice %arg16[%add3A_506, %dma_wait3A_628] : memref<10240x128xf32, #tpu.memory_space<vmem_shared>> -> memref<16x128xf32, #tpu.memory_space<vmem_shared>>
      tpu.wait_dma2 semaphore(%run_scoped3A : memref<!tpu.dma_semaphore, #tpu.memory_space<semaphore_mem>>) src(%dma_wait3A_629 : memref<16x128xf32, #tpu.memory_space<vmem_shared>>) dst(%arg15 : memref<16x128xf32, #tpu.memory_space<vmem>>)
      tpu.yield
    }) : () -> ()
    %mul3A_507 = arith.constant 10240 : i32
    %mul3A_508 = arith.muli %arg0, %mul3A_507 : i32
    %mul3A_509 = arith.constant 640 : i32
    %mul3A_510 = arith.muli %arg1, %mul3A_509 : i32
    %add3A_511 = arith.addi %mul3A_508, %mul3A_510 : i32
    %add3A_512 = arith.constant 464 : i32
    %add3A_513 = arith.addi %add3A_511, %add3A_512 : i32
    "tpu.region"() ({
      %run_scoped3A = tpu.sem_alloc : memref<!tpu.dma_semaphore, #tpu.memory_space<semaphore_mem>>
      %dma_start3A = arith.constant 0 : i32
      %dma_start3A_624 = tpu.memref_slice %arg6[%add3A_513, %dma_start3A] : memref<20480x128xf32, #tpu.memory_space<hbm>> -> memref<16x128xf32, #tpu.memory_space<hbm>>
      %dma_start3A_625 = arith.constant 0 : i32
      %dma_start3A_626 = tpu.memref_slice %arg6[%add3A_513, %dma_start3A_625] : memref<20480x128xf32, #tpu.memory_space<hbm>> -> memref<16x128xf32, #tpu.memory_space<hbm>>
      tpu.enqueue_dma source(%arg15 : memref<16x128xf32, #tpu.memory_space<vmem>>) target(%dma_start3A_626 : memref<16x128xf32, #tpu.memory_space<hbm>>) target_semaphore(%run_scoped3A : memref<!tpu.dma_semaphore, #tpu.memory_space<semaphore_mem>>)
      %dma_wait3A = arith.constant 0 : i32
      %dma_wait3A_627 = tpu.memref_slice %arg6[%add3A_513, %dma_wait3A] : memref<20480x128xf32, #tpu.memory_space<hbm>> -> memref<16x128xf32, #tpu.memory_space<hbm>>
      %dma_wait3A_628 = arith.constant 0 : i32
      %dma_wait3A_629 = tpu.memref_slice %arg6[%add3A_513, %dma_wait3A_628] : memref<20480x128xf32, #tpu.memory_space<hbm>> -> memref<16x128xf32, #tpu.memory_space<hbm>>
      tpu.wait_dma2 semaphore(%run_scoped3A : memref<!tpu.dma_semaphore, #tpu.memory_space<semaphore_mem>>) src(%arg15 : memref<16x128xf32, #tpu.memory_space<vmem>>) dst(%dma_wait3A_629 : memref<16x128xf32, #tpu.memory_space<hbm>>)
      tpu.yield
    }) : () -> ()
    %mul3A_514 = arith.constant 640 : i32
    %mul3A_515 = arith.muli %arg1, %mul3A_514 : i32
    %add3A_516 = arith.constant 480 : i32
    %add3A_517 = arith.addi %mul3A_515, %add3A_516 : i32
    "tpu.region"() ({
      %run_scoped3A = tpu.sem_alloc : memref<!tpu.dma_semaphore, #tpu.memory_space<semaphore_mem>>
      %dma_start3A = arith.constant 0 : i32
      %dma_start3A_624 = tpu.memref_slice %arg16[%add3A_517, %dma_start3A] : memref<10240x128xf32, #tpu.memory_space<vmem_shared>> -> memref<16x128xf32, #tpu.memory_space<vmem_shared>>
      %dma_start3A_625 = arith.constant 0 : i32
      %dma_start3A_626 = tpu.memref_slice %arg16[%add3A_517, %dma_start3A_625] : memref<10240x128xf32, #tpu.memory_space<vmem_shared>> -> memref<16x128xf32, #tpu.memory_space<vmem_shared>>
      tpu.enqueue_dma source(%dma_start3A_626 : memref<16x128xf32, #tpu.memory_space<vmem_shared>>) target(%arg15 : memref<16x128xf32, #tpu.memory_space<vmem>>) target_semaphore(%run_scoped3A : memref<!tpu.dma_semaphore, #tpu.memory_space<semaphore_mem>>)
      %dma_wait3A = arith.constant 0 : i32
      %dma_wait3A_627 = tpu.memref_slice %arg16[%add3A_517, %dma_wait3A] : memref<10240x128xf32, #tpu.memory_space<vmem_shared>> -> memref<16x128xf32, #tpu.memory_space<vmem_shared>>
      %dma_wait3A_628 = arith.constant 0 : i32
      %dma_wait3A_629 = tpu.memref_slice %arg16[%add3A_517, %dma_wait3A_628] : memref<10240x128xf32, #tpu.memory_space<vmem_shared>> -> memref<16x128xf32, #tpu.memory_space<vmem_shared>>
      tpu.wait_dma2 semaphore(%run_scoped3A : memref<!tpu.dma_semaphore, #tpu.memory_space<semaphore_mem>>) src(%dma_wait3A_629 : memref<16x128xf32, #tpu.memory_space<vmem_shared>>) dst(%arg15 : memref<16x128xf32, #tpu.memory_space<vmem>>)
      tpu.yield
    }) : () -> ()
    %mul3A_518 = arith.constant 10240 : i32
    %mul3A_519 = arith.muli %arg0, %mul3A_518 : i32
    %mul3A_520 = arith.constant 640 : i32
    %mul3A_521 = arith.muli %arg1, %mul3A_520 : i32
    %add3A_522 = arith.addi %mul3A_519, %mul3A_521 : i32
    %add3A_523 = arith.constant 480 : i32
    %add3A_524 = arith.addi %add3A_522, %add3A_523 : i32
    "tpu.region"() ({
      %run_scoped3A = tpu.sem_alloc : memref<!tpu.dma_semaphore, #tpu.memory_space<semaphore_mem>>
      %dma_start3A = arith.constant 0 : i32
      %dma_start3A_624 = tpu.memref_slice %arg6[%add3A_524, %dma_start3A] : memref<20480x128xf32, #tpu.memory_space<hbm>> -> memref<16x128xf32, #tpu.memory_space<hbm>>
      %dma_start3A_625 = arith.constant 0 : i32
      %dma_start3A_626 = tpu.memref_slice %arg6[%add3A_524, %dma_start3A_625] : memref<20480x128xf32, #tpu.memory_space<hbm>> -> memref<16x128xf32, #tpu.memory_space<hbm>>
      tpu.enqueue_dma source(%arg15 : memref<16x128xf32, #tpu.memory_space<vmem>>) target(%dma_start3A_626 : memref<16x128xf32, #tpu.memory_space<hbm>>) target_semaphore(%run_scoped3A : memref<!tpu.dma_semaphore, #tpu.memory_space<semaphore_mem>>)
      %dma_wait3A = arith.constant 0 : i32
      %dma_wait3A_627 = tpu.memref_slice %arg6[%add3A_524, %dma_wait3A] : memref<20480x128xf32, #tpu.memory_space<hbm>> -> memref<16x128xf32, #tpu.memory_space<hbm>>
      %dma_wait3A_628 = arith.constant 0 : i32
      %dma_wait3A_629 = tpu.memref_slice %arg6[%add3A_524, %dma_wait3A_628] : memref<20480x128xf32, #tpu.memory_space<hbm>> -> memref<16x128xf32, #tpu.memory_space<hbm>>
      tpu.wait_dma2 semaphore(%run_scoped3A : memref<!tpu.dma_semaphore, #tpu.memory_space<semaphore_mem>>) src(%arg15 : memref<16x128xf32, #tpu.memory_space<vmem>>) dst(%dma_wait3A_629 : memref<16x128xf32, #tpu.memory_space<hbm>>)
      tpu.yield
    }) : () -> ()
    %mul3A_525 = arith.constant 640 : i32
    %mul3A_526 = arith.muli %arg1, %mul3A_525 : i32
    %add3A_527 = arith.constant 496 : i32
    %add3A_528 = arith.addi %mul3A_526, %add3A_527 : i32
    "tpu.region"() ({
      %run_scoped3A = tpu.sem_alloc : memref<!tpu.dma_semaphore, #tpu.memory_space<semaphore_mem>>
      %dma_start3A = arith.constant 0 : i32
      %dma_start3A_624 = tpu.memref_slice %arg16[%add3A_528, %dma_start3A] : memref<10240x128xf32, #tpu.memory_space<vmem_shared>> -> memref<16x128xf32, #tpu.memory_space<vmem_shared>>
      %dma_start3A_625 = arith.constant 0 : i32
      %dma_start3A_626 = tpu.memref_slice %arg16[%add3A_528, %dma_start3A_625] : memref<10240x128xf32, #tpu.memory_space<vmem_shared>> -> memref<16x128xf32, #tpu.memory_space<vmem_shared>>
      tpu.enqueue_dma source(%dma_start3A_626 : memref<16x128xf32, #tpu.memory_space<vmem_shared>>) target(%arg15 : memref<16x128xf32, #tpu.memory_space<vmem>>) target_semaphore(%run_scoped3A : memref<!tpu.dma_semaphore, #tpu.memory_space<semaphore_mem>>)
      %dma_wait3A = arith.constant 0 : i32
      %dma_wait3A_627 = tpu.memref_slice %arg16[%add3A_528, %dma_wait3A] : memref<10240x128xf32, #tpu.memory_space<vmem_shared>> -> memref<16x128xf32, #tpu.memory_space<vmem_shared>>
      %dma_wait3A_628 = arith.constant 0 : i32
      %dma_wait3A_629 = tpu.memref_slice %arg16[%add3A_528, %dma_wait3A_628] : memref<10240x128xf32, #tpu.memory_space<vmem_shared>> -> memref<16x128xf32, #tpu.memory_space<vmem_shared>>
      tpu.wait_dma2 semaphore(%run_scoped3A : memref<!tpu.dma_semaphore, #tpu.memory_space<semaphore_mem>>) src(%dma_wait3A_629 : memref<16x128xf32, #tpu.memory_space<vmem_shared>>) dst(%arg15 : memref<16x128xf32, #tpu.memory_space<vmem>>)
      tpu.yield
    }) : () -> ()
    %mul3A_529 = arith.constant 10240 : i32
    %mul3A_530 = arith.muli %arg0, %mul3A_529 : i32
    %mul3A_531 = arith.constant 640 : i32
    %mul3A_532 = arith.muli %arg1, %mul3A_531 : i32
    %add3A_533 = arith.addi %mul3A_530, %mul3A_532 : i32
    %add3A_534 = arith.constant 496 : i32
    %add3A_535 = arith.addi %add3A_533, %add3A_534 : i32
    "tpu.region"() ({
      %run_scoped3A = tpu.sem_alloc : memref<!tpu.dma_semaphore, #tpu.memory_space<semaphore_mem>>
      %dma_start3A = arith.constant 0 : i32
      %dma_start3A_624 = tpu.memref_slice %arg6[%add3A_535, %dma_start3A] : memref<20480x128xf32, #tpu.memory_space<hbm>> -> memref<16x128xf32, #tpu.memory_space<hbm>>
      %dma_start3A_625 = arith.constant 0 : i32
      %dma_start3A_626 = tpu.memref_slice %arg6[%add3A_535, %dma_start3A_625] : memref<20480x128xf32, #tpu.memory_space<hbm>> -> memref<16x128xf32, #tpu.memory_space<hbm>>
      tpu.enqueue_dma source(%arg15 : memref<16x128xf32, #tpu.memory_space<vmem>>) target(%dma_start3A_626 : memref<16x128xf32, #tpu.memory_space<hbm>>) target_semaphore(%run_scoped3A : memref<!tpu.dma_semaphore, #tpu.memory_space<semaphore_mem>>)
      %dma_wait3A = arith.constant 0 : i32
      %dma_wait3A_627 = tpu.memref_slice %arg6[%add3A_535, %dma_wait3A] : memref<20480x128xf32, #tpu.memory_space<hbm>> -> memref<16x128xf32, #tpu.memory_space<hbm>>
      %dma_wait3A_628 = arith.constant 0 : i32
      %dma_wait3A_629 = tpu.memref_slice %arg6[%add3A_535, %dma_wait3A_628] : memref<20480x128xf32, #tpu.memory_space<hbm>> -> memref<16x128xf32, #tpu.memory_space<hbm>>
      tpu.wait_dma2 semaphore(%run_scoped3A : memref<!tpu.dma_semaphore, #tpu.memory_space<semaphore_mem>>) src(%arg15 : memref<16x128xf32, #tpu.memory_space<vmem>>) dst(%dma_wait3A_629 : memref<16x128xf32, #tpu.memory_space<hbm>>)
      tpu.yield
    }) : () -> ()
    %mul3A_536 = arith.constant 640 : i32
    %mul3A_537 = arith.muli %arg1, %mul3A_536 : i32
    %add3A_538 = arith.constant 512 : i32
    %add3A_539 = arith.addi %mul3A_537, %add3A_538 : i32
    "tpu.region"() ({
      %run_scoped3A = tpu.sem_alloc : memref<!tpu.dma_semaphore, #tpu.memory_space<semaphore_mem>>
      %dma_start3A = arith.constant 0 : i32
      %dma_start3A_624 = tpu.memref_slice %arg16[%add3A_539, %dma_start3A] : memref<10240x128xf32, #tpu.memory_space<vmem_shared>> -> memref<16x128xf32, #tpu.memory_space<vmem_shared>>
      %dma_start3A_625 = arith.constant 0 : i32
      %dma_start3A_626 = tpu.memref_slice %arg16[%add3A_539, %dma_start3A_625] : memref<10240x128xf32, #tpu.memory_space<vmem_shared>> -> memref<16x128xf32, #tpu.memory_space<vmem_shared>>
      tpu.enqueue_dma source(%dma_start3A_626 : memref<16x128xf32, #tpu.memory_space<vmem_shared>>) target(%arg15 : memref<16x128xf32, #tpu.memory_space<vmem>>) target_semaphore(%run_scoped3A : memref<!tpu.dma_semaphore, #tpu.memory_space<semaphore_mem>>)
      %dma_wait3A = arith.constant 0 : i32
      %dma_wait3A_627 = tpu.memref_slice %arg16[%add3A_539, %dma_wait3A] : memref<10240x128xf32, #tpu.memory_space<vmem_shared>> -> memref<16x128xf32, #tpu.memory_space<vmem_shared>>
      %dma_wait3A_628 = arith.constant 0 : i32
      %dma_wait3A_629 = tpu.memref_slice %arg16[%add3A_539, %dma_wait3A_628] : memref<10240x128xf32, #tpu.memory_space<vmem_shared>> -> memref<16x128xf32, #tpu.memory_space<vmem_shared>>
      tpu.wait_dma2 semaphore(%run_scoped3A : memref<!tpu.dma_semaphore, #tpu.memory_space<semaphore_mem>>) src(%dma_wait3A_629 : memref<16x128xf32, #tpu.memory_space<vmem_shared>>) dst(%arg15 : memref<16x128xf32, #tpu.memory_space<vmem>>)
      tpu.yield
    }) : () -> ()
    %mul3A_540 = arith.constant 10240 : i32
    %mul3A_541 = arith.muli %arg0, %mul3A_540 : i32
    %mul3A_542 = arith.constant 640 : i32
    %mul3A_543 = arith.muli %arg1, %mul3A_542 : i32
    %add3A_544 = arith.addi %mul3A_541, %mul3A_543 : i32
    %add3A_545 = arith.constant 512 : i32
    %add3A_546 = arith.addi %add3A_544, %add3A_545 : i32
    "tpu.region"() ({
      %run_scoped3A = tpu.sem_alloc : memref<!tpu.dma_semaphore, #tpu.memory_space<semaphore_mem>>
      %dma_start3A = arith.constant 0 : i32
      %dma_start3A_624 = tpu.memref_slice %arg6[%add3A_546, %dma_start3A] : memref<20480x128xf32, #tpu.memory_space<hbm>> -> memref<16x128xf32, #tpu.memory_space<hbm>>
      %dma_start3A_625 = arith.constant 0 : i32
      %dma_start3A_626 = tpu.memref_slice %arg6[%add3A_546, %dma_start3A_625] : memref<20480x128xf32, #tpu.memory_space<hbm>> -> memref<16x128xf32, #tpu.memory_space<hbm>>
      tpu.enqueue_dma source(%arg15 : memref<16x128xf32, #tpu.memory_space<vmem>>) target(%dma_start3A_626 : memref<16x128xf32, #tpu.memory_space<hbm>>) target_semaphore(%run_scoped3A : memref<!tpu.dma_semaphore, #tpu.memory_space<semaphore_mem>>)
      %dma_wait3A = arith.constant 0 : i32
      %dma_wait3A_627 = tpu.memref_slice %arg6[%add3A_546, %dma_wait3A] : memref<20480x128xf32, #tpu.memory_space<hbm>> -> memref<16x128xf32, #tpu.memory_space<hbm>>
      %dma_wait3A_628 = arith.constant 0 : i32
      %dma_wait3A_629 = tpu.memref_slice %arg6[%add3A_546, %dma_wait3A_628] : memref<20480x128xf32, #tpu.memory_space<hbm>> -> memref<16x128xf32, #tpu.memory_space<hbm>>
      tpu.wait_dma2 semaphore(%run_scoped3A : memref<!tpu.dma_semaphore, #tpu.memory_space<semaphore_mem>>) src(%arg15 : memref<16x128xf32, #tpu.memory_space<vmem>>) dst(%dma_wait3A_629 : memref<16x128xf32, #tpu.memory_space<hbm>>)
      tpu.yield
    }) : () -> ()
    %mul3A_547 = arith.constant 640 : i32
    %mul3A_548 = arith.muli %arg1, %mul3A_547 : i32
    %add3A_549 = arith.constant 528 : i32
    %add3A_550 = arith.addi %mul3A_548, %add3A_549 : i32
    "tpu.region"() ({
      %run_scoped3A = tpu.sem_alloc : memref<!tpu.dma_semaphore, #tpu.memory_space<semaphore_mem>>
      %dma_start3A = arith.constant 0 : i32
      %dma_start3A_624 = tpu.memref_slice %arg16[%add3A_550, %dma_start3A] : memref<10240x128xf32, #tpu.memory_space<vmem_shared>> -> memref<16x128xf32, #tpu.memory_space<vmem_shared>>
      %dma_start3A_625 = arith.constant 0 : i32
      %dma_start3A_626 = tpu.memref_slice %arg16[%add3A_550, %dma_start3A_625] : memref<10240x128xf32, #tpu.memory_space<vmem_shared>> -> memref<16x128xf32, #tpu.memory_space<vmem_shared>>
      tpu.enqueue_dma source(%dma_start3A_626 : memref<16x128xf32, #tpu.memory_space<vmem_shared>>) target(%arg15 : memref<16x128xf32, #tpu.memory_space<vmem>>) target_semaphore(%run_scoped3A : memref<!tpu.dma_semaphore, #tpu.memory_space<semaphore_mem>>)
      %dma_wait3A = arith.constant 0 : i32
      %dma_wait3A_627 = tpu.memref_slice %arg16[%add3A_550, %dma_wait3A] : memref<10240x128xf32, #tpu.memory_space<vmem_shared>> -> memref<16x128xf32, #tpu.memory_space<vmem_shared>>
      %dma_wait3A_628 = arith.constant 0 : i32
      %dma_wait3A_629 = tpu.memref_slice %arg16[%add3A_550, %dma_wait3A_628] : memref<10240x128xf32, #tpu.memory_space<vmem_shared>> -> memref<16x128xf32, #tpu.memory_space<vmem_shared>>
      tpu.wait_dma2 semaphore(%run_scoped3A : memref<!tpu.dma_semaphore, #tpu.memory_space<semaphore_mem>>) src(%dma_wait3A_629 : memref<16x128xf32, #tpu.memory_space<vmem_shared>>) dst(%arg15 : memref<16x128xf32, #tpu.memory_space<vmem>>)
      tpu.yield
    }) : () -> ()
    %mul3A_551 = arith.constant 10240 : i32
    %mul3A_552 = arith.muli %arg0, %mul3A_551 : i32
    %mul3A_553 = arith.constant 640 : i32
    %mul3A_554 = arith.muli %arg1, %mul3A_553 : i32
    %add3A_555 = arith.addi %mul3A_552, %mul3A_554 : i32
    %add3A_556 = arith.constant 528 : i32
    %add3A_557 = arith.addi %add3A_555, %add3A_556 : i32
    "tpu.region"() ({
      %run_scoped3A = tpu.sem_alloc : memref<!tpu.dma_semaphore, #tpu.memory_space<semaphore_mem>>
      %dma_start3A = arith.constant 0 : i32
      %dma_start3A_624 = tpu.memref_slice %arg6[%add3A_557, %dma_start3A] : memref<20480x128xf32, #tpu.memory_space<hbm>> -> memref<16x128xf32, #tpu.memory_space<hbm>>
      %dma_start3A_625 = arith.constant 0 : i32
      %dma_start3A_626 = tpu.memref_slice %arg6[%add3A_557, %dma_start3A_625] : memref<20480x128xf32, #tpu.memory_space<hbm>> -> memref<16x128xf32, #tpu.memory_space<hbm>>
      tpu.enqueue_dma source(%arg15 : memref<16x128xf32, #tpu.memory_space<vmem>>) target(%dma_start3A_626 : memref<16x128xf32, #tpu.memory_space<hbm>>) target_semaphore(%run_scoped3A : memref<!tpu.dma_semaphore, #tpu.memory_space<semaphore_mem>>)
      %dma_wait3A = arith.constant 0 : i32
      %dma_wait3A_627 = tpu.memref_slice %arg6[%add3A_557, %dma_wait3A] : memref<20480x128xf32, #tpu.memory_space<hbm>> -> memref<16x128xf32, #tpu.memory_space<hbm>>
      %dma_wait3A_628 = arith.constant 0 : i32
      %dma_wait3A_629 = tpu.memref_slice %arg6[%add3A_557, %dma_wait3A_628] : memref<20480x128xf32, #tpu.memory_space<hbm>> -> memref<16x128xf32, #tpu.memory_space<hbm>>
      tpu.wait_dma2 semaphore(%run_scoped3A : memref<!tpu.dma_semaphore, #tpu.memory_space<semaphore_mem>>) src(%arg15 : memref<16x128xf32, #tpu.memory_space<vmem>>) dst(%dma_wait3A_629 : memref<16x128xf32, #tpu.memory_space<hbm>>)
      tpu.yield
    }) : () -> ()
    %mul3A_558 = arith.constant 640 : i32
    %mul3A_559 = arith.muli %arg1, %mul3A_558 : i32
    %add3A_560 = arith.constant 544 : i32
    %add3A_561 = arith.addi %mul3A_559, %add3A_560 : i32
    "tpu.region"() ({
      %run_scoped3A = tpu.sem_alloc : memref<!tpu.dma_semaphore, #tpu.memory_space<semaphore_mem>>
      %dma_start3A = arith.constant 0 : i32
      %dma_start3A_624 = tpu.memref_slice %arg16[%add3A_561, %dma_start3A] : memref<10240x128xf32, #tpu.memory_space<vmem_shared>> -> memref<16x128xf32, #tpu.memory_space<vmem_shared>>
      %dma_start3A_625 = arith.constant 0 : i32
      %dma_start3A_626 = tpu.memref_slice %arg16[%add3A_561, %dma_start3A_625] : memref<10240x128xf32, #tpu.memory_space<vmem_shared>> -> memref<16x128xf32, #tpu.memory_space<vmem_shared>>
      tpu.enqueue_dma source(%dma_start3A_626 : memref<16x128xf32, #tpu.memory_space<vmem_shared>>) target(%arg15 : memref<16x128xf32, #tpu.memory_space<vmem>>) target_semaphore(%run_scoped3A : memref<!tpu.dma_semaphore, #tpu.memory_space<semaphore_mem>>)
      %dma_wait3A = arith.constant 0 : i32
      %dma_wait3A_627 = tpu.memref_slice %arg16[%add3A_561, %dma_wait3A] : memref<10240x128xf32, #tpu.memory_space<vmem_shared>> -> memref<16x128xf32, #tpu.memory_space<vmem_shared>>
      %dma_wait3A_628 = arith.constant 0 : i32
      %dma_wait3A_629 = tpu.memref_slice %arg16[%add3A_561, %dma_wait3A_628] : memref<10240x128xf32, #tpu.memory_space<vmem_shared>> -> memref<16x128xf32, #tpu.memory_space<vmem_shared>>
      tpu.wait_dma2 semaphore(%run_scoped3A : memref<!tpu.dma_semaphore, #tpu.memory_space<semaphore_mem>>) src(%dma_wait3A_629 : memref<16x128xf32, #tpu.memory_space<vmem_shared>>) dst(%arg15 : memref<16x128xf32, #tpu.memory_space<vmem>>)
      tpu.yield
    }) : () -> ()
    %mul3A_562 = arith.constant 10240 : i32
    %mul3A_563 = arith.muli %arg0, %mul3A_562 : i32
    %mul3A_564 = arith.constant 640 : i32
    %mul3A_565 = arith.muli %arg1, %mul3A_564 : i32
    %add3A_566 = arith.addi %mul3A_563, %mul3A_565 : i32
    %add3A_567 = arith.constant 544 : i32
    %add3A_568 = arith.addi %add3A_566, %add3A_567 : i32
    "tpu.region"() ({
      %run_scoped3A = tpu.sem_alloc : memref<!tpu.dma_semaphore, #tpu.memory_space<semaphore_mem>>
      %dma_start3A = arith.constant 0 : i32
      %dma_start3A_624 = tpu.memref_slice %arg6[%add3A_568, %dma_start3A] : memref<20480x128xf32, #tpu.memory_space<hbm>> -> memref<16x128xf32, #tpu.memory_space<hbm>>
      %dma_start3A_625 = arith.constant 0 : i32
      %dma_start3A_626 = tpu.memref_slice %arg6[%add3A_568, %dma_start3A_625] : memref<20480x128xf32, #tpu.memory_space<hbm>> -> memref<16x128xf32, #tpu.memory_space<hbm>>
      tpu.enqueue_dma source(%arg15 : memref<16x128xf32, #tpu.memory_space<vmem>>) target(%dma_start3A_626 : memref<16x128xf32, #tpu.memory_space<hbm>>) target_semaphore(%run_scoped3A : memref<!tpu.dma_semaphore, #tpu.memory_space<semaphore_mem>>)
      %dma_wait3A = arith.constant 0 : i32
      %dma_wait3A_627 = tpu.memref_slice %arg6[%add3A_568, %dma_wait3A] : memref<20480x128xf32, #tpu.memory_space<hbm>> -> memref<16x128xf32, #tpu.memory_space<hbm>>
      %dma_wait3A_628 = arith.constant 0 : i32
      %dma_wait3A_629 = tpu.memref_slice %arg6[%add3A_568, %dma_wait3A_628] : memref<20480x128xf32, #tpu.memory_space<hbm>> -> memref<16x128xf32, #tpu.memory_space<hbm>>
      tpu.wait_dma2 semaphore(%run_scoped3A : memref<!tpu.dma_semaphore, #tpu.memory_space<semaphore_mem>>) src(%arg15 : memref<16x128xf32, #tpu.memory_space<vmem>>) dst(%dma_wait3A_629 : memref<16x128xf32, #tpu.memory_space<hbm>>)
      tpu.yield
    }) : () -> ()
    %mul3A_569 = arith.constant 640 : i32
    %mul3A_570 = arith.muli %arg1, %mul3A_569 : i32
    %add3A_571 = arith.constant 560 : i32
    %add3A_572 = arith.addi %mul3A_570, %add3A_571 : i32
    "tpu.region"() ({
      %run_scoped3A = tpu.sem_alloc : memref<!tpu.dma_semaphore, #tpu.memory_space<semaphore_mem>>
      %dma_start3A = arith.constant 0 : i32
      %dma_start3A_624 = tpu.memref_slice %arg16[%add3A_572, %dma_start3A] : memref<10240x128xf32, #tpu.memory_space<vmem_shared>> -> memref<16x128xf32, #tpu.memory_space<vmem_shared>>
      %dma_start3A_625 = arith.constant 0 : i32
      %dma_start3A_626 = tpu.memref_slice %arg16[%add3A_572, %dma_start3A_625] : memref<10240x128xf32, #tpu.memory_space<vmem_shared>> -> memref<16x128xf32, #tpu.memory_space<vmem_shared>>
      tpu.enqueue_dma source(%dma_start3A_626 : memref<16x128xf32, #tpu.memory_space<vmem_shared>>) target(%arg15 : memref<16x128xf32, #tpu.memory_space<vmem>>) target_semaphore(%run_scoped3A : memref<!tpu.dma_semaphore, #tpu.memory_space<semaphore_mem>>)
      %dma_wait3A = arith.constant 0 : i32
      %dma_wait3A_627 = tpu.memref_slice %arg16[%add3A_572, %dma_wait3A] : memref<10240x128xf32, #tpu.memory_space<vmem_shared>> -> memref<16x128xf32, #tpu.memory_space<vmem_shared>>
      %dma_wait3A_628 = arith.constant 0 : i32
      %dma_wait3A_629 = tpu.memref_slice %arg16[%add3A_572, %dma_wait3A_628] : memref<10240x128xf32, #tpu.memory_space<vmem_shared>> -> memref<16x128xf32, #tpu.memory_space<vmem_shared>>
      tpu.wait_dma2 semaphore(%run_scoped3A : memref<!tpu.dma_semaphore, #tpu.memory_space<semaphore_mem>>) src(%dma_wait3A_629 : memref<16x128xf32, #tpu.memory_space<vmem_shared>>) dst(%arg15 : memref<16x128xf32, #tpu.memory_space<vmem>>)
      tpu.yield
    }) : () -> ()
    %mul3A_573 = arith.constant 10240 : i32
    %mul3A_574 = arith.muli %arg0, %mul3A_573 : i32
    %mul3A_575 = arith.constant 640 : i32
    %mul3A_576 = arith.muli %arg1, %mul3A_575 : i32
    %add3A_577 = arith.addi %mul3A_574, %mul3A_576 : i32
    %add3A_578 = arith.constant 560 : i32
    %add3A_579 = arith.addi %add3A_577, %add3A_578 : i32
    "tpu.region"() ({
      %run_scoped3A = tpu.sem_alloc : memref<!tpu.dma_semaphore, #tpu.memory_space<semaphore_mem>>
      %dma_start3A = arith.constant 0 : i32
      %dma_start3A_624 = tpu.memref_slice %arg6[%add3A_579, %dma_start3A] : memref<20480x128xf32, #tpu.memory_space<hbm>> -> memref<16x128xf32, #tpu.memory_space<hbm>>
      %dma_start3A_625 = arith.constant 0 : i32
      %dma_start3A_626 = tpu.memref_slice %arg6[%add3A_579, %dma_start3A_625] : memref<20480x128xf32, #tpu.memory_space<hbm>> -> memref<16x128xf32, #tpu.memory_space<hbm>>
      tpu.enqueue_dma source(%arg15 : memref<16x128xf32, #tpu.memory_space<vmem>>) target(%dma_start3A_626 : memref<16x128xf32, #tpu.memory_space<hbm>>) target_semaphore(%run_scoped3A : memref<!tpu.dma_semaphore, #tpu.memory_space<semaphore_mem>>)
      %dma_wait3A = arith.constant 0 : i32
      %dma_wait3A_627 = tpu.memref_slice %arg6[%add3A_579, %dma_wait3A] : memref<20480x128xf32, #tpu.memory_space<hbm>> -> memref<16x128xf32, #tpu.memory_space<hbm>>
      %dma_wait3A_628 = arith.constant 0 : i32
      %dma_wait3A_629 = tpu.memref_slice %arg6[%add3A_579, %dma_wait3A_628] : memref<20480x128xf32, #tpu.memory_space<hbm>> -> memref<16x128xf32, #tpu.memory_space<hbm>>
      tpu.wait_dma2 semaphore(%run_scoped3A : memref<!tpu.dma_semaphore, #tpu.memory_space<semaphore_mem>>) src(%arg15 : memref<16x128xf32, #tpu.memory_space<vmem>>) dst(%dma_wait3A_629 : memref<16x128xf32, #tpu.memory_space<hbm>>)
      tpu.yield
    }) : () -> ()
    %mul3A_580 = arith.constant 640 : i32
    %mul3A_581 = arith.muli %arg1, %mul3A_580 : i32
    %add3A_582 = arith.constant 576 : i32
    %add3A_583 = arith.addi %mul3A_581, %add3A_582 : i32
    "tpu.region"() ({
      %run_scoped3A = tpu.sem_alloc : memref<!tpu.dma_semaphore, #tpu.memory_space<semaphore_mem>>
      %dma_start3A = arith.constant 0 : i32
      %dma_start3A_624 = tpu.memref_slice %arg16[%add3A_583, %dma_start3A] : memref<10240x128xf32, #tpu.memory_space<vmem_shared>> -> memref<16x128xf32, #tpu.memory_space<vmem_shared>>
      %dma_start3A_625 = arith.constant 0 : i32
      %dma_start3A_626 = tpu.memref_slice %arg16[%add3A_583, %dma_start3A_625] : memref<10240x128xf32, #tpu.memory_space<vmem_shared>> -> memref<16x128xf32, #tpu.memory_space<vmem_shared>>
      tpu.enqueue_dma source(%dma_start3A_626 : memref<16x128xf32, #tpu.memory_space<vmem_shared>>) target(%arg15 : memref<16x128xf32, #tpu.memory_space<vmem>>) target_semaphore(%run_scoped3A : memref<!tpu.dma_semaphore, #tpu.memory_space<semaphore_mem>>)
      %dma_wait3A = arith.constant 0 : i32
      %dma_wait3A_627 = tpu.memref_slice %arg16[%add3A_583, %dma_wait3A] : memref<10240x128xf32, #tpu.memory_space<vmem_shared>> -> memref<16x128xf32, #tpu.memory_space<vmem_shared>>
      %dma_wait3A_628 = arith.constant 0 : i32
      %dma_wait3A_629 = tpu.memref_slice %arg16[%add3A_583, %dma_wait3A_628] : memref<10240x128xf32, #tpu.memory_space<vmem_shared>> -> memref<16x128xf32, #tpu.memory_space<vmem_shared>>
      tpu.wait_dma2 semaphore(%run_scoped3A : memref<!tpu.dma_semaphore, #tpu.memory_space<semaphore_mem>>) src(%dma_wait3A_629 : memref<16x128xf32, #tpu.memory_space<vmem_shared>>) dst(%arg15 : memref<16x128xf32, #tpu.memory_space<vmem>>)
      tpu.yield
    }) : () -> ()
    %mul3A_584 = arith.constant 10240 : i32
    %mul3A_585 = arith.muli %arg0, %mul3A_584 : i32
    %mul3A_586 = arith.constant 640 : i32
    %mul3A_587 = arith.muli %arg1, %mul3A_586 : i32
    %add3A_588 = arith.addi %mul3A_585, %mul3A_587 : i32
    %add3A_589 = arith.constant 576 : i32
    %add3A_590 = arith.addi %add3A_588, %add3A_589 : i32
    "tpu.region"() ({
      %run_scoped3A = tpu.sem_alloc : memref<!tpu.dma_semaphore, #tpu.memory_space<semaphore_mem>>
      %dma_start3A = arith.constant 0 : i32
      %dma_start3A_624 = tpu.memref_slice %arg6[%add3A_590, %dma_start3A] : memref<20480x128xf32, #tpu.memory_space<hbm>> -> memref<16x128xf32, #tpu.memory_space<hbm>>
      %dma_start3A_625 = arith.constant 0 : i32
      %dma_start3A_626 = tpu.memref_slice %arg6[%add3A_590, %dma_start3A_625] : memref<20480x128xf32, #tpu.memory_space<hbm>> -> memref<16x128xf32, #tpu.memory_space<hbm>>
      tpu.enqueue_dma source(%arg15 : memref<16x128xf32, #tpu.memory_space<vmem>>) target(%dma_start3A_626 : memref<16x128xf32, #tpu.memory_space<hbm>>) target_semaphore(%run_scoped3A : memref<!tpu.dma_semaphore, #tpu.memory_space<semaphore_mem>>)
      %dma_wait3A = arith.constant 0 : i32
      %dma_wait3A_627 = tpu.memref_slice %arg6[%add3A_590, %dma_wait3A] : memref<20480x128xf32, #tpu.memory_space<hbm>> -> memref<16x128xf32, #tpu.memory_space<hbm>>
      %dma_wait3A_628 = arith.constant 0 : i32
      %dma_wait3A_629 = tpu.memref_slice %arg6[%add3A_590, %dma_wait3A_628] : memref<20480x128xf32, #tpu.memory_space<hbm>> -> memref<16x128xf32, #tpu.memory_space<hbm>>
      tpu.wait_dma2 semaphore(%run_scoped3A : memref<!tpu.dma_semaphore, #tpu.memory_space<semaphore_mem>>) src(%arg15 : memref<16x128xf32, #tpu.memory_space<vmem>>) dst(%dma_wait3A_629 : memref<16x128xf32, #tpu.memory_space<hbm>>)
      tpu.yield
    }) : () -> ()
    %mul3A_591 = arith.constant 640 : i32
    %mul3A_592 = arith.muli %arg1, %mul3A_591 : i32
    %add3A_593 = arith.constant 592 : i32
    %add3A_594 = arith.addi %mul3A_592, %add3A_593 : i32
    "tpu.region"() ({
      %run_scoped3A = tpu.sem_alloc : memref<!tpu.dma_semaphore, #tpu.memory_space<semaphore_mem>>
      %dma_start3A = arith.constant 0 : i32
      %dma_start3A_624 = tpu.memref_slice %arg16[%add3A_594, %dma_start3A] : memref<10240x128xf32, #tpu.memory_space<vmem_shared>> -> memref<16x128xf32, #tpu.memory_space<vmem_shared>>
      %dma_start3A_625 = arith.constant 0 : i32
      %dma_start3A_626 = tpu.memref_slice %arg16[%add3A_594, %dma_start3A_625] : memref<10240x128xf32, #tpu.memory_space<vmem_shared>> -> memref<16x128xf32, #tpu.memory_space<vmem_shared>>
      tpu.enqueue_dma source(%dma_start3A_626 : memref<16x128xf32, #tpu.memory_space<vmem_shared>>) target(%arg15 : memref<16x128xf32, #tpu.memory_space<vmem>>) target_semaphore(%run_scoped3A : memref<!tpu.dma_semaphore, #tpu.memory_space<semaphore_mem>>)
      %dma_wait3A = arith.constant 0 : i32
      %dma_wait3A_627 = tpu.memref_slice %arg16[%add3A_594, %dma_wait3A] : memref<10240x128xf32, #tpu.memory_space<vmem_shared>> -> memref<16x128xf32, #tpu.memory_space<vmem_shared>>
      %dma_wait3A_628 = arith.constant 0 : i32
      %dma_wait3A_629 = tpu.memref_slice %arg16[%add3A_594, %dma_wait3A_628] : memref<10240x128xf32, #tpu.memory_space<vmem_shared>> -> memref<16x128xf32, #tpu.memory_space<vmem_shared>>
      tpu.wait_dma2 semaphore(%run_scoped3A : memref<!tpu.dma_semaphore, #tpu.memory_space<semaphore_mem>>) src(%dma_wait3A_629 : memref<16x128xf32, #tpu.memory_space<vmem_shared>>) dst(%arg15 : memref<16x128xf32, #tpu.memory_space<vmem>>)
      tpu.yield
    }) : () -> ()
    %mul3A_595 = arith.constant 10240 : i32
    %mul3A_596 = arith.muli %arg0, %mul3A_595 : i32
    %mul3A_597 = arith.constant 640 : i32
    %mul3A_598 = arith.muli %arg1, %mul3A_597 : i32
    %add3A_599 = arith.addi %mul3A_596, %mul3A_598 : i32
    %add3A_600 = arith.constant 592 : i32
    %add3A_601 = arith.addi %add3A_599, %add3A_600 : i32
    "tpu.region"() ({
      %run_scoped3A = tpu.sem_alloc : memref<!tpu.dma_semaphore, #tpu.memory_space<semaphore_mem>>
      %dma_start3A = arith.constant 0 : i32
      %dma_start3A_624 = tpu.memref_slice %arg6[%add3A_601, %dma_start3A] : memref<20480x128xf32, #tpu.memory_space<hbm>> -> memref<16x128xf32, #tpu.memory_space<hbm>>
      %dma_start3A_625 = arith.constant 0 : i32
      %dma_start3A_626 = tpu.memref_slice %arg6[%add3A_601, %dma_start3A_625] : memref<20480x128xf32, #tpu.memory_space<hbm>> -> memref<16x128xf32, #tpu.memory_space<hbm>>
      tpu.enqueue_dma source(%arg15 : memref<16x128xf32, #tpu.memory_space<vmem>>) target(%dma_start3A_626 : memref<16x128xf32, #tpu.memory_space<hbm>>) target_semaphore(%run_scoped3A : memref<!tpu.dma_semaphore, #tpu.memory_space<semaphore_mem>>)
      %dma_wait3A = arith.constant 0 : i32
      %dma_wait3A_627 = tpu.memref_slice %arg6[%add3A_601, %dma_wait3A] : memref<20480x128xf32, #tpu.memory_space<hbm>> -> memref<16x128xf32, #tpu.memory_space<hbm>>
      %dma_wait3A_628 = arith.constant 0 : i32
      %dma_wait3A_629 = tpu.memref_slice %arg6[%add3A_601, %dma_wait3A_628] : memref<20480x128xf32, #tpu.memory_space<hbm>> -> memref<16x128xf32, #tpu.memory_space<hbm>>
      tpu.wait_dma2 semaphore(%run_scoped3A : memref<!tpu.dma_semaphore, #tpu.memory_space<semaphore_mem>>) src(%arg15 : memref<16x128xf32, #tpu.memory_space<vmem>>) dst(%dma_wait3A_629 : memref<16x128xf32, #tpu.memory_space<hbm>>)
      tpu.yield
    }) : () -> ()
    %mul3A_602 = arith.constant 640 : i32
    %mul3A_603 = arith.muli %arg1, %mul3A_602 : i32
    %add3A_604 = arith.constant 608 : i32
    %add3A_605 = arith.addi %mul3A_603, %add3A_604 : i32
    "tpu.region"() ({
      %run_scoped3A = tpu.sem_alloc : memref<!tpu.dma_semaphore, #tpu.memory_space<semaphore_mem>>
      %dma_start3A = arith.constant 0 : i32
      %dma_start3A_624 = tpu.memref_slice %arg16[%add3A_605, %dma_start3A] : memref<10240x128xf32, #tpu.memory_space<vmem_shared>> -> memref<16x128xf32, #tpu.memory_space<vmem_shared>>
      %dma_start3A_625 = arith.constant 0 : i32
      %dma_start3A_626 = tpu.memref_slice %arg16[%add3A_605, %dma_start3A_625] : memref<10240x128xf32, #tpu.memory_space<vmem_shared>> -> memref<16x128xf32, #tpu.memory_space<vmem_shared>>
      tpu.enqueue_dma source(%dma_start3A_626 : memref<16x128xf32, #tpu.memory_space<vmem_shared>>) target(%arg15 : memref<16x128xf32, #tpu.memory_space<vmem>>) target_semaphore(%run_scoped3A : memref<!tpu.dma_semaphore, #tpu.memory_space<semaphore_mem>>)
      %dma_wait3A = arith.constant 0 : i32
      %dma_wait3A_627 = tpu.memref_slice %arg16[%add3A_605, %dma_wait3A] : memref<10240x128xf32, #tpu.memory_space<vmem_shared>> -> memref<16x128xf32, #tpu.memory_space<vmem_shared>>
      %dma_wait3A_628 = arith.constant 0 : i32
      %dma_wait3A_629 = tpu.memref_slice %arg16[%add3A_605, %dma_wait3A_628] : memref<10240x128xf32, #tpu.memory_space<vmem_shared>> -> memref<16x128xf32, #tpu.memory_space<vmem_shared>>
      tpu.wait_dma2 semaphore(%run_scoped3A : memref<!tpu.dma_semaphore, #tpu.memory_space<semaphore_mem>>) src(%dma_wait3A_629 : memref<16x128xf32, #tpu.memory_space<vmem_shared>>) dst(%arg15 : memref<16x128xf32, #tpu.memory_space<vmem>>)
      tpu.yield
    }) : () -> ()
    %mul3A_606 = arith.constant 10240 : i32
    %mul3A_607 = arith.muli %arg0, %mul3A_606 : i32
    %mul3A_608 = arith.constant 640 : i32
    %mul3A_609 = arith.muli %arg1, %mul3A_608 : i32
    %add3A_610 = arith.addi %mul3A_607, %mul3A_609 : i32
    %add3A_611 = arith.constant 608 : i32
    %add3A_612 = arith.addi %add3A_610, %add3A_611 : i32
    "tpu.region"() ({
      %run_scoped3A = tpu.sem_alloc : memref<!tpu.dma_semaphore, #tpu.memory_space<semaphore_mem>>
      %dma_start3A = arith.constant 0 : i32
      %dma_start3A_624 = tpu.memref_slice %arg6[%add3A_612, %dma_start3A] : memref<20480x128xf32, #tpu.memory_space<hbm>> -> memref<16x128xf32, #tpu.memory_space<hbm>>
      %dma_start3A_625 = arith.constant 0 : i32
      %dma_start3A_626 = tpu.memref_slice %arg6[%add3A_612, %dma_start3A_625] : memref<20480x128xf32, #tpu.memory_space<hbm>> -> memref<16x128xf32, #tpu.memory_space<hbm>>
      tpu.enqueue_dma source(%arg15 : memref<16x128xf32, #tpu.memory_space<vmem>>) target(%dma_start3A_626 : memref<16x128xf32, #tpu.memory_space<hbm>>) target_semaphore(%run_scoped3A : memref<!tpu.dma_semaphore, #tpu.memory_space<semaphore_mem>>)
      %dma_wait3A = arith.constant 0 : i32
      %dma_wait3A_627 = tpu.memref_slice %arg6[%add3A_612, %dma_wait3A] : memref<20480x128xf32, #tpu.memory_space<hbm>> -> memref<16x128xf32, #tpu.memory_space<hbm>>
      %dma_wait3A_628 = arith.constant 0 : i32
      %dma_wait3A_629 = tpu.memref_slice %arg6[%add3A_612, %dma_wait3A_628] : memref<20480x128xf32, #tpu.memory_space<hbm>> -> memref<16x128xf32, #tpu.memory_space<hbm>>
      tpu.wait_dma2 semaphore(%run_scoped3A : memref<!tpu.dma_semaphore, #tpu.memory_space<semaphore_mem>>) src(%arg15 : memref<16x128xf32, #tpu.memory_space<vmem>>) dst(%dma_wait3A_629 : memref<16x128xf32, #tpu.memory_space<hbm>>)
      tpu.yield
    }) : () -> ()
    %mul3A_613 = arith.constant 640 : i32
    %mul3A_614 = arith.muli %arg1, %mul3A_613 : i32
    %add3A_615 = arith.constant 624 : i32
    %add3A_616 = arith.addi %mul3A_614, %add3A_615 : i32
    "tpu.region"() ({
      %run_scoped3A = tpu.sem_alloc : memref<!tpu.dma_semaphore, #tpu.memory_space<semaphore_mem>>
      %dma_start3A = arith.constant 0 : i32
      %dma_start3A_624 = tpu.memref_slice %arg16[%add3A_616, %dma_start3A] : memref<10240x128xf32, #tpu.memory_space<vmem_shared>> -> memref<16x128xf32, #tpu.memory_space<vmem_shared>>
      %dma_start3A_625 = arith.constant 0 : i32
      %dma_start3A_626 = tpu.memref_slice %arg16[%add3A_616, %dma_start3A_625] : memref<10240x128xf32, #tpu.memory_space<vmem_shared>> -> memref<16x128xf32, #tpu.memory_space<vmem_shared>>
      tpu.enqueue_dma source(%dma_start3A_626 : memref<16x128xf32, #tpu.memory_space<vmem_shared>>) target(%arg15 : memref<16x128xf32, #tpu.memory_space<vmem>>) target_semaphore(%run_scoped3A : memref<!tpu.dma_semaphore, #tpu.memory_space<semaphore_mem>>)
      %dma_wait3A = arith.constant 0 : i32
      %dma_wait3A_627 = tpu.memref_slice %arg16[%add3A_616, %dma_wait3A] : memref<10240x128xf32, #tpu.memory_space<vmem_shared>> -> memref<16x128xf32, #tpu.memory_space<vmem_shared>>
      %dma_wait3A_628 = arith.constant 0 : i32
      %dma_wait3A_629 = tpu.memref_slice %arg16[%add3A_616, %dma_wait3A_628] : memref<10240x128xf32, #tpu.memory_space<vmem_shared>> -> memref<16x128xf32, #tpu.memory_space<vmem_shared>>
      tpu.wait_dma2 semaphore(%run_scoped3A : memref<!tpu.dma_semaphore, #tpu.memory_space<semaphore_mem>>) src(%dma_wait3A_629 : memref<16x128xf32, #tpu.memory_space<vmem_shared>>) dst(%arg15 : memref<16x128xf32, #tpu.memory_space<vmem>>)
      tpu.yield
    }) : () -> ()
    %mul3A_617 = arith.constant 10240 : i32
    %mul3A_618 = arith.muli %arg0, %mul3A_617 : i32
    %mul3A_619 = arith.constant 640 : i32
    %mul3A_620 = arith.muli %arg1, %mul3A_619 : i32
    %add3A_621 = arith.addi %mul3A_618, %mul3A_620 : i32
    %add3A_622 = arith.constant 624 : i32
    %add3A_623 = arith.addi %add3A_621, %add3A_622 : i32
    "tpu.region"() ({
      %run_scoped3A = tpu.sem_alloc : memref<!tpu.dma_semaphore, #tpu.memory_space<semaphore_mem>>
      %dma_start3A = arith.constant 0 : i32
      %dma_start3A_624 = tpu.memref_slice %arg6[%add3A_623, %dma_start3A] : memref<20480x128xf32, #tpu.memory_space<hbm>> -> memref<16x128xf32, #tpu.memory_space<hbm>>
      %dma_start3A_625 = arith.constant 0 : i32
      %dma_start3A_626 = tpu.memref_slice %arg6[%add3A_623, %dma_start3A_625] : memref<20480x128xf32, #tpu.memory_space<hbm>> -> memref<16x128xf32, #tpu.memory_space<hbm>>
      tpu.enqueue_dma source(%arg15 : memref<16x128xf32, #tpu.memory_space<vmem>>) target(%dma_start3A_626 : memref<16x128xf32, #tpu.memory_space<hbm>>) target_semaphore(%run_scoped3A : memref<!tpu.dma_semaphore, #tpu.memory_space<semaphore_mem>>)
      %dma_wait3A = arith.constant 0 : i32
      %dma_wait3A_627 = tpu.memref_slice %arg6[%add3A_623, %dma_wait3A] : memref<20480x128xf32, #tpu.memory_space<hbm>> -> memref<16x128xf32, #tpu.memory_space<hbm>>
      %dma_wait3A_628 = arith.constant 0 : i32
      %dma_wait3A_629 = tpu.memref_slice %arg6[%add3A_623, %dma_wait3A_628] : memref<20480x128xf32, #tpu.memory_space<hbm>> -> memref<16x128xf32, #tpu.memory_space<hbm>>
      tpu.wait_dma2 semaphore(%run_scoped3A : memref<!tpu.dma_semaphore, #tpu.memory_space<semaphore_mem>>) src(%arg15 : memref<16x128xf32, #tpu.memory_space<vmem>>) dst(%dma_wait3A_629 : memref<16x128xf32, #tpu.memory_space<hbm>>)
      tpu.yield
    }) : () -> ()
    return
  }
}

module attributes {stable_mosaic.version = 14 : i64} {
  func.func @_tables_body(%arg0: i32, %arg1: memref<10000x128xf32, #tpu.memory_space<vmem>>, %arg2: memref<128x128xf32, #tpu.memory_space<vmem>>, %arg3: memref<10000x128xf32, #tpu.memory_space<vmem>>) attributes {dimension_semantics = [#tpu.dimension_semantics<arbitrary>], iteration_bounds = array<i64: 4>, scalar_prefetch = 0 : i64, scratch_operands = 0 : i64, tpu.core_type = #tpu.core_type<tc>, window_params = [{pipeline_mode = #tpu.pipeline_mode<synchronous>, transform_indices = @transform_0, window_bounds = array<i64: 10000, 128>}, {transform_indices = @transform_1, window_bounds = array<i64: 128, 128>}, {transform_indices = @transform_2, window_bounds = array<i64: 10000, 128>}]} {
    %get3A = arith.constant 0 : index
    %get3A_0 = arith.constant 0 : index
    %get3A_1 = vector.load %arg1[%get3A, %get3A_0] : memref<10000x128xf32, #tpu.memory_space<vmem>>, vector<10000x128xf32>
    %get3A_2 = arith.constant 0 : index
    %get3A_3 = arith.constant 0 : index
    %get3A_4 = vector.load %arg2[%get3A_2, %get3A_3] : memref<128x128xf32, #tpu.memory_space<vmem>>, vector<128x128xf32>
    %dot_general3A = arith.constant dense<0.000000e+00> : vector<10000x128xf32>
    %dot_general3A_5 = tpu.matmul %get3A_1, %get3A_4, %dot_general3A {dimension_numbers = #tpu.dot_dimension_numbers<[1], [0], [0], [1], [0, 0, 1, 1], [], []>, transpose_lhs_hint = false} : vector<10000x128xf32>, vector<128x128xf32>, vector<10000x128xf32> -> vector<10000x128xf32>
    %swap3A = arith.constant 0 : index
    %swap3A_6 = arith.constant 0 : index
    %swap3A_7 = vector.load %arg3[%swap3A, %swap3A_6] : memref<10000x128xf32, #tpu.memory_space<vmem>>, vector<10000x128xf32>
    tpu.vector_store %arg3[%swap3A, %swap3A_6], %dot_general3A_5 {strides = array<i32>} : memref<10000x128xf32, #tpu.memory_space<vmem>>, vector<10000x128xf32>,
    return
  }
  func.func @transform_0(%arg0: i32) -> (i32, i32) {
    %c0_i32 = arith.constant 0 : i32
    %c0_i32_0 = arith.constant 0 : i32
    %c0_i32_1 = arith.constant 0 : i32
    return %c0_i32, %c0_i32_0 : i32, i32
  }
  func.func @transform_1(%arg0: i32) -> (i32, i32) {
    %c0_i32 = arith.constant 0 : i32
    %c0_i32_0 = arith.constant 0 : i32
    return %c0_i32, %arg0 : i32, i32
  }
  func.func @transform_2(%arg0: i32) -> (i32, i32) {
    %c0_i32 = arith.constant 0 : i32
    %c0_i32_0 = arith.constant 0 : i32
    return %arg0, %c0_i32 : i32, i32
  }
}

module attributes {stable_mosaic.version = 14 : i64} {
  func.func @_q_body(%arg0: i32, %arg1: i32, %arg2: memref<4096x16xf32, #tpu.memory_space<vmem>>, %arg3: memref<1x16x128xf32, #tpu.memory_space<vmem>>, %arg4: memref<1x1x128xf32, #tpu.memory_space<vmem>>, %arg5: memref<1x4096x128xf32, #tpu.memory_space<vmem>>) attributes {dimension_semantics = [#tpu.dimension_semantics<arbitrary>, #tpu.dimension_semantics<arbitrary>], iteration_bounds = array<i64: 2, 80>, scalar_prefetch = 0 : i64, scratch_operands = 0 : i64, tpu.core_type = #tpu.core_type<tc>, window_params = [{transform_indices = @transform_0, window_bounds = array<i64: 4096, 16>}, {transform_indices = @transform_1, window_bounds = array<i64: 1, 16, 128>}, {transform_indices = @transform_2, window_bounds = array<i64: 1, 1, 128>}, {transform_indices = @transform_3, window_bounds = array<i64: 1, 4096, 128>}]} {
    %get3A = arith.constant 0 : index
    %get3A_0 = arith.constant 0 : index
    %get3A_1 = vector.load %arg2[%get3A, %get3A_0] : memref<4096x16xf32, #tpu.memory_space<vmem>>, vector<4096x16xf32>
    %get3A_2 = arith.constant 0 : index
    %get3A_3 = arith.constant 0 : index
    %get3A_4 = arith.constant 0 : index
    %get3A_5 = vector.load %arg3[%get3A_2, %get3A_3, %get3A_4] : memref<1x16x128xf32, #tpu.memory_space<vmem>>, vector<1x16x128xf32>
    %get3A_6 = vector.shape_cast %get3A_5 : vector<1x16x128xf32> to vector<16x128xf32>
    %dot_general3A = arith.constant dense<0.000000e+00> : vector<4096x128xf32>
    %dot_general3A_7 = tpu.matmul %get3A_1, %get3A_6, %dot_general3A {dimension_numbers = #tpu.dot_dimension_numbers<[1], [0], [0], [1], [0, 0, 1, 1], [], []>, transpose_lhs_hint = false} : vector<4096x16xf32>, vector<16x128xf32>, vector<4096x128xf32> -> vector<4096x128xf32>
    %get3A_8 = arith.constant 0 : index
    %get3A_9 = arith.constant 0 : index
    %get3A_10 = arith.constant 0 : index
    %get3A_11 = vector.load %arg4[%get3A_8, %get3A_9, %get3A_10] : memref<1x1x128xf32, #tpu.memory_space<vmem>>, vector<1x1x128xf32>
    %get3A_12 = vector.shape_cast %get3A_11 : vector<1x1x128xf32> to vector<1x128xf32>
    %add3A = vector.broadcast %get3A_12 : vector<1x128xf32> to vector<4096x128xf32>
    %add3A_13 = arith.addf %dot_general3A_7, %add3A : vector<4096x128xf32>
    %swap3A = arith.constant 0 : index
    %swap3A_14 = arith.constant 0 : index
    %swap3A_15 = arith.constant 0 : index
    %swap3A_16 = vector.load %arg5[%swap3A, %swap3A_14, %swap3A_15] : memref<1x4096x128xf32, #tpu.memory_space<vmem>>, vector<1x4096x128xf32>
    %swap3A_17 = vector.shape_cast %swap3A_16 : vector<1x4096x128xf32> to vector<4096x128xf32>
    %swap3A_18 = vector.shape_cast %add3A_13 : vector<4096x128xf32> to vector<1x4096x128xf32>
    tpu.vector_store %arg5[%swap3A, %swap3A_14, %swap3A_15], %swap3A_18 {strides = array<i32>} : memref<1x4096x128xf32, #tpu.memory_space<vmem>>, vector<1x4096x128xf32>,
    return
  }
  func.func @transform_0(%arg0: i32, %arg1: i32) -> (i32, i32) {
    %c0_i32 = arith.constant 0 : i32
    %c0_i32_0 = arith.constant 0 : i32
    return %arg1, %c0_i32 : i32, i32
  }
  func.func @transform_1(%arg0: i32, %arg1: i32) -> (i32, i32, i32) {
    %c0_i32 = arith.constant 0 : i32
    %c0_i32_0 = arith.constant 0 : i32
    %c0_i32_1 = arith.constant 0 : i32
    return %arg0, %c0_i32, %c0_i32_0 : i32, i32, i32
  }
  func.func @transform_2(%arg0: i32, %arg1: i32) -> (i32, i32, i32) {
    %c0_i32 = arith.constant 0 : i32
    %c0_i32_0 = arith.constant 0 : i32
    %c0_i32_1 = arith.constant 0 : i32
    return %arg0, %c0_i32, %c0_i32_0 : i32, i32, i32
  }
  func.func @transform_3(%arg0: i32, %arg1: i32) -> (i32, i32, i32) {
    %c0_i32 = arith.constant 0 : i32
    %c0_i32_0 = arith.constant 0 : i32
    return %arg0, %arg1, %c0_i32 : i32, i32, i32
  }
}

module attributes {stable_mosaic.version = 14 : i64} {
  func.func @_gru_body(%arg0: i32, %arg1: memref<2000x128xf32, #tpu.memory_space<vmem>>, %arg2: memref<2000x128xf32, #tpu.memory_space<vmem>>, %arg3: memref<2000x128xf32, #tpu.memory_space<vmem>>, %arg4: memref<2000x128xf32, #tpu.memory_space<vmem>>, %arg5: memref<2000x128xf32, #tpu.memory_space<vmem>>, %arg6: memref<256x256xf32, #tpu.memory_space<vmem>>, %arg7: memref<384x256xf32, #tpu.memory_space<vmem>>, %arg8: memref<384x128xf32, #tpu.memory_space<vmem>>, %arg9: memref<1x256xf32, #tpu.memory_space<vmem>>, %arg10: memref<1x384xf32, #tpu.memory_space<vmem>>, %arg11: memref<1x384xf32, #tpu.memory_space<vmem>>, %arg12: memref<2000x128xf32, #tpu.memory_space<vmem>>) attributes {dimension_semantics = [#tpu.dimension_semantics<arbitrary>], iteration_bounds = array<i64: 5>, scalar_prefetch = 0 : i64, scratch_operands = 0 : i64, tpu.core_type = #tpu.core_type<tc>, window_params = [{transform_indices = @transform_0, window_bounds = array<i64: 2000, 128>}, {transform_indices = @transform_1, window_bounds = array<i64: 2000, 128>}, {transform_indices = @transform_2, window_bounds = array<i64: 2000, 128>}, {transform_indices = @transform_3, window_bounds = array<i64: 2000, 128>}, {transform_indices = @transform_4, window_bounds = array<i64: 2000, 128>}, {pipeline_mode = #tpu.pipeline_mode<synchronous>, transform_indices = @transform_5, window_bounds = array<i64: 256, 256>}, {pipeline_mode = #tpu.pipeline_mode<synchronous>, transform_indices = @transform_6, window_bounds = array<i64: 384, 256>}, {pipeline_mode = #tpu.pipeline_mode<synchronous>, transform_indices = @transform_7, window_bounds = array<i64: 384, 128>}, {pipeline_mode = #tpu.pipeline_mode<synchronous>, transform_indices = @transform_8, window_bounds = array<i64: 1, 256>}, {pipeline_mode = #tpu.pipeline_mode<synchronous>, transform_indices = @transform_9, window_bounds = array<i64: 1, 384>}, {pipeline_mode = #tpu.pipeline_mode<synchronous>, transform_indices = @transform_10, window_bounds = array<i64: 1, 384>}, {transform_indices = @transform_11, window_bounds = array<i64: 2000, 128>}]} {
    %get3A = arith.constant 0 : index
    %get3A_0 = arith.constant 0 : index
    %get3A_1 = vector.load %arg3[%get3A, %get3A_0] : memref<2000x128xf32, #tpu.memory_space<vmem>>, vector<2000x128xf32>
    %slice3A = vector.extract_strided_slice %get3A_1 {offsets = [0, 0], sizes = [2000, 1], strides = [1, 1]} : vector<2000x128xf32> to vector<2000x1xf32>
    %get3A_2 = arith.constant 0 : index
    %get3A_3 = arith.constant 0 : index
    %get3A_4 = vector.load %arg4[%get3A_2, %get3A_3] : memref<2000x128xf32, #tpu.memory_space<vmem>>, vector<2000x128xf32>
    %slice3A_5 = vector.extract_strided_slice %get3A_4 {offsets = [0, 0], sizes = [2000, 1], strides = [1, 1]} : vector<2000x128xf32> to vector<2000x1xf32>
    %add3A = arith.addf %slice3A, %slice3A_5 : vector<2000x1xf32>
    %max3A = arith.constant 1.000000e+00 : f32
    %max3A_6 = vector.broadcast %max3A : f32 to vector<2000x1xf32>
    %max3A_7 = arith.maximumf %add3A, %max3A_6 : vector<2000x1xf32>
    %div3A = arith.constant 1.000000e+00 : f32
    %div3A_8 = vector.broadcast %div3A : f32 to vector<2000x1xf32>
    %div3A_9 = arith.divf %div3A_8, %max3A_7 : vector<2000x1xf32>
    %mul3A = arith.mulf %add3A, %div3A_9 : vector<2000x1xf32>
    %get3A_10 = arith.constant 0 : index
    %get3A_11 = arith.constant 0 : index
    %get3A_12 = vector.load %arg6[%get3A_10, %get3A_11] : memref<256x256xf32, #tpu.memory_space<vmem>>, vector<256x256xf32>
    %get3A_13 = arith.constant 0 : index
    %get3A_14 = arith.constant 0 : index
    %get3A_15 = vector.load %arg1[%get3A_13, %get3A_14] : memref<2000x128xf32, #tpu.memory_space<vmem>>, vector<2000x128xf32>
    %slice3A_16 = vector.extract_strided_slice %get3A_12 {offsets = [0, 0], sizes = [128, 256], strides = [1, 1]} : vector<256x256xf32> to vector<128x256xf32>
    %dot_general3A = arith.constant dense<0.000000e+00> : vector<2000x256xf32>
    %dot_general3A_17 = tpu.matmul %get3A_15, %slice3A_16, %dot_general3A {dimension_numbers = #tpu.dot_dimension_numbers<[1], [0], [0], [1], [0, 0, 1, 1], [], []>, transpose_lhs_hint = false} : vector<2000x128xf32>, vector<128x256xf32>, vector<2000x256xf32> -> vector<2000x256xf32>
    %get3A_18 = arith.constant 0 : index
    %get3A_19 = arith.constant 0 : index
    %get3A_20 = vector.load %arg2[%get3A_18, %get3A_19] : memref<2000x128xf32, #tpu.memory_space<vmem>>, vector<2000x128xf32>
    %slice3A_21 = vector.extract_strided_slice %get3A_12 {offsets = [128, 0], sizes = [128, 256], strides = [1, 1]} : vector<256x256xf32> to vector<128x256xf32>
    %dot_general3A_22 = arith.constant dense<0.000000e+00> : vector<2000x256xf32>
    %dot_general3A_23 = tpu.matmul %get3A_20, %slice3A_21, %dot_general3A_22 {dimension_numbers = #tpu.dot_dimension_numbers<[1], [0], [0], [1], [0, 0, 1, 1], [], []>, transpose_lhs_hint = false} : vector<2000x128xf32>, vector<128x256xf32>, vector<2000x256xf32> -> vector<2000x256xf32>
    %add3A_24 = arith.addf %dot_general3A_17, %dot_general3A_23 : vector<2000x256xf32>
    %mul3A_25 = vector.broadcast %div3A_9 : vector<2000x1xf32> to vector<2000x256xf32>
    %mul3A_26 = arith.mulf %add3A_24, %mul3A_25 : vector<2000x256xf32>
    %get3A_27 = arith.constant 0 : index
    %get3A_28 = arith.constant 0 : index
    %get3A_29 = vector.load %arg9[%get3A_27, %get3A_28] : memref<1x256xf32, #tpu.memory_space<vmem>>, vector<1x256xf32>
    %mul3A_30 = vector.broadcast %get3A_29 : vector<1x256xf32> to vector<2000x256xf32>
    %mul3A_31 = vector.broadcast %mul3A : vector<2000x1xf32> to vector<2000x256xf32>
    %mul3A_32 = arith.mulf %mul3A_30, %mul3A_31 : vector<2000x256xf32>
    %add3A_33 = arith.addf %mul3A_26, %mul3A_32 : vector<2000x256xf32>
    %get3A_34 = arith.constant 0 : index
    %get3A_35 = arith.constant 0 : index
    %get3A_36 = vector.load %arg7[%get3A_34, %get3A_35] : memref<384x256xf32, #tpu.memory_space<vmem>>, vector<384x256xf32>
    %dot_general3A_37 = arith.constant dense<0.000000e+00> : vector<2000x384xf32>
    %dot_general3A_38 = tpu.matmul %add3A_33, %get3A_36, %dot_general3A_37 {dimension_numbers = #tpu.dot_dimension_numbers<[1], [1], [0], [0], [0, 0, 1, 0], [], []>, transpose_lhs_hint = false} : vector<2000x256xf32>, vector<384x256xf32>, vector<2000x384xf32> -> vector<2000x384xf32>
    %get3A_39 = arith.constant 0 : index
    %get3A_40 = arith.constant 0 : index
    %get3A_41 = vector.load %arg10[%get3A_39, %get3A_40] : memref<1x384xf32, #tpu.memory_space<vmem>>, vector<1x384xf32>
    %add3A_42 = vector.broadcast %get3A_41 : vector<1x384xf32> to vector<2000x384xf32>
    %add3A_43 = arith.addf %dot_general3A_38, %add3A_42 : vector<2000x384xf32>
    %get3A_44 = arith.constant 0 : index
    %get3A_45 = arith.constant 0 : index
    %get3A_46 = vector.load %arg5[%get3A_44, %get3A_45] : memref<2000x128xf32, #tpu.memory_space<vmem>>, vector<2000x128xf32>
    %get3A_47 = arith.constant 0 : index
    %get3A_48 = arith.constant 0 : index
    %get3A_49 = vector.load %arg8[%get3A_47, %get3A_48] : memref<384x128xf32, #tpu.memory_space<vmem>>, vector<384x128xf32>
    %dot_general3A_50 = arith.constant dense<0.000000e+00> : vector<2000x384xf32>
    %dot_general3A_51 = tpu.matmul %get3A_46, %get3A_49, %dot_general3A_50 {dimension_numbers = #tpu.dot_dimension_numbers<[1], [1], [0], [0], [0, 0, 1, 0], [], []>, transpose_lhs_hint = false} : vector<2000x128xf32>, vector<384x128xf32>, vector<2000x384xf32> -> vector<2000x384xf32>
    %get3A_52 = arith.constant 0 : index
    %get3A_53 = arith.constant 0 : index
    %get3A_54 = vector.load %arg11[%get3A_52, %get3A_53] : memref<1x384xf32, #tpu.memory_space<vmem>>, vector<1x384xf32>
    %add3A_55 = vector.broadcast %get3A_54 : vector<1x384xf32> to vector<2000x384xf32>
    %add3A_56 = arith.addf %dot_general3A_51, %add3A_55 : vector<2000x384xf32>
    %slice3A_57 = vector.extract_strided_slice %add3A_43 {offsets = [0, 0], sizes = [2000, 128], strides = [1, 1]} : vector<2000x384xf32> to vector<2000x128xf32>
    %slice3A_58 = vector.extract_strided_slice %add3A_56 {offsets = [0, 0], sizes = [2000, 128], strides = [1, 1]} : vector<2000x384xf32> to vector<2000x128xf32>
    %add3A_59 = arith.addf %slice3A_57, %slice3A_58 : vector<2000x128xf32>
    %logistic3A = arith.negf %add3A_59 : vector<2000x128xf32>
    %logistic3A_60 = math.exp %logistic3A : vector<2000x128xf32>
    %logistic3A_61 = arith.constant 1.000000e+00 : f32
    %logistic3A_62 = vector.broadcast %logistic3A_61 : f32 to vector<2000x128xf32>
    %logistic3A_63 = arith.addf %logistic3A_62, %logistic3A_60 : vector<2000x128xf32>
    %logistic3A_64 = arith.divf %logistic3A_62, %logistic3A_63 : vector<2000x128xf32>
    %slice3A_65 = vector.extract_strided_slice %add3A_43 {offsets = [0, 128], sizes = [2000, 128], strides = [1, 1]} : vector<2000x384xf32> to vector<2000x128xf32>
    %slice3A_66 = vector.extract_strided_slice %add3A_56 {offsets = [0, 128], sizes = [2000, 128], strides = [1, 1]} : vector<2000x384xf32> to vector<2000x128xf32>
    %add3A_67 = arith.addf %slice3A_65, %slice3A_66 : vector<2000x128xf32>
    %logistic3A_68 = arith.negf %add3A_67 : vector<2000x128xf32>
    %logistic3A_69 = math.exp %logistic3A_68 : vector<2000x128xf32>
    %logistic3A_70 = arith.constant 1.000000e+00 : f32
    %logistic3A_71 = vector.broadcast %logistic3A_70 : f32 to vector<2000x128xf32>
    %logistic3A_72 = arith.addf %logistic3A_71, %logistic3A_69 : vector<2000x128xf32>
    %logistic3A_73 = arith.divf %logistic3A_71, %logistic3A_72 : vector<2000x128xf32>
    %slice3A_74 = vector.extract_strided_slice %add3A_43 {offsets = [0, 256], sizes = [2000, 128], strides = [1, 1]} : vector<2000x384xf32> to vector<2000x128xf32>
    %slice3A_75 = vector.extract_strided_slice %add3A_56 {offsets = [0, 256], sizes = [2000, 128], strides = [1, 1]} : vector<2000x384xf32> to vector<2000x128xf32>
    %mul3A_76 = arith.mulf %logistic3A_64, %slice3A_75 : vector<2000x128xf32>
    %add3A_77 = arith.addf %slice3A_74, %mul3A_76 : vector<2000x128xf32>
    %tanh3A = math.tanh %add3A_77 : vector<2000x128xf32>
    %sub3A = arith.constant 1.000000e+00 : f32
    %sub3A_78 = vector.broadcast %sub3A : f32 to vector<2000x128xf32>
    %sub3A_79 = arith.subf %sub3A_78, %logistic3A_73 : vector<2000x128xf32>
    %mul3A_80 = arith.mulf %sub3A_79, %tanh3A : vector<2000x128xf32>
    %mul3A_81 = arith.mulf %logistic3A_73, %get3A_46 : vector<2000x128xf32>
    %add3A_82 = arith.addf %mul3A_80, %mul3A_81 : vector<2000x128xf32>
    %swap3A = arith.constant 0 : index
    %swap3A_83 = arith.constant 0 : index
    %swap3A_84 = vector.load %arg12[%swap3A, %swap3A_83] : memref<2000x128xf32, #tpu.memory_space<vmem>>, vector<2000x128xf32>
    tpu.vector_store %arg12[%swap3A, %swap3A_83], %add3A_82 {strides = array<i32>} : memref<2000x128xf32, #tpu.memory_space<vmem>>, vector<2000x128xf32>,
    return
  }
  func.func @transform_0(%arg0: i32) -> (i32, i32) {
    %c0_i32 = arith.constant 0 : i32
    %c0_i32_0 = arith.constant 0 : i32
    return %arg0, %c0_i32 : i32, i32
  }
  func.func @transform_1(%arg0: i32) -> (i32, i32) {
    %c0_i32 = arith.constant 0 : i32
    %c0_i32_0 = arith.constant 0 : i32
    return %arg0, %c0_i32 : i32, i32
  }
  func.func @transform_2(%arg0: i32) -> (i32, i32) {
    %c0_i32 = arith.constant 0 : i32
    %c0_i32_0 = arith.constant 0 : i32
    return %arg0, %c0_i32 : i32, i32
  }
  func.func @transform_3(%arg0: i32) -> (i32, i32) {
    %c0_i32 = arith.constant 0 : i32
    %c0_i32_0 = arith.constant 0 : i32
    return %arg0, %c0_i32 : i32, i32
  }
  func.func @transform_4(%arg0: i32) -> (i32, i32) {
    %c0_i32 = arith.constant 0 : i32
    %c0_i32_0 = arith.constant 0 : i32
    return %arg0, %c0_i32 : i32, i32
  }
  func.func @transform_5(%arg0: i32) -> (i32, i32) {
    %c0_i32 = arith.constant 0 : i32
    %c0_i32_0 = arith.constant 0 : i32
    %c0_i32_1 = arith.constant 0 : i32
    return %c0_i32, %c0_i32_0 : i32, i32
  }
  func.func @transform_6(%arg0: i32) -> (i32, i32) {
    %c0_i32 = arith.constant 0 : i32
    %c0_i32_0 = arith.constant 0 : i32
    %c0_i32_1 = arith.constant 0 : i32
    return %c0_i32, %c0_i32_0 : i32, i32
  }
  func.func @transform_7(%arg0: i32) -> (i32, i32) {
    %c0_i32 = arith.constant 0 : i32
    %c0_i32_0 = arith.constant 0 : i32
    %c0_i32_1 = arith.constant 0 : i32
    return %c0_i32, %c0_i32_0 : i32, i32
  }
  func.func @transform_8(%arg0: i32) -> (i32, i32) {
    %c0_i32 = arith.constant 0 : i32
    %c0_i32_0 = arith.constant 0 : i32
    %c0_i32_1 = arith.constant 0 : i32
    return %c0_i32, %c0_i32_0 : i32, i32
  }
  func.func @transform_9(%arg0: i32) -> (i32, i32) {
    %c0_i32 = arith.constant 0 : i32
    %c0_i32_0 = arith.constant 0 : i32
    %c0_i32_1 = arith.constant 0 : i32
    return %c0_i32, %c0_i32_0 : i32, i32
  }
  func.func @transform_10(%arg0: i32) -> (i32, i32) {
    %c0_i32 = arith.constant 0 : i32
    %c0_i32_0 = arith.constant 0 : i32
    %c0_i32_1 = arith.constant 0 : i32
    return %c0_i32, %c0_i32_0 : i32, i32
  }
  func.func @transform_11(%arg0: i32) -> (i32, i32) {
    %c0_i32 = arith.constant 0 : i32
    %c0_i32_0 = arith.constant 0 : i32
    return %arg0, %c0_i32 : i32, i32
  }
}

</mosaic_0001>

<sc_bundles>
// kernel: kernel.10.cloned.1.call-start
scs
__scs_entry_jumppad:
0x0: {  	(pc) =	sbr.rel $0x88, $3  }
0x1: {  	(tag) =	ssettag $0x0;
	lr =	simm.s32 $0x1  }
0x2: {  	[smem:$0x3F96] =	sst lr;
	_ =	strace $0xD0000000  }
0x3: {  	_ = 	snop  }
0x4: {  	_ = 	snop  }
0x5: {  	_ = 	snop  }
0x6: {  	_ = 	snop  }
0x7: {  	_ = 	snop  }
__scs_overlays_trampoline_lowered:
0x8: {  	[smem:$0x3FA5] =	sst s0  }
0x9: {  	[smem:$0x3FA6] =	sst s1  }
0xa: {  	[smem:$0x3FA7] =	sst s2  }
0xb: {  	[smem:$0x3FA8] =	sst s3  }
0xc: {  	[smem:$0x3FA9] =	sst s4  }
0xd: {  	[smem:$0x3FAA] =	sst s5  }
0xe: {  	[smem:$0x3FAB] =	sst s6  }
0xf: {  	[smem:$0x3FAC] =	sst s7  }
0x10: {  	[smem:$0x3FAD] =	sst s8  }
0x11: {  	[smem:$0x3FAE] =	sst s9;
	s0 =	simm.s32 @!p0 $0x0  }
0x12: {  	s1 =	sld [smem:$0x3F94];
	s0 =	simm.s32 @p0 $0x1  }
0x13: {  	[smem:$0x3FAF] =	sst s0;
	s0 =	simm.s32 @!p1 $0x0  }
0x14: {  	s2 =	sld [smem:$0x3F93];
	s0 =	simm.s32 @p1 $0x1  }
0x15: {  	[smem:$0x3FB0] =	sst s0;
	s0 =	simm.s32 @!p2 $0x0  }
0x16: {  	s3 =	sld [smem:$0x3FDB];
	s0 =	simm.s32 @p2 $0x1  }
0x17: {  	s4 =	simm.s32 $0x1BF5;
	[smem:$0x3FB2] =	sst s0  }
0x18: {  	s0 =	sld [smem:$0x3F95];
	_ =	swait.ge [sflag:s4], $0x0  }
0x19: {  	s7 =	sld [smem:$0x3F96]  }
0x1a: {  	s8 =	sadd.s32 $0xFFFFE003, lr  }
0x1b: {  	s9 =	sadd.s32 $0xFFFFFEF7, lr;
	s5 =	simm.s32 $0xFFFFFFFF;
	p2 =	slt.u32 s8, $0xFFFFF086  }
0x1c: {  	p1 =	slt.u32 s9, $0xF7A;
	s5 =	simm.s32 @!p2 $0x0  }
0x1d: {  	s5 =	simm.s32 @p1 $0x1;
	p0 =	seq.s32 s7, s2  }
0x1e: {  	s7 =	smul.u32 @!p0 $0xF7A, s2;
	p2 =	seq.s32 @!p0 s5, $0x0  }
0x1f: {  	s9 =	smul.u32 $0xF7A, s1;
	s8 =	simm.s32 @!p0 $0x1BF5;
	p2 =	por !p2, p0  }
0x20: {  	[sflag:s8] =	ssyncset.s32 @!p0 $0xFFFFF086;
	s6 =	sadd.s32 @!p0 s3, s7;
	s7 =	simm.s32 @!p0 $0x108  }
0x21: {  	s3 =	sadd.s32 s3, s9;
	s6 =	sadd.s32 @!p0 $0x88, s6;
	s7 =	simm.s32 @p2 $0x1082  }
0x22: {  	[simem:s7], [sflag:s8] =	dma.local @!p0 [hbm:s6], $0xF7A  }
0x23: {  	s9 =	sor.u32 $0xD0000000, s2;
	s6 =	simm.s32 $0x108;
	_ =	swait.ge @!p0 [sflag:s8], $0x0  }
0x24: {  	s3 =	sadd.s32 $0x88, s3;
	s6 =	simm.s32 @!p1 $0x1082;
	[sflag:s4] =	ssyncset.s32 $0xFFFFF086  }
0x25: {  	[simem:s6], [sflag:s4] =	dma.local [hbm:s3], $0xF7A  }
0x26: {  	[smem:$0x3F96] =	sst s1;
	(tag) =	ssettag s2;
	_ =	strace s9  }
0x27: {  	s1 =	sld [smem:$0x3FA6]  }
0x28: {  	s2 =	sld [smem:$0x3FA7]  }
0x29: {  	s4 =	sld [smem:$0x3FA9]  }
0x2a: {  	p0 =	seq.s32 s5, $0x0;
	s5 =	sld [smem:$0x3FAA]  }
0x2b: {  	s6 =	sld [smem:$0x3FAB]  }
0x2c: {  	s7 =	sld [smem:$0x3FAC]  }
0x2d: {  	s3 =	simm.s32 $0x108;
	s8 =	sld [smem:$0x3FAD]  }
0x2e: {  	s3 =	simm.s32 @!p0 $0x1082;
	s9 =	sld [smem:$0x3FAE]  }
0x2f: {  	lr =	sadd.s32 s0, s3;
	s0 =	sld [smem:$0x3FA5]  }
0x30: {  	s3 =	sld [smem:$0x3FA8]  }
0x31: {  	[smem:$0x3FB1] =	sst s10  }
0x32: {  	s10 =	sld [smem:$0x3FAF];
	_ =	sdelay $0x3  }
0x33: {  	p0 =	seq.s32 s10, $0x1;
	s10 =	sld [smem:$0x3FB1];
	_ =	sdelay $0x3  }
0x34: {  	[smem:$0x3FB1] =	sst s10  }
0x35: {  	s10 =	sld [smem:$0x3FB0];
	_ =	sdelay $0x3  }
0x36: {  	p1 =	seq.s32 s10, $0x1;
	s10 =	sld [smem:$0x3FB1];
	_ =	sdelay $0x3  }
0x37: {  	[smem:$0x3FB1] =	sst s10  }
0x38: {  	s10 =	sld [smem:$0x3FB2]  }
0x39: {  	_ = 	snop;
	(pc) =	sbr.ind lr, $3  }
0x3a: {  	_ = 	snop  }
0x3b: {  	_ = 	snop  }
0x3c: {  	p2 =	seq.s32 s10, $0x1;
	s10 =	sld [smem:$0x3FB1]  }
0x3d: {  	_ =	shalt  }
0x3e: {  	_ =	shalt  }
0x3f: {  	_ =	shalt  }
0x40: {  	_ =	shalt  }
0x41: {  	_ =	shalt  }
0x42: {  	_ =	shalt  }
0x43: {  	_ =	shalt  }
0x44: {  	_ =	shalt  }
0x45: {  	_ =	shalt  }
0x46: {  	_ =	shalt  }
0x47: {  	_ =	shalt  }
0x48: {  	_ =	shalt  }
0x49: {  	_ =	shalt  }
0x4a: {  	_ =	shalt  }
0x4b: {  	_ =	shalt  }
0x4c: {  	_ =	shalt  }
0x4d: {  	_ =	shalt  }
0x4e: {  	_ =	shalt  }
0x4f: {  	_ =	shalt  }
0x50: {  	_ =	shalt  }
0x51: {  	_ =	shalt  }
0x52: {  	_ =	shalt  }
0x53: {  	_ =	shalt  }
0x54: {  	_ =	shalt  }
0x55: {  	_ =	shalt  }
0x56: {  	_ =	shalt  }
0x57: {  	_ =	shalt  }
0x58: {  	_ =	shalt  }
0x59: {  	_ =	shalt  }
0x5a: {  	_ =	shalt  }
0x5b: {  	_ =	shalt  }
0x5c: {  	_ =	shalt  }
0x5d: {  	_ =	shalt  }
0x5e: {  	_ =	shalt  }
0x5f: {  	_ =	shalt  }
0x60: {  	_ =	shalt  }
0x61: {  	_ =	shalt  }
0x62: {  	_ =	shalt  }
0x63: {  	_ =	shalt  }
0x64: {  	_ =	shalt  }
0x65: {  	_ =	shalt  }
0x66: {  	_ =	shalt  }
0x67: {  	_ =	shalt  }
0x68: {  	_ =	shalt  }
0x69: {  	_ =	shalt  }
0x6a: {  	_ =	shalt  }
0x6b: {  	_ =	shalt  }
0x6c: {  	_ =	shalt  }
0x6d: {  	_ =	shalt  }
0x6e: {  	_ =	shalt  }
0x6f: {  	_ =	shalt  }
0x70: {  	_ =	shalt  }
0x71: {  	_ =	shalt  }
0x72: {  	_ =	shalt  }
0x73: {  	_ =	shalt  }
0x74: {  	_ =	shalt  }
0x75: {  	_ =	shalt  }
0x76: {  	_ =	shalt  }
0x77: {  	_ =	shalt  }
0x78: {  	_ =	shalt  }
0x79: {  	_ =	shalt  }
0x7a: {  	_ =	shalt  }
0x7b: {  	_ =	shalt  }
0x7c: {  	_ =	shalt  }
0x7d: {  	_ =	shalt  }
0x7e: {  	_ =	shalt  }
0x7f: {  	_ =	shalt  }
0x80: {  	_ =	shalt  }
0x81: {  	_ =	shalt  }
0x82: {  	_ =	shalt  }
0x83: {  	_ =	shalt  }
0x84: {  	_ =	shalt  }
0x85: {  	_ =	shalt  }
0x86: {  	_ =	shalt  }
0x87: {  	_ =	shalt  }
.Lfunc_end0:
.L_simem_size_0:
called_computation.1_lowered:
.L_overlay_start_0:
0x88: {  	s2 =	sld [smem:$0x3FD9]  }
0x89: {  	s3 =	sld [smem:$0x3FFE];
	_ =	sdelay $0x1  }
0x8a: {  	s1 =	srdreg.scid  }
0x8b: {  	s0 =	sand.u32 $0x1, s1  }
0x8c: {  	s17 =	sshll.u32 s0, $0xA;
	s2 =	sadd.s32 s3, s2  }
0x8d: {  	s2 =	sadd.s32 s2, s17  }
0x8e: {  	[smem:$0x3FBD] =	sst s2  }
0x8f: {  	_ = 	snop  }
0x90: {  	s18 =	sld [smem:$0x3FD0];
	(tm) =	ssettm $0x1  }
0x91: {  	s19 =	sld [smem:$0x3FFB];
	_ =	sdelay $0x3  }
0x92: {  	_ =	strace s19  }
0x93: {  	s2 =	sld [smem:$0x3FFC];
	_ =	sdelay $0x3  }
0x94: {  	_ =	strace s2  }
0x95: {  	s2 =	sld [smem:$0x3FFD];
	_ =	sdelay $0x3  }
0x96: {  	_ =	strace s2  }
0x97: {  	_ =	strace $0x8FFFFFFF  }
0x98: {  	s20 =	sld [smem:$0x3FDB];
	_ =	sdelay $0x1  }
0x99: {  	s4 =	simm.s32 $_scs_section_size  }
0x9a: {  	s5 =	simm.s32 $_size__tile_overlayer_lowered;
	s6 =	simm.s32 $_tile_overlayer_lowered  }
0x9b: {  	s7 =	simm.s32 $0x1BFF;
	s21 =	sshll.u32 s6, $0x1;
	s4 =	sadd.s32 s4, s20  }
0x9c: {  	s22 =	simm.s32 $0x0;
	s5 =	sshll.u32 s5, $0x1;
	s6 =	sadd.s32 s21, s4  }
0x9d: {  	[timem:s22], [sflag:s7] =	dma.local [hbm:s6], s5  }
0x9e: {  	_ =	swait.ge [sflag:s7], s5  }
0x9f: {  	s5 =	ssub.s32 $0x0, s5;
	[sflag:s7] =	ssyncset.done $0x0  }
0xa0: {  	[sflag:s7] =	ssyncadd.s32 s5;
	_ =	sdelay $0x1  }
0xa1: {  	s23 =	simm.s32 $0x1B8B  }
0xa2: {  	_ =	swait.ge [sflag:s23], $0x1  }
0xa3: {  	[sflag:s23] =	ssyncset.done $0x0  }
0xa4: {  	[sflag:s23] =	ssyncadd.s32 $0xFFFFFFFF  }
0xa5: {  	s5 =	sld [smem:$0x0]  }
0xa6: {  	s6 =	sand.u32 $0xFFFFFFFE, s1  }
0xa7: {  	p0 =	sne.s32 s1, s6  }
0xa8: {  	s6 =	sshll.u32 @p0 s6, $0xE  }
0xa9: {  	s6 =	sadd.s32 @p0 $0x11B8D, s6;
	s7 =	sshll.u32 @p0 s5, $0x11  }
0xaa: {  	s6 =	sor.u32 @p0 s7, s6  }
0xab: {  	[sflag:s6] =	ssyncadd.remote.s32 @p0 $0x1;
	_ =	sdelay $0x1  }
0xac: {  	s6 =	simm.s32 @p0 $0x1B8D  }
0xad: {  	_ =	swait.eq @p0 [sflag:s6], $0x1  }
0xae: {  	[sflag:s6] =	ssyncadd.s32 @p0 $0xFFFFFFFF  }
0xaf: {  	s7 =	sshll.u32 @!p0 s1, $0xE  }
0xb0: {  	s7 =	sor.u32 @!p0 $0x4000, s7;
	s6 =	simm.s32 @!p0 $0x1B8D  }
0xb1: {  	s5 =	sshll.u32 @!p0 s5, $0x11;
	s7 =	sadd.s32 @!p0 $0x11B8D, s7;
	_ =	swait.eq @!p0 [sflag:s6], $0x1  }
0xb2: {  	s5 =	sor.u32 @!p0 s5, s7;
	[sflag:s6] =	ssyncadd.s32 @!p0 $0xFFFFFFFF  }
0xb3: {  	s25 =	simm.s32 $0x1B8E;
	s24 =	sld [smem:$0x3FFE];
	[sflag:s5] =	ssyncadd.remote.s32 @!p0 $0x1  }
0xb4: {  	s26 =	simm.s32 $execute0_lowered;
	[smem:$0x3FD2] =	sst s25  }
0xb5: {  	s6 =	sshll.u32 s26, $0x1;
	_ =	strace $0x80000049;
	[dreg:$0x1] =	wrdreg $0xFFFFFFFF  }
0xb6: {  	s28 =	simm.s32 $_size_execute0_lowered;
	s4 =	sadd.s32 s4, s6;
	[dreg:$0x0] =	wrdreg $0x0  }
0xb7: {  	s6 =	sshll.u32 s28, $0x1;
	[dreg:$0x2] =	wrdreg s4  }
0xb8: {  	[dreg:$0x3] =	wrdreg s6  }
0xb9: {  	[dreg:$0x4] =	wrdreg $0xC0  }
0xba: {  	_ =	task [dreg:s22], $0x5FFFF  }
0xbb: {  	[dreg:$0x1] =	wrdreg $0xFFFFFFFF  }
0xbc: {  	[dreg:$0x0] =	wrdreg $0x60  }
0xbd: {  	[dreg:$0x2] =	wrdreg s18  }
0xbe: {  	[dreg:$0x3] =	wrdreg s24  }
0xbf: {  	[dreg:$0x4] =	wrdreg $0x24800  }
0xc0: {  	[dreg:$0x5] =	wrdreg $0xA  }
0xc1: {  	_ =	task.clear_ibuf [dreg:s22], $0x6FFFF;
	_ =	strace $0x90000049  }
0xc2: {  	s29 =	simm.s32 $0xA;
	_ =	strace $0x8000004B  }
0xc3: {  	_ =	swait.ge [sflag:s29], $0x1  }
0xc4: {  	[sflag:s29] =	ssyncadd.s32 $0xFFFFFFFF  }
0xc5: {  	_ =	strace $0x9000004B  }
0xc6: {  	_ =	sfence  }
0xc7: {  	s30 =	sld [smem:$0x0];
	_ =	sdelay $0x2  }
0xc8: {  	s31 =	sshll.u32 s1, $0xD;
	s1 =	sshrl.u32 s1, $0x2  }
0xc9: {  	s4 =	sand.u32 $0x4000, s31;
	s1 =	sadd.s32 s1, s30  }
0xca: {  	s0 =	sor.u32 s4, s0;
	s1 =	sshll.u32 s1, $0x11  }
0xcb: {  	s0 =	sor.u32 s1, s0  }
0xcc: {  	s0 =	sadd.s32 $0x8F2B, s0  }
0xcd: {  	[sflag:s0] =	ssyncadd.remote.s32 $0x1  }
0xce: {  	_ =	sfence.sel $0xFFFF  }
0xcf: {  	[dreg:$0x0] =	wrdreg $0xFFFFFFFF;
	(pc) =	sbr.abs _section_cstart, $3  }
0xd0: {  	[dreg:$0x1] =	wrdreg $0xFFFFFFFF  }
0xd1: {  	_ =	task.clear_ibuf [dreg:s22], $0x2FFFF;
	_ =	strace $0x9FFFFFFF  }
0xd2: {  	(tm) =	ssettm $0x7FFFFFFF  }
0xd3: {  	_ =	shalt  }
tec
execute0_lowered:
.L_overlay_start_1:
0x0: {  	(tag) =	ssettag $0x1  }
0x1: {  	s0 =	rddreg [dreg:$0x0]  }
0x2: {  	s1 =	rddreg [dreg:$0x1]  }
0x3: {  	s3 =	srdreg.scid;
	s18 =	stileid.u32  }
0x4: {  	s2 =	rddreg [dreg:$0x2];
	s28 =	simm.s32 $0x1;
	s4 =	smul.u32 $0x280, s18  }
0x5: {  	s29 =	simm.s32 $0x40;
	s30 =	simm.s32 $0x400;
	s6 =	smul.u32 $0x50000, s18  }
0x6: {  	s20 =	sand.u32 $0x1, s3;
	s3 =	simm.s32 $0x0;
	s21 =	smul.u32 $0x1400, s18  }
0x7: {  	s31 =	simm.s32 $0x0;
	s5 =	smul.u32 $0x2800, s20;
	[smem:$0x7FF] =	sst s3  }
0x8: {  	s26 =	ssub.s32 $0x2, s20;
	s22 =	smul.u32 $0xA00, s20;
	_ =	strace $0x8000004A  }
0x9: {  	s6 =	sshrl.u32 s6, $0x2;
	s7 =	sshrl.u32 s26, $0x1;
	s4 =	sadd.s32 s4, s5  }
0xa: {  	s0 =	sadd.s32 s21, s0;
	s25 =	ssub.s32 s26, s7;
	s4 =	sshll.u32 s4, $0x4  }
0xb: {  	s22 =	sadd.s32 s22, s0;
	s1 =	sadd.s32 s4, s1;
	s4 =	sadd.s32 s6, s2  }
0xc: {  	s26 =	simm.s32 $0x480;
	s25 =	smax.u32 s25, $0x1;
	s5 =	sadd.s32 $0x2000, s4  }
0xd: {  	s6 =	sadd.s32 $0x4000, s4;
	s7 =	sadd.s32 $0x6000, s4;
	s8 =	sadd.s32 $0x8000, s4  }
0xe: {  	s9 =	sadd.s32 $0xA000, s4;
	s10 =	sadd.s32 $0xC000, s4;
	s11 =	sadd.s32 $0xE000, s4  }
0xf: {  	s12 =	sadd.s32 $0x10000, s4;
	s13 =	sadd.s32 $0x12000, s4;
	s14 =	sadd.s32 $0x65E00, s1  }
0x10: {  	s15 =	sadd.s32 $0x66200, s1;
	s16 =	sadd.s32 $0x66600, s1;
	s17 =	sadd.s32 $0x66A00, s1  }
0x11: {  	s18 =	sadd.s32 $0x66E00, s1;
	s19 =	sadd.s32 $0x67200, s1;
	s20 =	sadd.s32 $0x67600, s1  }
0x12: {  	v0 =	vimm.f32 $0.0e+00;
	v1 =	vimm.f32 $1.000000000e+00;
	s21 =	sadd.s32 $0x67A00, s1;
	s23 =	sadd.s32 $0x67E00, s1;
	s24 =	sadd.s32 $0x68200, s1  }
.LBB2_1:
0x13: {  	s1 =	simm.s32 $0x0;
	s0 =	simm.s32 $0x200  }
.LBB2_2:
0x14: {  	p0 =	sne.s32 s0, $0x7E00;
	[tilespmem:s1+$0x4F0] =	vst v0  }
0x15: {  	[tilespmem:s1+$0x480] =	vst v0  }
0x16: {  	[tilespmem:s1+$0x490] =	vst v0  }
.Ltmp0:
0x17: {  	[tilespmem:s1+$0x4A0] =	vst v0;
	(pc) =	sbr.rel @p0 .LBB2_2-.Ltmp0, $4  }
0x18: {  	[tilespmem:s1+$0x4B0] =	vst v0  }
0x19: {  	[tilespmem:s1+$0x4C0] =	vst v0  }
0x1a: {  	[tilespmem:s1+$0x4D0] =	vst v0  }
0x1b: {  	[tilespmem:s1+$0x4E0] =	vst v0;
	s1 =	sshra.s32 s0, $0x2;
	s0 =	sadd.s32 $0x200, s0  }
0x1c: {  	[tilespmem:s1+$0x4F0] =	vst v0  }
0x1d: {  	[tilespmem:s1+$0x480] =	vst v0  }
0x1e: {  	[tilespmem:s1+$0x490] =	vst v0  }
0x1f: {  	[tilespmem:s1+$0x4A0] =	vst v0  }
0x20: {  	[tilespmem:s1+$0x4B0] =	vst v0  }
0x21: {  	[tilespmem:s1+$0x4C0] =	vst v0  }
0x22: {  	[tilespmem:s1+$0x4D0] =	vst v0  }
0x23: {  	[tilespmem:s1+$0x4E0] =	vst v0  }
0x24: {  	[spmem:s4] =	stream.linear.scatter [tilespmem:s26], [sflag:$0x1], $0x2000, $0x38;
	[tilespmem:$0x16480] =	vst v63  }
0x25: {  	_ =	swait.ge [sflag:s28], $0x2000  }
0x26: {  	[sflag:s28] =	ssyncset.done $0x0  }
0x27: {  	[sflag:s28] =	ssyncadd.s32 $0xFFFFE000  }
0x28: {  	[spmem:s5] =	stream.linear.scatter [tilespmem:s26], [sflag:$0x1], $0x2000, $0x38;
	[tilespmem:$0x16480] =	vst v63  }
0x29: {  	_ =	swait.ge [sflag:s28], $0x2000  }
0x2a: {  	[sflag:s28] =	ssyncset.done $0x0  }
0x2b: {  	[sflag:s28] =	ssyncadd.s32 $0xFFFFE000  }
0x2c: {  	[spmem:s6] =	stream.linear.scatter [tilespmem:s26], [sflag:$0x1], $0x2000, $0x38;
	[tilespmem:$0x16480] =	vst v63  }
0x2d: {  	_ =	swait.ge [sflag:s28], $0x2000  }
0x2e: {  	[sflag:s28] =	ssyncset.done $0x0  }
0x2f: {  	[sflag:s28] =	ssyncadd.s32 $0xFFFFE000  }
0x30: {  	[spmem:s7] =	stream.linear.scatter [tilespmem:s26], [sflag:$0x1], $0x2000, $0x38;
	[tilespmem:$0x16480] =	vst v63  }
0x31: {  	_ =	swait.ge [sflag:s28], $0x2000  }
0x32: {  	[sflag:s28] =	ssyncset.done $0x0  }
0x33: {  	[sflag:s28] =	ssyncadd.s32 $0xFFFFE000  }
0x34: {  	[spmem:s8] =	stream.linear.scatter [tilespmem:s26], [sflag:$0x1], $0x2000, $0x38;
	[tilespmem:$0x16480] =	vst v63  }
0x35: {  	_ =	swait.ge [sflag:s28], $0x2000  }
0x36: {  	[sflag:s28] =	ssyncset.done $0x0  }
0x37: {  	[sflag:s28] =	ssyncadd.s32 $0xFFFFE000  }
0x38: {  	[spmem:s9] =	stream.linear.scatter [tilespmem:s26], [sflag:$0x1], $0x2000, $0x38;
	[tilespmem:$0x16480] =	vst v63  }
0x39: {  	_ =	swait.ge [sflag:s28], $0x2000  }
0x3a: {  	[sflag:s28] =	ssyncset.done $0x0  }
0x3b: {  	[sflag:s28] =	ssyncadd.s32 $0xFFFFE000  }
0x3c: {  	[spmem:s10] =	stream.linear.scatter [tilespmem:s26], [sflag:$0x1], $0x2000, $0x38;
	[tilespmem:$0x16480] =	vst v63  }
0x3d: {  	_ =	swait.ge [sflag:s28], $0x2000  }
0x3e: {  	[sflag:s28] =	ssyncset.done $0x0  }
0x3f: {  	[sflag:s28] =	ssyncadd.s32 $0xFFFFE000  }
0x40: {  	[spmem:s11] =	stream.linear.scatter [tilespmem:s26], [sflag:$0x1], $0x2000, $0x38;
	[tilespmem:$0x16480] =	vst v63  }
0x41: {  	_ =	swait.ge [sflag:s28], $0x2000  }
0x42: {  	[sflag:s28] =	ssyncset.done $0x0  }
0x43: {  	[sflag:s28] =	ssyncadd.s32 $0xFFFFE000  }
0x44: {  	[spmem:s12] =	stream.linear.scatter [tilespmem:s26], [sflag:$0x1], $0x2000, $0x38;
	[tilespmem:$0x16480] =	vst v63  }
0x45: {  	_ =	swait.ge [sflag:s28], $0x2000  }
0x46: {  	[sflag:s28] =	ssyncset.done $0x0  }
0x47: {  	[sflag:s28] =	ssyncadd.s32 $0xFFFFE000  }
0x48: {  	[spmem:s13] =	stream.linear.scatter [tilespmem:s26], [sflag:$0x1], $0x2000, $0x38;
	[tilespmem:$0x16480] =	vst v63  }
0x49: {  	_ =	swait.ge [sflag:s28], $0x2000  }
0x4a: {  	[sflag:s28] =	ssyncset.done $0x0  }
0x4b: {  	s0 =	simm.s32 $0x200;
	s1 =	simm.s32 $0x0;
	[sflag:s28] =	ssyncadd.s32 $0xFFFFE000  }
.LBB2_4:
0x4c: {  	p0 =	sne.s32 s0, $0x7E00;
	[tilespmem:s1+$0x480] =	vst v1;
	s1 =	smov.u32 s0;
	s0 =	sadd.s32 $0x200, s0  }
.Ltmp1:
0x4d: {  	(pc) =	sbr.rel @p0 .LBB2_4-.Ltmp1, $2  }
0x4e: {  	_ =	sdelay $0x2  }
0x4f: {  	s1 =	sshra.s32 s1, $0x2  }
0x50: {  	[tilespmem:s1+$0x480] =	vst v1  }
0x51: {  	s0 =	sadd.s32 $0x0, s22;
	[bflag:$0x0] =	sbarrier.arrive $0xFFFF  }
0x52: {  	[tilespmem:s3], [sflag:$0x1] =	stream.linear.gather [hbm4b:s0+s3], $0x400, $0x38;
	[tilespmem:$0x16480] =	vst v63  }
0x53: {  	_ =	swait.ge [sflag:s28], $0x400  }
0x54: {  	[sflag:s28] =	ssyncset.done $0x0  }
0x55: {  	[sflag:s28] =	ssyncadd.s32 $0xFFFFFC00  }
0x56: {  	v2 =	vld [tilespmem:$0x30]  }
0x57: {  	v3 =	vld [tilespmem:$0x0]  }
0x58: {  	v4 =	vld [tilespmem:$0x20]  }
0x59: {  	v5 =	vld [tilespmem:$0x10];
	_ =	sdelay $0x1  }
0x5a: {  	[tilespmem:$0x430] =	vst v2  }
0x5b: {  	[tilespmem:$0x400] =	vst v3  }
0x5c: {  	[tilespmem:$0x420] =	vst v4  }
0x5d: {  	[tilespmem:$0x410] =	vst v5  }
0x5e: {  	[spmem:s2] =	stream.indirect.scatter.add.f32 [tilespmem:s26], [sflag:$0x1], $0x80, s30, s29, $0xb8;
	[tilespmem:$0x16480] =	vst v63  }
0x5f: {  	_ =	swait.ge [sflag:s28], $0x2000  }
0x60: {  	[sflag:s28] =	ssyncset.done $0x0  }
0x61: {  	[sflag:s28] =	ssyncadd.s32 $0xFFFFE000  }
0x62: {  	v2 =	vld [tilespmem:$0xA0]  }
0x63: {  	v3 =	vld [tilespmem:$0x80]  }
0x64: {  	v54 =	vld [tilespmem:$0xB0]  }
0x65: {  	v55 =	vld [tilespmem:$0x90];
	_ =	sdelay $0x1  }
0x66: {  	[tilespmem:$0x420] =	vst v2  }
0x67: {  	[tilespmem:$0x400] =	vst v3  }
0x68: {  	[tilespmem:$0x430] =	vst v54  }
0x69: {  	[tilespmem:$0x410] =	vst v55  }
0x6a: {  	[spmem:s2] =	stream.indirect.scatter.add.f32 [tilespmem:s26], [sflag:$0x1], $0x80, s30, s29, $0xb8;
	[tilespmem:$0x16480] =	vst v63  }
0x6b: {  	_ =	swait.ge [sflag:s28], $0x2000  }
0x6c: {  	[sflag:s28] =	ssyncset.done $0x0  }
0x6d: {  	[sflag:s28] =	ssyncadd.s32 $0xFFFFE000  }
0x6e: {  	v2 =	vld [tilespmem:$0x120]  }
0x6f: {  	v3 =	vld [tilespmem:$0x110]  }
0x70: {  	v56 =	vld [tilespmem:$0x100]  }
0x71: {  	v57 =	vld [tilespmem:$0x130];
	_ =	sdelay $0x1  }
0x72: {  	[tilespmem:$0x420] =	vst v2  }
0x73: {  	[tilespmem:$0x410] =	vst v3  }
0x74: {  	[tilespmem:$0x400] =	vst v56  }
0x75: {  	[tilespmem:$0x430] =	vst v57  }
0x76: {  	[spmem:s2] =	stream.indirect.scatter.add.f32 [tilespmem:s26], [sflag:$0x1], $0x80, s30, s29, $0xb8;
	[tilespmem:$0x16480] =	vst v63  }
0x77: {  	_ =	swait.ge [sflag:s28], $0x2000  }
0x78: {  	[sflag:s28] =	ssyncset.done $0x0  }
0x79: {  	[sflag:s28] =	ssyncadd.s32 $0xFFFFE000  }
0x7a: {  	v2 =	vld [tilespmem:$0x180]  }
0x7b: {  	v3 =	vld [tilespmem:$0x190]  }
0x7c: {  	v58 =	vld [tilespmem:$0x1A0]  }
0x7d: {  	v59 =	vld [tilespmem:$0x1B0];
	_ =	sdelay $0x1  }
0x7e: {  	[tilespmem:$0x400] =	vst v2  }
0x7f: {  	[tilespmem:$0x410] =	vst v3  }
0x80: {  	[tilespmem:$0x420] =	vst v58  }
0x81: {  	[tilespmem:$0x430] =	vst v59  }
0x82: {  	[spmem:s2] =	stream.indirect.scatter.add.f32 [tilespmem:s26], [sflag:$0x1], $0x80, s30, s29, $0xb8;
	[tilespmem:$0x16480] =	vst v63  }
0x83: {  	_ =	swait.ge [sflag:s28], $0x2000  }
0x84: {  	[sflag:s28] =	ssyncset.done $0x0  }
0x85: {  	[sflag:s28] =	ssyncadd.s32 $0xFFFFE000  }
0x86: {  	v2 =	vld [tilespmem:$0x210]  }
0x87: {  	v3 =	vld [tilespmem:$0x230]  }
0x88: {  	v60 =	vld [tilespmem:$0x220]  }
0x89: {  	v61 =	vld [tilespmem:$0x200];
	_ =	sdelay $0x1  }
0x8a: {  	[tilespmem:$0x410] =	vst v2  }
0x8b: {  	[tilespmem:$0x430] =	vst v3  }
0x8c: {  	[tilespmem:$0x420] =	vst v60  }
0x8d: {  	[tilespmem:$0x400] =	vst v61  }
0x8e: {  	[spmem:s2] =	stream.indirect.scatter.add.f32 [tilespmem:s26], [sflag:$0x1], $0x80, s30, s29, $0xb8;
	[tilespmem:$0x16480] =	vst v63  }
0x8f: {  	_ =	swait.ge [sflag:s28], $0x2000  }
0x90: {  	[sflag:s28] =	ssyncset.done $0x0  }
0x91: {  	[sflag:s28] =	ssyncadd.s32 $0xFFFFE000  }
0x92: {  	v2 =	vld [tilespmem:$0x2A0]  }
0x93: {  	v3 =	vld [tilespmem:$0x280]  }
0x94: {  	v62 =	vld [tilespmem:$0x2B0]  }
0x95: {  	v63 =	vld [tilespmem:$0x290];
	_ =	sdelay $0x1  }
0x96: {  	[tilespmem:$0x420] =	vst v2  }
0x97: {  	[tilespmem:$0x400] =	vst v3  }
0x98: {  	[tilespmem:$0x430] =	vst v62  }
0x99: {  	[tilespmem:$0x410] =	vst v63  }
0x9a: {  	[spmem:s2] =	stream.indirect.scatter.add.f32 [tilespmem:s26], [sflag:$0x1], $0x80, s30, s29, $0xb8;
	[tilespmem:$0x16480] =	vst v63  }
0x9b: {  	_ =	swait.ge [sflag:s28], $0x2000  }
0x9c: {  	[sflag:s28] =	ssyncset.done $0x0  }
0x9d: {  	[sflag:s28] =	ssyncadd.s32 $0xFFFFE000  }
0x9e: {  	s1 =	simm.s32 $0x80;
	v2 =	vld [tilespmem:$0x320]  }
.LBB2_6:
0x9f: {  	p0 =	sne.s32 s1, $0x980;
	v3 =	vld [tilespmem:$0x330];
	s0 =	smov.u32 s1;
	s1 =	sadd.s32 $0x80, s1  }
0xa0: {  	v4 =	vld [tilespmem:$0x300]  }
0xa1: {  	v5 =	vld [tilespmem:$0x310];
	_ =	sdelay $0x1  }
0xa2: {  	[tilespmem:$0x420] =	vst v2  }
0xa3: {  	[tilespmem:$0x430] =	vst v3  }
0xa4: {  	[tilespmem:$0x400] =	vst v4  }
0xa5: {  	[tilespmem:$0x410] =	vst v5  }
0xa6: {  	[spmem:s2] =	stream.indirect.scatter.add.f32 [tilespmem:s26], [sflag:$0x1], $0x80, s30, s29, $0xb8;
	[tilespmem:$0x16480] =	vst v63  }
0xa7: {  	_ =	swait.ge [sflag:s28], $0x2000  }
0xa8: {  	[sflag:s28] =	ssyncset.done $0x0  }
0xa9: {  	[sflag:s28] =	ssyncadd.s32 $0xFFFFE000  }
0xaa: {  	v2 =	vld [tilespmem:$0x380]  }
0xab: {  	v3 =	vld [tilespmem:$0x3B0]  }
0xac: {  	v4 =	vld [tilespmem:$0x390]  }
0xad: {  	v5 =	vld [tilespmem:$0x3A0];
	_ =	sdelay $0x1  }
0xae: {  	[tilespmem:$0x400] =	vst v2  }
0xaf: {  	[tilespmem:$0x430] =	vst v3  }
0xb0: {  	[tilespmem:$0x410] =	vst v4  }
0xb1: {  	[tilespmem:$0x420] =	vst v5  }
0xb2: {  	[spmem:s2] =	stream.indirect.scatter.add.f32 [tilespmem:s26], [sflag:$0x1], $0x80, s30, s29, $0xb8;
	[tilespmem:$0x16480] =	vst v63  }
0xb3: {  	_ =	swait.ge [sflag:s28], $0x2000  }
0xb4: {  	[sflag:s28] =	ssyncset.done $0x0  }
0xb5: {  	s0 =	sadd.s32 s0, s22;
	[sflag:s28] =	ssyncadd.s32 $0xFFFFE000  }
0xb6: {  	[tilespmem:s3], [sflag:$0x1] =	stream.linear.gather [hbm4b:s0+s3], $0x400, $0x38;
	[tilespmem:$0x16480] =	vst v63  }
0xb7: {  	_ =	swait.ge [sflag:s28], $0x400  }
0xb8: {  	[sflag:s28] =	ssyncset.done $0x0  }
0xb9: {  	[sflag:s28] =	ssyncadd.s32 $0xFFFFFC00  }
0xba: {  	v2 =	vld [tilespmem:$0x30]  }
0xbb: {  	v3 =	vld [tilespmem:$0x0]  }
0xbc: {  	v4 =	vld [tilespmem:$0x20]  }
0xbd: {  	v5 =	vld [tilespmem:$0x10];
	_ =	sdelay $0x1  }
0xbe: {  	[tilespmem:$0x430] =	vst v2  }
0xbf: {  	[tilespmem:$0x400] =	vst v3  }
0xc0: {  	[tilespmem:$0x420] =	vst v4  }
0xc1: {  	[tilespmem:$0x410] =	vst v5  }
0xc2: {  	[spmem:s2] =	stream.indirect.scatter.add.f32 [tilespmem:s26], [sflag:$0x1], $0x80, s30, s29, $0xb8;
	[tilespmem:$0x16480] =	vst v63  }
0xc3: {  	_ =	swait.ge [sflag:s28], $0x2000  }
0xc4: {  	[sflag:s28] =	ssyncset.done $0x0  }
0xc5: {  	[sflag:s28] =	ssyncadd.s32 $0xFFFFE000  }
0xc6: {  	v2 =	vld [tilespmem:$0xA0]  }
0xc7: {  	v3 =	vld [tilespmem:$0x80]  }
0xc8: {  	v4 =	vld [tilespmem:$0xB0]  }
0xc9: {  	v5 =	vld [tilespmem:$0x90];
	_ =	sdelay $0x1  }
0xca: {  	[tilespmem:$0x420] =	vst v2  }
0xcb: {  	[tilespmem:$0x400] =	vst v3  }
0xcc: {  	[tilespmem:$0x430] =	vst v4  }
0xcd: {  	[tilespmem:$0x410] =	vst v5  }
0xce: {  	[spmem:s2] =	stream.indirect.scatter.add.f32 [tilespmem:s26], [sflag:$0x1], $0x80, s30, s29, $0xb8;
	[tilespmem:$0x16480] =	vst v63  }
0xcf: {  	_ =	swait.ge [sflag:s28], $0x2000  }
0xd0: {  	[sflag:s28] =	ssyncset.done $0x0  }
0xd1: {  	[sflag:s28] =	ssyncadd.s32 $0xFFFFE000  }
0xd2: {  	v2 =	vld [tilespmem:$0x120]  }
0xd3: {  	v3 =	vld [tilespmem:$0x110]  }
0xd4: {  	v4 =	vld [tilespmem:$0x100]  }
0xd5: {  	v5 =	vld [tilespmem:$0x130];
	_ =	sdelay $0x1  }
0xd6: {  	[tilespmem:$0x420] =	vst v2  }
0xd7: {  	[tilespmem:$0x410] =	vst v3  }
0xd8: {  	[tilespmem:$0x400] =	vst v4  }
0xd9: {  	[tilespmem:$0x430] =	vst v5  }
0xda: {  	[spmem:s2] =	stream.indirect.scatter.add.f32 [tilespmem:s26], [sflag:$0x1], $0x80, s30, s29, $0xb8;
	[tilespmem:$0x16480] =	vst v63  }
0xdb: {  	_ =	swait.ge [sflag:s28], $0x2000  }
0xdc: {  	[sflag:s28] =	ssyncset.done $0x0  }
0xdd: {  	[sflag:s28] =	ssyncadd.s32 $0xFFFFE000  }
0xde: {  	v2 =	vld [tilespmem:$0x180]  }
0xdf: {  	v3 =	vld [tilespmem:$0x190]  }
0xe0: {  	v4 =	vld [tilespmem:$0x1A0]  }
0xe1: {  	v5 =	vld [tilespmem:$0x1B0];
	_ =	sdelay $0x1  }
0xe2: {  	[tilespmem:$0x400] =	vst v2  }
0xe3: {  	[tilespmem:$0x410] =	vst v3  }
0xe4: {  	[tilespmem:$0x420] =	vst v4  }
0xe5: {  	[tilespmem:$0x430] =	vst v5  }
0xe6: {  	[spmem:s2] =	stream.indirect.scatter.add.f32 [tilespmem:s26], [sflag:$0x1], $0x80, s30, s29, $0xb8;
	[tilespmem:$0x16480] =	vst v63  }
0xe7: {  	_ =	swait.ge [sflag:s28], $0x2000  }
0xe8: {  	[sflag:s28] =	ssyncset.done $0x0  }
0xe9: {  	[sflag:s28] =	ssyncadd.s32 $0xFFFFE000  }
0xea: {  	v2 =	vld [tilespmem:$0x210]  }
0xeb: {  	v3 =	vld [tilespmem:$0x230]  }
0xec: {  	v4 =	vld [tilespmem:$0x220]  }
0xed: {  	v5 =	vld [tilespmem:$0x200];
	_ =	sdelay $0x1  }
0xee: {  	[tilespmem:$0x410] =	vst v2  }
0xef: {  	[tilespmem:$0x430] =	vst v3  }
0xf0: {  	[tilespmem:$0x420] =	vst v4  }
0xf1: {  	[tilespmem:$0x400] =	vst v5  }
0xf2: {  	[spmem:s2] =	stream.indirect.scatter.add.f32 [tilespmem:s26], [sflag:$0x1], $0x80, s30, s29, $0xb8;
	[tilespmem:$0x16480] =	vst v63  }
0xf3: {  	_ =	swait.ge [sflag:s28], $0x2000  }
0xf4: {  	[sflag:s28] =	ssyncset.done $0x0  }
0xf5: {  	[sflag:s28] =	ssyncadd.s32 $0xFFFFE000  }
0xf6: {  	v2 =	vld [tilespmem:$0x2A0]  }
0xf7: {  	v3 =	vld [tilespmem:$0x280]  }
0xf8: {  	v4 =	vld [tilespmem:$0x2B0]  }
0xf9: {  	v5 =	vld [tilespmem:$0x290];
	_ =	sdelay $0x1  }
0xfa: {  	[tilespmem:$0x420] =	vst v2  }
0xfb: {  	[tilespmem:$0x400] =	vst v3  }
0xfc: {  	[tilespmem:$0x430] =	vst v4  }
0xfd: {  	[tilespmem:$0x410] =	vst v5  }
0xfe: {  	[spmem:s2] =	stream.indirect.scatter.add.f32 [tilespmem:s26], [sflag:$0x1], $0x80, s30, s29, $0xb8;
	[tilespmem:$0x16480] =	vst v63  }
.Ltmp2:
0xff: {  	_ = 	snop;
	(pc) =	sbr.rel @p0 .LBB2_6-.Ltmp2, $4  }
0x100: {  	_ =	swait.ge [sflag:s28], $0x2000  }
0x101: {  	[sflag:s28] =	ssyncset.done $0x0  }
0x102: {  	[sflag:s28] =	ssyncadd.s32 $0xFFFFE000  }
0x103: {  	v2 =	vld [tilespmem:$0x320]  }
0x104: {  	v3 =	vld [tilespmem:$0x330]  }
0x105: {  	v4 =	vld [tilespmem:$0x300]  }
0x106: {  	v5 =	vld [tilespmem:$0x310];
	_ =	sdelay $0x1  }
0x107: {  	[tilespmem:$0x420] =	vst v2  }
0x108: {  	[tilespmem:$0x430] =	vst v3  }
0x109: {  	[tilespmem:$0x400] =	vst v4  }
0x10a: {  	[tilespmem:$0x410] =	vst v5  }
0x10b: {  	[spmem:s2] =	stream.indirect.scatter.add.f32 [tilespmem:s26], [sflag:$0x1], $0x80, s30, s29, $0xb8;
	[tilespmem:$0x16480] =	vst v63  }
0x10c: {  	_ =	swait.ge [sflag:s28], $0x2000  }
0x10d: {  	[sflag:s28] =	ssyncset.done $0x0  }
0x10e: {  	[sflag:s28] =	ssyncadd.s32 $0xFFFFE000  }
0x10f: {  	v2 =	vld [tilespmem:$0x380]  }
0x110: {  	v3 =	vld [tilespmem:$0x3B0]  }
0x111: {  	v62 =	vld [tilespmem:$0x390]  }
0x112: {  	v63 =	vld [tilespmem:$0x3A0];
	_ =	sdelay $0x1  }
0x113: {  	[tilespmem:$0x400] =	vst v2  }
0x114: {  	[tilespmem:$0x430] =	vst v3  }
0x115: {  	[tilespmem:$0x410] =	vst v62  }
0x116: {  	[tilespmem:$0x420] =	vst v63  }
0x117: {  	[spmem:s2] =	stream.indirect.scatter.add.f32 [tilespmem:s26], [sflag:$0x1], $0x80, s30, s29, $0xb8;
	[tilespmem:$0x16480] =	vst v63  }
0x118: {  	_ =	swait.ge [sflag:s28], $0x2000  }
0x119: {  	[sflag:s28] =	ssyncset.done $0x0  }
0x11a: {  	[sflag:s28] =	ssyncadd.s32 $0xFFFFE000  }
0x11b: {  	[bflag:$0x0] =	sbarrier.arrive $0xFFFF  }
0x11c: {  	[tilespmem:s26], [sflag:$0x1] =	stream.linear.gather [spmem:s4], $0x2000, $0x38;
	[tilespmem:$0x16480] =	vst v63  }
0x11d: {  	_ =	swait.ge [sflag:s28], $0x2000  }
0x11e: {  	[sflag:s28] =	ssyncset.done $0x0  }
0x11f: {  	[sflag:s28] =	ssyncadd.s32 $0xFFFFE000  }
0x120: {  	[hbm4b:s14+s3] =	stream.linear.scatter [tilespmem:s26], [sflag:$0x1], $0x2000, $0x38;
	[tilespmem:$0x16480] =	vst v63  }
0x121: {  	_ =	swait.ge [sflag:s28], $0x2000  }
0x122: {  	[sflag:s28] =	ssyncset.done $0x0  }
0x123: {  	[sflag:s28] =	ssyncadd.s32 $0xFFFFE000  }
0x124: {  	[tilespmem:s26], [sflag:$0x1] =	stream.linear.gather [spmem:s5], $0x2000, $0x38;
	[tilespmem:$0x16480] =	vst v63  }
0x125: {  	_ =	swait.ge [sflag:s28], $0x2000  }
0x126: {  	[sflag:s28] =	ssyncset.done $0x0  }
0x127: {  	[sflag:s28] =	ssyncadd.s32 $0xFFFFE000  }
0x128: {  	[hbm4b:s15+s3] =	stream.linear.scatter [tilespmem:s26], [sflag:$0x1], $0x2000, $0x38;
	[tilespmem:$0x16480] =	vst v63  }
0x129: {  	_ =	swait.ge [sflag:s28], $0x2000  }
0x12a: {  	[sflag:s28] =	ssyncset.done $0x0  }
0x12b: {  	[sflag:s28] =	ssyncadd.s32 $0xFFFFE000  }
0x12c: {  	[tilespmem:s26], [sflag:$0x1] =	stream.linear.gather [spmem:s6], $0x2000, $0x38;
	[tilespmem:$0x16480] =	vst v63  }
0x12d: {  	_ =	swait.ge [sflag:s28], $0x2000  }
0x12e: {  	[sflag:s28] =	ssyncset.done $0x0  }
0x12f: {  	[sflag:s28] =	ssyncadd.s32 $0xFFFFE000  }
0x130: {  	[hbm4b:s16+s3] =	stream.linear.scatter [tilespmem:s26], [sflag:$0x1], $0x2000, $0x38;
	[tilespmem:$0x16480] =	vst v63  }
0x131: {  	_ =	swait.ge [sflag:s28], $0x2000  }
0x132: {  	[sflag:s28] =	ssyncset.done $0x0  }
0x133: {  	[sflag:s28] =	ssyncadd.s32 $0xFFFFE000  }
0x134: {  	[tilespmem:s26], [sflag:$0x1] =	stream.linear.gather [spmem:s7], $0x2000, $0x38;
	[tilespmem:$0x16480] =	vst v63  }
0x135: {  	_ =	swait.ge [sflag:s28], $0x2000  }
0x136: {  	[sflag:s28] =	ssyncset.done $0x0  }
0x137: {  	[sflag:s28] =	ssyncadd.s32 $0xFFFFE000  }
0x138: {  	[hbm4b:s17+s3] =	stream.linear.scatter [tilespmem:s26], [sflag:$0x1], $0x2000, $0x38;
	[tilespmem:$0x16480] =	vst v63  }
0x139: {  	_ =	swait.ge [sflag:s28], $0x2000  }
0x13a: {  	[sflag:s28] =	ssyncset.done $0x0  }
0x13b: {  	[sflag:s28] =	ssyncadd.s32 $0xFFFFE000  }
0x13c: {  	[tilespmem:s26], [sflag:$0x1] =	stream.linear.gather [spmem:s8], $0x2000, $0x38;
	[tilespmem:$0x16480] =	vst v63  }
0x13d: {  	_ =	swait.ge [sflag:s28], $0x2000  }
0x13e: {  	[sflag:s28] =	ssyncset.done $0x0  }
0x13f: {  	[sflag:s28] =	ssyncadd.s32 $0xFFFFE000  }
0x140: {  	[hbm4b:s18+s3] =	stream.linear.scatter [tilespmem:s26], [sflag:$0x1], $0x2000, $0x38;
	[tilespmem:$0x16480] =	vst v63  }
0x141: {  	_ =	swait.ge [sflag:s28], $0x2000  }
0x142: {  	[sflag:s28] =	ssyncset.done $0x0  }
0x143: {  	[sflag:s28] =	ssyncadd.s32 $0xFFFFE000  }
0x144: {  	[tilespmem:s26], [sflag:$0x1] =	stream.linear.gather [spmem:s9], $0x2000, $0x38;
	[tilespmem:$0x16480] =	vst v63  }
0x145: {  	_ =	swait.ge [sflag:s28], $0x2000  }
0x146: {  	[sflag:s28] =	ssyncset.done $0x0  }
0x147: {  	[sflag:s28] =	ssyncadd.s32 $0xFFFFE000  }
0x148: {  	[hbm4b:s19+s3] =	stream.linear.scatter [tilespmem:s26], [sflag:$0x1], $0x2000, $0x38;
	[tilespmem:$0x16480] =	vst v63  }
0x149: {  	_ =	swait.ge [sflag:s28], $0x2000  }
0x14a: {  	[sflag:s28] =	ssyncset.done $0x0  }
0x14b: {  	[sflag:s28] =	ssyncadd.s32 $0xFFFFE000  }
0x14c: {  	[tilespmem:s26], [sflag:$0x1] =	stream.linear.gather [spmem:s10], $0x2000, $0x38;
	[tilespmem:$0x16480] =	vst v63  }
0x14d: {  	_ =	swait.ge [sflag:s28], $0x2000  }
0x14e: {  	[sflag:s28] =	ssyncset.done $0x0  }
0x14f: {  	[sflag:s28] =	ssyncadd.s32 $0xFFFFE000  }
0x150: {  	[hbm4b:s20+s3] =	stream.linear.scatter [tilespmem:s26], [sflag:$0x1], $0x2000, $0x38;
	[tilespmem:$0x16480] =	vst v63  }
0x151: {  	_ =	swait.ge [sflag:s28], $0x2000  }
0x152: {  	[sflag:s28] =	ssyncset.done $0x0  }
0x153: {  	[sflag:s28] =	ssyncadd.s32 $0xFFFFE000  }
0x154: {  	[tilespmem:s26], [sflag:$0x1] =	stream.linear.gather [spmem:s11], $0x2000, $0x38;
	[tilespmem:$0x16480] =	vst v63  }
0x155: {  	_ =	swait.ge [sflag:s28], $0x2000  }
0x156: {  	[sflag:s28] =	ssyncset.done $0x0  }
0x157: {  	[sflag:s28] =	ssyncadd.s32 $0xFFFFE000  }
0x158: {  	[hbm4b:s21+s3] =	stream.linear.scatter [tilespmem:s26], [sflag:$0x1], $0x2000, $0x38;
	[tilespmem:$0x16480] =	vst v63  }
0x159: {  	_ =	swait.ge [sflag:s28], $0x2000  }
0x15a: {  	[sflag:s28] =	ssyncset.done $0x0  }
0x15b: {  	[sflag:s28] =	ssyncadd.s32 $0xFFFFE000  }
0x15c: {  	[tilespmem:s26], [sflag:$0x1] =	stream.linear.gather [spmem:s12], $0x2000, $0x38;
	[tilespmem:$0x16480] =	vst v63  }
0x15d: {  	_ =	swait.ge [sflag:s28], $0x2000  }
0x15e: {  	[sflag:s28] =	ssyncset.done $0x0  }
0x15f: {  	[sflag:s28] =	ssyncadd.s32 $0xFFFFE000  }
0x160: {  	[hbm4b:s23+s3] =	stream.linear.scatter [tilespmem:s26], [sflag:$0x1], $0x2000, $0x38;
	[tilespmem:$0x16480] =	vst v63  }
0x161: {  	_ =	swait.ge [sflag:s28], $0x2000  }
0x162: {  	[sflag:s28] =	ssyncset.done $0x0  }
0x163: {  	[sflag:s28] =	ssyncadd.s32 $0xFFFFE000  }
0x164: {  	[tilespmem:s26], [sflag:$0x1] =	stream.linear.gather [spmem:s13], $0x2000, $0x38;
	[tilespmem:$0x16480] =	vst v63  }
0x165: {  	s31 =	sadd.s32 $0x1, s31;
	_ =	swait.ge [sflag:s28], $0x2000  }
0x166: {  	p0 =	sne.s32 s31, s25;
	[sflag:s28] =	ssyncset.done $0x0  }
.Ltmp3:
0x167: {  	[sflag:s28] =	ssyncadd.s32 $0xFFFFE000;
	(pc) =	sbr.rel @p0 .LBB2_1-.Ltmp3, $4  }
0x168: {  	[hbm4b:s24+s3] =	stream.linear.scatter [tilespmem:s26], [sflag:$0x1], $0x2000, $0x38;
	[tilespmem:$0x16480] =	vst v63  }
0x169: {  	_ =	swait.ge [sflag:s28], $0x2000  }
0x16a: {  	[sflag:s28] =	ssyncset.done $0x0  }
0x16b: {  	[sflag:s28] =	ssyncadd.s32 $0xFFFFE000  }
0x16c: {  	_ =	sfence.sel $0x180000  }
0x16d: {  	[bflag:$0x0] =	sbarrier.arrive $0xFFFF  }
0x16e: {  	_ =	strace $0x9000004A  }
0x16f: {  	s0 =	stileid.u32;
	[bflag:$0x2] =	sbarrier.arrive $0xFFFF  }
0x170: {  	p0 =	sne.s32 s0, $0x0;
	s0 =	rddreg [dreg:$0x3]  }
0x171: {  	s0 =	sadd.s32 @!p0 $0x100000, s0  }
0x172: {  	[sflag:s0] =	ssyncadd.tile.s32 @!p0 $0x1;
	_ =	shalt  }
.Lfunc_end2:
_tile_overlayer_lowered:
.L_overlay_start_2:
0x173: {  	(tag) =	ssettag $0x2  }
0x174: {  	s0 =	rddreg [dreg:$0x0];
	s2 =	stileid.u32  }
0x175: {  	s1 =	rddreg [dreg:$0x1];
	p0 =	sne.s32 s2, $0x0  }
0x176: {  	s3 =	rddreg [dreg:$0x2];
	[bflag:$0x3] =	sbarrier.arrive $0xFFFF;
	s2 =	simm.s32 @!p0 $0x1C01  }
0x177: {  	[timem:s3], [sflag:s2] =	dma.local @!p0 [hbm:s0], s1  }
0x178: {  	s0 =	simm.s32 @!p0 $0x1  }
0x179: {  	_ =	swait.ge @!p0 [sflag:s0], s1  }
0x17a: {  	s1 =	ssub.s32 @!p0 $0x0, s1;
	[sflag:s0] =	ssyncset.done @!p0 $0x0  }
0x17b: {  	[sflag:s0] =	ssyncadd.s32 @!p0 s1  }
0x17c: {  	[bflag:$0x3] =	sbarrier.arrive $0xFFFF  }
0x17d: {  	_ =	shalt  }

// kernel: kernel.7.cloned.1.call-start
scs
__scs_entry_jumppad:
0x0: {  	(pc) =	sbr.rel $0x88, $3  }
0x1: {  	(tag) =	ssettag $0x0;
	lr =	simm.s32 $0x1  }
0x2: {  	[smem:$0x3F96] =	sst lr;
	_ =	strace $0xD0000000  }
0x3: {  	_ = 	snop  }
0x4: {  	_ = 	snop  }
0x5: {  	_ = 	snop  }
0x6: {  	_ = 	snop  }
0x7: {  	_ = 	snop  }
__scs_overlays_trampoline_lowered:
0x8: {  	[smem:$0x3FA5] =	sst s0  }
0x9: {  	[smem:$0x3FA6] =	sst s1  }
0xa: {  	[smem:$0x3FA7] =	sst s2  }
0xb: {  	[smem:$0x3FA8] =	sst s3  }
0xc: {  	[smem:$0x3FA9] =	sst s4  }
0xd: {  	[smem:$0x3FAA] =	sst s5  }
0xe: {  	[smem:$0x3FAB] =	sst s6  }
0xf: {  	[smem:$0x3FAC] =	sst s7  }
0x10: {  	[smem:$0x3FAD] =	sst s8  }
0x11: {  	[smem:$0x3FAE] =	sst s9;
	s0 =	simm.s32 @!p0 $0x0  }
0x12: {  	s1 =	sld [smem:$0x3F94];
	s0 =	simm.s32 @p0 $0x1  }
0x13: {  	[smem:$0x3FAF] =	sst s0;
	s0 =	simm.s32 @!p1 $0x0  }
0x14: {  	s2 =	sld [smem:$0x3F93];
	s0 =	simm.s32 @p1 $0x1  }
0x15: {  	[smem:$0x3FB0] =	sst s0;
	s0 =	simm.s32 @!p2 $0x0  }
0x16: {  	s3 =	sld [smem:$0x3FDB];
	s0 =	simm.s32 @p2 $0x1  }
0x17: {  	s4 =	simm.s32 $0x1BF5;
	[smem:$0x3FB2] =	sst s0  }
0x18: {  	s0 =	sld [smem:$0x3F95];
	_ =	swait.ge [sflag:s4], $0x0  }
0x19: {  	s7 =	sld [smem:$0x3F96]  }
0x1a: {  	s8 =	sadd.s32 $0xFFFFE003, lr  }
0x1b: {  	s9 =	sadd.s32 $0xFFFFFEF7, lr;
	s5 =	simm.s32 $0xFFFFFFFF;
	p2 =	slt.u32 s8, $0xFFFFF086  }
0x1c: {  	p1 =	slt.u32 s9, $0xF7A;
	s5 =	simm.s32 @!p2 $0x0  }
0x1d: {  	s5 =	simm.s32 @p1 $0x1;
	p0 =	seq.s32 s7, s2  }
0x1e: {  	s7 =	smul.u32 @!p0 $0xF7A, s2;
	p2 =	seq.s32 @!p0 s5, $0x0  }
0x1f: {  	s9 =	smul.u32 $0xF7A, s1;
	s8 =	simm.s32 @!p0 $0x1BF5;
	p2 =	por !p2, p0  }
0x20: {  	[sflag:s8] =	ssyncset.s32 @!p0 $0xFFFFF086;
	s6 =	sadd.s32 @!p0 s3, s7;
	s7 =	simm.s32 @!p0 $0x108  }
0x21: {  	s3 =	sadd.s32 s3, s9;
	s6 =	sadd.s32 @!p0 $0x88, s6;
	s7 =	simm.s32 @p2 $0x1082  }
0x22: {  	[simem:s7], [sflag:s8] =	dma.local @!p0 [hbm:s6], $0xF7A  }
0x23: {  	s9 =	sor.u32 $0xD0000000, s2;
	s6 =	simm.s32 $0x108;
	_ =	swait.ge @!p0 [sflag:s8], $0x0  }
0x24: {  	s3 =	sadd.s32 $0x88, s3;
	s6 =	simm.s32 @!p1 $0x1082;
	[sflag:s4] =	ssyncset.s32 $0xFFFFF086  }
0x25: {  	[simem:s6], [sflag:s4] =	dma.local [hbm:s3], $0xF7A  }
0x26: {  	[smem:$0x3F96] =	sst s1;
	(tag) =	ssettag s2;
	_ =	strace s9  }
0x27: {  	s1 =	sld [smem:$0x3FA6]  }
0x28: {  	s2 =	sld [smem:$0x3FA7]  }
0x29: {  	s4 =	sld [smem:$0x3FA9]  }
0x2a: {  	p0 =	seq.s32 s5, $0x0;
	s5 =	sld [smem:$0x3FAA]  }
0x2b: {  	s6 =	sld [smem:$0x3FAB]  }
0x2c: {  	s7 =	sld [smem:$0x3FAC]  }
0x2d: {  	s3 =	simm.s32 $0x108;
	s8 =	sld [smem:$0x3FAD]  }
0x2e: {  	s3 =	simm.s32 @!p0 $0x1082;
	s9 =	sld [smem:$0x3FAE]  }
0x2f: {  	lr =	sadd.s32 s0, s3;
	s0 =	sld [smem:$0x3FA5]  }
0x30: {  	s3 =	sld [smem:$0x3FA8]  }
0x31: {  	[smem:$0x3FB1] =	sst s10  }
0x32: {  	s10 =	sld [smem:$0x3FAF];
	_ =	sdelay $0x3  }
0x33: {  	p0 =	seq.s32 s10, $0x1;
	s10 =	sld [smem:$0x3FB1];
	_ =	sdelay $0x3  }
0x34: {  	[smem:$0x3FB1] =	sst s10  }
0x35: {  	s10 =	sld [smem:$0x3FB0];
	_ =	sdelay $0x3  }
0x36: {  	p1 =	seq.s32 s10, $0x1;
	s10 =	sld [smem:$0x3FB1];
	_ =	sdelay $0x3  }
0x37: {  	[smem:$0x3FB1] =	sst s10  }
0x38: {  	s10 =	sld [smem:$0x3FB2]  }
0x39: {  	_ = 	snop;
	(pc) =	sbr.ind lr, $3  }
0x3a: {  	_ = 	snop  }
0x3b: {  	_ = 	snop  }
0x3c: {  	p2 =	seq.s32 s10, $0x1;
	s10 =	sld [smem:$0x3FB1]  }
0x3d: {  	_ =	shalt  }
0x3e: {  	_ =	shalt  }
0x3f: {  	_ =	shalt  }
0x40: {  	_ =	shalt  }
0x41: {  	_ =	shalt  }
0x42: {  	_ =	shalt  }
0x43: {  	_ =	shalt  }
0x44: {  	_ =	shalt  }
0x45: {  	_ =	shalt  }
0x46: {  	_ =	shalt  }
0x47: {  	_ =	shalt  }
0x48: {  	_ =	shalt  }
0x49: {  	_ =	shalt  }
0x4a: {  	_ =	shalt  }
0x4b: {  	_ =	shalt  }
0x4c: {  	_ =	shalt  }
0x4d: {  	_ =	shalt  }
0x4e: {  	_ =	shalt  }
0x4f: {  	_ =	shalt  }
0x50: {  	_ =	shalt  }
0x51: {  	_ =	shalt  }
0x52: {  	_ =	shalt  }
0x53: {  	_ =	shalt  }
0x54: {  	_ =	shalt  }
0x55: {  	_ =	shalt  }
0x56: {  	_ =	shalt  }
0x57: {  	_ =	shalt  }
0x58: {  	_ =	shalt  }
0x59: {  	_ =	shalt  }
0x5a: {  	_ =	shalt  }
0x5b: {  	_ =	shalt  }
0x5c: {  	_ =	shalt  }
0x5d: {  	_ =	shalt  }
0x5e: {  	_ =	shalt  }
0x5f: {  	_ =	shalt  }
0x60: {  	_ =	shalt  }
0x61: {  	_ =	shalt  }
0x62: {  	_ =	shalt  }
0x63: {  	_ =	shalt  }
0x64: {  	_ =	shalt  }
0x65: {  	_ =	shalt  }
0x66: {  	_ =	shalt  }
0x67: {  	_ =	shalt  }
0x68: {  	_ =	shalt  }
0x69: {  	_ =	shalt  }
0x6a: {  	_ =	shalt  }
0x6b: {  	_ =	shalt  }
0x6c: {  	_ =	shalt  }
0x6d: {  	_ =	shalt  }
0x6e: {  	_ =	shalt  }
0x6f: {  	_ =	shalt  }
0x70: {  	_ =	shalt  }
0x71: {  	_ =	shalt  }
0x72: {  	_ =	shalt  }
0x73: {  	_ =	shalt  }
0x74: {  	_ =	shalt  }
0x75: {  	_ =	shalt  }
0x76: {  	_ =	shalt  }
0x77: {  	_ =	shalt  }
0x78: {  	_ =	shalt  }
0x79: {  	_ =	shalt  }
0x7a: {  	_ =	shalt  }
0x7b: {  	_ =	shalt  }
0x7c: {  	_ =	shalt  }
0x7d: {  	_ =	shalt  }
0x7e: {  	_ =	shalt  }
0x7f: {  	_ =	shalt  }
0x80: {  	_ =	shalt  }
0x81: {  	_ =	shalt  }
0x82: {  	_ =	shalt  }
0x83: {  	_ =	shalt  }
0x84: {  	_ =	shalt  }
0x85: {  	_ =	shalt  }
0x86: {  	_ =	shalt  }
0x87: {  	_ =	shalt  }
.Lfunc_end0:
.L_simem_size_0:
called_computation_lowered:
.L_overlay_start_0:
0x88: {  	s2 =	sld [smem:$0x3FD9]  }
0x89: {  	s3 =	sld [smem:$0x3FFE];
	_ =	sdelay $0x1  }
0x8a: {  	s1 =	srdreg.scid  }
0x8b: {  	s0 =	sand.u32 $0x1, s1  }
0x8c: {  	s17 =	sshll.u32 s0, $0xA;
	s2 =	sadd.s32 s3, s2  }
0x8d: {  	s2 =	sadd.s32 s2, s17  }
0x8e: {  	[smem:$0x3FBD] =	sst s2  }
0x8f: {  	_ = 	snop  }
0x90: {  	s2 =	sld [smem:$0x3FD0];
	(tm) =	ssettm $0x1  }
0x91: {  	s18 =	sld [smem:$0x3FFB];
	_ =	sdelay $0x3  }
0x92: {  	_ =	strace s18  }
0x93: {  	s3 =	sld [smem:$0x3FFC];
	_ =	sdelay $0x3  }
0x94: {  	_ =	strace s3  }
0x95: {  	s3 =	sld [smem:$0x3FFD];
	_ =	sdelay $0x3  }
0x96: {  	_ =	strace s3  }
0x97: {  	_ =	strace $0x8FFFFFFF  }
0x98: {  	s19 =	sld [smem:$0x3FDB];
	_ =	sdelay $0x1  }
0x99: {  	s4 =	simm.s32 $_scs_section_size  }
0x9a: {  	s5 =	simm.s32 $_size__tile_overlayer_lowered;
	s6 =	simm.s32 $_tile_overlayer_lowered  }
0x9b: {  	s22 =	simm.s32 $0x1BFF;
	s21 =	sshll.u32 s6, $0x1;
	s3 =	sadd.s32 s4, s19  }
0x9c: {  	s7 =	simm.s32 $0x0;
	s20 =	sshll.u32 s5, $0x1;
	s5 =	sadd.s32 s21, s3  }
0x9d: {  	[timem:s7], [sflag:s22] =	dma.local [hbm:s5], s20  }
0x9e: {  	_ =	swait.ge [sflag:s22], s20  }
0x9f: {  	s4 =	ssub.s32 $0x0, s20;
	[sflag:s22] =	ssyncset.done $0x0  }
0xa0: {  	[sflag:s22] =	ssyncadd.s32 s4;
	_ =	sdelay $0x1  }
0xa1: {  	s23 =	simm.s32 $0x1B8B  }
0xa2: {  	_ =	swait.ge [sflag:s23], $0x1  }
0xa3: {  	[sflag:s23] =	ssyncset.done $0x0  }
0xa4: {  	s25 =	simm.s32 $0x1B8E;
	s24 =	sld [smem:$0x3FFE];
	[sflag:s23] =	ssyncadd.s32 $0xFFFFFFFF  }
0xa5: {  	s26 =	simm.s32 $execute0_lowered;
	[smem:$0x3FD2] =	sst s25  }
0xa6: {  	s5 =	sshll.u32 s26, $0x1;
	_ =	strace $0x80000046;
	[dreg:$0x1] =	wrdreg $0xFFFFFFFF  }
0xa7: {  	s28 =	simm.s32 $_size_execute0_lowered;
	s3 =	sadd.s32 s3, s5;
	[dreg:$0x0] =	wrdreg $0x0  }
0xa8: {  	s5 =	sshll.u32 s28, $0x1;
	[dreg:$0x2] =	wrdreg s3  }
0xa9: {  	[dreg:$0x3] =	wrdreg s5  }
0xaa: {  	[dreg:$0x4] =	wrdreg $0xC0  }
0xab: {  	_ =	task [dreg:s7], $0x5FFFF  }
0xac: {  	[dreg:$0x1] =	wrdreg $0xFFFFFFFF  }
0xad: {  	[dreg:$0x0] =	wrdreg $0x60  }
0xae: {  	[dreg:$0x2] =	wrdreg s24  }
0xaf: {  	[dreg:$0x3] =	wrdreg s2  }
0xb0: {  	[dreg:$0x4] =	wrdreg $0x71800  }
0xb1: {  	[dreg:$0x5] =	wrdreg $0x9  }
0xb2: {  	_ =	task.clear_ibuf [dreg:s7], $0x6FFFF;
	_ =	strace $0x90000046  }
0xb3: {  	s29 =	simm.s32 $0x9;
	_ =	strace $0x80000048  }
0xb4: {  	_ =	swait.ge [sflag:s29], $0x1  }
0xb5: {  	[sflag:s29] =	ssyncadd.s32 $0xFFFFFFFF  }
0xb6: {  	_ =	strace $0x90000048  }
0xb7: {  	_ =	sfence  }
0xb8: {  	s30 =	sld [smem:$0x0];
	_ =	sdelay $0x2  }
0xb9: {  	s31 =	sshll.u32 s1, $0xD;
	s1 =	sshrl.u32 s1, $0x2  }
0xba: {  	s3 =	sand.u32 $0x4000, s31;
	s1 =	sadd.s32 s1, s30  }
0xbb: {  	s0 =	sor.u32 s3, s0;
	s1 =	sshll.u32 s1, $0x11  }
0xbc: {  	s0 =	sor.u32 s1, s0  }
0xbd: {  	s0 =	sadd.s32 $0x8F2B, s0  }
0xbe: {  	[sflag:s0] =	ssyncadd.remote.s32 $0x1  }
0xbf: {  	_ =	sfence.sel $0xFFFF  }
0xc0: {  	[dreg:$0x0] =	wrdreg $0xFFFFFFFF;
	(pc) =	sbr.abs _section_cstart, $3  }
0xc1: {  	[dreg:$0x1] =	wrdreg $0xFFFFFFFF  }
0xc2: {  	_ =	task.clear_ibuf [dreg:s7], $0x2FFFF;
	_ =	strace $0x9FFFFFFF  }
0xc3: {  	(tm) =	ssettm $0x7FFFFFFF  }
tec
execute0_lowered:
.L_overlay_start_1:
0x0: {  	(tag) =	ssettag $0x1  }
0x1: {  	s15 =	stileid.u32  }
0x2: {  	s1 =	srdreg.scid;
	s6 =	smul.u32 $0x5000, s15  }
0x3: {  	s1 =	sand.u32 $0x1, s1;
	s16 =	smul.u32 $0x280, s15  }
0x4: {  	s5 =	smul.u32 $0x50000, s1  }
0x5: {  	s8 =	smul.u32 $0x2800, s1  }
0x6: {  	s5 =	sadd.s32 s6, s5  }
0x7: {  	s0 =	rddreg [dreg:$0x0];
	s17 =	sadd.s32 s16, s8;
	s7 =	sshll.u32 s5, $0x4  }
0x8: {  	s2 =	rddreg [dreg:$0x1];
	s9 =	sadd.s32 s7, s0;
	s7 =	sshll.u32 s17, $0x4  }
0x9: {  	s3 =	rddreg [dreg:$0x2];
	s4 =	simm.s32 $0x0;
	s12 =	sadd.s32 s7, s0  }
0xa: {  	[smem:$0x7FF] =	sst s4;
	s20 =	sadd.s32 $0x15E00, s12  }
0xb: {  	_ =	strace $0x80000047;
	s21 =	sadd.s32 $0x15F00, s12;
	[dreg:$0x4] =	wrdreg s20  }
0xc: {  	s22 =	sadd.s32 $0x16000, s12;
	[dreg:$0x5] =	wrdreg s21  }
0xd: {  	s23 =	sadd.s32 $0x16100, s12;
	[dreg:$0x6] =	wrdreg s22  }
0xe: {  	s24 =	sadd.s32 $0x16200, s12;
	[dreg:$0x7] =	wrdreg s23  }
0xf: {  	s25 =	sadd.s32 $0x16300, s12;
	[dreg:$0x8] =	wrdreg s24  }
0x10: {  	s10 =	smul.u32 $0x50000, s15;
	s26 =	sadd.s32 $0x16400, s12;
	[dreg:$0x9] =	wrdreg s25  }
0x11: {  	s7 =	sadd.s32 $0x16500, s12;
	[dreg:$0xa] =	wrdreg s26  }
0x12: {  	s19 =	sshrl.u32 s10, $0x2;
	s10 =	sadd.s32 $0x16600, s12;
	[dreg:$0xb] =	wrdreg s7  }
0x13: {  	s13 =	sadd.s32 $0x16700, s12;
	[dreg:$0xc] =	wrdreg s10  }
0x14: {  	s14 =	sadd.s32 $0x16800, s12;
	[dreg:$0xd] =	wrdreg s13  }
0x15: {  	s18 =	ssub.s32 $0x2, s1;
	s16 =	sadd.s32 $0x16900, s12;
	[dreg:$0xe] =	wrdreg s14  }
0x16: {  	s11 =	sshrl.u32 s18, $0x1;
	s17 =	sadd.s32 $0x16A00, s12;
	[dreg:$0xf] =	wrdreg s16  }
0x17: {  	s8 =	ssub.s32 s18, s11;
	s18 =	sadd.s32 $0x16B00, s12;
	[dreg:$0x10] =	wrdreg s17  }
0x18: {  	s11 =	sadd.s32 s19, s3;
	s19 =	sadd.s32 $0x16C00, s12;
	[dreg:$0x11] =	wrdreg s18  }
0x19: {  	[dreg:$0x12] =	wrdreg s19;
	s20 =	sadd.s32 $0x16D00, s12  }
0x1a: {  	s21 =	sadd.s32 $0x16E00, s12;
	[dreg:$0x13] =	wrdreg s20  }
0x1b: {  	s22 =	sadd.s32 $0x16F00, s12;
	[dreg:$0x14] =	wrdreg s21  }
0x1c: {  	s23 =	sadd.s32 $0x17000, s12;
	[dreg:$0x15] =	wrdreg s22  }
0x1d: {  	s24 =	sadd.s32 $0x17100, s12;
	[dreg:$0x16] =	wrdreg s23  }
0x1e: {  	s25 =	sadd.s32 $0x17200, s12;
	[dreg:$0x17] =	wrdreg s24  }
0x1f: {  	s26 =	sadd.s32 $0x17300, s12;
	[dreg:$0x18] =	wrdreg s25  }
0x20: {  	s7 =	sadd.s32 $0x17400, s12;
	[dreg:$0x19] =	wrdreg s26  }
0x21: {  	s10 =	sadd.s32 $0x17500, s12;
	[dreg:$0x1a] =	wrdreg s7  }
0x22: {  	s13 =	sadd.s32 $0x17600, s12;
	[dreg:$0x1b] =	wrdreg s10  }
0x23: {  	s14 =	sadd.s32 $0x17700, s12;
	[dreg:$0x1c] =	wrdreg s13  }
0x24: {  	s16 =	sadd.s32 $0x17800, s12;
	[dreg:$0x1d] =	wrdreg s14  }
0x25: {  	s17 =	sadd.s32 $0x17900, s12;
	[dreg:$0x1e] =	wrdreg s16  }
0x26: {  	s18 =	sadd.s32 $0x17A00, s12;
	[dreg:$0x1f] =	wrdreg s17  }
0x27: {  	s19 =	sadd.s32 $0x17B00, s12;
	[smem:$0x7CC] =	sst s18  }
0x28: {  	[smem:$0x7CD] =	sst s19;
	s20 =	sadd.s32 $0x17C00, s12  }
0x29: {  	s21 =	sadd.s32 $0x17D00, s12;
	[smem:$0x7CE] =	sst s20  }
0x2a: {  	s22 =	sadd.s32 $0x17E00, s12;
	[smem:$0x7CF] =	sst s21  }
0x2b: {  	s23 =	sadd.s32 $0x17F00, s12;
	[smem:$0x7D0] =	sst s22  }
0x2c: {  	s24 =	sadd.s32 $0x18000, s12;
	[smem:$0x7D1] =	sst s23  }
0x2d: {  	s25 =	sadd.s32 $0x18100, s12;
	[smem:$0x7D2] =	sst s24  }
0x2e: {  	s26 =	sadd.s32 $0x18200, s12;
	[smem:$0x7D3] =	sst s25  }
0x2f: {  	s7 =	sadd.s32 $0x18300, s12;
	[smem:$0x7D4] =	sst s26  }
0x30: {  	s10 =	sadd.s32 $0x18400, s12;
	[smem:$0x7D5] =	sst s7  }
0x31: {  	s13 =	sadd.s32 $0x18500, s12;
	[smem:$0x7D6] =	sst s10  }
0x32: {  	s14 =	smax.u32 s8, $0x1;
	[smem:$0x7D7] =	sst s13  }
0x33: {  	s16 =	sadd.s32 $0x3000, s11;
	[smem:$0x7D8] =	sst s14  }
0x34: {  	s17 =	sadd.s32 $0x3800, s11;
	[smem:$0x7DA] =	sst s16  }
0x35: {  	s18 =	sadd.s32 $0x4000, s11;
	[smem:$0x7DB] =	sst s17  }
0x36: {  	s19 =	sadd.s32 $0x4800, s11;
	[smem:$0x7DC] =	sst s18  }
0x37: {  	s12 =	sadd.s32 $0x2000, s11;
	[smem:$0x7DD] =	sst s19  }
0x38: {  	s7 =	sadd.s32 $0x2800, s11;
	[smem:$0x7FD] =	sst s12  }
0x39: {  	s20 =	sadd.s32 $0x5000, s11;
	[smem:$0x7D9] =	sst s7  }
0x3a: {  	s21 =	sadd.s32 $0x5800, s11;
	[smem:$0x7DE] =	sst s20  }
0x3b: {  	s22 =	sadd.s32 $0x6000, s11;
	[smem:$0x7DF] =	sst s21  }
0x3c: {  	s23 =	sadd.s32 $0x6800, s11;
	[smem:$0x7E0] =	sst s22  }
0x3d: {  	s25 =	sadd.s32 $0x7000, s11;
	[smem:$0x7E1] =	sst s23  }
0x3e: {  	s26 =	sadd.s32 $0x7800, s11;
	[smem:$0x7E2] =	sst s25  }
0x3f: {  	s13 =	sadd.s32 $0x8000, s11;
	[smem:$0x7E3] =	sst s26  }
0x40: {  	s14 =	sadd.s32 $0x8800, s11;
	[smem:$0x7E4] =	sst s13  }
0x41: {  	s16 =	sadd.s32 $0x9000, s11;
	[smem:$0x7E5] =	sst s14  }
0x42: {  	s17 =	sadd.s32 $0x9800, s11;
	[smem:$0x7E6] =	sst s16  }
0x43: {  	s18 =	sadd.s32 $0xA000, s11;
	[smem:$0x7E7] =	sst s17  }
0x44: {  	s19 =	sadd.s32 $0xA800, s11;
	[smem:$0x7E8] =	sst s18  }
0x45: {  	s10 =	sadd.s32 $0x1800, s11;
	[smem:$0x7E9] =	sst s19  }
0x46: {  	s20 =	sadd.s32 $0xB000, s11;
	[smem:$0x7FC] =	sst s10  }
0x47: {  	s21 =	sadd.s32 $0xB800, s11;
	[smem:$0x7EA] =	sst s20  }
0x48: {  	s22 =	sadd.s32 $0xC000, s11;
	[smem:$0x7EB] =	sst s21  }
0x49: {  	s23 =	sadd.s32 $0xC800, s11;
	[smem:$0x7EC] =	sst s22  }
0x4a: {  	s28 =	simm.s32 $0x2;
	s25 =	sadd.s32 $0xD000, s11;
	[smem:$0x7ED] =	sst s23  }
0x4b: {  	s29 =	simm.s32 $0x3;
	s26 =	sadd.s32 $0xD800, s11;
	[smem:$0x7EE] =	sst s25  }
0x4c: {  	s30 =	simm.s32 $0x900;
	s13 =	sadd.s32 $0xE000, s11;
	[smem:$0x7EF] =	sst s26  }
0x4d: {  	s31 =	simm.s32 $0x0;
	s14 =	sadd.s32 $0xE800, s11;
	[smem:$0x7F0] =	sst s13  }
0x4e: {  	s6 =	sadd.s32 $0x1E00, s0;
	s16 =	sadd.s32 $0xF000, s11;
	[smem:$0x7F1] =	sst s14  }
0x4f: {  	s5 =	sadd.s32 $0x4F7E00, s0;
	s17 =	sadd.s32 $0xF800, s11;
	[smem:$0x7F2] =	sst s16  }
0x50: {  	s0 =	smul.u32 $0x2710, s1;
	s18 =	sadd.s32 $0x10000, s11;
	[smem:$0x7F3] =	sst s17  }
0x51: {  	s15 =	smul.u32 $0x28, s15;
	s19 =	sadd.s32 $0x10800, s11;
	[smem:$0x7F4] =	sst s18  }
0x52: {  	s1 =	sadd.s32 $0x4E20, s0;
	[smem:$0x7F5] =	sst s19;
	s20 =	sadd.s32 $0x11000, s11  }
0x53: {  	s8 =	sadd.s32 $0x800, s11;
	s21 =	sadd.s32 $0x11800, s11;
	[smem:$0x7F6] =	sst s20  }
0x54: {  	s24 =	sadd.s32 $0xA94200, s9;
	s22 =	sadd.s32 $0x12000, s11;
	[smem:$0x7F7] =	sst s21  }
0x55: {  	s9 =	sadd.s32 $0x1000, s11;
	s23 =	sadd.s32 $0x12800, s11;
	[smem:$0x7F8] =	sst s22  }
0x56: {  	s25 =	sadd.s32 $0x13000, s11;
	s26 =	sadd.s32 $0x13800, s11;
	[smem:$0x7F9] =	sst s23  }
0x57: {  	s16 =	simm.s32 $0x6980;
	s17 =	simm.s32 $0x4;
	[smem:$0x7FA] =	sst s25  }
0x58: {  	s18 =	simm.s32 $0x400;
	s19 =	simm.s32 $0x40;
	[smem:$0x7FB] =	sst s26  }
0x59: {  	s20 =	simm.s32 $0x800;
	s21 =	simm.s32 $0x980;
	s22 =	simm.s32 $0x880  }
0x5a: {  	v2 =	vimm.f32 $0.0e+00;
	v0 =	vmov s0;
	v1 =	vmov s1;
	s23 =	simm.s32 $0x2980;
	s25 =	simm.s32 $0x4980;
	s26 =	simm.s32 $0x1  }
.LBB2_1:
0x5b: {  	s0 =	simm.s32 $0x0;
	s1 =	simm.s32 $0x200  }
.LBB2_2:
0x5c: {  	p0 =	sne.s32 s1, $0x1E00;
	[tilespmem:s0+$0x69F0] =	vst v2  }
0x5d: {  	[tilespmem:s0+$0x6980] =	vst v2  }
0x5e: {  	[tilespmem:s0+$0x6990] =	vst v2  }
.Ltmp0:
0x5f: {  	[tilespmem:s0+$0x69A0] =	vst v2;
	(pc) =	sbr.rel @p0 .LBB2_2-.Ltmp0, $4  }
0x60: {  	[tilespmem:s0+$0x69B0] =	vst v2  }
0x61: {  	[tilespmem:s0+$0x69C0] =	vst v2  }
0x62: {  	[tilespmem:s0+$0x69D0] =	vst v2  }
0x63: {  	[tilespmem:s0+$0x69E0] =	vst v2;
	s0 =	sshra.s32 s1, $0x2;
	s1 =	sadd.s32 $0x200, s1  }
0x64: {  	[tilespmem:s0+$0x69F0] =	vst v2  }
0x65: {  	[tilespmem:s0+$0x6980] =	vst v2  }
0x66: {  	[tilespmem:s0+$0x6990] =	vst v2  }
0x67: {  	[tilespmem:s0+$0x69A0] =	vst v2  }
0x68: {  	[tilespmem:s0+$0x69B0] =	vst v2  }
0x69: {  	[tilespmem:s0+$0x69C0] =	vst v2  }
0x6a: {  	[tilespmem:s0+$0x69D0] =	vst v2  }
0x6b: {  	[tilespmem:s0+$0x69E0] =	vst v2  }
0x6c: {  	[spmem:s11] =	stream.linear.scatter [tilespmem:s16], [sflag:$0x4], $0x800, $0x38;
	[tilespmem:$0x1B180] =	vst v63  }
0x6d: {  	_ =	swait.ge [sflag:s17], $0x800  }
0x6e: {  	[sflag:s17] =	ssyncset.done $0x0  }
0x6f: {  	[sflag:s17] =	ssyncadd.s32 $0xFFFFF800  }
0x70: {  	[spmem:s8] =	stream.linear.scatter [tilespmem:s16], [sflag:$0x4], $0x800, $0x38;
	[tilespmem:$0x1B180] =	vst v63  }
0x71: {  	_ =	swait.ge [sflag:s17], $0x800  }
0x72: {  	[sflag:s17] =	ssyncset.done $0x0  }
0x73: {  	[sflag:s17] =	ssyncadd.s32 $0xFFFFF800  }
0x74: {  	[spmem:s9] =	stream.linear.scatter [tilespmem:s16], [sflag:$0x4], $0x800, $0x38;
	[tilespmem:$0x1B180] =	vst v63  }
0x75: {  	_ =	swait.ge [sflag:s17], $0x800  }
0x76: {  	[sflag:s17] =	ssyncset.done $0x0  }
0x77: {  	[sflag:s17] =	ssyncadd.s32 $0xFFFFF800  }
0x78: {  	[spmem:s10] =	stream.linear.scatter [tilespmem:s16], [sflag:$0x4], $0x800, $0x38;
	[tilespmem:$0x1B180] =	vst v63  }
0x79: {  	_ =	swait.ge [sflag:s17], $0x800  }
0x7a: {  	[sflag:s17] =	ssyncset.done $0x0  }
0x7b: {  	[sflag:s17] =	ssyncadd.s32 $0xFFFFF800  }
0x7c: {  	[spmem:s12] =	stream.linear.scatter [tilespmem:s16], [sflag:$0x4], $0x800, $0x38;
	[tilespmem:$0x1B180] =	vst v63  }
0x7d: {  	_ =	swait.ge [sflag:s17], $0x800  }
0x7e: {  	s13 =	smov.u32 s8;
	s8 =	sld [smem:$0x7D9]  }
0x7f: {  	[sflag:s17] =	ssyncset.done $0x0  }
0x80: {  	[sflag:s17] =	ssyncadd.s32 $0xFFFFF800  }
0x81: {  	[spmem:s8] =	stream.linear.scatter [tilespmem:s16], [sflag:$0x4], $0x800, $0x38;
	[tilespmem:$0x1B180] =	vst v63  }
0x82: {  	_ =	swait.ge [sflag:s17], $0x800  }
0x83: {  	s14 =	smov.u32 s9;
	s9 =	sld [smem:$0x7DA]  }
0x84: {  	[sflag:s17] =	ssyncset.done $0x0  }
0x85: {  	[sflag:s17] =	ssyncadd.s32 $0xFFFFF800  }
0x86: {  	[spmem:s9] =	stream.linear.scatter [tilespmem:s16], [sflag:$0x4], $0x800, $0x38;
	[tilespmem:$0x1B180] =	vst v63  }
0x87: {  	_ =	swait.ge [sflag:s17], $0x800  }
0x88: {  	s10 =	sld [smem:$0x7DB]  }
0x89: {  	[sflag:s17] =	ssyncset.done $0x0  }
0x8a: {  	[sflag:s17] =	ssyncadd.s32 $0xFFFFF800  }
0x8b: {  	[spmem:s10] =	stream.linear.scatter [tilespmem:s16], [sflag:$0x4], $0x800, $0x38;
	[tilespmem:$0x1B180] =	vst v63  }
0x8c: {  	_ =	swait.ge [sflag:s17], $0x800  }
0x8d: {  	s7 =	smov.u32 s11;
	s11 =	sld [smem:$0x7DC]  }
0x8e: {  	[sflag:s17] =	ssyncset.done $0x0  }
0x8f: {  	[sflag:s17] =	ssyncadd.s32 $0xFFFFF800  }
0x90: {  	[spmem:s11] =	stream.linear.scatter [tilespmem:s16], [sflag:$0x4], $0x800, $0x38;
	[tilespmem:$0x1B180] =	vst v63  }
0x91: {  	_ =	swait.ge [sflag:s17], $0x800  }
0x92: {  	s12 =	sld [smem:$0x7DD]  }
0x93: {  	[sflag:s17] =	ssyncset.done $0x0  }
0x94: {  	[sflag:s17] =	ssyncadd.s32 $0xFFFFF800  }
0x95: {  	[spmem:s12] =	stream.linear.scatter [tilespmem:s16], [sflag:$0x4], $0x800, $0x38;
	[tilespmem:$0x1B180] =	vst v63  }
0x96: {  	_ =	swait.ge [sflag:s17], $0x800  }
0x97: {  	s1 =	sld [smem:$0x7DE]  }
0x98: {  	[sflag:s17] =	ssyncset.done $0x0  }
0x99: {  	[sflag:s17] =	ssyncadd.s32 $0xFFFFF800  }
0x9a: {  	[spmem:s1] =	stream.linear.scatter [tilespmem:s16], [sflag:$0x4], $0x800, $0x38;
	[tilespmem:$0x1B180] =	vst v63  }
0x9b: {  	_ =	swait.ge [sflag:s17], $0x800  }
0x9c: {  	s8 =	sld [smem:$0x7DF]  }
0x9d: {  	[sflag:s17] =	ssyncset.done $0x0  }
0x9e: {  	[sflag:s17] =	ssyncadd.s32 $0xFFFFF800  }
0x9f: {  	[spmem:s8] =	stream.linear.scatter [tilespmem:s16], [sflag:$0x4], $0x800, $0x38;
	[tilespmem:$0x1B180] =	vst v63  }
0xa0: {  	_ =	swait.ge [sflag:s17], $0x800  }
0xa1: {  	s9 =	sld [smem:$0x7E0]  }
0xa2: {  	[sflag:s17] =	ssyncset.done $0x0  }
0xa3: {  	[sflag:s17] =	ssyncadd.s32 $0xFFFFF800  }
0xa4: {  	[spmem:s9] =	stream.linear.scatter [tilespmem:s16], [sflag:$0x4], $0x800, $0x38;
	[tilespmem:$0x1B180] =	vst v63  }
0xa5: {  	_ =	swait.ge [sflag:s17], $0x800  }
0xa6: {  	s10 =	sld [smem:$0x7E1]  }
0xa7: {  	[sflag:s17] =	ssyncset.done $0x0  }
0xa8: {  	[sflag:s17] =	ssyncadd.s32 $0xFFFFF800  }
0xa9: {  	[spmem:s10] =	stream.linear.scatter [tilespmem:s16], [sflag:$0x4], $0x800, $0x38;
	[tilespmem:$0x1B180] =	vst v63  }
0xaa: {  	_ =	swait.ge [sflag:s17], $0x800  }
0xab: {  	s11 =	sld [smem:$0x7E2]  }
0xac: {  	[sflag:s17] =	ssyncset.done $0x0  }
0xad: {  	[sflag:s17] =	ssyncadd.s32 $0xFFFFF800  }
0xae: {  	[spmem:s11] =	stream.linear.scatter [tilespmem:s16], [sflag:$0x4], $0x800, $0x38;
	[tilespmem:$0x1B180] =	vst v63  }
0xaf: {  	_ =	swait.ge [sflag:s17], $0x800  }
0xb0: {  	s12 =	sld [smem:$0x7E3]  }
0xb1: {  	[sflag:s17] =	ssyncset.done $0x0  }
0xb2: {  	[sflag:s17] =	ssyncadd.s32 $0xFFFFF800  }
0xb3: {  	[spmem:s12] =	stream.linear.scatter [tilespmem:s16], [sflag:$0x4], $0x800, $0x38;
	[tilespmem:$0x1B180] =	vst v63  }
0xb4: {  	_ =	swait.ge [sflag:s17], $0x800  }
0xb5: {  	s1 =	sld [smem:$0x7E4]  }
0xb6: {  	[sflag:s17] =	ssyncset.done $0x0  }
0xb7: {  	[sflag:s17] =	ssyncadd.s32 $0xFFFFF800  }
0xb8: {  	[spmem:s1] =	stream.linear.scatter [tilespmem:s16], [sflag:$0x4], $0x800, $0x38;
	[tilespmem:$0x1B180] =	vst v63  }
0xb9: {  	_ =	swait.ge [sflag:s17], $0x800  }
0xba: {  	s8 =	sld [smem:$0x7E5]  }
0xbb: {  	[sflag:s17] =	ssyncset.done $0x0  }
0xbc: {  	[sflag:s17] =	ssyncadd.s32 $0xFFFFF800  }
0xbd: {  	[spmem:s8] =	stream.linear.scatter [tilespmem:s16], [sflag:$0x4], $0x800, $0x38;
	[tilespmem:$0x1B180] =	vst v63  }
0xbe: {  	_ =	swait.ge [sflag:s17], $0x800  }
0xbf: {  	s9 =	sld [smem:$0x7E6]  }
0xc0: {  	[sflag:s17] =	ssyncset.done $0x0  }
0xc1: {  	[sflag:s17] =	ssyncadd.s32 $0xFFFFF800  }
0xc2: {  	[spmem:s9] =	stream.linear.scatter [tilespmem:s16], [sflag:$0x4], $0x800, $0x38;
	[tilespmem:$0x1B180] =	vst v63  }
0xc3: {  	_ =	swait.ge [sflag:s17], $0x800  }
0xc4: {  	s10 =	sld [smem:$0x7E7]  }
0xc5: {  	[sflag:s17] =	ssyncset.done $0x0  }
0xc6: {  	[sflag:s17] =	ssyncadd.s32 $0xFFFFF800  }
0xc7: {  	[spmem:s10] =	stream.linear.scatter [tilespmem:s16], [sflag:$0x4], $0x800, $0x38;
	[tilespmem:$0x1B180] =	vst v63  }
0xc8: {  	_ =	swait.ge [sflag:s17], $0x800  }
0xc9: {  	s11 =	sld [smem:$0x7E8]  }
0xca: {  	[sflag:s17] =	ssyncset.done $0x0  }
0xcb: {  	[sflag:s17] =	ssyncadd.s32 $0xFFFFF800  }
0xcc: {  	[spmem:s11] =	stream.linear.scatter [tilespmem:s16], [sflag:$0x4], $0x800, $0x38;
	[tilespmem:$0x1B180] =	vst v63  }
0xcd: {  	_ =	swait.ge [sflag:s17], $0x800  }
0xce: {  	s12 =	sld [smem:$0x7E9]  }
0xcf: {  	[sflag:s17] =	ssyncset.done $0x0  }
0xd0: {  	[sflag:s17] =	ssyncadd.s32 $0xFFFFF800  }
0xd1: {  	[spmem:s12] =	stream.linear.scatter [tilespmem:s16], [sflag:$0x4], $0x800, $0x38;
	[tilespmem:$0x1B180] =	vst v63  }
0xd2: {  	_ =	swait.ge [sflag:s17], $0x800  }
0xd3: {  	s1 =	sld [smem:$0x7EA]  }
0xd4: {  	[sflag:s17] =	ssyncset.done $0x0  }
0xd5: {  	[sflag:s17] =	ssyncadd.s32 $0xFFFFF800  }
0xd6: {  	[spmem:s1] =	stream.linear.scatter [tilespmem:s16], [sflag:$0x4], $0x800, $0x38;
	[tilespmem:$0x1B180] =	vst v63  }
0xd7: {  	_ =	swait.ge [sflag:s17], $0x800  }
0xd8: {  	s8 =	sld [smem:$0x7EB]  }
0xd9: {  	[sflag:s17] =	ssyncset.done $0x0  }
0xda: {  	[sflag:s17] =	ssyncadd.s32 $0xFFFFF800  }
0xdb: {  	[spmem:s8] =	stream.linear.scatter [tilespmem:s16], [sflag:$0x4], $0x800, $0x38;
	[tilespmem:$0x1B180] =	vst v63  }
0xdc: {  	_ =	swait.ge [sflag:s17], $0x800  }
0xdd: {  	s9 =	sld [smem:$0x7EC]  }
0xde: {  	[sflag:s17] =	ssyncset.done $0x0  }
0xdf: {  	[sflag:s17] =	ssyncadd.s32 $0xFFFFF800  }
0xe0: {  	[spmem:s9] =	stream.linear.scatter [tilespmem:s16], [sflag:$0x4], $0x800, $0x38;
	[tilespmem:$0x1B180] =	vst v63  }
0xe1: {  	_ =	swait.ge [sflag:s17], $0x800  }
0xe2: {  	s10 =	sld [smem:$0x7ED]  }
0xe3: {  	[sflag:s17] =	ssyncset.done $0x0  }
0xe4: {  	[sflag:s17] =	ssyncadd.s32 $0xFFFFF800  }
0xe5: {  	[spmem:s10] =	stream.linear.scatter [tilespmem:s16], [sflag:$0x4], $0x800, $0x38;
	[tilespmem:$0x1B180] =	vst v63  }
0xe6: {  	_ =	swait.ge [sflag:s17], $0x800  }
0xe7: {  	s11 =	sld [smem:$0x7EE]  }
0xe8: {  	[sflag:s17] =	ssyncset.done $0x0  }
0xe9: {  	[sflag:s17] =	ssyncadd.s32 $0xFFFFF800  }
0xea: {  	[spmem:s11] =	stream.linear.scatter [tilespmem:s16], [sflag:$0x4], $0x800, $0x38;
	[tilespmem:$0x1B180] =	vst v63  }
0xeb: {  	_ =	swait.ge [sflag:s17], $0x800  }
0xec: {  	s12 =	sld [smem:$0x7EF]  }
0xed: {  	[sflag:s17] =	ssyncset.done $0x0  }
0xee: {  	[sflag:s17] =	ssyncadd.s32 $0xFFFFF800  }
0xef: {  	[spmem:s12] =	stream.linear.scatter [tilespmem:s16], [sflag:$0x4], $0x800, $0x38;
	[tilespmem:$0x1B180] =	vst v63  }
0xf0: {  	_ =	swait.ge [sflag:s17], $0x800  }
0xf1: {  	s1 =	sld [smem:$0x7F0]  }
0xf2: {  	[sflag:s17] =	ssyncset.done $0x0  }
0xf3: {  	[sflag:s17] =	ssyncadd.s32 $0xFFFFF800  }
0xf4: {  	[spmem:s1] =	stream.linear.scatter [tilespmem:s16], [sflag:$0x4], $0x800, $0x38;
	[tilespmem:$0x1B180] =	vst v63  }
0xf5: {  	_ =	swait.ge [sflag:s17], $0x800  }
0xf6: {  	s8 =	sld [smem:$0x7F1]  }
0xf7: {  	[sflag:s17] =	ssyncset.done $0x0  }
0xf8: {  	[sflag:s17] =	ssyncadd.s32 $0xFFFFF800  }
0xf9: {  	[spmem:s8] =	stream.linear.scatter [tilespmem:s16], [sflag:$0x4], $0x800, $0x38;
	[tilespmem:$0x1B180] =	vst v63  }
0xfa: {  	_ =	swait.ge [sflag:s17], $0x800  }
0xfb: {  	s9 =	sld [smem:$0x7F2]  }
0xfc: {  	[sflag:s17] =	ssyncset.done $0x0  }
0xfd: {  	[sflag:s17] =	ssyncadd.s32 $0xFFFFF800  }
0xfe: {  	[spmem:s9] =	stream.linear.scatter [tilespmem:s16], [sflag:$0x4], $0x800, $0x38;
	[tilespmem:$0x1B180] =	vst v63  }
0xff: {  	_ =	swait.ge [sflag:s17], $0x800  }
0x100: {  	s10 =	sld [smem:$0x7F3]  }
0x101: {  	[sflag:s17] =	ssyncset.done $0x0  }
0x102: {  	[sflag:s17] =	ssyncadd.s32 $0xFFFFF800  }
0x103: {  	[spmem:s10] =	stream.linear.scatter [tilespmem:s16], [sflag:$0x4], $0x800, $0x38;
	[tilespmem:$0x1B180] =	vst v63  }
0x104: {  	_ =	swait.ge [sflag:s17], $0x800  }
0x105: {  	s11 =	sld [smem:$0x7F4]  }
0x106: {  	[sflag:s17] =	ssyncset.done $0x0  }
0x107: {  	[sflag:s17] =	ssyncadd.s32 $0xFFFFF800  }
0x108: {  	[spmem:s11] =	stream.linear.scatter [tilespmem:s16], [sflag:$0x4], $0x800, $0x38;
	[tilespmem:$0x1B180] =	vst v63  }
0x109: {  	_ =	swait.ge [sflag:s17], $0x800  }
0x10a: {  	s12 =	sld [smem:$0x7F5]  }
0x10b: {  	[sflag:s17] =	ssyncset.done $0x0  }
0x10c: {  	[sflag:s17] =	ssyncadd.s32 $0xFFFFF800  }
0x10d: {  	[spmem:s12] =	stream.linear.scatter [tilespmem:s16], [sflag:$0x4], $0x800, $0x38;
	[tilespmem:$0x1B180] =	vst v63  }
0x10e: {  	_ =	swait.ge [sflag:s17], $0x800  }
0x10f: {  	s1 =	sld [smem:$0x7F6]  }
0x110: {  	[sflag:s17] =	ssyncset.done $0x0  }
0x111: {  	[sflag:s17] =	ssyncadd.s32 $0xFFFFF800  }
0x112: {  	[spmem:s1] =	stream.linear.scatter [tilespmem:s16], [sflag:$0x4], $0x800, $0x38;
	[tilespmem:$0x1B180] =	vst v63  }
0x113: {  	_ =	swait.ge [sflag:s17], $0x800  }
0x114: {  	s8 =	sld [smem:$0x7F7]  }
0x115: {  	[sflag:s17] =	ssyncset.done $0x0  }
0x116: {  	[sflag:s17] =	ssyncadd.s32 $0xFFFFF800  }
0x117: {  	[spmem:s8] =	stream.linear.scatter [tilespmem:s16], [sflag:$0x4], $0x800, $0x38;
	[tilespmem:$0x1B180] =	vst v63  }
0x118: {  	_ =	swait.ge [sflag:s17], $0x800  }
0x119: {  	s9 =	sld [smem:$0x7F8]  }
0x11a: {  	[sflag:s17] =	ssyncset.done $0x0  }
0x11b: {  	[sflag:s17] =	ssyncadd.s32 $0xFFFFF800  }
0x11c: {  	[spmem:s9] =	stream.linear.scatter [tilespmem:s16], [sflag:$0x4], $0x800, $0x38;
	[tilespmem:$0x1B180] =	vst v63  }
0x11d: {  	_ =	swait.ge [sflag:s17], $0x800  }
0x11e: {  	s10 =	sld [smem:$0x7F9]  }
0x11f: {  	[sflag:s17] =	ssyncset.done $0x0  }
0x120: {  	[sflag:s17] =	ssyncadd.s32 $0xFFFFF800  }
0x121: {  	[spmem:s10] =	stream.linear.scatter [tilespmem:s16], [sflag:$0x4], $0x800, $0x38;
	[tilespmem:$0x1B180] =	vst v63  }
0x122: {  	_ =	swait.ge [sflag:s17], $0x800  }
0x123: {  	s11 =	sld [smem:$0x7FA]  }
0x124: {  	[sflag:s17] =	ssyncset.done $0x0  }
0x125: {  	[sflag:s17] =	ssyncadd.s32 $0xFFFFF800  }
0x126: {  	[spmem:s11] =	stream.linear.scatter [tilespmem:s16], [sflag:$0x4], $0x800, $0x38;
	[tilespmem:$0x1B180] =	vst v63  }
0x127: {  	_ =	swait.ge [sflag:s17], $0x800  }
0x128: {  	s12 =	sld [smem:$0x7FB]  }
0x129: {  	[sflag:s17] =	ssyncset.done $0x0  }
0x12a: {  	[sflag:s17] =	ssyncadd.s32 $0xFFFFF800  }
0x12b: {  	[spmem:s12] =	stream.linear.scatter [tilespmem:s16], [sflag:$0x4], $0x800, $0x38;
	[tilespmem:$0x1B180] =	vst v63  }
0x12c: {  	_ =	swait.ge [sflag:s17], $0x800  }
0x12d: {  	[sflag:s17] =	ssyncset.done $0x0  }
0x12e: {  	[sflag:s17] =	ssyncadd.s32 $0xFFFFF800  }
0x12f: {  	s0 =	simm.s32 $0x0;
	s1 =	simm.s32 $0x0;
	[bflag:$0x0] =	sbarrier.arrive $0xFFFF  }
.LBB2_4:
0x130: {  	s8 =	sadd.s32 s15, s0  }
0x131: {  	s8 =	sshll.u32 s8, $0x7  }
0x132: {  	s9 =	sadd.s32 s6, s8  }
0x133: {  	[tilespmem:s1], [sflag:$0x4] =	stream.linear.gather [hbm4b:s9+s1], $0x400, $0x38;
	[tilespmem:$0x1B180] =	vst v63  }
0x134: {  	_ =	swait.ge [sflag:s17], $0x400  }
0x135: {  	[sflag:s17] =	ssyncset.done $0x0  }
0x136: {  	s8 =	sadd.s32 s2, s8;
	[sflag:s17] =	ssyncadd.s32 $0xFFFFFC00  }
0x137: {  	[tilespmem:s18], [sflag:$0x4] =	stream.linear.gather [hbm4b:s8+s1], $0x400, $0x38;
	[tilespmem:$0x1B180] =	vst v63  }
0x138: {  	_ =	swait.ge [sflag:s17], $0x400  }
0x139: {  	s12 =	sshll.u32 s0, $0xD;
	[sflag:s17] =	ssyncset.done $0x0  }
0x13a: {  	s9 =	simm.s32 $0x0;
	s8 =	sadd.s32 s24, s12;
	[sflag:s17] =	ssyncadd.s32 $0xFFFFFC00  }
.LBB2_5:
0x13b: {  	s10 =	sshll.u32 s9, $0x7  }
0x13c: {  	v3 =	vld [tilespmem:s10+$0x0];
	_ =	sdelay $0x4  }
0x13d: {  	v3 =	vadd.s32 v0, v3  }
0x13e: {  	[tilespmem:$0x800] =	vst v3  }
0x13f: {  	v3 =	vld [tilespmem:s10+$0x400];
	_ =	sdelay $0x4  }
0x140: {  	vm0 =	vlt.s32 v3, $0x270F  }
0x141: {  	v3 =	vnsel vm0, $0x270F, v3  }
0x142: {  	v3 =	vadd.s32 v1, v3  }
0x143: {  	[tilespmem:$0x880] =	vst v3  }
0x144: {  	v3 =	vld [tilespmem:s10+$0x400];
	_ =	sdelay $0x4  }
0x145: {  	[tilespmem:$0x900] =	vst v3  }
0x146: {  	v3 =	vld [tilespmem:s10+$0x10];
	_ =	sdelay $0x4  }
0x147: {  	v3 =	vadd.s32 v0, v3  }
0x148: {  	[tilespmem:$0x810] =	vst v3  }
0x149: {  	v3 =	vld [tilespmem:s10+$0x410];
	_ =	sdelay $0x4  }
0x14a: {  	vm13 =	vlt.s32 v3, $0x270F  }
0x14b: {  	v3 =	vnsel vm13, $0x270F, v3  }
0x14c: {  	v3 =	vadd.s32 v1, v3  }
0x14d: {  	[tilespmem:$0x890] =	vst v3  }
0x14e: {  	v3 =	vld [tilespmem:s10+$0x410];
	_ =	sdelay $0x4  }
0x14f: {  	[tilespmem:$0x910] =	vst v3  }
0x150: {  	v3 =	vld [tilespmem:s10+$0x20];
	_ =	sdelay $0x4  }
0x151: {  	v3 =	vadd.s32 v0, v3  }
0x152: {  	[tilespmem:$0x820] =	vst v3  }
0x153: {  	v3 =	vld [tilespmem:s10+$0x420];
	_ =	sdelay $0x4  }
0x154: {  	vm14 =	vlt.s32 v3, $0x270F  }
0x155: {  	v3 =	vnsel vm14, $0x270F, v3  }
0x156: {  	v3 =	vadd.s32 v1, v3  }
0x157: {  	[tilespmem:$0x8A0] =	vst v3  }
0x158: {  	v3 =	vld [tilespmem:s10+$0x420];
	_ =	sdelay $0x4  }
0x159: {  	[tilespmem:$0x920] =	vst v3  }
0x15a: {  	v3 =	vld [tilespmem:s10+$0x30];
	_ =	sdelay $0x4  }
0x15b: {  	v3 =	vadd.s32 v0, v3  }
0x15c: {  	[tilespmem:$0x830] =	vst v3  }
0x15d: {  	v3 =	vld [tilespmem:s10+$0x430];
	_ =	sdelay $0x4  }
0x15e: {  	vm15 =	vlt.s32 v3, $0x270F  }
0x15f: {  	v3 =	vnsel vm15, $0x270F, v3  }
0x160: {  	v3 =	vadd.s32 v1, v3  }
0x161: {  	[tilespmem:$0x8B0] =	vst v3  }
0x162: {  	v3 =	vld [tilespmem:s10+$0x430];
	_ =	sdelay $0x4  }
0x163: {  	[tilespmem:$0x930] =	vst v3  }
0x164: {  	[tilespmem:s21], [sflag:$0x1] =	stream.indirect.gather [hbm4b:s5+s19], $0x80, s20, s19, $0xb8;
	[tilespmem:$0x1B180] =	vst v63  }
0x165: {  	s12 =	sshll.u32 s9, $0xA  }
0x166: {  	[tilespmem:s23], [sflag:$0x2] =	stream.indirect.gather [hbm4b:s5+s19], $0x80, s22, s19, $0xb8;
	[tilespmem:$0x1B180] =	vst v63  }
0x167: {  	s11 =	simm.s32 $0x0;
	s10 =	sadd.s32 s8, s12  }
0x168: {  	[tilespmem:s25], [sflag:$0x3] =	stream.linear.gather [hbm4b:s10+s11], $0x2000, $0x38;
	[tilespmem:$0x1B180] =	vst v63  }
0x169: {  	_ =	swait.ge [sflag:s26], $0x2000  }
0x16a: {  	[sflag:s26] =	ssyncset.done $0x0  }
0x16b: {  	[sflag:s26] =	ssyncadd.s32 $0xFFFFE000  }
0x16c: {  	_ =	swait.ge [sflag:s28], $0x2000  }
0x16d: {  	[sflag:s28] =	ssyncset.done $0x0  }
0x16e: {  	[sflag:s28] =	ssyncadd.s32 $0xFFFFE000  }
0x16f: {  	_ =	swait.ge [sflag:s29], $0x2000  }
0x170: {  	[sflag:s29] =	ssyncset.done $0x0  }
0x171: {  	s10 =	simm.s32 $0x0;
	[sflag:s29] =	ssyncadd.s32 $0xFFFFE000  }
0x172: {  	v7 =	vld [tilespmem:s10+$0x4980]  }
0x173: {  	v8 =	vld [tilespmem:s10+$0x4990]  }
0x174: {  	v6 =	vld [tilespmem:s10+$0x49A0]  }
0x175: {  	v5 =	vld [tilespmem:s10+$0x49B0]  }
0x176: {  	v4 =	vld [tilespmem:s10+$0x49C0]  }
0x177: {  	v3 =	vld [tilespmem:s10+$0x49D0]  }
0x178: {  	v15 =	vld [tilespmem:s10+$0x2980]  }
0x179: {  	v20 =	vld [tilespmem:s10+$0x2990]  }
0x17a: {  	v14 =	vld [tilespmem:s10+$0x29A0]  }
0x17b: {  	v13 =	vld [tilespmem:s10+$0x29B0]  }
0x17c: {  	v12 =	vld [tilespmem:s10+$0x29C0]  }
0x17d: {  	v11 =	vld [tilespmem:s10+$0x29D0]  }
0x17e: {  	v10 =	vld [tilespmem:s10+$0x29E0]  }
0x17f: {  	v9 =	vld [tilespmem:s10+$0x29F0]  }
0x180: {  	v21 =	vld [tilespmem:s10+$0x980]  }
0x181: {  	v22 =	vld [tilespmem:s10+$0x990]  }
0x182: {  	v19 =	vld [tilespmem:s10+$0x9A0]  }
0x183: {  	v18 =	vld [tilespmem:s10+$0x9B0]  }
0x184: {  	v17 =	vld [tilespmem:s10+$0x9C0]  }
0x185: {  	v16 =	vld [tilespmem:s10+$0x9D0];
	v21 =	vadd.f32 v15, v21  }
0x186: {  	s11 =	simm.s32 $0x200;
	v20 =	vadd.f32 v20, v22;
	v15 =	vld [tilespmem:s10+$0x9E0]  }
.LBB2_6:
0x187: {  	p0 =	sne.s32 s11, $0x7E00;
	v7 =	vadd.f32 v7, v21;
	v14 =	vadd.f32 v14, v19;
	v19 =	vld [tilespmem:s10+$0x9F0]  }
0x188: {  	v8 =	vadd.f32 v8, v20;
	v13 =	vadd.f32 v13, v18;
	v18 =	vld [tilespmem:s10+$0x49E0]  }
0x189: {  	s12 =	sshra.s32 s11, $0x2;
	v20 =	vmax.f32 v7, $0.0e+00;
	v6 =	vadd.f32 v6, v14;
	v12 =	vadd.f32 v12, v17;
	v14 =	vld [tilespmem:s10+$0x49F0]  }
0x18a: {  	v7 =	vld [tilespmem:s12+$0x4980];
	[tilespmem:s10+$0x980] =	vst v20;
	v17 =	vmax.f32 v8, $0.0e+00;
	v5 =	vadd.f32 v5, v13;
	v11 =	vadd.f32 v11, v16  }
0x18b: {  	v8 =	vld [tilespmem:s12+$0x4990];
	[tilespmem:s10+$0x990] =	vst v17;
	v13 =	vmax.f32 v6, $0.0e+00;
	v4 =	vadd.f32 v4, v12;
	v10 =	vadd.f32 v10, v15  }
0x18c: {  	v6 =	vld [tilespmem:s12+$0x49A0];
	[tilespmem:s10+$0x9A0] =	vst v13;
	v12 =	vmax.f32 v5, $0.0e+00;
	v3 =	vadd.f32 v3, v11;
	v9 =	vadd.f32 v9, v19  }
0x18d: {  	v5 =	vld [tilespmem:s12+$0x49B0];
	[tilespmem:s10+$0x9B0] =	vst v12;
	v11 =	vmax.f32 v4, $0.0e+00;
	v10 =	vadd.f32 v18, v10  }
0x18e: {  	v4 =	vld [tilespmem:s12+$0x49C0];
	[tilespmem:s10+$0x9C0] =	vst v11;
	v11 =	vmax.f32 v3, $0.0e+00;
	v9 =	vadd.f32 v14, v9  }
0x18f: {  	v3 =	vld [tilespmem:s12+$0x49D0];
	[tilespmem:s10+$0x9D0] =	vst v11;
	v10 =	vmax.f32 v10, $0.0e+00  }
0x190: {  	v15 =	vld [tilespmem:s12+$0x2980];
	[tilespmem:s10+$0x9E0] =	vst v10;
	v9 =	vmax.f32 v9, $0.0e+00  }
0x191: {  	v20 =	vld [tilespmem:s12+$0x2990];
	[tilespmem:s10+$0x9F0] =	vst v9;
	s10 =	smov.u32 s12  }
0x192: {  	v14 =	vld [tilespmem:s10+$0x29A0]  }
0x193: {  	v13 =	vld [tilespmem:s10+$0x29B0]  }
0x194: {  	v12 =	vld [tilespmem:s10+$0x29C0]  }
0x195: {  	v11 =	vld [tilespmem:s10+$0x29D0]  }
0x196: {  	v10 =	vld [tilespmem:s10+$0x29E0]  }
0x197: {  	v9 =	vld [tilespmem:s10+$0x29F0]  }
0x198: {  	v16 =	vld [tilespmem:s10+$0x980]  }
0x199: {  	v22 =	vld [tilespmem:s10+$0x990]  }
.Ltmp1:
0x19a: {  	v19 =	vld [tilespmem:s10+$0x9A0];
	(pc) =	sbr.rel @p0 .LBB2_6-.Ltmp1, $4  }
0x19b: {  	v18 =	vld [tilespmem:s10+$0x9B0]  }
0x19c: {  	v17 =	vld [tilespmem:s10+$0x9C0]  }
0x19d: {  	v21 =	vadd.f32 v15, v16;
	v16 =	vld [tilespmem:s10+$0x9D0]  }
0x19e: {  	s11 =	sadd.s32 $0x200, s11;
	v20 =	vadd.f32 v20, v22;
	v15 =	vld [tilespmem:s10+$0x9E0]  }
0x19f: {  	v7 =	vadd.f32 v7, v21;
	v14 =	vadd.f32 v14, v19;
	v55 =	vld [tilespmem:s10+$0x9F0]  }
0x1a0: {  	v56 =	vld [tilespmem:s10+$0x49E0];
	v8 =	vadd.f32 v8, v20;
	v13 =	vadd.f32 v13, v18  }
0x1a1: {  	v57 =	vld [tilespmem:s10+$0x49F0];
	v7 =	vmax.f32 v7, $0.0e+00;
	v6 =	vadd.f32 v6, v14;
	v12 =	vadd.f32 v12, v17  }
0x1a2: {  	[tilespmem:s10+$0x980] =	vst v7;
	v58 =	vmax.f32 v8, $0.0e+00;
	v5 =	vadd.f32 v5, v13;
	v59 =	vadd.f32 v11, v16  }
0x1a3: {  	[tilespmem:s10+$0x990] =	vst v58;
	v6 =	vmax.f32 v6, $0.0e+00;
	v4 =	vadd.f32 v4, v12;
	v60 =	vadd.f32 v10, v15  }
0x1a4: {  	[tilespmem:s10+$0x9A0] =	vst v6;
	v5 =	vmax.f32 v5, $0.0e+00;
	v3 =	vadd.f32 v3, v59;
	v61 =	vadd.f32 v9, v55  }
0x1a5: {  	[tilespmem:s10+$0x9B0] =	vst v5;
	v4 =	vmax.f32 v4, $0.0e+00;
	v62 =	vadd.f32 v56, v60  }
0x1a6: {  	[tilespmem:s10+$0x9C0] =	vst v4;
	v3 =	vmax.f32 v3, $0.0e+00;
	v63 =	vadd.f32 v57, v61  }
0x1a7: {  	s9 =	sadd.s32 $0x1, s9;
	[tilespmem:s10+$0x9D0] =	vst v3;
	v3 =	vmax.f32 v62, $0.0e+00  }
0x1a8: {  	p0 =	sne.s32 s9, $0x8;
	[tilespmem:s10+$0x9E0] =	vst v3;
	v3 =	vmax.f32 v63, $0.0e+00  }
.Ltmp2:
0x1a9: {  	[tilespmem:s10+$0x9F0] =	vst v3;
	(pc) =	sbr.rel @p0 .LBB2_5-.Ltmp2, $4  }
0x1aa: {  	[spmem:s3] =	stream.indirect.scatter.add.f32 [tilespmem:s21], [sflag:$0x4], $0x80, s30, s19, $0xb8;
	[tilespmem:$0x1B180] =	vst v63  }
0x1ab: {  	_ =	swait.ge [sflag:s17], $0x2000  }
0x1ac: {  	[sflag:s17] =	ssyncset.done $0x0  }
0x1ad: {  	[sflag:s17] =	ssyncadd.s32 $0xFFFFE000  }
0x1ae: {  	s0 =	sadd.s32 $0x1, s0  }
0x1af: {  	p0 =	sne.s32 s0, $0x28  }
.Ltmp3:
0x1b0: {  	_ = 	snop;
	(pc) =	sbr.rel @p0 .LBB2_4-.Ltmp3, $1  }
0x1b1: {  	_ =	sdelay $0x3  }
0x1b2: {  	[bflag:$0x0] =	sbarrier.arrive $0xFFFF  }
0x1b3: {  	[tilespmem:s16], [sflag:$0x4] =	stream.linear.gather [spmem:s7], $0x800, $0x38;
	[tilespmem:$0x1B180] =	vst v63  }
0x1b4: {  	_ =	swait.ge [sflag:s17], $0x800  }
0x1b5: {  	[sflag:s17] =	ssyncset.done $0x0  }
0x1b6: {  	s0 =	rddreg [dreg:$0x4];
	[sflag:s17] =	ssyncadd.s32 $0xFFFFF800  }
0x1b7: {  	[hbm4b:s0+s4] =	stream.linear.scatter [tilespmem:s16], [sflag:$0x4], $0x800, $0x38;
	[tilespmem:$0x1B180] =	vst v63  }
0x1b8: {  	_ =	swait.ge [sflag:s17], $0x800  }
0x1b9: {  	[sflag:s17] =	ssyncset.done $0x0  }
0x1ba: {  	[sflag:s17] =	ssyncadd.s32 $0xFFFFF800  }
0x1bb: {  	[tilespmem:s16], [sflag:$0x4] =	stream.linear.gather [spmem:s13], $0x800, $0x38;
	[tilespmem:$0x1B180] =	vst v63  }
0x1bc: {  	_ =	swait.ge [sflag:s17], $0x800  }
0x1bd: {  	[sflag:s17] =	ssyncset.done $0x0  }
0x1be: {  	s12 =	rddreg [dreg:$0x5];
	[sflag:s17] =	ssyncadd.s32 $0xFFFFF800  }
0x1bf: {  	[hbm4b:s12+s4] =	stream.linear.scatter [tilespmem:s16], [sflag:$0x4], $0x800, $0x38;
	[tilespmem:$0x1B180] =	vst v63  }
0x1c0: {  	_ =	swait.ge [sflag:s17], $0x800  }
0x1c1: {  	[sflag:s17] =	ssyncset.done $0x0  }
0x1c2: {  	[sflag:s17] =	ssyncadd.s32 $0xFFFFF800  }
0x1c3: {  	[tilespmem:s16], [sflag:$0x4] =	stream.linear.gather [spmem:s14], $0x800, $0x38;
	[tilespmem:$0x1B180] =	vst v63  }
0x1c4: {  	_ =	swait.ge [sflag:s17], $0x800  }
0x1c5: {  	[sflag:s17] =	ssyncset.done $0x0  }
0x1c6: {  	s8 =	smov.u32 s13;
	s13 =	rddreg [dreg:$0x6];
	[sflag:s17] =	ssyncadd.s32 $0xFFFFF800  }
0x1c7: {  	[hbm4b:s13+s4] =	stream.linear.scatter [tilespmem:s16], [sflag:$0x4], $0x800, $0x38;
	[tilespmem:$0x1B180] =	vst v63  }
0x1c8: {  	_ =	swait.ge [sflag:s17], $0x800  }
0x1c9: {  	s10 =	sld [smem:$0x7FC]  }
0x1ca: {  	[sflag:s17] =	ssyncset.done $0x0  }
0x1cb: {  	[sflag:s17] =	ssyncadd.s32 $0xFFFFF800  }
0x1cc: {  	[tilespmem:s16], [sflag:$0x4] =	stream.linear.gather [spmem:s10], $0x800, $0x38;
	[tilespmem:$0x1B180] =	vst v63  }
0x1cd: {  	_ =	swait.ge [sflag:s17], $0x800  }
0x1ce: {  	[sflag:s17] =	ssyncset.done $0x0  }
0x1cf: {  	s9 =	smov.u32 s14;
	s14 =	rddreg [dreg:$0x7];
	[sflag:s17] =	ssyncadd.s32 $0xFFFFF800  }
0x1d0: {  	[hbm4b:s14+s4] =	stream.linear.scatter [tilespmem:s16], [sflag:$0x4], $0x800, $0x38;
	[tilespmem:$0x1B180] =	vst v63  }
0x1d1: {  	_ =	swait.ge [sflag:s17], $0x800  }
0x1d2: {  	s12 =	sld [smem:$0x7FD]  }
0x1d3: {  	[sflag:s17] =	ssyncset.done $0x0  }
0x1d4: {  	[sflag:s17] =	ssyncadd.s32 $0xFFFFF800  }
0x1d5: {  	[tilespmem:s16], [sflag:$0x4] =	stream.linear.gather [spmem:s12], $0x800, $0x38;
	[tilespmem:$0x1B180] =	vst v63  }
0x1d6: {  	_ =	swait.ge [sflag:s17], $0x800  }
0x1d7: {  	[sflag:s17] =	ssyncset.done $0x0  }
0x1d8: {  	s1 =	rddreg [dreg:$0x8];
	[sflag:s17] =	ssyncadd.s32 $0xFFFFF800  }
0x1d9: {  	[hbm4b:s1+s4] =	stream.linear.scatter [tilespmem:s16], [sflag:$0x4], $0x800, $0x38;
	[tilespmem:$0x1B180] =	vst v63  }
0x1da: {  	_ =	swait.ge [sflag:s17], $0x800  }
0x1db: {  	s11 =	smov.u32 s7;
	s7 =	sld [smem:$0x7D9]  }
0x1dc: {  	[sflag:s17] =	ssyncset.done $0x0  }
0x1dd: {  	[sflag:s17] =	ssyncadd.s32 $0xFFFFF800  }
0x1de: {  	[tilespmem:s16], [sflag:$0x4] =	stream.linear.gather [spmem:s7], $0x800, $0x38;
	[tilespmem:$0x1B180] =	vst v63  }
0x1df: {  	_ =	swait.ge [sflag:s17], $0x800  }
0x1e0: {  	[sflag:s17] =	ssyncset.done $0x0  }
0x1e1: {  	s13 =	rddreg [dreg:$0x9];
	[sflag:s17] =	ssyncadd.s32 $0xFFFFF800  }
0x1e2: {  	[hbm4b:s13+s4] =	stream.linear.scatter [tilespmem:s16], [sflag:$0x4], $0x800, $0x38;
	[tilespmem:$0x1B180] =	vst v63  }
0x1e3: {  	_ =	swait.ge [sflag:s17], $0x800  }
0x1e4: {  	s14 =	sld [smem:$0x7DA]  }
0x1e5: {  	[sflag:s17] =	ssyncset.done $0x0  }
0x1e6: {  	[sflag:s17] =	ssyncadd.s32 $0xFFFFF800  }
0x1e7: {  	[tilespmem:s16], [sflag:$0x4] =	stream.linear.gather [spmem:s14], $0x800, $0x38;
	[tilespmem:$0x1B180] =	vst v63  }
0x1e8: {  	_ =	swait.ge [sflag:s17], $0x800  }
0x1e9: {  	[sflag:s17] =	ssyncset.done $0x0  }
0x1ea: {  	s1 =	rddreg [dreg:$0xa];
	[sflag:s17] =	ssyncadd.s32 $0xFFFFF800  }
0x1eb: {  	[hbm4b:s1+s4] =	stream.linear.scatter [tilespmem:s16], [sflag:$0x4], $0x800, $0x38;
	[tilespmem:$0x1B180] =	vst v63  }
0x1ec: {  	_ =	swait.ge [sflag:s17], $0x800  }
0x1ed: {  	s7 =	sld [smem:$0x7DB]  }
0x1ee: {  	[sflag:s17] =	ssyncset.done $0x0  }
0x1ef: {  	[sflag:s17] =	ssyncadd.s32 $0xFFFFF800  }
0x1f0: {  	[tilespmem:s16], [sflag:$0x4] =	stream.linear.gather [spmem:s7], $0x800, $0x38;
	[tilespmem:$0x1B180] =	vst v63  }
0x1f1: {  	_ =	swait.ge [sflag:s17], $0x800  }
0x1f2: {  	[sflag:s17] =	ssyncset.done $0x0  }
0x1f3: {  	s13 =	rddreg [dreg:$0xb];
	[sflag:s17] =	ssyncadd.s32 $0xFFFFF800  }
0x1f4: {  	[hbm4b:s13+s4] =	stream.linear.scatter [tilespmem:s16], [sflag:$0x4], $0x800, $0x38;
	[tilespmem:$0x1B180] =	vst v63  }
0x1f5: {  	_ =	swait.ge [sflag:s17], $0x800  }
0x1f6: {  	s14 =	sld [smem:$0x7DC]  }
0x1f7: {  	[sflag:s17] =	ssyncset.done $0x0  }
0x1f8: {  	[sflag:s17] =	ssyncadd.s32 $0xFFFFF800  }
0x1f9: {  	[tilespmem:s16], [sflag:$0x4] =	stream.linear.gather [spmem:s14], $0x800, $0x38;
	[tilespmem:$0x1B180] =	vst v63  }
0x1fa: {  	_ =	swait.ge [sflag:s17], $0x800  }
0x1fb: {  	[sflag:s17] =	ssyncset.done $0x0  }
0x1fc: {  	s1 =	rddreg [dreg:$0xc];
	[sflag:s17] =	ssyncadd.s32 $0xFFFFF800  }
0x1fd: {  	[hbm4b:s1+s4] =	stream.linear.scatter [tilespmem:s16], [sflag:$0x4], $0x800, $0x38;
	[tilespmem:$0x1B180] =	vst v63  }
0x1fe: {  	_ =	swait.ge [sflag:s17], $0x800  }
0x1ff: {  	s7 =	sld [smem:$0x7DD]  }
0x200: {  	[sflag:s17] =	ssyncset.done $0x0  }
0x201: {  	[sflag:s17] =	ssyncadd.s32 $0xFFFFF800  }
0x202: {  	[tilespmem:s16], [sflag:$0x4] =	stream.linear.gather [spmem:s7], $0x800, $0x38;
	[tilespmem:$0x1B180] =	vst v63  }
0x203: {  	_ =	swait.ge [sflag:s17], $0x800  }
0x204: {  	[sflag:s17] =	ssyncset.done $0x0  }
0x205: {  	s13 =	rddreg [dreg:$0xd];
	[sflag:s17] =	ssyncadd.s32 $0xFFFFF800  }
0x206: {  	[hbm4b:s13+s4] =	stream.linear.scatter [tilespmem:s16], [sflag:$0x4], $0x800, $0x38;
	[tilespmem:$0x1B180] =	vst v63  }
0x207: {  	_ =	swait.ge [sflag:s17], $0x800  }
0x208: {  	s14 =	sld [smem:$0x7DE]  }
0x209: {  	[sflag:s17] =	ssyncset.done $0x0  }
0x20a: {  	[sflag:s17] =	ssyncadd.s32 $0xFFFFF800  }
0x20b: {  	[tilespmem:s16], [sflag:$0x4] =	stream.linear.gather [spmem:s14], $0x800, $0x38;
	[tilespmem:$0x1B180] =	vst v63  }
0x20c: {  	_ =	swait.ge [sflag:s17], $0x800  }
0x20d: {  	[sflag:s17] =	ssyncset.done $0x0  }
0x20e: {  	s1 =	rddreg [dreg:$0xe];
	[sflag:s17] =	ssyncadd.s32 $0xFFFFF800  }
0x20f: {  	[hbm4b:s1+s4] =	stream.linear.scatter [tilespmem:s16], [sflag:$0x4], $0x800, $0x38;
	[tilespmem:$0x1B180] =	vst v63  }
0x210: {  	_ =	swait.ge [sflag:s17], $0x800  }
0x211: {  	s7 =	sld [smem:$0x7DF]  }
0x212: {  	[sflag:s17] =	ssyncset.done $0x0  }
0x213: {  	[sflag:s17] =	ssyncadd.s32 $0xFFFFF800  }
0x214: {  	[tilespmem:s16], [sflag:$0x4] =	stream.linear.gather [spmem:s7], $0x800, $0x38;
	[tilespmem:$0x1B180] =	vst v63  }
0x215: {  	_ =	swait.ge [sflag:s17], $0x800  }
0x216: {  	[sflag:s17] =	ssyncset.done $0x0  }
0x217: {  	s13 =	rddreg [dreg:$0xf];
	[sflag:s17] =	ssyncadd.s32 $0xFFFFF800  }
0x218: {  	[hbm4b:s13+s4] =	stream.linear.scatter [tilespmem:s16], [sflag:$0x4], $0x800, $0x38;
	[tilespmem:$0x1B180] =	vst v63  }
0x219: {  	_ =	swait.ge [sflag:s17], $0x800  }
0x21a: {  	s14 =	sld [smem:$0x7E0]  }
0x21b: {  	[sflag:s17] =	ssyncset.done $0x0  }
0x21c: {  	[sflag:s17] =	ssyncadd.s32 $0xFFFFF800  }
0x21d: {  	[tilespmem:s16], [sflag:$0x4] =	stream.linear.gather [spmem:s14], $0x800, $0x38;
	[tilespmem:$0x1B180] =	vst v63  }
0x21e: {  	_ =	swait.ge [sflag:s17], $0x800  }
0x21f: {  	[sflag:s17] =	ssyncset.done $0x0  }
0x220: {  	s1 =	rddreg [dreg:$0x10];
	[sflag:s17] =	ssyncadd.s32 $0xFFFFF800  }
0x221: {  	[hbm4b:s1+s4] =	stream.linear.scatter [tilespmem:s16], [sflag:$0x4], $0x800, $0x38;
	[tilespmem:$0x1B180] =	vst v63  }
0x222: {  	_ =	swait.ge [sflag:s17], $0x800  }
0x223: {  	s7 =	sld [smem:$0x7E1]  }
0x224: {  	[sflag:s17] =	ssyncset.done $0x0  }
0x225: {  	[sflag:s17] =	ssyncadd.s32 $0xFFFFF800  }
0x226: {  	[tilespmem:s16], [sflag:$0x4] =	stream.linear.gather [spmem:s7], $0x800, $0x38;
	[tilespmem:$0x1B180] =	vst v63  }
0x227: {  	_ =	swait.ge [sflag:s17], $0x800  }
0x228: {  	[sflag:s17] =	ssyncset.done $0x0  }
0x229: {  	s13 =	rddreg [dreg:$0x11];
	[sflag:s17] =	ssyncadd.s32 $0xFFFFF800  }
0x22a: {  	[hbm4b:s13+s4] =	stream.linear.scatter [tilespmem:s16], [sflag:$0x4], $0x800, $0x38;
	[tilespmem:$0x1B180] =	vst v63  }
0x22b: {  	_ =	swait.ge [sflag:s17], $0x800  }
0x22c: {  	s14 =	sld [smem:$0x7E2]  }
0x22d: {  	[sflag:s17] =	ssyncset.done $0x0  }
0x22e: {  	[sflag:s17] =	ssyncadd.s32 $0xFFFFF800  }
0x22f: {  	[tilespmem:s16], [sflag:$0x4] =	stream.linear.gather [spmem:s14], $0x800, $0x38;
	[tilespmem:$0x1B180] =	vst v63  }
0x230: {  	_ =	swait.ge [sflag:s17], $0x800  }
0x231: {  	[sflag:s17] =	ssyncset.done $0x0  }
0x232: {  	s1 =	rddreg [dreg:$0x12];
	[sflag:s17] =	ssyncadd.s32 $0xFFFFF800  }
0x233: {  	[hbm4b:s1+s4] =	stream.linear.scatter [tilespmem:s16], [sflag:$0x4], $0x800, $0x38;
	[tilespmem:$0x1B180] =	vst v63  }
0x234: {  	_ =	swait.ge [sflag:s17], $0x800  }
0x235: {  	s7 =	sld [smem:$0x7E3]  }
0x236: {  	[sflag:s17] =	ssyncset.done $0x0  }
0x237: {  	[sflag:s17] =	ssyncadd.s32 $0xFFFFF800  }
0x238: {  	[tilespmem:s16], [sflag:$0x4] =	stream.linear.gather [spmem:s7], $0x800, $0x38;
	[tilespmem:$0x1B180] =	vst v63  }
0x239: {  	_ =	swait.ge [sflag:s17], $0x800  }
0x23a: {  	[sflag:s17] =	ssyncset.done $0x0  }
0x23b: {  	s13 =	rddreg [dreg:$0x13];
	[sflag:s17] =	ssyncadd.s32 $0xFFFFF800  }
0x23c: {  	[hbm4b:s13+s4] =	stream.linear.scatter [tilespmem:s16], [sflag:$0x4], $0x800, $0x38;
	[tilespmem:$0x1B180] =	vst v63  }
0x23d: {  	_ =	swait.ge [sflag:s17], $0x800  }
0x23e: {  	s14 =	sld [smem:$0x7E4]  }
0x23f: {  	[sflag:s17] =	ssyncset.done $0x0  }
0x240: {  	[sflag:s17] =	ssyncadd.s32 $0xFFFFF800  }
0x241: {  	[tilespmem:s16], [sflag:$0x4] =	stream.linear.gather [spmem:s14], $0x800, $0x38;
	[tilespmem:$0x1B180] =	vst v63  }
0x242: {  	_ =	swait.ge [sflag:s17], $0x800  }
0x243: {  	[sflag:s17] =	ssyncset.done $0x0  }
0x244: {  	s1 =	rddreg [dreg:$0x14];
	[sflag:s17] =	ssyncadd.s32 $0xFFFFF800  }
0x245: {  	[hbm4b:s1+s4] =	stream.linear.scatter [tilespmem:s16], [sflag:$0x4], $0x800, $0x38;
	[tilespmem:$0x1B180] =	vst v63  }
0x246: {  	_ =	swait.ge [sflag:s17], $0x800  }
0x247: {  	s7 =	sld [smem:$0x7E5]  }
0x248: {  	[sflag:s17] =	ssyncset.done $0x0  }
0x249: {  	[sflag:s17] =	ssyncadd.s32 $0xFFFFF800  }
0x24a: {  	[tilespmem:s16], [sflag:$0x4] =	stream.linear.gather [spmem:s7], $0x800, $0x38;
	[tilespmem:$0x1B180] =	vst v63  }
0x24b: {  	_ =	swait.ge [sflag:s17], $0x800  }
0x24c: {  	[sflag:s17] =	ssyncset.done $0x0  }
0x24d: {  	s13 =	rddreg [dreg:$0x15];
	[sflag:s17] =	ssyncadd.s32 $0xFFFFF800  }
0x24e: {  	[hbm4b:s13+s4] =	stream.linear.scatter [tilespmem:s16], [sflag:$0x4], $0x800, $0x38;
	[tilespmem:$0x1B180] =	vst v63  }
0x24f: {  	_ =	swait.ge [sflag:s17], $0x800  }
0x250: {  	s14 =	sld [smem:$0x7E6]  }
0x251: {  	[sflag:s17] =	ssyncset.done $0x0  }
0x252: {  	[sflag:s17] =	ssyncadd.s32 $0xFFFFF800  }
0x253: {  	[tilespmem:s16], [sflag:$0x4] =	stream.linear.gather [spmem:s14], $0x800, $0x38;
	[tilespmem:$0x1B180] =	vst v63  }
0x254: {  	_ =	swait.ge [sflag:s17], $0x800  }
0x255: {  	[sflag:s17] =	ssyncset.done $0x0  }
0x256: {  	s1 =	rddreg [dreg:$0x16];
	[sflag:s17] =	ssyncadd.s32 $0xFFFFF800  }
0x257: {  	[hbm4b:s1+s4] =	stream.linear.scatter [tilespmem:s16], [sflag:$0x4], $0x800, $0x38;
	[tilespmem:$0x1B180] =	vst v63  }
0x258: {  	_ =	swait.ge [sflag:s17], $0x800  }
0x259: {  	s7 =	sld [smem:$0x7E7]  }
0x25a: {  	[sflag:s17] =	ssyncset.done $0x0  }
0x25b: {  	[sflag:s17] =	ssyncadd.s32 $0xFFFFF800  }
0x25c: {  	[tilespmem:s16], [sflag:$0x4] =	stream.linear.gather [spmem:s7], $0x800, $0x38;
	[tilespmem:$0x1B180] =	vst v63  }
0x25d: {  	_ =	swait.ge [sflag:s17], $0x800  }
0x25e: {  	[sflag:s17] =	ssyncset.done $0x0  }
0x25f: {  	s13 =	rddreg [dreg:$0x17];
	[sflag:s17] =	ssyncadd.s32 $0xFFFFF800  }
0x260: {  	[hbm4b:s13+s4] =	stream.linear.scatter [tilespmem:s16], [sflag:$0x4], $0x800, $0x38;
	[tilespmem:$0x1B180] =	vst v63  }
0x261: {  	_ =	swait.ge [sflag:s17], $0x800  }
0x262: {  	s14 =	sld [smem:$0x7E8]  }
0x263: {  	[sflag:s17] =	ssyncset.done $0x0  }
0x264: {  	[sflag:s17] =	ssyncadd.s32 $0xFFFFF800  }
0x265: {  	[tilespmem:s16], [sflag:$0x4] =	stream.linear.gather [spmem:s14], $0x800, $0x38;
	[tilespmem:$0x1B180] =	vst v63  }
0x266: {  	_ =	swait.ge [sflag:s17], $0x800  }
0x267: {  	[sflag:s17] =	ssyncset.done $0x0  }
0x268: {  	s1 =	rddreg [dreg:$0x18];
	[sflag:s17] =	ssyncadd.s32 $0xFFFFF800  }
0x269: {  	[hbm4b:s1+s4] =	stream.linear.scatter [tilespmem:s16], [sflag:$0x4], $0x800, $0x38;
	[tilespmem:$0x1B180] =	vst v63  }
0x26a: {  	_ =	swait.ge [sflag:s17], $0x800  }
0x26b: {  	s7 =	sld [smem:$0x7E9]  }
0x26c: {  	[sflag:s17] =	ssyncset.done $0x0  }
0x26d: {  	[sflag:s17] =	ssyncadd.s32 $0xFFFFF800  }
0x26e: {  	[tilespmem:s16], [sflag:$0x4] =	stream.linear.gather [spmem:s7], $0x800, $0x38;
	[tilespmem:$0x1B180] =	vst v63  }
0x26f: {  	_ =	swait.ge [sflag:s17], $0x800  }
0x270: {  	[sflag:s17] =	ssyncset.done $0x0  }
0x271: {  	s13 =	rddreg [dreg:$0x19];
	[sflag:s17] =	ssyncadd.s32 $0xFFFFF800  }
0x272: {  	[hbm4b:s13+s4] =	stream.linear.scatter [tilespmem:s16], [sflag:$0x4], $0x800, $0x38;
	[tilespmem:$0x1B180] =	vst v63  }
0x273: {  	_ =	swait.ge [sflag:s17], $0x800  }
0x274: {  	s14 =	sld [smem:$0x7EA]  }
0x275: {  	[sflag:s17] =	ssyncset.done $0x0  }
0x276: {  	[sflag:s17] =	ssyncadd.s32 $0xFFFFF800  }
0x277: {  	[tilespmem:s16], [sflag:$0x4] =	stream.linear.gather [spmem:s14], $0x800, $0x38;
	[tilespmem:$0x1B180] =	vst v63  }
0x278: {  	_ =	swait.ge [sflag:s17], $0x800  }
0x279: {  	[sflag:s17] =	ssyncset.done $0x0  }
0x27a: {  	s1 =	rddreg [dreg:$0x1a];
	[sflag:s17] =	ssyncadd.s32 $0xFFFFF800  }
0x27b: {  	[hbm4b:s1+s4] =	stream.linear.scatter [tilespmem:s16], [sflag:$0x4], $0x800, $0x38;
	[tilespmem:$0x1B180] =	vst v63  }
0x27c: {  	_ =	swait.ge [sflag:s17], $0x800  }
0x27d: {  	s7 =	sld [smem:$0x7EB]  }
0x27e: {  	[sflag:s17] =	ssyncset.done $0x0  }
0x27f: {  	[sflag:s17] =	ssyncadd.s32 $0xFFFFF800  }
0x280: {  	[tilespmem:s16], [sflag:$0x4] =	stream.linear.gather [spmem:s7], $0x800, $0x38;
	[tilespmem:$0x1B180] =	vst v63  }
0x281: {  	_ =	swait.ge [sflag:s17], $0x800  }
0x282: {  	[sflag:s17] =	ssyncset.done $0x0  }
0x283: {  	s13 =	rddreg [dreg:$0x1b];
	[sflag:s17] =	ssyncadd.s32 $0xFFFFF800  }
0x284: {  	[hbm4b:s13+s4] =	stream.linear.scatter [tilespmem:s16], [sflag:$0x4], $0x800, $0x38;
	[tilespmem:$0x1B180] =	vst v63  }
0x285: {  	_ =	swait.ge [sflag:s17], $0x800  }
0x286: {  	s14 =	sld [smem:$0x7EC]  }
0x287: {  	[sflag:s17] =	ssyncset.done $0x0  }
0x288: {  	[sflag:s17] =	ssyncadd.s32 $0xFFFFF800  }
0x289: {  	[tilespmem:s16], [sflag:$0x4] =	stream.linear.gather [spmem:s14], $0x800, $0x38;
	[tilespmem:$0x1B180] =	vst v63  }
0x28a: {  	_ =	swait.ge [sflag:s17], $0x800  }
0x28b: {  	[sflag:s17] =	ssyncset.done $0x0  }
0x28c: {  	s1 =	rddreg [dreg:$0x1c];
	[sflag:s17] =	ssyncadd.s32 $0xFFFFF800  }
0x28d: {  	[hbm4b:s1+s4] =	stream.linear.scatter [tilespmem:s16], [sflag:$0x4], $0x800, $0x38;
	[tilespmem:$0x1B180] =	vst v63  }
0x28e: {  	_ =	swait.ge [sflag:s17], $0x800  }
0x28f: {  	s7 =	sld [smem:$0x7ED]  }
0x290: {  	[sflag:s17] =	ssyncset.done $0x0  }
0x291: {  	[sflag:s17] =	ssyncadd.s32 $0xFFFFF800  }
0x292: {  	[tilespmem:s16], [sflag:$0x4] =	stream.linear.gather [spmem:s7], $0x800, $0x38;
	[tilespmem:$0x1B180] =	vst v63  }
0x293: {  	_ =	swait.ge [sflag:s17], $0x800  }
0x294: {  	[sflag:s17] =	ssyncset.done $0x0  }
0x295: {  	s13 =	rddreg [dreg:$0x1d];
	[sflag:s17] =	ssyncadd.s32 $0xFFFFF800  }
0x296: {  	[hbm4b:s13+s4] =	stream.linear.scatter [tilespmem:s16], [sflag:$0x4], $0x800, $0x38;
	[tilespmem:$0x1B180] =	vst v63  }
0x297: {  	_ =	swait.ge [sflag:s17], $0x800  }
0x298: {  	s14 =	sld [smem:$0x7EE]  }
0x299: {  	[sflag:s17] =	ssyncset.done $0x0  }
0x29a: {  	[sflag:s17] =	ssyncadd.s32 $0xFFFFF800  }
0x29b: {  	[tilespmem:s16], [sflag:$0x4] =	stream.linear.gather [spmem:s14], $0x800, $0x38;
	[tilespmem:$0x1B180] =	vst v63  }
0x29c: {  	_ =	swait.ge [sflag:s17], $0x800  }
0x29d: {  	[sflag:s17] =	ssyncset.done $0x0  }
0x29e: {  	s1 =	rddreg [dreg:$0x1e];
	[sflag:s17] =	ssyncadd.s32 $0xFFFFF800  }
0x29f: {  	[hbm4b:s1+s4] =	stream.linear.scatter [tilespmem:s16], [sflag:$0x4], $0x800, $0x38;
	[tilespmem:$0x1B180] =	vst v63  }
0x2a0: {  	_ =	swait.ge [sflag:s17], $0x800  }
0x2a1: {  	s7 =	sld [smem:$0x7EF]  }
0x2a2: {  	[sflag:s17] =	ssyncset.done $0x0  }
0x2a3: {  	[sflag:s17] =	ssyncadd.s32 $0xFFFFF800  }
0x2a4: {  	[tilespmem:s16], [sflag:$0x4] =	stream.linear.gather [spmem:s7], $0x800, $0x38;
	[tilespmem:$0x1B180] =	vst v63  }
0x2a5: {  	_ =	swait.ge [sflag:s17], $0x800  }
0x2a6: {  	[sflag:s17] =	ssyncset.done $0x0  }
0x2a7: {  	s13 =	rddreg [dreg:$0x1f];
	[sflag:s17] =	ssyncadd.s32 $0xFFFFF800  }
0x2a8: {  	[hbm4b:s13+s4] =	stream.linear.scatter [tilespmem:s16], [sflag:$0x4], $0x800, $0x38;
	[tilespmem:$0x1B180] =	vst v63  }
0x2a9: {  	_ =	swait.ge [sflag:s17], $0x800  }
0x2aa: {  	s14 =	sld [smem:$0x7F0]  }
0x2ab: {  	[sflag:s17] =	ssyncset.done $0x0  }
0x2ac: {  	[sflag:s17] =	ssyncadd.s32 $0xFFFFF800  }
0x2ad: {  	[tilespmem:s16], [sflag:$0x4] =	stream.linear.gather [spmem:s14], $0x800, $0x38;
	[tilespmem:$0x1B180] =	vst v63  }
0x2ae: {  	_ =	swait.ge [sflag:s17], $0x800  }
0x2af: {  	s1 =	sld [smem:$0x7CC]  }
0x2b0: {  	[sflag:s17] =	ssyncset.done $0x0  }
0x2b1: {  	[sflag:s17] =	ssyncadd.s32 $0xFFFFF800  }
0x2b2: {  	[hbm4b:s1+s4] =	stream.linear.scatter [tilespmem:s16], [sflag:$0x4], $0x800, $0x38;
	[tilespmem:$0x1B180] =	vst v63  }
0x2b3: {  	_ =	swait.ge [sflag:s17], $0x800  }
0x2b4: {  	s7 =	sld [smem:$0x7F1]  }
0x2b5: {  	[sflag:s17] =	ssyncset.done $0x0  }
0x2b6: {  	[sflag:s17] =	ssyncadd.s32 $0xFFFFF800  }
0x2b7: {  	[tilespmem:s16], [sflag:$0x4] =	stream.linear.gather [spmem:s7], $0x800, $0x38;
	[tilespmem:$0x1B180] =	vst v63  }
0x2b8: {  	_ =	swait.ge [sflag:s17], $0x800  }
0x2b9: {  	s13 =	sld [smem:$0x7CD]  }
0x2ba: {  	[sflag:s17] =	ssyncset.done $0x0  }
0x2bb: {  	[sflag:s17] =	ssyncadd.s32 $0xFFFFF800  }
0x2bc: {  	[hbm4b:s13+s4] =	stream.linear.scatter [tilespmem:s16], [sflag:$0x4], $0x800, $0x38;
	[tilespmem:$0x1B180] =	vst v63  }
0x2bd: {  	_ =	swait.ge [sflag:s17], $0x800  }
0x2be: {  	s14 =	sld [smem:$0x7F2]  }
0x2bf: {  	[sflag:s17] =	ssyncset.done $0x0  }
0x2c0: {  	[sflag:s17] =	ssyncadd.s32 $0xFFFFF800  }
0x2c1: {  	[tilespmem:s16], [sflag:$0x4] =	stream.linear.gather [spmem:s14], $0x800, $0x38;
	[tilespmem:$0x1B180] =	vst v63  }
0x2c2: {  	_ =	swait.ge [sflag:s17], $0x800  }
0x2c3: {  	s1 =	sld [smem:$0x7CE]  }
0x2c4: {  	[sflag:s17] =	ssyncset.done $0x0  }
0x2c5: {  	[sflag:s17] =	ssyncadd.s32 $0xFFFFF800  }
0x2c6: {  	[hbm4b:s1+s4] =	stream.linear.scatter [tilespmem:s16], [sflag:$0x4], $0x800, $0x38;
	[tilespmem:$0x1B180] =	vst v63  }
0x2c7: {  	_ =	swait.ge [sflag:s17], $0x800  }
0x2c8: {  	s7 =	sld [smem:$0x7F3]  }
0x2c9: {  	[sflag:s17] =	ssyncset.done $0x0  }
0x2ca: {  	[sflag:s17] =	ssyncadd.s32 $0xFFFFF800  }
0x2cb: {  	[tilespmem:s16], [sflag:$0x4] =	stream.linear.gather [spmem:s7], $0x800, $0x38;
	[tilespmem:$0x1B180] =	vst v63  }
0x2cc: {  	_ =	swait.ge [sflag:s17], $0x800  }
0x2cd: {  	s13 =	sld [smem:$0x7CF]  }
0x2ce: {  	[sflag:s17] =	ssyncset.done $0x0  }
0x2cf: {  	[sflag:s17] =	ssyncadd.s32 $0xFFFFF800  }
0x2d0: {  	[hbm4b:s13+s4] =	stream.linear.scatter [tilespmem:s16], [sflag:$0x4], $0x800, $0x38;
	[tilespmem:$0x1B180] =	vst v63  }
0x2d1: {  	_ =	swait.ge [sflag:s17], $0x800  }
0x2d2: {  	s14 =	sld [smem:$0x7F4]  }
0x2d3: {  	[sflag:s17] =	ssyncset.done $0x0  }
0x2d4: {  	[sflag:s17] =	ssyncadd.s32 $0xFFFFF800  }
0x2d5: {  	[tilespmem:s16], [sflag:$0x4] =	stream.linear.gather [spmem:s14], $0x800, $0x38;
	[tilespmem:$0x1B180] =	vst v63  }
0x2d6: {  	_ =	swait.ge [sflag:s17], $0x800  }
0x2d7: {  	s1 =	sld [smem:$0x7D0]  }
0x2d8: {  	[sflag:s17] =	ssyncset.done $0x0  }
0x2d9: {  	[sflag:s17] =	ssyncadd.s32 $0xFFFFF800  }
0x2da: {  	[hbm4b:s1+s4] =	stream.linear.scatter [tilespmem:s16], [sflag:$0x4], $0x800, $0x38;
	[tilespmem:$0x1B180] =	vst v63  }
0x2db: {  	_ =	swait.ge [sflag:s17], $0x800  }
0x2dc: {  	s7 =	sld [smem:$0x7F5]  }
0x2dd: {  	[sflag:s17] =	ssyncset.done $0x0  }
0x2de: {  	[sflag:s17] =	ssyncadd.s32 $0xFFFFF800  }
0x2df: {  	[tilespmem:s16], [sflag:$0x4] =	stream.linear.gather [spmem:s7], $0x800, $0x38;
	[tilespmem:$0x1B180] =	vst v63  }
0x2e0: {  	_ =	swait.ge [sflag:s17], $0x800  }
0x2e1: {  	s13 =	sld [smem:$0x7D1]  }
0x2e2: {  	[sflag:s17] =	ssyncset.done $0x0  }
0x2e3: {  	[sflag:s17] =	ssyncadd.s32 $0xFFFFF800  }
0x2e4: {  	[hbm4b:s13+s4] =	stream.linear.scatter [tilespmem:s16], [sflag:$0x4], $0x800, $0x38;
	[tilespmem:$0x1B180] =	vst v63  }
0x2e5: {  	_ =	swait.ge [sflag:s17], $0x800  }
0x2e6: {  	s14 =	sld [smem:$0x7F6]  }
0x2e7: {  	[sflag:s17] =	ssyncset.done $0x0  }
0x2e8: {  	[sflag:s17] =	ssyncadd.s32 $0xFFFFF800  }
0x2e9: {  	[tilespmem:s16], [sflag:$0x4] =	stream.linear.gather [spmem:s14], $0x800, $0x38;
	[tilespmem:$0x1B180] =	vst v63  }
0x2ea: {  	_ =	swait.ge [sflag:s17], $0x800  }
0x2eb: {  	s1 =	sld [smem:$0x7D2]  }
0x2ec: {  	[sflag:s17] =	ssyncset.done $0x0  }
0x2ed: {  	[sflag:s17] =	ssyncadd.s32 $0xFFFFF800  }
0x2ee: {  	[hbm4b:s1+s4] =	stream.linear.scatter [tilespmem:s16], [sflag:$0x4], $0x800, $0x38;
	[tilespmem:$0x1B180] =	vst v63  }
0x2ef: {  	_ =	swait.ge [sflag:s17], $0x800  }
0x2f0: {  	s7 =	sld [smem:$0x7F7]  }
0x2f1: {  	[sflag:s17] =	ssyncset.done $0x0  }
0x2f2: {  	[sflag:s17] =	ssyncadd.s32 $0xFFFFF800  }
0x2f3: {  	[tilespmem:s16], [sflag:$0x4] =	stream.linear.gather [spmem:s7], $0x800, $0x38;
	[tilespmem:$0x1B180] =	vst v63  }
0x2f4: {  	_ =	swait.ge [sflag:s17], $0x800  }
0x2f5: {  	s13 =	sld [smem:$0x7D3]  }
0x2f6: {  	[sflag:s17] =	ssyncset.done $0x0  }
0x2f7: {  	[sflag:s17] =	ssyncadd.s32 $0xFFFFF800  }
0x2f8: {  	[hbm4b:s13+s4] =	stream.linear.scatter [tilespmem:s16], [sflag:$0x4], $0x800, $0x38;
	[tilespmem:$0x1B180] =	vst v63  }
0x2f9: {  	_ =	swait.ge [sflag:s17], $0x800  }
0x2fa: {  	s14 =	sld [smem:$0x7F8]  }
0x2fb: {  	[sflag:s17] =	ssyncset.done $0x0  }
0x2fc: {  	[sflag:s17] =	ssyncadd.s32 $0xFFFFF800  }
0x2fd: {  	[tilespmem:s16], [sflag:$0x4] =	stream.linear.gather [spmem:s14], $0x800, $0x38;
	[tilespmem:$0x1B180] =	vst v63  }
0x2fe: {  	_ =	swait.ge [sflag:s17], $0x800  }
0x2ff: {  	s1 =	sld [smem:$0x7D4]  }
0x300: {  	[sflag:s17] =	ssyncset.done $0x0  }
0x301: {  	[sflag:s17] =	ssyncadd.s32 $0xFFFFF800  }
0x302: {  	[hbm4b:s1+s4] =	stream.linear.scatter [tilespmem:s16], [sflag:$0x4], $0x800, $0x38;
	[tilespmem:$0x1B180] =	vst v63  }
0x303: {  	_ =	swait.ge [sflag:s17], $0x800  }
0x304: {  	s7 =	sld [smem:$0x7F9]  }
0x305: {  	[sflag:s17] =	ssyncset.done $0x0  }
0x306: {  	[sflag:s17] =	ssyncadd.s32 $0xFFFFF800  }
0x307: {  	[tilespmem:s16], [sflag:$0x4] =	stream.linear.gather [spmem:s7], $0x800, $0x38;
	[tilespmem:$0x1B180] =	vst v63  }
0x308: {  	_ =	swait.ge [sflag:s17], $0x800  }
0x309: {  	s13 =	sld [smem:$0x7D5]  }
0x30a: {  	[sflag:s17] =	ssyncset.done $0x0  }
0x30b: {  	[sflag:s17] =	ssyncadd.s32 $0xFFFFF800  }
0x30c: {  	[hbm4b:s13+s4] =	stream.linear.scatter [tilespmem:s16], [sflag:$0x4], $0x800, $0x38;
	[tilespmem:$0x1B180] =	vst v63  }
0x30d: {  	_ =	swait.ge [sflag:s17], $0x800  }
0x30e: {  	s14 =	sld [smem:$0x7FA]  }
0x30f: {  	[sflag:s17] =	ssyncset.done $0x0  }
0x310: {  	[sflag:s17] =	ssyncadd.s32 $0xFFFFF800  }
0x311: {  	[tilespmem:s16], [sflag:$0x4] =	stream.linear.gather [spmem:s14], $0x800, $0x38;
	[tilespmem:$0x1B180] =	vst v63  }
0x312: {  	_ =	swait.ge [sflag:s17], $0x800  }
0x313: {  	s1 =	sld [smem:$0x7D6]  }
0x314: {  	[sflag:s17] =	ssyncset.done $0x0  }
0x315: {  	[sflag:s17] =	ssyncadd.s32 $0xFFFFF800  }
0x316: {  	[hbm4b:s1+s4] =	stream.linear.scatter [tilespmem:s16], [sflag:$0x4], $0x800, $0x38;
	[tilespmem:$0x1B180] =	vst v63  }
0x317: {  	_ =	swait.ge [sflag:s17], $0x800  }
0x318: {  	s7 =	sld [smem:$0x7FB]  }
0x319: {  	[sflag:s17] =	ssyncset.done $0x0  }
0x31a: {  	[sflag:s17] =	ssyncadd.s32 $0xFFFFF800  }
0x31b: {  	[tilespmem:s16], [sflag:$0x4] =	stream.linear.gather [spmem:s7], $0x800, $0x38;
	[tilespmem:$0x1B180] =	vst v63  }
0x31c: {  	_ =	swait.ge [sflag:s17], $0x800  }
0x31d: {  	s13 =	sld [smem:$0x7D7]  }
0x31e: {  	[sflag:s17] =	ssyncset.done $0x0  }
0x31f: {  	[sflag:s17] =	ssyncadd.s32 $0xFFFFF800  }
0x320: {  	[hbm4b:s13+s4] =	stream.linear.scatter [tilespmem:s16], [sflag:$0x4], $0x800, $0x38;
	[tilespmem:$0x1B180] =	vst v63  }
0x321: {  	_ =	swait.ge [sflag:s17], $0x800  }
0x322: {  	s14 =	sld [smem:$0x7D8];
	_ =	sdelay $0x1  }
0x323: {  	s31 =	sadd.s32 $0x1, s31  }
0x324: {  	p0 =	sne.s32 s31, s14  }
.Ltmp4:
0x325: {  	_ = 	snop;
	(pc) =	sbr.rel @p0 .LBB2_1-.Ltmp4, $3  }
0x326: {  	_ =	sdelay $0x1  }
0x327: {  	[sflag:s17] =	ssyncset.done $0x0  }
0x328: {  	[sflag:s17] =	ssyncadd.s32 $0xFFFFF800  }
0x329: {  	_ =	sfence.sel $0x180000  }
0x32a: {  	[bflag:$0x0] =	sbarrier.arrive $0xFFFF  }
0x32b: {  	_ =	strace $0x90000047  }
0x32c: {  	s0 =	stileid.u32;
	[bflag:$0x2] =	sbarrier.arrive $0xFFFF  }
0x32d: {  	p0 =	sne.s32 s0, $0x0;
	s0 =	rddreg [dreg:$0x3]  }
0x32e: {  	s0 =	sadd.s32 @!p0 $0x100000, s0  }
0x32f: {  	[sflag:s0] =	ssyncadd.tile.s32 @!p0 $0x1;
	_ =	shalt  }
.Lfunc_end2:
_tile_overlayer_lowered:
.L_overlay_start_2:
0x330: {  	(tag) =	ssettag $0x2  }
0x331: {  	s0 =	rddreg [dreg:$0x0];
	s2 =	stileid.u32  }
0x332: {  	s1 =	rddreg [dreg:$0x1];
	p0 =	sne.s32 s2, $0x0  }
0x333: {  	s3 =	rddreg [dreg:$0x2];
	[bflag:$0x3] =	sbarrier.arrive $0xFFFF;
	s2 =	simm.s32 @!p0 $0x1C04  }
0x334: {  	[timem:s3], [sflag:s2] =	dma.local @!p0 [hbm:s0], s1  }
0x335: {  	s0 =	simm.s32 @!p0 $0x4  }
0x336: {  	_ =	swait.ge @!p0 [sflag:s0], s1  }
0x337: {  	s1 =	ssub.s32 @!p0 $0x0, s1;
	[sflag:s0] =	ssyncset.done @!p0 $0x0  }
0x338: {  	[sflag:s0] =	ssyncadd.s32 @!p0 s1  }
0x339: {  	[bflag:$0x3] =	sbarrier.arrive $0xFFFF  }
0x33a: {  	_ =	shalt  }

</sc_bundles>
